<compile_context>
chip_gen: v7x
topology: tpu7x:2x2x1
jax: 0.10.2.dev20260603
libtpu: 0.0.44.dev20260713+nightly
codegen_flags: <defaults>
</compile_context>

<pallas_src>
import functools

import jax
import jax.numpy as jnp
from jax import lax
from jax.experimental import pallas as pl
from jax.experimental.pallas import tpu as pltpu
from jax.experimental.pallas import tpu_sc as plsc

F = 26
CARD = 100000
E = 32
H = 32
O = 16
B = 4096
FB = F * B
ROWS = F * E

NC = 2
NS = 16
NW = NC * NS
NCHUNKS = 1
FC = F // NCHUNKS
CROWS = FC * E
RPW = CROWS // NW
LANES = 16
NVEC_B = B // LANES
NVEC_H = 2 * B // LANES


def _sc_gather_body(row_base, idx_hbm, table_hbm, out_hbm, idx2_v, row_v, out2_v, sem, sem_out):
    wid = lax.axis_index("s") * NC + lax.axis_index("c")
    r0 = row_base + wid * RPW
    f0 = r0 // E
    f1 = jnp.minimum(f0 + 1, F - 1)

    pltpu.sync_copy(idx_hbm.at[pl.ds(f0 * B, B)], idx2_v.at[pl.ds(0, B)])
    pltpu.sync_copy(idx_hbm.at[pl.ds(f1 * B, B)], idx2_v.at[pl.ds(B, B)])

    @plsc.parallel_loop(0, NVEC_H, unroll=4)
    def hash_body(i):
        off = i * LANES
        x = idx2_v[pl.ds(off, LANES)]
        idx2_v[pl.ds(off, LANES)] = lax.rem(x + 1, CARD)

    out_descs = [None, None]
    for k in range(RPW):
        r = r0 + k
        f = r // E
        selbase = (f - f0) * B
        pltpu.sync_copy(table_hbm.at[r], row_v)
        kk = k % 2
        if out_descs[kk] is not None:
            out_descs[kk].wait()

        @plsc.parallel_loop(0, NVEC_B, unroll=8)
        def gather_body(i):
            off = i * LANES
            idxs = idx2_v[pl.ds(selbase + off, LANES)]
            out2_v[pl.ds(kk * B + off, LANES)] = plsc.load_gather(row_v, [idxs])

        out_descs[kk] = pltpu.async_copy(
            out2_v.at[pl.ds(kk * B, B)], out_hbm.at[r - row_base], sem_out
        )
    for d in out_descs:
        if d is not None:
            d.wait()


@functools.cache
def _make_sc_gather(row_base):
    mesh = plsc.VectorSubcoreMesh(core_axis_name="c", subcore_axis_name="s")
    return functools.partial(
        pl.kernel,
        mesh=mesh,
        compiler_params=pltpu.CompilerParams(needs_layout_passes=False),
        out_type=jax.ShapeDtypeStruct((CROWS, B), jnp.float32),
        scratch_types=[
            pltpu.VMEM((2 * B,), jnp.int32),
            pltpu.VMEM((CARD,), jnp.float32),
            pltpu.VMEM((2 * B,), jnp.float32),
            pltpu.SemaphoreType.DMA,
            pltpu.SemaphoreType.DMA,
        ],
    )(functools.partial(_sc_gather_body, row_base))


BT = 4096
NB = B // BT


def _mlp_body(embT_ref, w1_ref, b1_ref, w2_ref, b2_ref, out_ref):
    eT = embT_ref[0]
    h = lax.dot_general(w1_ref[0], eT, (((0,), (0,)), ((), ())),
                        preferred_element_type=jnp.float32)
    h = jnp.maximum(h + b1_ref[0], 0.0)
    out_ref[0] = (
        lax.dot_general(w2_ref[0], h, (((0,), (0,)), ((), ())),
                        preferred_element_type=jnp.float32)
        + b2_ref[0]
    )


_mlp = pl.pallas_call(
    _mlp_body,
    grid=(FC, NB),
    in_specs=[
        pl.BlockSpec((1, E, BT), lambda f, b: (f, 0, b)),
        pl.BlockSpec((1, E, H), lambda f, b: (f, 0, 0)),
        pl.BlockSpec((1, H, 1), lambda f, b: (f, 0, 0)),
        pl.BlockSpec((1, H, O), lambda f, b: (f, 0, 0)),
        pl.BlockSpec((1, O, 1), lambda f, b: (f, 0, 0)),
    ],
    out_specs=pl.BlockSpec((1, O, BT), lambda f, b: (f, 0, b)),
    out_shape=jax.ShapeDtypeStruct((FC, O, B), jnp.float32),
)


def kernel(inputs, tables, W1, b1, W2, b2):
    idx_flat = inputs.T.reshape(FB)
    table_rows = jnp.swapaxes(tables, 1, 2).reshape(ROWS, CARD)
    outs = []
    for c in range(NCHUNKS):
        embT = _make_sc_gather(c * CROWS)(idx_flat, table_rows)
        embT3 = embT.reshape(FC, E, B)
        fsl = slice(c * FC, (c + 1) * FC)
        outs.append(
            _mlp(embT3, W1[fsl], b1[fsl].reshape(FC, H, 1),
                 W2[fsl], b2[fsl].reshape(FC, O, 1))
        )
    outT = jnp.concatenate(outs, axis=0)
    return jnp.swapaxes(outT, 1, 2)

# --- scband reference (transcript-rebuilt; emitter-appended) ---
"""Pipeline reference for scband-sparse-arch-87101936762948 (READ-ONLY COPY).

The authoritative reference and input builder live on the scoring server;
editing this copy changes nothing except your own understanding.
"""

import jax, jax.numpy as jnp
import numpy as np

NUM_FEATURES = 26
CARDINALITY = 100000
EMBED_DIM = 32
HIDDEN = 32  # output_size * 2
OUT = 16
BATCH = 4096


def setup_inputs(seed: int = 0) -> dict:
    key = jax.random.key(seed)
    ks = jax.random.split(key, 5)
    inputs = jax.random.randint(ks[0], (BATCH, NUM_FEATURES), 0, CARDINALITY, dtype=jnp.int32)
    tables = jax.random.normal(ks[1], (NUM_FEATURES, CARDINALITY, EMBED_DIM), dtype=jnp.float32) * 0.01
    W1 = jax.random.normal(ks[2], (NUM_FEATURES, EMBED_DIM, HIDDEN), dtype=jnp.float32) * 0.05
    b1 = jnp.zeros((NUM_FEATURES, HIDDEN), dtype=jnp.float32)
    W2 = jax.random.normal(ks[3], (NUM_FEATURES, HIDDEN, OUT), dtype=jnp.float32) * 0.05
    b2 = jnp.zeros((NUM_FEATURES, OUT), dtype=jnp.float32)
    return {"inputs": inputs, "tables": tables, "W1": W1, "b1": b1, "W2": W2, "b2": b2}


def reference(inputs, tables, W1, b1, W2, b2):
    # modulus hash: (x + 1) % cardinality, per feature column
    idx = (inputs.astype(jnp.int32) + 1) % CARDINALITY  # [B, F]
    # per-feature embedding gather: emb[f] = tables[f][idx[:, f]]
    emb = jax.vmap(lambda t, ix: jnp.take(t, ix, axis=0))(tables, idx.T)  # [F, B, E]
    # per-feature MLP: Linear -> ReLU -> Linear
    h = jax.nn.relu(jnp.einsum('fbe,feh->fbh', emb, W1) + b1[:, None, :])  # [F, B, H]
    out = jnp.einsum('fbh,fho->fbo', h, W2) + b2[:, None, :]  # [F, B, O]
    # original returns a list of per-feature tensors; stacked along axis 0 here
    return out

if __name__ == "__main__":
    import jax
    _d = setup_inputs()
    print(jax.jit(kernel)(*tuple(_d.values())))

</pallas_src>

<mosaic_0001>
#map = affine_map<(d0, d1) -> (0)>
#map1 = affine_map<(d0, d1) -> (0, 0)>
module attributes {stable_mosaic.version = 14 : i64} {
  func.func @_sc_gather_body(%arg0: i32, %arg1: i32, %arg2: memref<106496xi32, #tpu.memory_space<hbm>>, %arg3: memref<832x100000xf32, #tpu.memory_space<hbm>>, %arg4: memref<832x4096xf32, #tpu.memory_space<hbm>>, %arg5: memref<8192xi32, #tpu.memory_space<vmem>>, %arg6: memref<100000xf32, #tpu.memory_space<vmem>>, %arg7: memref<8192xf32, #tpu.memory_space<vmem>>, %arg8: memref<!tpu.dma_semaphore, #tpu.memory_space<semaphore_mem>>, %arg9: memref<!tpu.dma_semaphore, #tpu.memory_space<semaphore_mem>>) attributes {dimension_semantics = [#tpu.dimension_semantics<core_parallel>, #tpu.dimension_semantics<subcore_parallel>], iteration_bounds = array<i64: 2, 16>, scalar_prefetch = 0 : i64, scratch_operands = 5 : i64, tpu.core_type = #tpu.core_type<sc_vector_subcore>, window_params = [{transform_indices = #map}, {transform_indices = #map1}, {transform_indices = #map1}]} {
    %mul3A = arith.constant 2 : i32
    %mul3A_0 = arith.muli %arg1, %mul3A : i32
    %add3A = arith.addi %mul3A_0, %arg0 : i32
    %mul3A_1 = arith.constant 26 : i32
    %mul3A_2 = arith.muli %add3A, %mul3A_1 : i32
    %add3A_3 = arith.constant 0 : i32
    %add3A_4 = arith.addi %add3A_3, %mul3A_2 : i32
    %jit3A = arith.constant 32 : i32
    %div3A = arith.divsi %add3A_4, %jit3A : i32
    %sign3A = arith.constant 0 : i32
    %sign3A_5 = arith.cmpi sgt, %add3A_4, %sign3A : i32
    %sign3A_6 = arith.extui %sign3A_5 : i1 to i32
    %sign3A_7 = arith.constant 0 : i32
    %sign3A_8 = arith.cmpi slt, %add3A_4, %sign3A_7 : i32
    %sign3A_9 = arith.extui %sign3A_8 : i1 to i32
    %sign3A_10 = arith.subi %sign3A_6, %sign3A_9 : i32
    %sign3A_11 = arith.constant 0 : i32
    %sign3A_12 = arith.cmpi sgt, %jit3A, %sign3A_11 : i32
    %sign3A_13 = arith.extui %sign3A_12 : i1 to i32
    %sign3A_14 = arith.constant 0 : i32
    %sign3A_15 = arith.cmpi slt, %jit3A, %sign3A_14 : i32
    %sign3A_16 = arith.extui %sign3A_15 : i1 to i32
    %sign3A_17 = arith.subi %sign3A_13, %sign3A_16 : i32
    %ne3A = arith.cmpi ne, %sign3A_10, %sign3A_17 : i32
    %rem3A = arith.remsi %add3A_4, %jit3A : i32
    %ne3A_18 = arith.constant 0 : i32
    %ne3A_19 = arith.cmpi ne, %rem3A, %ne3A_18 : i32
    %and3A = arith.andi %ne3A, %ne3A_19 : i1
    %sub3A = arith.constant 1 : i32
    %sub3A_20 = arith.subi %div3A, %sub3A : i32
    %select_n3A = arith.select %and3A, %sub3A_20, %div3A : i32
    %add3A_21 = arith.constant 1 : i32
    %add3A_22 = arith.addi %select_n3A, %add3A_21 : i32
    %min3A = arith.constant 25 : i32
    %min3A_23 = arith.minsi %add3A_22, %min3A : i32
    %mul3A_24 = arith.constant 4096 : i32
    %mul3A_25 = arith.muli %select_n3A, %mul3A_24 : i32
    "tpu.region"() ({
      %run_scoped3A = tpu.sem_alloc : memref<!tpu.dma_semaphore, #tpu.memory_space<semaphore_mem>>
      %dma_start3A_1432 = arith.constant 0 : i32
      %dma_start3A_1433 = tpu.memref_slice %arg5[%dma_start3A_1432] : memref<8192xi32, #tpu.memory_space<vmem>> -> memref<4096xi32, #tpu.memory_space<vmem>>
      %dma_start3A_1434 = tpu.memref_slice %arg2[%mul3A_25] : memref<106496xi32, #tpu.memory_space<hbm>> -> memref<4096xi32, #tpu.memory_space<hbm>>
      %dma_start3A_1435 = arith.constant 0 : i32
      %dma_start3A_1436 = tpu.memref_slice %arg5[%dma_start3A_1435] : memref<8192xi32, #tpu.memory_space<vmem>> -> memref<4096xi32, #tpu.memory_space<vmem>>
      %dma_start3A_1437 = tpu.memref_slice %arg2[%mul3A_25] : memref<106496xi32, #tpu.memory_space<hbm>> -> memref<4096xi32, #tpu.memory_space<hbm>>
      tpu.enqueue_dma source(%dma_start3A_1437 : memref<4096xi32, #tpu.memory_space<hbm>>) target(%dma_start3A_1436 : memref<4096xi32, #tpu.memory_space<vmem>>) target_semaphore(%run_scoped3A : memref<!tpu.dma_semaphore, #tpu.memory_space<semaphore_mem>>)
      %dma_wait3A_1438 = arith.constant 0 : i32
      %dma_wait3A_1439 = tpu.memref_slice %arg5[%dma_wait3A_1438] : memref<8192xi32, #tpu.memory_space<vmem>> -> memref<4096xi32, #tpu.memory_space<vmem>>
      %dma_wait3A_1440 = tpu.memref_slice %arg2[%mul3A_25] : memref<106496xi32, #tpu.memory_space<hbm>> -> memref<4096xi32, #tpu.memory_space<hbm>>
      %dma_wait3A_1441 = arith.constant 0 : i32
      %dma_wait3A_1442 = tpu.memref_slice %arg5[%dma_wait3A_1441] : memref<8192xi32, #tpu.memory_space<vmem>> -> memref<4096xi32, #tpu.memory_space<vmem>>
      %dma_wait3A_1443 = tpu.memref_slice %arg2[%mul3A_25] : memref<106496xi32, #tpu.memory_space<hbm>> -> memref<4096xi32, #tpu.memory_space<hbm>>
      tpu.wait_dma2 semaphore(%run_scoped3A : memref<!tpu.dma_semaphore, #tpu.memory_space<semaphore_mem>>) src(%dma_wait3A_1443 : memref<4096xi32, #tpu.memory_space<hbm>>) dst(%dma_wait3A_1442 : memref<4096xi32, #tpu.memory_space<vmem>>)
      tpu.yield
    }) : () -> ()
    %mul3A_26 = arith.constant 4096 : i32
    %mul3A_27 = arith.muli %min3A_23, %mul3A_26 : i32
    "tpu.region"() ({
      %run_scoped3A = tpu.sem_alloc : memref<!tpu.dma_semaphore, #tpu.memory_space<semaphore_mem>>
      %dma_start3A_1432 = arith.constant 4096 : i32
      %dma_start3A_1433 = tpu.memref_slice %arg5[%dma_start3A_1432] : memref<8192xi32, #tpu.memory_space<vmem>> -> memref<4096xi32, #tpu.memory_space<vmem>>
      %dma_start3A_1434 = tpu.memref_slice %arg2[%mul3A_27] : memref<106496xi32, #tpu.memory_space<hbm>> -> memref<4096xi32, #tpu.memory_space<hbm>>
      %dma_start3A_1435 = arith.constant 4096 : i32
      %dma_start3A_1436 = tpu.memref_slice %arg5[%dma_start3A_1435] : memref<8192xi32, #tpu.memory_space<vmem>> -> memref<4096xi32, #tpu.memory_space<vmem>>
      %dma_start3A_1437 = tpu.memref_slice %arg2[%mul3A_27] : memref<106496xi32, #tpu.memory_space<hbm>> -> memref<4096xi32, #tpu.memory_space<hbm>>
      tpu.enqueue_dma source(%dma_start3A_1437 : memref<4096xi32, #tpu.memory_space<hbm>>) target(%dma_start3A_1436 : memref<4096xi32, #tpu.memory_space<vmem>>) target_semaphore(%run_scoped3A : memref<!tpu.dma_semaphore, #tpu.memory_space<semaphore_mem>>)
      %dma_wait3A_1438 = arith.constant 4096 : i32
      %dma_wait3A_1439 = tpu.memref_slice %arg5[%dma_wait3A_1438] : memref<8192xi32, #tpu.memory_space<vmem>> -> memref<4096xi32, #tpu.memory_space<vmem>>
      %dma_wait3A_1440 = tpu.memref_slice %arg2[%mul3A_27] : memref<106496xi32, #tpu.memory_space<hbm>> -> memref<4096xi32, #tpu.memory_space<hbm>>
      %dma_wait3A_1441 = arith.constant 4096 : i32
      %dma_wait3A_1442 = tpu.memref_slice %arg5[%dma_wait3A_1441] : memref<8192xi32, #tpu.memory_space<vmem>> -> memref<4096xi32, #tpu.memory_space<vmem>>
      %dma_wait3A_1443 = tpu.memref_slice %arg2[%mul3A_27] : memref<106496xi32, #tpu.memory_space<hbm>> -> memref<4096xi32, #tpu.memory_space<hbm>>
      tpu.wait_dma2 semaphore(%run_scoped3A : memref<!tpu.dma_semaphore, #tpu.memory_space<semaphore_mem>>) src(%dma_wait3A_1443 : memref<4096xi32, #tpu.memory_space<hbm>>) dst(%dma_wait3A_1442 : memref<4096xi32, #tpu.memory_space<vmem>>)
      tpu.yield
    }) : () -> ()
    %parallel_loop3A = arith.constant 0 : i32
    %parallel_loop3A_28 = arith.constant 512 : i32
    %parallel_loop3A_29 = arith.constant 1 : i32
    scf.for %parallel_loop3A_1432 = %parallel_loop3A to %parallel_loop3A_28 step %parallel_loop3A_29  : i32 {
      %parallel_loop3A_1433 = arith.constant 16 : i32
      %parallel_loop3A_1434 = arith.muli %parallel_loop3A_1432, %parallel_loop3A_1433 : i32
      %parallel_loop3A_1435 = arith.index_cast %parallel_loop3A_1434 : i32 to index
      %parallel_loop3A_1436 = tpu.vector_load %arg5[%parallel_loop3A_1435] {strides = array<i32>} : memref<8192xi32, #tpu.memory_space<vmem>>, vector<16xi32>,
      %parallel_loop3A_1437 = arith.constant 1 : i32
      %parallel_loop3A_1438 = vector.broadcast %parallel_loop3A_1437 : i32 to vector<16xi32>
      %parallel_loop3A_1439 = arith.addi %parallel_loop3A_1436, %parallel_loop3A_1438 : vector<16xi32>
      %parallel_loop3A_1440 = arith.constant 100000 : i32
      %parallel_loop3A_1441 = vector.broadcast %parallel_loop3A_1440 : i32 to vector<16xi32>
      %parallel_loop3A_1442 = arith.remsi %parallel_loop3A_1439, %parallel_loop3A_1441 : vector<16xi32>
      %parallel_loop3A_1443 = arith.index_cast %parallel_loop3A_1434 : i32 to index
      %parallel_loop3A_1444 = tpu.vector_load %arg5[%parallel_loop3A_1443] {strides = array<i32>} : memref<8192xi32, #tpu.memory_space<vmem>>, vector<16xi32>,
      tpu.vector_store %arg5[%parallel_loop3A_1443], %parallel_loop3A_1442 {strides = array<i32>} : memref<8192xi32, #tpu.memory_space<vmem>>, vector<16xi32>,
    } {sc.loop_unroll_factor = 4 : i64, sc.parallel_access}
    %add3A_30 = arith.constant 0 : i32
    %add3A_31 = arith.addi %add3A_4, %add3A_30 : i32
    %jit3A_32 = arith.constant 32 : i32
    %div3A_33 = arith.divsi %add3A_31, %jit3A_32 : i32
    %sign3A_34 = arith.constant 0 : i32
    %sign3A_35 = arith.cmpi sgt, %add3A_31, %sign3A_34 : i32
    %sign3A_36 = arith.extui %sign3A_35 : i1 to i32
    %sign3A_37 = arith.constant 0 : i32
    %sign3A_38 = arith.cmpi slt, %add3A_31, %sign3A_37 : i32
    %sign3A_39 = arith.extui %sign3A_38 : i1 to i32
    %sign3A_40 = arith.subi %sign3A_36, %sign3A_39 : i32
    %sign3A_41 = arith.constant 0 : i32
    %sign3A_42 = arith.cmpi sgt, %jit3A_32, %sign3A_41 : i32
    %sign3A_43 = arith.extui %sign3A_42 : i1 to i32
    %sign3A_44 = arith.constant 0 : i32
    %sign3A_45 = arith.cmpi slt, %jit3A_32, %sign3A_44 : i32
    %sign3A_46 = arith.extui %sign3A_45 : i1 to i32
    %sign3A_47 = arith.subi %sign3A_43, %sign3A_46 : i32
    %ne3A_48 = arith.cmpi ne, %sign3A_40, %sign3A_47 : i32
    %rem3A_49 = arith.remsi %add3A_31, %jit3A_32 : i32
    %ne3A_50 = arith.constant 0 : i32
    %ne3A_51 = arith.cmpi ne, %rem3A_49, %ne3A_50 : i32
    %and3A_52 = arith.andi %ne3A_48, %ne3A_51 : i1
    %sub3A_53 = arith.constant 1 : i32
    %sub3A_54 = arith.subi %div3A_33, %sub3A_53 : i32
    %select_n3A_55 = arith.select %and3A_52, %sub3A_54, %div3A_33 : i32
    %sub3A_56 = arith.subi %select_n3A_55, %select_n3A : i32
    %mul3A_57 = arith.constant 4096 : i32
    %mul3A_58 = arith.muli %sub3A_56, %mul3A_57 : i32
    "tpu.region"() ({
      %run_scoped3A = tpu.sem_alloc : memref<!tpu.dma_semaphore, #tpu.memory_space<semaphore_mem>>
      %dma_start3A_1432 = arith.constant 0 : i32
      %dma_start3A_1433 = tpu.memref_slice %arg3[%add3A_31, %dma_start3A_1432] : memref<832x100000xf32, #tpu.memory_space<hbm>> -> memref<1x100000xf32, #tpu.memory_space<hbm>>
      %dma_start3A_1434 = tpu.memref_squeeze %dma_start3A_1433 : memref<1x100000xf32, #tpu.memory_space<hbm>> -> memref<100000xf32, #tpu.memory_space<hbm>>
      %dma_start3A_1435 = arith.constant 0 : i32
      %dma_start3A_1436 = tpu.memref_slice %arg3[%add3A_31, %dma_start3A_1435] : memref<832x100000xf32, #tpu.memory_space<hbm>> -> memref<1x100000xf32, #tpu.memory_space<hbm>>
      %dma_start3A_1437 = tpu.memref_squeeze %dma_start3A_1436 : memref<1x100000xf32, #tpu.memory_space<hbm>> -> memref<100000xf32, #tpu.memory_space<hbm>>
      tpu.enqueue_dma source(%dma_start3A_1437 : memref<100000xf32, #tpu.memory_space<hbm>>) target(%arg6 : memref<100000xf32, #tpu.memory_space<vmem>>) target_semaphore(%run_scoped3A : memref<!tpu.dma_semaphore, #tpu.memory_space<semaphore_mem>>)
      %dma_wait3A_1438 = arith.constant 0 : i32
      %dma_wait3A_1439 = tpu.memref_slice %arg3[%add3A_31, %dma_wait3A_1438] : memref<832x100000xf32, #tpu.memory_space<hbm>> -> memref<1x100000xf32, #tpu.memory_space<hbm>>
      %dma_wait3A_1440 = tpu.memref_squeeze %dma_wait3A_1439 : memref<1x100000xf32, #tpu.memory_space<hbm>> -> memref<100000xf32, #tpu.memory_space<hbm>>
      %dma_wait3A_1441 = arith.constant 0 : i32
      %dma_wait3A_1442 = tpu.memref_slice %arg3[%add3A_31, %dma_wait3A_1441] : memref<832x100000xf32, #tpu.memory_space<hbm>> -> memref<1x100000xf32, #tpu.memory_space<hbm>>
      %dma_wait3A_1443 = tpu.memref_squeeze %dma_wait3A_1442 : memref<1x100000xf32, #tpu.memory_space<hbm>> -> memref<100000xf32, #tpu.memory_space<hbm>>
      tpu.wait_dma2 semaphore(%run_scoped3A : memref<!tpu.dma_semaphore, #tpu.memory_space<semaphore_mem>>) src(%dma_wait3A_1443 : memref<100000xf32, #tpu.memory_space<hbm>>) dst(%arg6 : memref<100000xf32, #tpu.memory_space<vmem>>)
      tpu.yield
    }) : () -> ()
    %parallel_loop3A_59 = arith.constant 0 : i32
    %parallel_loop3A_60 = arith.constant 256 : i32
    %parallel_loop3A_61 = arith.constant 1 : i32
    scf.for %parallel_loop3A_1432 = %parallel_loop3A_59 to %parallel_loop3A_60 step %parallel_loop3A_61  : i32 {
      %parallel_loop3A_1433 = arith.constant 16 : i32
      %parallel_loop3A_1434 = arith.muli %parallel_loop3A_1432, %parallel_loop3A_1433 : i32
      %parallel_loop3A_1435 = arith.addi %mul3A_58, %parallel_loop3A_1434 : i32
      %parallel_loop3A_1436 = arith.index_cast %parallel_loop3A_1435 : i32 to index
      %parallel_loop3A_1437 = tpu.vector_load %arg5[%parallel_loop3A_1436] {strides = array<i32>} : memref<8192xi32, #tpu.memory_space<vmem>>, vector<16xi32>,
      %parallel_loop3A_1438 = tpu.vector_load_idx %arg6[%parallel_loop3A_1437] : memref<100000xf32, #tpu.memory_space<vmem>>[vector<16xi32>], vector<16xf32>,
      %parallel_loop3A_1439 = arith.constant 0 : i32
      %parallel_loop3A_1440 = arith.addi %parallel_loop3A_1439, %parallel_loop3A_1434 : i32
      %parallel_loop3A_1441 = arith.index_cast %parallel_loop3A_1440 : i32 to index
      %parallel_loop3A_1442 = tpu.vector_load %arg7[%parallel_loop3A_1441] {strides = array<i32>} : memref<8192xf32, #tpu.memory_space<vmem>>, vector<16xf32>,
      tpu.vector_store %arg7[%parallel_loop3A_1441], %parallel_loop3A_1438 {strides = array<i32>} : memref<8192xf32, #tpu.memory_space<vmem>>, vector<16xf32>,
    } {sc.loop_unroll_factor = 8 : i64, sc.parallel_access}
    %sub3A_62 = arith.constant 0 : i32
    %sub3A_63 = arith.subi %add3A_31, %sub3A_62 : i32
    %dma_start3A = arith.constant 0 : i32
    %dma_start3A_64 = tpu.memref_slice %arg7[%dma_start3A] : memref<8192xf32, #tpu.memory_space<vmem>> -> memref<4096xf32, #tpu.memory_space<vmem>>
    %dma_start3A_65 = arith.constant 0 : i32
    %dma_start3A_66 = tpu.memref_slice %arg4[%sub3A_63, %dma_start3A_65] : memref<832x4096xf32, #tpu.memory_space<hbm>> -> memref<1x4096xf32, #tpu.memory_space<hbm>>
    %dma_start3A_67 = tpu.memref_squeeze %dma_start3A_66 : memref<1x4096xf32, #tpu.memory_space<hbm>> -> memref<4096xf32, #tpu.memory_space<hbm>>
    %dma_start3A_68 = arith.constant 0 : i32
    %dma_start3A_69 = tpu.memref_slice %arg4[%sub3A_63, %dma_start3A_68] : memref<832x4096xf32, #tpu.memory_space<hbm>> -> memref<1x4096xf32, #tpu.memory_space<hbm>>
    %dma_start3A_70 = tpu.memref_squeeze %dma_start3A_69 : memref<1x4096xf32, #tpu.memory_space<hbm>> -> memref<4096xf32, #tpu.memory_space<hbm>>
    %dma_start3A_71 = arith.constant 0 : i32
    %dma_start3A_72 = tpu.memref_slice %arg7[%dma_start3A_71] : memref<8192xf32, #tpu.memory_space<vmem>> -> memref<4096xf32, #tpu.memory_space<vmem>>
    tpu.enqueue_dma source(%dma_start3A_72 : memref<4096xf32, #tpu.memory_space<vmem>>) target(%dma_start3A_70 : memref<4096xf32, #tpu.memory_space<hbm>>) target_semaphore(%arg9 : memref<!tpu.dma_semaphore, #tpu.memory_space<semaphore_mem>>)
    %add3A_73 = arith.constant 1 : i32
    %add3A_74 = arith.addi %add3A_4, %add3A_73 : i32
    %jit3A_75 = arith.constant 32 : i32
    %div3A_76 = arith.divsi %add3A_74, %jit3A_75 : i32
    %sign3A_77 = arith.constant 0 : i32
    %sign3A_78 = arith.cmpi sgt, %add3A_74, %sign3A_77 : i32
    %sign3A_79 = arith.extui %sign3A_78 : i1 to i32
    %sign3A_80 = arith.constant 0 : i32
    %sign3A_81 = arith.cmpi slt, %add3A_74, %sign3A_80 : i32
    %sign3A_82 = arith.extui %sign3A_81 : i1 to i32
    %sign3A_83 = arith.subi %sign3A_79, %sign3A_82 : i32
    %sign3A_84 = arith.constant 0 : i32
    %sign3A_85 = arith.cmpi sgt, %jit3A_75, %sign3A_84 : i32
    %sign3A_86 = arith.extui %sign3A_85 : i1 to i32
    %sign3A_87 = arith.constant 0 : i32
    %sign3A_88 = arith.cmpi slt, %jit3A_75, %sign3A_87 : i32
    %sign3A_89 = arith.extui %sign3A_88 : i1 to i32
    %sign3A_90 = arith.subi %sign3A_86, %sign3A_89 : i32
    %ne3A_91 = arith.cmpi ne, %sign3A_83, %sign3A_90 : i32
    %rem3A_92 = arith.remsi %add3A_74, %jit3A_75 : i32
    %ne3A_93 = arith.constant 0 : i32
    %ne3A_94 = arith.cmpi ne, %rem3A_92, %ne3A_93 : i32
    %and3A_95 = arith.andi %ne3A_91, %ne3A_94 : i1
    %sub3A_96 = arith.constant 1 : i32
    %sub3A_97 = arith.subi %div3A_76, %sub3A_96 : i32
    %select_n3A_98 = arith.select %and3A_95, %sub3A_97, %div3A_76 : i32
    %sub3A_99 = arith.subi %select_n3A_98, %select_n3A : i32
    %mul3A_100 = arith.constant 4096 : i32
    %mul3A_101 = arith.muli %sub3A_99, %mul3A_100 : i32
    "tpu.region"() ({
      %run_scoped3A = tpu.sem_alloc : memref<!tpu.dma_semaphore, #tpu.memory_space<semaphore_mem>>
      %dma_start3A_1432 = arith.constant 0 : i32
      %dma_start3A_1433 = tpu.memref_slice %arg3[%add3A_74, %dma_start3A_1432] : memref<832x100000xf32, #tpu.memory_space<hbm>> -> memref<1x100000xf32, #tpu.memory_space<hbm>>
      %dma_start3A_1434 = tpu.memref_squeeze %dma_start3A_1433 : memref<1x100000xf32, #tpu.memory_space<hbm>> -> memref<100000xf32, #tpu.memory_space<hbm>>
      %dma_start3A_1435 = arith.constant 0 : i32
      %dma_start3A_1436 = tpu.memref_slice %arg3[%add3A_74, %dma_start3A_1435] : memref<832x100000xf32, #tpu.memory_space<hbm>> -> memref<1x100000xf32, #tpu.memory_space<hbm>>
      %dma_start3A_1437 = tpu.memref_squeeze %dma_start3A_1436 : memref<1x100000xf32, #tpu.memory_space<hbm>> -> memref<100000xf32, #tpu.memory_space<hbm>>
      tpu.enqueue_dma source(%dma_start3A_1437 : memref<100000xf32, #tpu.memory_space<hbm>>) target(%arg6 : memref<100000xf32, #tpu.memory_space<vmem>>) target_semaphore(%run_scoped3A : memref<!tpu.dma_semaphore, #tpu.memory_space<semaphore_mem>>)
      %dma_wait3A_1438 = arith.constant 0 : i32
      %dma_wait3A_1439 = tpu.memref_slice %arg3[%add3A_74, %dma_wait3A_1438] : memref<832x100000xf32, #tpu.memory_space<hbm>> -> memref<1x100000xf32, #tpu.memory_space<hbm>>
      %dma_wait3A_1440 = tpu.memref_squeeze %dma_wait3A_1439 : memref<1x100000xf32, #tpu.memory_space<hbm>> -> memref<100000xf32, #tpu.memory_space<hbm>>
      %dma_wait3A_1441 = arith.constant 0 : i32
      %dma_wait3A_1442 = tpu.memref_slice %arg3[%add3A_74, %dma_wait3A_1441] : memref<832x100000xf32, #tpu.memory_space<hbm>> -> memref<1x100000xf32, #tpu.memory_space<hbm>>
      %dma_wait3A_1443 = tpu.memref_squeeze %dma_wait3A_1442 : memref<1x100000xf32, #tpu.memory_space<hbm>> -> memref<100000xf32, #tpu.memory_space<hbm>>
      tpu.wait_dma2 semaphore(%run_scoped3A : memref<!tpu.dma_semaphore, #tpu.memory_space<semaphore_mem>>) src(%dma_wait3A_1443 : memref<100000xf32, #tpu.memory_space<hbm>>) dst(%arg6 : memref<100000xf32, #tpu.memory_space<vmem>>)
      tpu.yield
    }) : () -> ()
    %parallel_loop3A_102 = arith.constant 0 : i32
    %parallel_loop3A_103 = arith.constant 256 : i32
    %parallel_loop3A_104 = arith.constant 1 : i32
    scf.for %parallel_loop3A_1432 = %parallel_loop3A_102 to %parallel_loop3A_103 step %parallel_loop3A_104  : i32 {
      %parallel_loop3A_1433 = arith.constant 16 : i32
      %parallel_loop3A_1434 = arith.muli %parallel_loop3A_1432, %parallel_loop3A_1433 : i32
      %parallel_loop3A_1435 = arith.addi %mul3A_101, %parallel_loop3A_1434 : i32
      %parallel_loop3A_1436 = arith.index_cast %parallel_loop3A_1435 : i32 to index
      %parallel_loop3A_1437 = tpu.vector_load %arg5[%parallel_loop3A_1436] {strides = array<i32>} : memref<8192xi32, #tpu.memory_space<vmem>>, vector<16xi32>,
      %parallel_loop3A_1438 = tpu.vector_load_idx %arg6[%parallel_loop3A_1437] : memref<100000xf32, #tpu.memory_space<vmem>>[vector<16xi32>], vector<16xf32>,
      %parallel_loop3A_1439 = arith.constant 4096 : i32
      %parallel_loop3A_1440 = arith.addi %parallel_loop3A_1439, %parallel_loop3A_1434 : i32
      %parallel_loop3A_1441 = arith.index_cast %parallel_loop3A_1440 : i32 to index
      %parallel_loop3A_1442 = tpu.vector_load %arg7[%parallel_loop3A_1441] {strides = array<i32>} : memref<8192xf32, #tpu.memory_space<vmem>>, vector<16xf32>,
      tpu.vector_store %arg7[%parallel_loop3A_1441], %parallel_loop3A_1438 {strides = array<i32>} : memref<8192xf32, #tpu.memory_space<vmem>>, vector<16xf32>,
    } {sc.loop_unroll_factor = 8 : i64, sc.parallel_access}
    %sub3A_105 = arith.constant 0 : i32
    %sub3A_106 = arith.subi %add3A_74, %sub3A_105 : i32
    %dma_start3A_107 = arith.constant 4096 : i32
    %dma_start3A_108 = tpu.memref_slice %arg7[%dma_start3A_107] : memref<8192xf32, #tpu.memory_space<vmem>> -> memref<4096xf32, #tpu.memory_space<vmem>>
    %dma_start3A_109 = arith.constant 0 : i32
    %dma_start3A_110 = tpu.memref_slice %arg4[%sub3A_106, %dma_start3A_109] : memref<832x4096xf32, #tpu.memory_space<hbm>> -> memref<1x4096xf32, #tpu.memory_space<hbm>>
    %dma_start3A_111 = tpu.memref_squeeze %dma_start3A_110 : memref<1x4096xf32, #tpu.memory_space<hbm>> -> memref<4096xf32, #tpu.memory_space<hbm>>
    %dma_start3A_112 = arith.constant 0 : i32
    %dma_start3A_113 = tpu.memref_slice %arg4[%sub3A_106, %dma_start3A_112] : memref<832x4096xf32, #tpu.memory_space<hbm>> -> memref<1x4096xf32, #tpu.memory_space<hbm>>
    %dma_start3A_114 = tpu.memref_squeeze %dma_start3A_113 : memref<1x4096xf32, #tpu.memory_space<hbm>> -> memref<4096xf32, #tpu.memory_space<hbm>>
    %dma_start3A_115 = arith.constant 4096 : i32
    %dma_start3A_116 = tpu.memref_slice %arg7[%dma_start3A_115] : memref<8192xf32, #tpu.memory_space<vmem>> -> memref<4096xf32, #tpu.memory_space<vmem>>
    tpu.enqueue_dma source(%dma_start3A_116 : memref<4096xf32, #tpu.memory_space<vmem>>) target(%dma_start3A_114 : memref<4096xf32, #tpu.memory_space<hbm>>) target_semaphore(%arg9 : memref<!tpu.dma_semaphore, #tpu.memory_space<semaphore_mem>>)
    %add3A_117 = arith.constant 2 : i32
    %add3A_118 = arith.addi %add3A_4, %add3A_117 : i32
    %jit3A_119 = arith.constant 32 : i32
    %div3A_120 = arith.divsi %add3A_118, %jit3A_119 : i32
    %sign3A_121 = arith.constant 0 : i32
    %sign3A_122 = arith.cmpi sgt, %add3A_118, %sign3A_121 : i32
    %sign3A_123 = arith.extui %sign3A_122 : i1 to i32
    %sign3A_124 = arith.constant 0 : i32
    %sign3A_125 = arith.cmpi slt, %add3A_118, %sign3A_124 : i32
    %sign3A_126 = arith.extui %sign3A_125 : i1 to i32
    %sign3A_127 = arith.subi %sign3A_123, %sign3A_126 : i32
    %sign3A_128 = arith.constant 0 : i32
    %sign3A_129 = arith.cmpi sgt, %jit3A_119, %sign3A_128 : i32
    %sign3A_130 = arith.extui %sign3A_129 : i1 to i32
    %sign3A_131 = arith.constant 0 : i32
    %sign3A_132 = arith.cmpi slt, %jit3A_119, %sign3A_131 : i32
    %sign3A_133 = arith.extui %sign3A_132 : i1 to i32
    %sign3A_134 = arith.subi %sign3A_130, %sign3A_133 : i32
    %ne3A_135 = arith.cmpi ne, %sign3A_127, %sign3A_134 : i32
    %rem3A_136 = arith.remsi %add3A_118, %jit3A_119 : i32
    %ne3A_137 = arith.constant 0 : i32
    %ne3A_138 = arith.cmpi ne, %rem3A_136, %ne3A_137 : i32
    %and3A_139 = arith.andi %ne3A_135, %ne3A_138 : i1
    %sub3A_140 = arith.constant 1 : i32
    %sub3A_141 = arith.subi %div3A_120, %sub3A_140 : i32
    %select_n3A_142 = arith.select %and3A_139, %sub3A_141, %div3A_120 : i32
    %sub3A_143 = arith.subi %select_n3A_142, %select_n3A : i32
    %mul3A_144 = arith.constant 4096 : i32
    %mul3A_145 = arith.muli %sub3A_143, %mul3A_144 : i32
    "tpu.region"() ({
      %run_scoped3A = tpu.sem_alloc : memref<!tpu.dma_semaphore, #tpu.memory_space<semaphore_mem>>
      %dma_start3A_1432 = arith.constant 0 : i32
      %dma_start3A_1433 = tpu.memref_slice %arg3[%add3A_118, %dma_start3A_1432] : memref<832x100000xf32, #tpu.memory_space<hbm>> -> memref<1x100000xf32, #tpu.memory_space<hbm>>
      %dma_start3A_1434 = tpu.memref_squeeze %dma_start3A_1433 : memref<1x100000xf32, #tpu.memory_space<hbm>> -> memref<100000xf32, #tpu.memory_space<hbm>>
      %dma_start3A_1435 = arith.constant 0 : i32
      %dma_start3A_1436 = tpu.memref_slice %arg3[%add3A_118, %dma_start3A_1435] : memref<832x100000xf32, #tpu.memory_space<hbm>> -> memref<1x100000xf32, #tpu.memory_space<hbm>>
      %dma_start3A_1437 = tpu.memref_squeeze %dma_start3A_1436 : memref<1x100000xf32, #tpu.memory_space<hbm>> -> memref<100000xf32, #tpu.memory_space<hbm>>
      tpu.enqueue_dma source(%dma_start3A_1437 : memref<100000xf32, #tpu.memory_space<hbm>>) target(%arg6 : memref<100000xf32, #tpu.memory_space<vmem>>) target_semaphore(%run_scoped3A : memref<!tpu.dma_semaphore, #tpu.memory_space<semaphore_mem>>)
      %dma_wait3A_1438 = arith.constant 0 : i32
      %dma_wait3A_1439 = tpu.memref_slice %arg3[%add3A_118, %dma_wait3A_1438] : memref<832x100000xf32, #tpu.memory_space<hbm>> -> memref<1x100000xf32, #tpu.memory_space<hbm>>
      %dma_wait3A_1440 = tpu.memref_squeeze %dma_wait3A_1439 : memref<1x100000xf32, #tpu.memory_space<hbm>> -> memref<100000xf32, #tpu.memory_space<hbm>>
      %dma_wait3A_1441 = arith.constant 0 : i32
      %dma_wait3A_1442 = tpu.memref_slice %arg3[%add3A_118, %dma_wait3A_1441] : memref<832x100000xf32, #tpu.memory_space<hbm>> -> memref<1x100000xf32, #tpu.memory_space<hbm>>
      %dma_wait3A_1443 = tpu.memref_squeeze %dma_wait3A_1442 : memref<1x100000xf32, #tpu.memory_space<hbm>> -> memref<100000xf32, #tpu.memory_space<hbm>>
      tpu.wait_dma2 semaphore(%run_scoped3A : memref<!tpu.dma_semaphore, #tpu.memory_space<semaphore_mem>>) src(%dma_wait3A_1443 : memref<100000xf32, #tpu.memory_space<hbm>>) dst(%arg6 : memref<100000xf32, #tpu.memory_space<vmem>>)
      tpu.yield
    }) : () -> ()
    %dma_wait3A = arith.constant 0 : i32
    %dma_wait3A_146 = tpu.memref_slice %arg7[%dma_wait3A] : memref<8192xf32, #tpu.memory_space<vmem>> -> memref<4096xf32, #tpu.memory_space<vmem>>
    %dma_wait3A_147 = arith.constant 0 : i32
    %dma_wait3A_148 = tpu.memref_slice %arg4[%sub3A_63, %dma_wait3A_147] : memref<832x4096xf32, #tpu.memory_space<hbm>> -> memref<1x4096xf32, #tpu.memory_space<hbm>>
    %dma_wait3A_149 = tpu.memref_squeeze %dma_wait3A_148 : memref<1x4096xf32, #tpu.memory_space<hbm>> -> memref<4096xf32, #tpu.memory_space<hbm>>
    %dma_wait3A_150 = arith.constant 0 : i32
    %dma_wait3A_151 = tpu.memref_slice %arg4[%sub3A_63, %dma_wait3A_150] : memref<832x4096xf32, #tpu.memory_space<hbm>> -> memref<1x4096xf32, #tpu.memory_space<hbm>>
    %dma_wait3A_152 = tpu.memref_squeeze %dma_wait3A_151 : memref<1x4096xf32, #tpu.memory_space<hbm>> -> memref<4096xf32, #tpu.memory_space<hbm>>
    %dma_wait3A_153 = arith.constant 0 : i32
    %dma_wait3A_154 = tpu.memref_slice %arg7[%dma_wait3A_153] : memref<8192xf32, #tpu.memory_space<vmem>> -> memref<4096xf32, #tpu.memory_space<vmem>>
    tpu.wait_dma2 semaphore(%arg9 : memref<!tpu.dma_semaphore, #tpu.memory_space<semaphore_mem>>) src(%dma_wait3A_154 : memref<4096xf32, #tpu.memory_space<vmem>>) dst(%dma_wait3A_152 : memref<4096xf32, #tpu.memory_space<hbm>>)
    %parallel_loop3A_155 = arith.constant 0 : i32
    %parallel_loop3A_156 = arith.constant 256 : i32
    %parallel_loop3A_157 = arith.constant 1 : i32
    scf.for %parallel_loop3A_1432 = %parallel_loop3A_155 to %parallel_loop3A_156 step %parallel_loop3A_157  : i32 {
      %parallel_loop3A_1433 = arith.constant 16 : i32
      %parallel_loop3A_1434 = arith.muli %parallel_loop3A_1432, %parallel_loop3A_1433 : i32
      %parallel_loop3A_1435 = arith.addi %mul3A_145, %parallel_loop3A_1434 : i32
      %parallel_loop3A_1436 = arith.index_cast %parallel_loop3A_1435 : i32 to index
      %parallel_loop3A_1437 = tpu.vector_load %arg5[%parallel_loop3A_1436] {strides = array<i32>} : memref<8192xi32, #tpu.memory_space<vmem>>, vector<16xi32>,
      %parallel_loop3A_1438 = tpu.vector_load_idx %arg6[%parallel_loop3A_1437] : memref<100000xf32, #tpu.memory_space<vmem>>[vector<16xi32>], vector<16xf32>,
      %parallel_loop3A_1439 = arith.constant 0 : i32
      %parallel_loop3A_1440 = arith.addi %parallel_loop3A_1439, %parallel_loop3A_1434 : i32
      %parallel_loop3A_1441 = arith.index_cast %parallel_loop3A_1440 : i32 to index
      %parallel_loop3A_1442 = tpu.vector_load %arg7[%parallel_loop3A_1441] {strides = array<i32>} : memref<8192xf32, #tpu.memory_space<vmem>>, vector<16xf32>,
      tpu.vector_store %arg7[%parallel_loop3A_1441], %parallel_loop3A_1438 {strides = array<i32>} : memref<8192xf32, #tpu.memory_space<vmem>>, vector<16xf32>,
    } {sc.loop_unroll_factor = 8 : i64, sc.parallel_access}
    %sub3A_158 = arith.constant 0 : i32
    %sub3A_159 = arith.subi %add3A_118, %sub3A_158 : i32
    %dma_start3A_160 = arith.constant 0 : i32
    %dma_start3A_161 = tpu.memref_slice %arg7[%dma_start3A_160] : memref<8192xf32, #tpu.memory_space<vmem>> -> memref<4096xf32, #tpu.memory_space<vmem>>
    %dma_start3A_162 = arith.constant 0 : i32
    %dma_start3A_163 = tpu.memref_slice %arg4[%sub3A_159, %dma_start3A_162] : memref<832x4096xf32, #tpu.memory_space<hbm>> -> memref<1x4096xf32, #tpu.memory_space<hbm>>
    %dma_start3A_164 = tpu.memref_squeeze %dma_start3A_163 : memref<1x4096xf32, #tpu.memory_space<hbm>> -> memref<4096xf32, #tpu.memory_space<hbm>>
    %dma_start3A_165 = arith.constant 0 : i32
    %dma_start3A_166 = tpu.memref_slice %arg4[%sub3A_159, %dma_start3A_165] : memref<832x4096xf32, #tpu.memory_space<hbm>> -> memref<1x4096xf32, #tpu.memory_space<hbm>>
    %dma_start3A_167 = tpu.memref_squeeze %dma_start3A_166 : memref<1x4096xf32, #tpu.memory_space<hbm>> -> memref<4096xf32, #tpu.memory_space<hbm>>
    %dma_start3A_168 = arith.constant 0 : i32
    %dma_start3A_169 = tpu.memref_slice %arg7[%dma_start3A_168] : memref<8192xf32, #tpu.memory_space<vmem>> -> memref<4096xf32, #tpu.memory_space<vmem>>
    tpu.enqueue_dma source(%dma_start3A_169 : memref<4096xf32, #tpu.memory_space<vmem>>) target(%dma_start3A_167 : memref<4096xf32, #tpu.memory_space<hbm>>) target_semaphore(%arg9 : memref<!tpu.dma_semaphore, #tpu.memory_space<semaphore_mem>>)
    %add3A_170 = arith.constant 3 : i32
    %add3A_171 = arith.addi %add3A_4, %add3A_170 : i32
    %jit3A_172 = arith.constant 32 : i32
    %div3A_173 = arith.divsi %add3A_171, %jit3A_172 : i32
    %sign3A_174 = arith.constant 0 : i32
    %sign3A_175 = arith.cmpi sgt, %add3A_171, %sign3A_174 : i32
    %sign3A_176 = arith.extui %sign3A_175 : i1 to i32
    %sign3A_177 = arith.constant 0 : i32
    %sign3A_178 = arith.cmpi slt, %add3A_171, %sign3A_177 : i32
    %sign3A_179 = arith.extui %sign3A_178 : i1 to i32
    %sign3A_180 = arith.subi %sign3A_176, %sign3A_179 : i32
    %sign3A_181 = arith.constant 0 : i32
    %sign3A_182 = arith.cmpi sgt, %jit3A_172, %sign3A_181 : i32
    %sign3A_183 = arith.extui %sign3A_182 : i1 to i32
    %sign3A_184 = arith.constant 0 : i32
    %sign3A_185 = arith.cmpi slt, %jit3A_172, %sign3A_184 : i32
    %sign3A_186 = arith.extui %sign3A_185 : i1 to i32
    %sign3A_187 = arith.subi %sign3A_183, %sign3A_186 : i32
    %ne3A_188 = arith.cmpi ne, %sign3A_180, %sign3A_187 : i32
    %rem3A_189 = arith.remsi %add3A_171, %jit3A_172 : i32
    %ne3A_190 = arith.constant 0 : i32
    %ne3A_191 = arith.cmpi ne, %rem3A_189, %ne3A_190 : i32
    %and3A_192 = arith.andi %ne3A_188, %ne3A_191 : i1
    %sub3A_193 = arith.constant 1 : i32
    %sub3A_194 = arith.subi %div3A_173, %sub3A_193 : i32
    %select_n3A_195 = arith.select %and3A_192, %sub3A_194, %div3A_173 : i32
    %sub3A_196 = arith.subi %select_n3A_195, %select_n3A : i32
    %mul3A_197 = arith.constant 4096 : i32
    %mul3A_198 = arith.muli %sub3A_196, %mul3A_197 : i32
    "tpu.region"() ({
      %run_scoped3A = tpu.sem_alloc : memref<!tpu.dma_semaphore, #tpu.memory_space<semaphore_mem>>
      %dma_start3A_1432 = arith.constant 0 : i32
      %dma_start3A_1433 = tpu.memref_slice %arg3[%add3A_171, %dma_start3A_1432] : memref<832x100000xf32, #tpu.memory_space<hbm>> -> memref<1x100000xf32, #tpu.memory_space<hbm>>
      %dma_start3A_1434 = tpu.memref_squeeze %dma_start3A_1433 : memref<1x100000xf32, #tpu.memory_space<hbm>> -> memref<100000xf32, #tpu.memory_space<hbm>>
      %dma_start3A_1435 = arith.constant 0 : i32
      %dma_start3A_1436 = tpu.memref_slice %arg3[%add3A_171, %dma_start3A_1435] : memref<832x100000xf32, #tpu.memory_space<hbm>> -> memref<1x100000xf32, #tpu.memory_space<hbm>>
      %dma_start3A_1437 = tpu.memref_squeeze %dma_start3A_1436 : memref<1x100000xf32, #tpu.memory_space<hbm>> -> memref<100000xf32, #tpu.memory_space<hbm>>
      tpu.enqueue_dma source(%dma_start3A_1437 : memref<100000xf32, #tpu.memory_space<hbm>>) target(%arg6 : memref<100000xf32, #tpu.memory_space<vmem>>) target_semaphore(%run_scoped3A : memref<!tpu.dma_semaphore, #tpu.memory_space<semaphore_mem>>)
      %dma_wait3A_1438 = arith.constant 0 : i32
      %dma_wait3A_1439 = tpu.memref_slice %arg3[%add3A_171, %dma_wait3A_1438] : memref<832x100000xf32, #tpu.memory_space<hbm>> -> memref<1x100000xf32, #tpu.memory_space<hbm>>
      %dma_wait3A_1440 = tpu.memref_squeeze %dma_wait3A_1439 : memref<1x100000xf32, #tpu.memory_space<hbm>> -> memref<100000xf32, #tpu.memory_space<hbm>>
      %dma_wait3A_1441 = arith.constant 0 : i32
      %dma_wait3A_1442 = tpu.memref_slice %arg3[%add3A_171, %dma_wait3A_1441] : memref<832x100000xf32, #tpu.memory_space<hbm>> -> memref<1x100000xf32, #tpu.memory_space<hbm>>
      %dma_wait3A_1443 = tpu.memref_squeeze %dma_wait3A_1442 : memref<1x100000xf32, #tpu.memory_space<hbm>> -> memref<100000xf32, #tpu.memory_space<hbm>>
      tpu.wait_dma2 semaphore(%run_scoped3A : memref<!tpu.dma_semaphore, #tpu.memory_space<semaphore_mem>>) src(%dma_wait3A_1443 : memref<100000xf32, #tpu.memory_space<hbm>>) dst(%arg6 : memref<100000xf32, #tpu.memory_space<vmem>>)
      tpu.yield
    }) : () -> ()
    %dma_wait3A_199 = arith.constant 4096 : i32
    %dma_wait3A_200 = tpu.memref_slice %arg7[%dma_wait3A_199] : memref<8192xf32, #tpu.memory_space<vmem>> -> memref<4096xf32, #tpu.memory_space<vmem>>
    %dma_wait3A_201 = arith.constant 0 : i32
    %dma_wait3A_202 = tpu.memref_slice %arg4[%sub3A_106, %dma_wait3A_201] : memref<832x4096xf32, #tpu.memory_space<hbm>> -> memref<1x4096xf32, #tpu.memory_space<hbm>>
    %dma_wait3A_203 = tpu.memref_squeeze %dma_wait3A_202 : memref<1x4096xf32, #tpu.memory_space<hbm>> -> memref<4096xf32, #tpu.memory_space<hbm>>
    %dma_wait3A_204 = arith.constant 0 : i32
    %dma_wait3A_205 = tpu.memref_slice %arg4[%sub3A_106, %dma_wait3A_204] : memref<832x4096xf32, #tpu.memory_space<hbm>> -> memref<1x4096xf32, #tpu.memory_space<hbm>>
    %dma_wait3A_206 = tpu.memref_squeeze %dma_wait3A_205 : memref<1x4096xf32, #tpu.memory_space<hbm>> -> memref<4096xf32, #tpu.memory_space<hbm>>
    %dma_wait3A_207 = arith.constant 4096 : i32
    %dma_wait3A_208 = tpu.memref_slice %arg7[%dma_wait3A_207] : memref<8192xf32, #tpu.memory_space<vmem>> -> memref<4096xf32, #tpu.memory_space<vmem>>
    tpu.wait_dma2 semaphore(%arg9 : memref<!tpu.dma_semaphore, #tpu.memory_space<semaphore_mem>>) src(%dma_wait3A_208 : memref<4096xf32, #tpu.memory_space<vmem>>) dst(%dma_wait3A_206 : memref<4096xf32, #tpu.memory_space<hbm>>)
    %parallel_loop3A_209 = arith.constant 0 : i32
    %parallel_loop3A_210 = arith.constant 256 : i32
    %parallel_loop3A_211 = arith.constant 1 : i32
    scf.for %parallel_loop3A_1432 = %parallel_loop3A_209 to %parallel_loop3A_210 step %parallel_loop3A_211  : i32 {
      %parallel_loop3A_1433 = arith.constant 16 : i32
      %parallel_loop3A_1434 = arith.muli %parallel_loop3A_1432, %parallel_loop3A_1433 : i32
      %parallel_loop3A_1435 = arith.addi %mul3A_198, %parallel_loop3A_1434 : i32
      %parallel_loop3A_1436 = arith.index_cast %parallel_loop3A_1435 : i32 to index
      %parallel_loop3A_1437 = tpu.vector_load %arg5[%parallel_loop3A_1436] {strides = array<i32>} : memref<8192xi32, #tpu.memory_space<vmem>>, vector<16xi32>,
      %parallel_loop3A_1438 = tpu.vector_load_idx %arg6[%parallel_loop3A_1437] : memref<100000xf32, #tpu.memory_space<vmem>>[vector<16xi32>], vector<16xf32>,
      %parallel_loop3A_1439 = arith.constant 4096 : i32
      %parallel_loop3A_1440 = arith.addi %parallel_loop3A_1439, %parallel_loop3A_1434 : i32
      %parallel_loop3A_1441 = arith.index_cast %parallel_loop3A_1440 : i32 to index
      %parallel_loop3A_1442 = tpu.vector_load %arg7[%parallel_loop3A_1441] {strides = array<i32>} : memref<8192xf32, #tpu.memory_space<vmem>>, vector<16xf32>,
      tpu.vector_store %arg7[%parallel_loop3A_1441], %parallel_loop3A_1438 {strides = array<i32>} : memref<8192xf32, #tpu.memory_space<vmem>>, vector<16xf32>,
    } {sc.loop_unroll_factor = 8 : i64, sc.parallel_access}
    %sub3A_212 = arith.constant 0 : i32
    %sub3A_213 = arith.subi %add3A_171, %sub3A_212 : i32
    %dma_start3A_214 = arith.constant 4096 : i32
    %dma_start3A_215 = tpu.memref_slice %arg7[%dma_start3A_214] : memref<8192xf32, #tpu.memory_space<vmem>> -> memref<4096xf32, #tpu.memory_space<vmem>>
    %dma_start3A_216 = arith.constant 0 : i32
    %dma_start3A_217 = tpu.memref_slice %arg4[%sub3A_213, %dma_start3A_216] : memref<832x4096xf32, #tpu.memory_space<hbm>> -> memref<1x4096xf32, #tpu.memory_space<hbm>>
    %dma_start3A_218 = tpu.memref_squeeze %dma_start3A_217 : memref<1x4096xf32, #tpu.memory_space<hbm>> -> memref<4096xf32, #tpu.memory_space<hbm>>
    %dma_start3A_219 = arith.constant 0 : i32
    %dma_start3A_220 = tpu.memref_slice %arg4[%sub3A_213, %dma_start3A_219] : memref<832x4096xf32, #tpu.memory_space<hbm>> -> memref<1x4096xf32, #tpu.memory_space<hbm>>
    %dma_start3A_221 = tpu.memref_squeeze %dma_start3A_220 : memref<1x4096xf32, #tpu.memory_space<hbm>> -> memref<4096xf32, #tpu.memory_space<hbm>>
    %dma_start3A_222 = arith.constant 4096 : i32
    %dma_start3A_223 = tpu.memref_slice %arg7[%dma_start3A_222] : memref<8192xf32, #tpu.memory_space<vmem>> -> memref<4096xf32, #tpu.memory_space<vmem>>
    tpu.enqueue_dma source(%dma_start3A_223 : memref<4096xf32, #tpu.memory_space<vmem>>) target(%dma_start3A_221 : memref<4096xf32, #tpu.memory_space<hbm>>) target_semaphore(%arg9 : memref<!tpu.dma_semaphore, #tpu.memory_space<semaphore_mem>>)
    %add3A_224 = arith.constant 4 : i32
    %add3A_225 = arith.addi %add3A_4, %add3A_224 : i32
    %jit3A_226 = arith.constant 32 : i32
    %div3A_227 = arith.divsi %add3A_225, %jit3A_226 : i32
    %sign3A_228 = arith.constant 0 : i32
    %sign3A_229 = arith.cmpi sgt, %add3A_225, %sign3A_228 : i32
    %sign3A_230 = arith.extui %sign3A_229 : i1 to i32
    %sign3A_231 = arith.constant 0 : i32
    %sign3A_232 = arith.cmpi slt, %add3A_225, %sign3A_231 : i32
    %sign3A_233 = arith.extui %sign3A_232 : i1 to i32
    %sign3A_234 = arith.subi %sign3A_230, %sign3A_233 : i32
    %sign3A_235 = arith.constant 0 : i32
    %sign3A_236 = arith.cmpi sgt, %jit3A_226, %sign3A_235 : i32
    %sign3A_237 = arith.extui %sign3A_236 : i1 to i32
    %sign3A_238 = arith.constant 0 : i32
    %sign3A_239 = arith.cmpi slt, %jit3A_226, %sign3A_238 : i32
    %sign3A_240 = arith.extui %sign3A_239 : i1 to i32
    %sign3A_241 = arith.subi %sign3A_237, %sign3A_240 : i32
    %ne3A_242 = arith.cmpi ne, %sign3A_234, %sign3A_241 : i32
    %rem3A_243 = arith.remsi %add3A_225, %jit3A_226 : i32
    %ne3A_244 = arith.constant 0 : i32
    %ne3A_245 = arith.cmpi ne, %rem3A_243, %ne3A_244 : i32
    %and3A_246 = arith.andi %ne3A_242, %ne3A_245 : i1
    %sub3A_247 = arith.constant 1 : i32
    %sub3A_248 = arith.subi %div3A_227, %sub3A_247 : i32
    %select_n3A_249 = arith.select %and3A_246, %sub3A_248, %div3A_227 : i32
    %sub3A_250 = arith.subi %select_n3A_249, %select_n3A : i32
    %mul3A_251 = arith.constant 4096 : i32
    %mul3A_252 = arith.muli %sub3A_250, %mul3A_251 : i32
    "tpu.region"() ({
      %run_scoped3A = tpu.sem_alloc : memref<!tpu.dma_semaphore, #tpu.memory_space<semaphore_mem>>
      %dma_start3A_1432 = arith.constant 0 : i32
      %dma_start3A_1433 = tpu.memref_slice %arg3[%add3A_225, %dma_start3A_1432] : memref<832x100000xf32, #tpu.memory_space<hbm>> -> memref<1x100000xf32, #tpu.memory_space<hbm>>
      %dma_start3A_1434 = tpu.memref_squeeze %dma_start3A_1433 : memref<1x100000xf32, #tpu.memory_space<hbm>> -> memref<100000xf32, #tpu.memory_space<hbm>>
      %dma_start3A_1435 = arith.constant 0 : i32
      %dma_start3A_1436 = tpu.memref_slice %arg3[%add3A_225, %dma_start3A_1435] : memref<832x100000xf32, #tpu.memory_space<hbm>> -> memref<1x100000xf32, #tpu.memory_space<hbm>>
      %dma_start3A_1437 = tpu.memref_squeeze %dma_start3A_1436 : memref<1x100000xf32, #tpu.memory_space<hbm>> -> memref<100000xf32, #tpu.memory_space<hbm>>
      tpu.enqueue_dma source(%dma_start3A_1437 : memref<100000xf32, #tpu.memory_space<hbm>>) target(%arg6 : memref<100000xf32, #tpu.memory_space<vmem>>) target_semaphore(%run_scoped3A : memref<!tpu.dma_semaphore, #tpu.memory_space<semaphore_mem>>)
      %dma_wait3A_1438 = arith.constant 0 : i32
      %dma_wait3A_1439 = tpu.memref_slice %arg3[%add3A_225, %dma_wait3A_1438] : memref<832x100000xf32, #tpu.memory_space<hbm>> -> memref<1x100000xf32, #tpu.memory_space<hbm>>
      %dma_wait3A_1440 = tpu.memref_squeeze %dma_wait3A_1439 : memref<1x100000xf32, #tpu.memory_space<hbm>> -> memref<100000xf32, #tpu.memory_space<hbm>>
      %dma_wait3A_1441 = arith.constant 0 : i32
      %dma_wait3A_1442 = tpu.memref_slice %arg3[%add3A_225, %dma_wait3A_1441] : memref<832x100000xf32, #tpu.memory_space<hbm>> -> memref<1x100000xf32, #tpu.memory_space<hbm>>
      %dma_wait3A_1443 = tpu.memref_squeeze %dma_wait3A_1442 : memref<1x100000xf32, #tpu.memory_space<hbm>> -> memref<100000xf32, #tpu.memory_space<hbm>>
      tpu.wait_dma2 semaphore(%run_scoped3A : memref<!tpu.dma_semaphore, #tpu.memory_space<semaphore_mem>>) src(%dma_wait3A_1443 : memref<100000xf32, #tpu.memory_space<hbm>>) dst(%arg6 : memref<100000xf32, #tpu.memory_space<vmem>>)
      tpu.yield
    }) : () -> ()
    %dma_wait3A_253 = arith.constant 0 : i32
    %dma_wait3A_254 = tpu.memref_slice %arg7[%dma_wait3A_253] : memref<8192xf32, #tpu.memory_space<vmem>> -> memref<4096xf32, #tpu.memory_space<vmem>>
    %dma_wait3A_255 = arith.constant 0 : i32
    %dma_wait3A_256 = tpu.memref_slice %arg4[%sub3A_159, %dma_wait3A_255] : memref<832x4096xf32, #tpu.memory_space<hbm>> -> memref<1x4096xf32, #tpu.memory_space<hbm>>
    %dma_wait3A_257 = tpu.memref_squeeze %dma_wait3A_256 : memref<1x4096xf32, #tpu.memory_space<hbm>> -> memref<4096xf32, #tpu.memory_space<hbm>>
    %dma_wait3A_258 = arith.constant 0 : i32
    %dma_wait3A_259 = tpu.memref_slice %arg4[%sub3A_159, %dma_wait3A_258] : memref<832x4096xf32, #tpu.memory_space<hbm>> -> memref<1x4096xf32, #tpu.memory_space<hbm>>
    %dma_wait3A_260 = tpu.memref_squeeze %dma_wait3A_259 : memref<1x4096xf32, #tpu.memory_space<hbm>> -> memref<4096xf32, #tpu.memory_space<hbm>>
    %dma_wait3A_261 = arith.constant 0 : i32
    %dma_wait3A_262 = tpu.memref_slice %arg7[%dma_wait3A_261] : memref<8192xf32, #tpu.memory_space<vmem>> -> memref<4096xf32, #tpu.memory_space<vmem>>
    tpu.wait_dma2 semaphore(%arg9 : memref<!tpu.dma_semaphore, #tpu.memory_space<semaphore_mem>>) src(%dma_wait3A_262 : memref<4096xf32, #tpu.memory_space<vmem>>) dst(%dma_wait3A_260 : memref<4096xf32, #tpu.memory_space<hbm>>)
    %parallel_loop3A_263 = arith.constant 0 : i32
    %parallel_loop3A_264 = arith.constant 256 : i32
    %parallel_loop3A_265 = arith.constant 1 : i32
    scf.for %parallel_loop3A_1432 = %parallel_loop3A_263 to %parallel_loop3A_264 step %parallel_loop3A_265  : i32 {
      %parallel_loop3A_1433 = arith.constant 16 : i32
      %parallel_loop3A_1434 = arith.muli %parallel_loop3A_1432, %parallel_loop3A_1433 : i32
      %parallel_loop3A_1435 = arith.addi %mul3A_252, %parallel_loop3A_1434 : i32
      %parallel_loop3A_1436 = arith.index_cast %parallel_loop3A_1435 : i32 to index
      %parallel_loop3A_1437 = tpu.vector_load %arg5[%parallel_loop3A_1436] {strides = array<i32>} : memref<8192xi32, #tpu.memory_space<vmem>>, vector<16xi32>,
      %parallel_loop3A_1438 = tpu.vector_load_idx %arg6[%parallel_loop3A_1437] : memref<100000xf32, #tpu.memory_space<vmem>>[vector<16xi32>], vector<16xf32>,
      %parallel_loop3A_1439 = arith.constant 0 : i32
      %parallel_loop3A_1440 = arith.addi %parallel_loop3A_1439, %parallel_loop3A_1434 : i32
      %parallel_loop3A_1441 = arith.index_cast %parallel_loop3A_1440 : i32 to index
      %parallel_loop3A_1442 = tpu.vector_load %arg7[%parallel_loop3A_1441] {strides = array<i32>} : memref<8192xf32, #tpu.memory_space<vmem>>, vector<16xf32>,
      tpu.vector_store %arg7[%parallel_loop3A_1441], %parallel_loop3A_1438 {strides = array<i32>} : memref<8192xf32, #tpu.memory_space<vmem>>, vector<16xf32>,
    } {sc.loop_unroll_factor = 8 : i64, sc.parallel_access}
    %sub3A_266 = arith.constant 0 : i32
    %sub3A_267 = arith.subi %add3A_225, %sub3A_266 : i32
    %dma_start3A_268 = arith.constant 0 : i32
    %dma_start3A_269 = tpu.memref_slice %arg7[%dma_start3A_268] : memref<8192xf32, #tpu.memory_space<vmem>> -> memref<4096xf32, #tpu.memory_space<vmem>>
    %dma_start3A_270 = arith.constant 0 : i32
    %dma_start3A_271 = tpu.memref_slice %arg4[%sub3A_267, %dma_start3A_270] : memref<832x4096xf32, #tpu.memory_space<hbm>> -> memref<1x4096xf32, #tpu.memory_space<hbm>>
    %dma_start3A_272 = tpu.memref_squeeze %dma_start3A_271 : memref<1x4096xf32, #tpu.memory_space<hbm>> -> memref<4096xf32, #tpu.memory_space<hbm>>
    %dma_start3A_273 = arith.constant 0 : i32
    %dma_start3A_274 = tpu.memref_slice %arg4[%sub3A_267, %dma_start3A_273] : memref<832x4096xf32, #tpu.memory_space<hbm>> -> memref<1x4096xf32, #tpu.memory_space<hbm>>
    %dma_start3A_275 = tpu.memref_squeeze %dma_start3A_274 : memref<1x4096xf32, #tpu.memory_space<hbm>> -> memref<4096xf32, #tpu.memory_space<hbm>>
    %dma_start3A_276 = arith.constant 0 : i32
    %dma_start3A_277 = tpu.memref_slice %arg7[%dma_start3A_276] : memref<8192xf32, #tpu.memory_space<vmem>> -> memref<4096xf32, #tpu.memory_space<vmem>>
    tpu.enqueue_dma source(%dma_start3A_277 : memref<4096xf32, #tpu.memory_space<vmem>>) target(%dma_start3A_275 : memref<4096xf32, #tpu.memory_space<hbm>>) target_semaphore(%arg9 : memref<!tpu.dma_semaphore, #tpu.memory_space<semaphore_mem>>)
    %add3A_278 = arith.constant 5 : i32
    %add3A_279 = arith.addi %add3A_4, %add3A_278 : i32
    %jit3A_280 = arith.constant 32 : i32
    %div3A_281 = arith.divsi %add3A_279, %jit3A_280 : i32
    %sign3A_282 = arith.constant 0 : i32
    %sign3A_283 = arith.cmpi sgt, %add3A_279, %sign3A_282 : i32
    %sign3A_284 = arith.extui %sign3A_283 : i1 to i32
    %sign3A_285 = arith.constant 0 : i32
    %sign3A_286 = arith.cmpi slt, %add3A_279, %sign3A_285 : i32
    %sign3A_287 = arith.extui %sign3A_286 : i1 to i32
    %sign3A_288 = arith.subi %sign3A_284, %sign3A_287 : i32
    %sign3A_289 = arith.constant 0 : i32
    %sign3A_290 = arith.cmpi sgt, %jit3A_280, %sign3A_289 : i32
    %sign3A_291 = arith.extui %sign3A_290 : i1 to i32
    %sign3A_292 = arith.constant 0 : i32
    %sign3A_293 = arith.cmpi slt, %jit3A_280, %sign3A_292 : i32
    %sign3A_294 = arith.extui %sign3A_293 : i1 to i32
    %sign3A_295 = arith.subi %sign3A_291, %sign3A_294 : i32
    %ne3A_296 = arith.cmpi ne, %sign3A_288, %sign3A_295 : i32
    %rem3A_297 = arith.remsi %add3A_279, %jit3A_280 : i32
    %ne3A_298 = arith.constant 0 : i32
    %ne3A_299 = arith.cmpi ne, %rem3A_297, %ne3A_298 : i32
    %and3A_300 = arith.andi %ne3A_296, %ne3A_299 : i1
    %sub3A_301 = arith.constant 1 : i32
    %sub3A_302 = arith.subi %div3A_281, %sub3A_301 : i32
    %select_n3A_303 = arith.select %and3A_300, %sub3A_302, %div3A_281 : i32
    %sub3A_304 = arith.subi %select_n3A_303, %select_n3A : i32
    %mul3A_305 = arith.constant 4096 : i32
    %mul3A_306 = arith.muli %sub3A_304, %mul3A_305 : i32
    "tpu.region"() ({
      %run_scoped3A = tpu.sem_alloc : memref<!tpu.dma_semaphore, #tpu.memory_space<semaphore_mem>>
      %dma_start3A_1432 = arith.constant 0 : i32
      %dma_start3A_1433 = tpu.memref_slice %arg3[%add3A_279, %dma_start3A_1432] : memref<832x100000xf32, #tpu.memory_space<hbm>> -> memref<1x100000xf32, #tpu.memory_space<hbm>>
      %dma_start3A_1434 = tpu.memref_squeeze %dma_start3A_1433 : memref<1x100000xf32, #tpu.memory_space<hbm>> -> memref<100000xf32, #tpu.memory_space<hbm>>
      %dma_start3A_1435 = arith.constant 0 : i32
      %dma_start3A_1436 = tpu.memref_slice %arg3[%add3A_279, %dma_start3A_1435] : memref<832x100000xf32, #tpu.memory_space<hbm>> -> memref<1x100000xf32, #tpu.memory_space<hbm>>
      %dma_start3A_1437 = tpu.memref_squeeze %dma_start3A_1436 : memref<1x100000xf32, #tpu.memory_space<hbm>> -> memref<100000xf32, #tpu.memory_space<hbm>>
      tpu.enqueue_dma source(%dma_start3A_1437 : memref<100000xf32, #tpu.memory_space<hbm>>) target(%arg6 : memref<100000xf32, #tpu.memory_space<vmem>>) target_semaphore(%run_scoped3A : memref<!tpu.dma_semaphore, #tpu.memory_space<semaphore_mem>>)
      %dma_wait3A_1438 = arith.constant 0 : i32
      %dma_wait3A_1439 = tpu.memref_slice %arg3[%add3A_279, %dma_wait3A_1438] : memref<832x100000xf32, #tpu.memory_space<hbm>> -> memref<1x100000xf32, #tpu.memory_space<hbm>>
      %dma_wait3A_1440 = tpu.memref_squeeze %dma_wait3A_1439 : memref<1x100000xf32, #tpu.memory_space<hbm>> -> memref<100000xf32, #tpu.memory_space<hbm>>
      %dma_wait3A_1441 = arith.constant 0 : i32
      %dma_wait3A_1442 = tpu.memref_slice %arg3[%add3A_279, %dma_wait3A_1441] : memref<832x100000xf32, #tpu.memory_space<hbm>> -> memref<1x100000xf32, #tpu.memory_space<hbm>>
      %dma_wait3A_1443 = tpu.memref_squeeze %dma_wait3A_1442 : memref<1x100000xf32, #tpu.memory_space<hbm>> -> memref<100000xf32, #tpu.memory_space<hbm>>
      tpu.wait_dma2 semaphore(%run_scoped3A : memref<!tpu.dma_semaphore, #tpu.memory_space<semaphore_mem>>) src(%dma_wait3A_1443 : memref<100000xf32, #tpu.memory_space<hbm>>) dst(%arg6 : memref<100000xf32, #tpu.memory_space<vmem>>)
      tpu.yield
    }) : () -> ()
    %dma_wait3A_307 = arith.constant 4096 : i32
    %dma_wait3A_308 = tpu.memref_slice %arg7[%dma_wait3A_307] : memref<8192xf32, #tpu.memory_space<vmem>> -> memref<4096xf32, #tpu.memory_space<vmem>>
    %dma_wait3A_309 = arith.constant 0 : i32
    %dma_wait3A_310 = tpu.memref_slice %arg4[%sub3A_213, %dma_wait3A_309] : memref<832x4096xf32, #tpu.memory_space<hbm>> -> memref<1x4096xf32, #tpu.memory_space<hbm>>
    %dma_wait3A_311 = tpu.memref_squeeze %dma_wait3A_310 : memref<1x4096xf32, #tpu.memory_space<hbm>> -> memref<4096xf32, #tpu.memory_space<hbm>>
    %dma_wait3A_312 = arith.constant 0 : i32
    %dma_wait3A_313 = tpu.memref_slice %arg4[%sub3A_213, %dma_wait3A_312] : memref<832x4096xf32, #tpu.memory_space<hbm>> -> memref<1x4096xf32, #tpu.memory_space<hbm>>
    %dma_wait3A_314 = tpu.memref_squeeze %dma_wait3A_313 : memref<1x4096xf32, #tpu.memory_space<hbm>> -> memref<4096xf32, #tpu.memory_space<hbm>>
    %dma_wait3A_315 = arith.constant 4096 : i32
    %dma_wait3A_316 = tpu.memref_slice %arg7[%dma_wait3A_315] : memref<8192xf32, #tpu.memory_space<vmem>> -> memref<4096xf32, #tpu.memory_space<vmem>>
    tpu.wait_dma2 semaphore(%arg9 : memref<!tpu.dma_semaphore, #tpu.memory_space<semaphore_mem>>) src(%dma_wait3A_316 : memref<4096xf32, #tpu.memory_space<vmem>>) dst(%dma_wait3A_314 : memref<4096xf32, #tpu.memory_space<hbm>>)
    %parallel_loop3A_317 = arith.constant 0 : i32
    %parallel_loop3A_318 = arith.constant 256 : i32
    %parallel_loop3A_319 = arith.constant 1 : i32
    scf.for %parallel_loop3A_1432 = %parallel_loop3A_317 to %parallel_loop3A_318 step %parallel_loop3A_319  : i32 {
      %parallel_loop3A_1433 = arith.constant 16 : i32
      %parallel_loop3A_1434 = arith.muli %parallel_loop3A_1432, %parallel_loop3A_1433 : i32
      %parallel_loop3A_1435 = arith.addi %mul3A_306, %parallel_loop3A_1434 : i32
      %parallel_loop3A_1436 = arith.index_cast %parallel_loop3A_1435 : i32 to index
      %parallel_loop3A_1437 = tpu.vector_load %arg5[%parallel_loop3A_1436] {strides = array<i32>} : memref<8192xi32, #tpu.memory_space<vmem>>, vector<16xi32>,
      %parallel_loop3A_1438 = tpu.vector_load_idx %arg6[%parallel_loop3A_1437] : memref<100000xf32, #tpu.memory_space<vmem>>[vector<16xi32>], vector<16xf32>,
      %parallel_loop3A_1439 = arith.constant 4096 : i32
      %parallel_loop3A_1440 = arith.addi %parallel_loop3A_1439, %parallel_loop3A_1434 : i32
      %parallel_loop3A_1441 = arith.index_cast %parallel_loop3A_1440 : i32 to index
      %parallel_loop3A_1442 = tpu.vector_load %arg7[%parallel_loop3A_1441] {strides = array<i32>} : memref<8192xf32, #tpu.memory_space<vmem>>, vector<16xf32>,
      tpu.vector_store %arg7[%parallel_loop3A_1441], %parallel_loop3A_1438 {strides = array<i32>} : memref<8192xf32, #tpu.memory_space<vmem>>, vector<16xf32>,
    } {sc.loop_unroll_factor = 8 : i64, sc.parallel_access}
    %sub3A_320 = arith.constant 0 : i32
    %sub3A_321 = arith.subi %add3A_279, %sub3A_320 : i32
    %dma_start3A_322 = arith.constant 4096 : i32
    %dma_start3A_323 = tpu.memref_slice %arg7[%dma_start3A_322] : memref<8192xf32, #tpu.memory_space<vmem>> -> memref<4096xf32, #tpu.memory_space<vmem>>
    %dma_start3A_324 = arith.constant 0 : i32
    %dma_start3A_325 = tpu.memref_slice %arg4[%sub3A_321, %dma_start3A_324] : memref<832x4096xf32, #tpu.memory_space<hbm>> -> memref<1x4096xf32, #tpu.memory_space<hbm>>
    %dma_start3A_326 = tpu.memref_squeeze %dma_start3A_325 : memref<1x4096xf32, #tpu.memory_space<hbm>> -> memref<4096xf32, #tpu.memory_space<hbm>>
    %dma_start3A_327 = arith.constant 0 : i32
    %dma_start3A_328 = tpu.memref_slice %arg4[%sub3A_321, %dma_start3A_327] : memref<832x4096xf32, #tpu.memory_space<hbm>> -> memref<1x4096xf32, #tpu.memory_space<hbm>>
    %dma_start3A_329 = tpu.memref_squeeze %dma_start3A_328 : memref<1x4096xf32, #tpu.memory_space<hbm>> -> memref<4096xf32, #tpu.memory_space<hbm>>
    %dma_start3A_330 = arith.constant 4096 : i32
    %dma_start3A_331 = tpu.memref_slice %arg7[%dma_start3A_330] : memref<8192xf32, #tpu.memory_space<vmem>> -> memref<4096xf32, #tpu.memory_space<vmem>>
    tpu.enqueue_dma source(%dma_start3A_331 : memref<4096xf32, #tpu.memory_space<vmem>>) target(%dma_start3A_329 : memref<4096xf32, #tpu.memory_space<hbm>>) target_semaphore(%arg9 : memref<!tpu.dma_semaphore, #tpu.memory_space<semaphore_mem>>)
    %add3A_332 = arith.constant 6 : i32
    %add3A_333 = arith.addi %add3A_4, %add3A_332 : i32
    %jit3A_334 = arith.constant 32 : i32
    %div3A_335 = arith.divsi %add3A_333, %jit3A_334 : i32
    %sign3A_336 = arith.constant 0 : i32
    %sign3A_337 = arith.cmpi sgt, %add3A_333, %sign3A_336 : i32
    %sign3A_338 = arith.extui %sign3A_337 : i1 to i32
    %sign3A_339 = arith.constant 0 : i32
    %sign3A_340 = arith.cmpi slt, %add3A_333, %sign3A_339 : i32
    %sign3A_341 = arith.extui %sign3A_340 : i1 to i32
    %sign3A_342 = arith.subi %sign3A_338, %sign3A_341 : i32
    %sign3A_343 = arith.constant 0 : i32
    %sign3A_344 = arith.cmpi sgt, %jit3A_334, %sign3A_343 : i32
    %sign3A_345 = arith.extui %sign3A_344 : i1 to i32
    %sign3A_346 = arith.constant 0 : i32
    %sign3A_347 = arith.cmpi slt, %jit3A_334, %sign3A_346 : i32
    %sign3A_348 = arith.extui %sign3A_347 : i1 to i32
    %sign3A_349 = arith.subi %sign3A_345, %sign3A_348 : i32
    %ne3A_350 = arith.cmpi ne, %sign3A_342, %sign3A_349 : i32
    %rem3A_351 = arith.remsi %add3A_333, %jit3A_334 : i32
    %ne3A_352 = arith.constant 0 : i32
    %ne3A_353 = arith.cmpi ne, %rem3A_351, %ne3A_352 : i32
    %and3A_354 = arith.andi %ne3A_350, %ne3A_353 : i1
    %sub3A_355 = arith.constant 1 : i32
    %sub3A_356 = arith.subi %div3A_335, %sub3A_355 : i32
    %select_n3A_357 = arith.select %and3A_354, %sub3A_356, %div3A_335 : i32
    %sub3A_358 = arith.subi %select_n3A_357, %select_n3A : i32
    %mul3A_359 = arith.constant 4096 : i32
    %mul3A_360 = arith.muli %sub3A_358, %mul3A_359 : i32
    "tpu.region"() ({
      %run_scoped3A = tpu.sem_alloc : memref<!tpu.dma_semaphore, #tpu.memory_space<semaphore_mem>>
      %dma_start3A_1432 = arith.constant 0 : i32
      %dma_start3A_1433 = tpu.memref_slice %arg3[%add3A_333, %dma_start3A_1432] : memref<832x100000xf32, #tpu.memory_space<hbm>> -> memref<1x100000xf32, #tpu.memory_space<hbm>>
      %dma_start3A_1434 = tpu.memref_squeeze %dma_start3A_1433 : memref<1x100000xf32, #tpu.memory_space<hbm>> -> memref<100000xf32, #tpu.memory_space<hbm>>
      %dma_start3A_1435 = arith.constant 0 : i32
      %dma_start3A_1436 = tpu.memref_slice %arg3[%add3A_333, %dma_start3A_1435] : memref<832x100000xf32, #tpu.memory_space<hbm>> -> memref<1x100000xf32, #tpu.memory_space<hbm>>
      %dma_start3A_1437 = tpu.memref_squeeze %dma_start3A_1436 : memref<1x100000xf32, #tpu.memory_space<hbm>> -> memref<100000xf32, #tpu.memory_space<hbm>>
      tpu.enqueue_dma source(%dma_start3A_1437 : memref<100000xf32, #tpu.memory_space<hbm>>) target(%arg6 : memref<100000xf32, #tpu.memory_space<vmem>>) target_semaphore(%run_scoped3A : memref<!tpu.dma_semaphore, #tpu.memory_space<semaphore_mem>>)
      %dma_wait3A_1438 = arith.constant 0 : i32
      %dma_wait3A_1439 = tpu.memref_slice %arg3[%add3A_333, %dma_wait3A_1438] : memref<832x100000xf32, #tpu.memory_space<hbm>> -> memref<1x100000xf32, #tpu.memory_space<hbm>>
      %dma_wait3A_1440 = tpu.memref_squeeze %dma_wait3A_1439 : memref<1x100000xf32, #tpu.memory_space<hbm>> -> memref<100000xf32, #tpu.memory_space<hbm>>
      %dma_wait3A_1441 = arith.constant 0 : i32
      %dma_wait3A_1442 = tpu.memref_slice %arg3[%add3A_333, %dma_wait3A_1441] : memref<832x100000xf32, #tpu.memory_space<hbm>> -> memref<1x100000xf32, #tpu.memory_space<hbm>>
      %dma_wait3A_1443 = tpu.memref_squeeze %dma_wait3A_1442 : memref<1x100000xf32, #tpu.memory_space<hbm>> -> memref<100000xf32, #tpu.memory_space<hbm>>
      tpu.wait_dma2 semaphore(%run_scoped3A : memref<!tpu.dma_semaphore, #tpu.memory_space<semaphore_mem>>) src(%dma_wait3A_1443 : memref<100000xf32, #tpu.memory_space<hbm>>) dst(%arg6 : memref<100000xf32, #tpu.memory_space<vmem>>)
      tpu.yield
    }) : () -> ()
    %dma_wait3A_361 = arith.constant 0 : i32
    %dma_wait3A_362 = tpu.memref_slice %arg7[%dma_wait3A_361] : memref<8192xf32, #tpu.memory_space<vmem>> -> memref<4096xf32, #tpu.memory_space<vmem>>
    %dma_wait3A_363 = arith.constant 0 : i32
    %dma_wait3A_364 = tpu.memref_slice %arg4[%sub3A_267, %dma_wait3A_363] : memref<832x4096xf32, #tpu.memory_space<hbm>> -> memref<1x4096xf32, #tpu.memory_space<hbm>>
    %dma_wait3A_365 = tpu.memref_squeeze %dma_wait3A_364 : memref<1x4096xf32, #tpu.memory_space<hbm>> -> memref<4096xf32, #tpu.memory_space<hbm>>
    %dma_wait3A_366 = arith.constant 0 : i32
    %dma_wait3A_367 = tpu.memref_slice %arg4[%sub3A_267, %dma_wait3A_366] : memref<832x4096xf32, #tpu.memory_space<hbm>> -> memref<1x4096xf32, #tpu.memory_space<hbm>>
    %dma_wait3A_368 = tpu.memref_squeeze %dma_wait3A_367 : memref<1x4096xf32, #tpu.memory_space<hbm>> -> memref<4096xf32, #tpu.memory_space<hbm>>
    %dma_wait3A_369 = arith.constant 0 : i32
    %dma_wait3A_370 = tpu.memref_slice %arg7[%dma_wait3A_369] : memref<8192xf32, #tpu.memory_space<vmem>> -> memref<4096xf32, #tpu.memory_space<vmem>>
    tpu.wait_dma2 semaphore(%arg9 : memref<!tpu.dma_semaphore, #tpu.memory_space<semaphore_mem>>) src(%dma_wait3A_370 : memref<4096xf32, #tpu.memory_space<vmem>>) dst(%dma_wait3A_368 : memref<4096xf32, #tpu.memory_space<hbm>>)
    %parallel_loop3A_371 = arith.constant 0 : i32
    %parallel_loop3A_372 = arith.constant 256 : i32
    %parallel_loop3A_373 = arith.constant 1 : i32
    scf.for %parallel_loop3A_1432 = %parallel_loop3A_371 to %parallel_loop3A_372 step %parallel_loop3A_373  : i32 {
      %parallel_loop3A_1433 = arith.constant 16 : i32
      %parallel_loop3A_1434 = arith.muli %parallel_loop3A_1432, %parallel_loop3A_1433 : i32
      %parallel_loop3A_1435 = arith.addi %mul3A_360, %parallel_loop3A_1434 : i32
      %parallel_loop3A_1436 = arith.index_cast %parallel_loop3A_1435 : i32 to index
      %parallel_loop3A_1437 = tpu.vector_load %arg5[%parallel_loop3A_1436] {strides = array<i32>} : memref<8192xi32, #tpu.memory_space<vmem>>, vector<16xi32>,
      %parallel_loop3A_1438 = tpu.vector_load_idx %arg6[%parallel_loop3A_1437] : memref<100000xf32, #tpu.memory_space<vmem>>[vector<16xi32>], vector<16xf32>,
      %parallel_loop3A_1439 = arith.constant 0 : i32
      %parallel_loop3A_1440 = arith.addi %parallel_loop3A_1439, %parallel_loop3A_1434 : i32
      %parallel_loop3A_1441 = arith.index_cast %parallel_loop3A_1440 : i32 to index
      %parallel_loop3A_1442 = tpu.vector_load %arg7[%parallel_loop3A_1441] {strides = array<i32>} : memref<8192xf32, #tpu.memory_space<vmem>>, vector<16xf32>,
      tpu.vector_store %arg7[%parallel_loop3A_1441], %parallel_loop3A_1438 {strides = array<i32>} : memref<8192xf32, #tpu.memory_space<vmem>>, vector<16xf32>,
    } {sc.loop_unroll_factor = 8 : i64, sc.parallel_access}
    %sub3A_374 = arith.constant 0 : i32
    %sub3A_375 = arith.subi %add3A_333, %sub3A_374 : i32
    %dma_start3A_376 = arith.constant 0 : i32
    %dma_start3A_377 = tpu.memref_slice %arg7[%dma_start3A_376] : memref<8192xf32, #tpu.memory_space<vmem>> -> memref<4096xf32, #tpu.memory_space<vmem>>
    %dma_start3A_378 = arith.constant 0 : i32
    %dma_start3A_379 = tpu.memref_slice %arg4[%sub3A_375, %dma_start3A_378] : memref<832x4096xf32, #tpu.memory_space<hbm>> -> memref<1x4096xf32, #tpu.memory_space<hbm>>
    %dma_start3A_380 = tpu.memref_squeeze %dma_start3A_379 : memref<1x4096xf32, #tpu.memory_space<hbm>> -> memref<4096xf32, #tpu.memory_space<hbm>>
    %dma_start3A_381 = arith.constant 0 : i32
    %dma_start3A_382 = tpu.memref_slice %arg4[%sub3A_375, %dma_start3A_381] : memref<832x4096xf32, #tpu.memory_space<hbm>> -> memref<1x4096xf32, #tpu.memory_space<hbm>>
    %dma_start3A_383 = tpu.memref_squeeze %dma_start3A_382 : memref<1x4096xf32, #tpu.memory_space<hbm>> -> memref<4096xf32, #tpu.memory_space<hbm>>
    %dma_start3A_384 = arith.constant 0 : i32
    %dma_start3A_385 = tpu.memref_slice %arg7[%dma_start3A_384] : memref<8192xf32, #tpu.memory_space<vmem>> -> memref<4096xf32, #tpu.memory_space<vmem>>
    tpu.enqueue_dma source(%dma_start3A_385 : memref<4096xf32, #tpu.memory_space<vmem>>) target(%dma_start3A_383 : memref<4096xf32, #tpu.memory_space<hbm>>) target_semaphore(%arg9 : memref<!tpu.dma_semaphore, #tpu.memory_space<semaphore_mem>>)
    %add3A_386 = arith.constant 7 : i32
    %add3A_387 = arith.addi %add3A_4, %add3A_386 : i32
    %jit3A_388 = arith.constant 32 : i32
    %div3A_389 = arith.divsi %add3A_387, %jit3A_388 : i32
    %sign3A_390 = arith.constant 0 : i32
    %sign3A_391 = arith.cmpi sgt, %add3A_387, %sign3A_390 : i32
    %sign3A_392 = arith.extui %sign3A_391 : i1 to i32
    %sign3A_393 = arith.constant 0 : i32
    %sign3A_394 = arith.cmpi slt, %add3A_387, %sign3A_393 : i32
    %sign3A_395 = arith.extui %sign3A_394 : i1 to i32
    %sign3A_396 = arith.subi %sign3A_392, %sign3A_395 : i32
    %sign3A_397 = arith.constant 0 : i32
    %sign3A_398 = arith.cmpi sgt, %jit3A_388, %sign3A_397 : i32
    %sign3A_399 = arith.extui %sign3A_398 : i1 to i32
    %sign3A_400 = arith.constant 0 : i32
    %sign3A_401 = arith.cmpi slt, %jit3A_388, %sign3A_400 : i32
    %sign3A_402 = arith.extui %sign3A_401 : i1 to i32
    %sign3A_403 = arith.subi %sign3A_399, %sign3A_402 : i32
    %ne3A_404 = arith.cmpi ne, %sign3A_396, %sign3A_403 : i32
    %rem3A_405 = arith.remsi %add3A_387, %jit3A_388 : i32
    %ne3A_406 = arith.constant 0 : i32
    %ne3A_407 = arith.cmpi ne, %rem3A_405, %ne3A_406 : i32
    %and3A_408 = arith.andi %ne3A_404, %ne3A_407 : i1
    %sub3A_409 = arith.constant 1 : i32
    %sub3A_410 = arith.subi %div3A_389, %sub3A_409 : i32
    %select_n3A_411 = arith.select %and3A_408, %sub3A_410, %div3A_389 : i32
    %sub3A_412 = arith.subi %select_n3A_411, %select_n3A : i32
    %mul3A_413 = arith.constant 4096 : i32
    %mul3A_414 = arith.muli %sub3A_412, %mul3A_413 : i32
    "tpu.region"() ({
      %run_scoped3A = tpu.sem_alloc : memref<!tpu.dma_semaphore, #tpu.memory_space<semaphore_mem>>
      %dma_start3A_1432 = arith.constant 0 : i32
      %dma_start3A_1433 = tpu.memref_slice %arg3[%add3A_387, %dma_start3A_1432] : memref<832x100000xf32, #tpu.memory_space<hbm>> -> memref<1x100000xf32, #tpu.memory_space<hbm>>
      %dma_start3A_1434 = tpu.memref_squeeze %dma_start3A_1433 : memref<1x100000xf32, #tpu.memory_space<hbm>> -> memref<100000xf32, #tpu.memory_space<hbm>>
      %dma_start3A_1435 = arith.constant 0 : i32
      %dma_start3A_1436 = tpu.memref_slice %arg3[%add3A_387, %dma_start3A_1435] : memref<832x100000xf32, #tpu.memory_space<hbm>> -> memref<1x100000xf32, #tpu.memory_space<hbm>>
      %dma_start3A_1437 = tpu.memref_squeeze %dma_start3A_1436 : memref<1x100000xf32, #tpu.memory_space<hbm>> -> memref<100000xf32, #tpu.memory_space<hbm>>
      tpu.enqueue_dma source(%dma_start3A_1437 : memref<100000xf32, #tpu.memory_space<hbm>>) target(%arg6 : memref<100000xf32, #tpu.memory_space<vmem>>) target_semaphore(%run_scoped3A : memref<!tpu.dma_semaphore, #tpu.memory_space<semaphore_mem>>)
      %dma_wait3A_1438 = arith.constant 0 : i32
      %dma_wait3A_1439 = tpu.memref_slice %arg3[%add3A_387, %dma_wait3A_1438] : memref<832x100000xf32, #tpu.memory_space<hbm>> -> memref<1x100000xf32, #tpu.memory_space<hbm>>
      %dma_wait3A_1440 = tpu.memref_squeeze %dma_wait3A_1439 : memref<1x100000xf32, #tpu.memory_space<hbm>> -> memref<100000xf32, #tpu.memory_space<hbm>>
      %dma_wait3A_1441 = arith.constant 0 : i32
      %dma_wait3A_1442 = tpu.memref_slice %arg3[%add3A_387, %dma_wait3A_1441] : memref<832x100000xf32, #tpu.memory_space<hbm>> -> memref<1x100000xf32, #tpu.memory_space<hbm>>
      %dma_wait3A_1443 = tpu.memref_squeeze %dma_wait3A_1442 : memref<1x100000xf32, #tpu.memory_space<hbm>> -> memref<100000xf32, #tpu.memory_space<hbm>>
      tpu.wait_dma2 semaphore(%run_scoped3A : memref<!tpu.dma_semaphore, #tpu.memory_space<semaphore_mem>>) src(%dma_wait3A_1443 : memref<100000xf32, #tpu.memory_space<hbm>>) dst(%arg6 : memref<100000xf32, #tpu.memory_space<vmem>>)
      tpu.yield
    }) : () -> ()
    %dma_wait3A_415 = arith.constant 4096 : i32
    %dma_wait3A_416 = tpu.memref_slice %arg7[%dma_wait3A_415] : memref<8192xf32, #tpu.memory_space<vmem>> -> memref<4096xf32, #tpu.memory_space<vmem>>
    %dma_wait3A_417 = arith.constant 0 : i32
    %dma_wait3A_418 = tpu.memref_slice %arg4[%sub3A_321, %dma_wait3A_417] : memref<832x4096xf32, #tpu.memory_space<hbm>> -> memref<1x4096xf32, #tpu.memory_space<hbm>>
    %dma_wait3A_419 = tpu.memref_squeeze %dma_wait3A_418 : memref<1x4096xf32, #tpu.memory_space<hbm>> -> memref<4096xf32, #tpu.memory_space<hbm>>
    %dma_wait3A_420 = arith.constant 0 : i32
    %dma_wait3A_421 = tpu.memref_slice %arg4[%sub3A_321, %dma_wait3A_420] : memref<832x4096xf32, #tpu.memory_space<hbm>> -> memref<1x4096xf32, #tpu.memory_space<hbm>>
    %dma_wait3A_422 = tpu.memref_squeeze %dma_wait3A_421 : memref<1x4096xf32, #tpu.memory_space<hbm>> -> memref<4096xf32, #tpu.memory_space<hbm>>
    %dma_wait3A_423 = arith.constant 4096 : i32
    %dma_wait3A_424 = tpu.memref_slice %arg7[%dma_wait3A_423] : memref<8192xf32, #tpu.memory_space<vmem>> -> memref<4096xf32, #tpu.memory_space<vmem>>
    tpu.wait_dma2 semaphore(%arg9 : memref<!tpu.dma_semaphore, #tpu.memory_space<semaphore_mem>>) src(%dma_wait3A_424 : memref<4096xf32, #tpu.memory_space<vmem>>) dst(%dma_wait3A_422 : memref<4096xf32, #tpu.memory_space<hbm>>)
    %parallel_loop3A_425 = arith.constant 0 : i32
    %parallel_loop3A_426 = arith.constant 256 : i32
    %parallel_loop3A_427 = arith.constant 1 : i32
    scf.for %parallel_loop3A_1432 = %parallel_loop3A_425 to %parallel_loop3A_426 step %parallel_loop3A_427  : i32 {
      %parallel_loop3A_1433 = arith.constant 16 : i32
      %parallel_loop3A_1434 = arith.muli %parallel_loop3A_1432, %parallel_loop3A_1433 : i32
      %parallel_loop3A_1435 = arith.addi %mul3A_414, %parallel_loop3A_1434 : i32
      %parallel_loop3A_1436 = arith.index_cast %parallel_loop3A_1435 : i32 to index
      %parallel_loop3A_1437 = tpu.vector_load %arg5[%parallel_loop3A_1436] {strides = array<i32>} : memref<8192xi32, #tpu.memory_space<vmem>>, vector<16xi32>,
      %parallel_loop3A_1438 = tpu.vector_load_idx %arg6[%parallel_loop3A_1437] : memref<100000xf32, #tpu.memory_space<vmem>>[vector<16xi32>], vector<16xf32>,
      %parallel_loop3A_1439 = arith.constant 4096 : i32
      %parallel_loop3A_1440 = arith.addi %parallel_loop3A_1439, %parallel_loop3A_1434 : i32
      %parallel_loop3A_1441 = arith.index_cast %parallel_loop3A_1440 : i32 to index
      %parallel_loop3A_1442 = tpu.vector_load %arg7[%parallel_loop3A_1441] {strides = array<i32>} : memref<8192xf32, #tpu.memory_space<vmem>>, vector<16xf32>,
      tpu.vector_store %arg7[%parallel_loop3A_1441], %parallel_loop3A_1438 {strides = array<i32>} : memref<8192xf32, #tpu.memory_space<vmem>>, vector<16xf32>,
    } {sc.loop_unroll_factor = 8 : i64, sc.parallel_access}
    %sub3A_428 = arith.constant 0 : i32
    %sub3A_429 = arith.subi %add3A_387, %sub3A_428 : i32
    %dma_start3A_430 = arith.constant 4096 : i32
    %dma_start3A_431 = tpu.memref_slice %arg7[%dma_start3A_430] : memref<8192xf32, #tpu.memory_space<vmem>> -> memref<4096xf32, #tpu.memory_space<vmem>>
    %dma_start3A_432 = arith.constant 0 : i32
    %dma_start3A_433 = tpu.memref_slice %arg4[%sub3A_429, %dma_start3A_432] : memref<832x4096xf32, #tpu.memory_space<hbm>> -> memref<1x4096xf32, #tpu.memory_space<hbm>>
    %dma_start3A_434 = tpu.memref_squeeze %dma_start3A_433 : memref<1x4096xf32, #tpu.memory_space<hbm>> -> memref<4096xf32, #tpu.memory_space<hbm>>
    %dma_start3A_435 = arith.constant 0 : i32
    %dma_start3A_436 = tpu.memref_slice %arg4[%sub3A_429, %dma_start3A_435] : memref<832x4096xf32, #tpu.memory_space<hbm>> -> memref<1x4096xf32, #tpu.memory_space<hbm>>
    %dma_start3A_437 = tpu.memref_squeeze %dma_start3A_436 : memref<1x4096xf32, #tpu.memory_space<hbm>> -> memref<4096xf32, #tpu.memory_space<hbm>>
    %dma_start3A_438 = arith.constant 4096 : i32
    %dma_start3A_439 = tpu.memref_slice %arg7[%dma_start3A_438] : memref<8192xf32, #tpu.memory_space<vmem>> -> memref<4096xf32, #tpu.memory_space<vmem>>
    tpu.enqueue_dma source(%dma_start3A_439 : memref<4096xf32, #tpu.memory_space<vmem>>) target(%dma_start3A_437 : memref<4096xf32, #tpu.memory_space<hbm>>) target_semaphore(%arg9 : memref<!tpu.dma_semaphore, #tpu.memory_space<semaphore_mem>>)
    %add3A_440 = arith.constant 8 : i32
    %add3A_441 = arith.addi %add3A_4, %add3A_440 : i32
    %jit3A_442 = arith.constant 32 : i32
    %div3A_443 = arith.divsi %add3A_441, %jit3A_442 : i32
    %sign3A_444 = arith.constant 0 : i32
    %sign3A_445 = arith.cmpi sgt, %add3A_441, %sign3A_444 : i32
    %sign3A_446 = arith.extui %sign3A_445 : i1 to i32
    %sign3A_447 = arith.constant 0 : i32
    %sign3A_448 = arith.cmpi slt, %add3A_441, %sign3A_447 : i32
    %sign3A_449 = arith.extui %sign3A_448 : i1 to i32
    %sign3A_450 = arith.subi %sign3A_446, %sign3A_449 : i32
    %sign3A_451 = arith.constant 0 : i32
    %sign3A_452 = arith.cmpi sgt, %jit3A_442, %sign3A_451 : i32
    %sign3A_453 = arith.extui %sign3A_452 : i1 to i32
    %sign3A_454 = arith.constant 0 : i32
    %sign3A_455 = arith.cmpi slt, %jit3A_442, %sign3A_454 : i32
    %sign3A_456 = arith.extui %sign3A_455 : i1 to i32
    %sign3A_457 = arith.subi %sign3A_453, %sign3A_456 : i32
    %ne3A_458 = arith.cmpi ne, %sign3A_450, %sign3A_457 : i32
    %rem3A_459 = arith.remsi %add3A_441, %jit3A_442 : i32
    %ne3A_460 = arith.constant 0 : i32
    %ne3A_461 = arith.cmpi ne, %rem3A_459, %ne3A_460 : i32
    %and3A_462 = arith.andi %ne3A_458, %ne3A_461 : i1
    %sub3A_463 = arith.constant 1 : i32
    %sub3A_464 = arith.subi %div3A_443, %sub3A_463 : i32
    %select_n3A_465 = arith.select %and3A_462, %sub3A_464, %div3A_443 : i32
    %sub3A_466 = arith.subi %select_n3A_465, %select_n3A : i32
    %mul3A_467 = arith.constant 4096 : i32
    %mul3A_468 = arith.muli %sub3A_466, %mul3A_467 : i32
    "tpu.region"() ({
      %run_scoped3A = tpu.sem_alloc : memref<!tpu.dma_semaphore, #tpu.memory_space<semaphore_mem>>
      %dma_start3A_1432 = arith.constant 0 : i32
      %dma_start3A_1433 = tpu.memref_slice %arg3[%add3A_441, %dma_start3A_1432] : memref<832x100000xf32, #tpu.memory_space<hbm>> -> memref<1x100000xf32, #tpu.memory_space<hbm>>
      %dma_start3A_1434 = tpu.memref_squeeze %dma_start3A_1433 : memref<1x100000xf32, #tpu.memory_space<hbm>> -> memref<100000xf32, #tpu.memory_space<hbm>>
      %dma_start3A_1435 = arith.constant 0 : i32
      %dma_start3A_1436 = tpu.memref_slice %arg3[%add3A_441, %dma_start3A_1435] : memref<832x100000xf32, #tpu.memory_space<hbm>> -> memref<1x100000xf32, #tpu.memory_space<hbm>>
      %dma_start3A_1437 = tpu.memref_squeeze %dma_start3A_1436 : memref<1x100000xf32, #tpu.memory_space<hbm>> -> memref<100000xf32, #tpu.memory_space<hbm>>
      tpu.enqueue_dma source(%dma_start3A_1437 : memref<100000xf32, #tpu.memory_space<hbm>>) target(%arg6 : memref<100000xf32, #tpu.memory_space<vmem>>) target_semaphore(%run_scoped3A : memref<!tpu.dma_semaphore, #tpu.memory_space<semaphore_mem>>)
      %dma_wait3A_1438 = arith.constant 0 : i32
      %dma_wait3A_1439 = tpu.memref_slice %arg3[%add3A_441, %dma_wait3A_1438] : memref<832x100000xf32, #tpu.memory_space<hbm>> -> memref<1x100000xf32, #tpu.memory_space<hbm>>
      %dma_wait3A_1440 = tpu.memref_squeeze %dma_wait3A_1439 : memref<1x100000xf32, #tpu.memory_space<hbm>> -> memref<100000xf32, #tpu.memory_space<hbm>>
      %dma_wait3A_1441 = arith.constant 0 : i32
      %dma_wait3A_1442 = tpu.memref_slice %arg3[%add3A_441, %dma_wait3A_1441] : memref<832x100000xf32, #tpu.memory_space<hbm>> -> memref<1x100000xf32, #tpu.memory_space<hbm>>
      %dma_wait3A_1443 = tpu.memref_squeeze %dma_wait3A_1442 : memref<1x100000xf32, #tpu.memory_space<hbm>> -> memref<100000xf32, #tpu.memory_space<hbm>>
      tpu.wait_dma2 semaphore(%run_scoped3A : memref<!tpu.dma_semaphore, #tpu.memory_space<semaphore_mem>>) src(%dma_wait3A_1443 : memref<100000xf32, #tpu.memory_space<hbm>>) dst(%arg6 : memref<100000xf32, #tpu.memory_space<vmem>>)
      tpu.yield
    }) : () -> ()
    %dma_wait3A_469 = arith.constant 0 : i32
    %dma_wait3A_470 = tpu.memref_slice %arg7[%dma_wait3A_469] : memref<8192xf32, #tpu.memory_space<vmem>> -> memref<4096xf32, #tpu.memory_space<vmem>>
    %dma_wait3A_471 = arith.constant 0 : i32
    %dma_wait3A_472 = tpu.memref_slice %arg4[%sub3A_375, %dma_wait3A_471] : memref<832x4096xf32, #tpu.memory_space<hbm>> -> memref<1x4096xf32, #tpu.memory_space<hbm>>
    %dma_wait3A_473 = tpu.memref_squeeze %dma_wait3A_472 : memref<1x4096xf32, #tpu.memory_space<hbm>> -> memref<4096xf32, #tpu.memory_space<hbm>>
    %dma_wait3A_474 = arith.constant 0 : i32
    %dma_wait3A_475 = tpu.memref_slice %arg4[%sub3A_375, %dma_wait3A_474] : memref<832x4096xf32, #tpu.memory_space<hbm>> -> memref<1x4096xf32, #tpu.memory_space<hbm>>
    %dma_wait3A_476 = tpu.memref_squeeze %dma_wait3A_475 : memref<1x4096xf32, #tpu.memory_space<hbm>> -> memref<4096xf32, #tpu.memory_space<hbm>>
    %dma_wait3A_477 = arith.constant 0 : i32
    %dma_wait3A_478 = tpu.memref_slice %arg7[%dma_wait3A_477] : memref<8192xf32, #tpu.memory_space<vmem>> -> memref<4096xf32, #tpu.memory_space<vmem>>
    tpu.wait_dma2 semaphore(%arg9 : memref<!tpu.dma_semaphore, #tpu.memory_space<semaphore_mem>>) src(%dma_wait3A_478 : memref<4096xf32, #tpu.memory_space<vmem>>) dst(%dma_wait3A_476 : memref<4096xf32, #tpu.memory_space<hbm>>)
    %parallel_loop3A_479 = arith.constant 0 : i32
    %parallel_loop3A_480 = arith.constant 256 : i32
    %parallel_loop3A_481 = arith.constant 1 : i32
    scf.for %parallel_loop3A_1432 = %parallel_loop3A_479 to %parallel_loop3A_480 step %parallel_loop3A_481  : i32 {
      %parallel_loop3A_1433 = arith.constant 16 : i32
      %parallel_loop3A_1434 = arith.muli %parallel_loop3A_1432, %parallel_loop3A_1433 : i32
      %parallel_loop3A_1435 = arith.addi %mul3A_468, %parallel_loop3A_1434 : i32
      %parallel_loop3A_1436 = arith.index_cast %parallel_loop3A_1435 : i32 to index
      %parallel_loop3A_1437 = tpu.vector_load %arg5[%parallel_loop3A_1436] {strides = array<i32>} : memref<8192xi32, #tpu.memory_space<vmem>>, vector<16xi32>,
      %parallel_loop3A_1438 = tpu.vector_load_idx %arg6[%parallel_loop3A_1437] : memref<100000xf32, #tpu.memory_space<vmem>>[vector<16xi32>], vector<16xf32>,
      %parallel_loop3A_1439 = arith.constant 0 : i32
      %parallel_loop3A_1440 = arith.addi %parallel_loop3A_1439, %parallel_loop3A_1434 : i32
      %parallel_loop3A_1441 = arith.index_cast %parallel_loop3A_1440 : i32 to index
      %parallel_loop3A_1442 = tpu.vector_load %arg7[%parallel_loop3A_1441] {strides = array<i32>} : memref<8192xf32, #tpu.memory_space<vmem>>, vector<16xf32>,
      tpu.vector_store %arg7[%parallel_loop3A_1441], %parallel_loop3A_1438 {strides = array<i32>} : memref<8192xf32, #tpu.memory_space<vmem>>, vector<16xf32>,
    } {sc.loop_unroll_factor = 8 : i64, sc.parallel_access}
    %sub3A_482 = arith.constant 0 : i32
    %sub3A_483 = arith.subi %add3A_441, %sub3A_482 : i32
    %dma_start3A_484 = arith.constant 0 : i32
    %dma_start3A_485 = tpu.memref_slice %arg7[%dma_start3A_484] : memref<8192xf32, #tpu.memory_space<vmem>> -> memref<4096xf32, #tpu.memory_space<vmem>>
    %dma_start3A_486 = arith.constant 0 : i32
    %dma_start3A_487 = tpu.memref_slice %arg4[%sub3A_483, %dma_start3A_486] : memref<832x4096xf32, #tpu.memory_space<hbm>> -> memref<1x4096xf32, #tpu.memory_space<hbm>>
    %dma_start3A_488 = tpu.memref_squeeze %dma_start3A_487 : memref<1x4096xf32, #tpu.memory_space<hbm>> -> memref<4096xf32, #tpu.memory_space<hbm>>
    %dma_start3A_489 = arith.constant 0 : i32
    %dma_start3A_490 = tpu.memref_slice %arg4[%sub3A_483, %dma_start3A_489] : memref<832x4096xf32, #tpu.memory_space<hbm>> -> memref<1x4096xf32, #tpu.memory_space<hbm>>
    %dma_start3A_491 = tpu.memref_squeeze %dma_start3A_490 : memref<1x4096xf32, #tpu.memory_space<hbm>> -> memref<4096xf32, #tpu.memory_space<hbm>>
    %dma_start3A_492 = arith.constant 0 : i32
    %dma_start3A_493 = tpu.memref_slice %arg7[%dma_start3A_492] : memref<8192xf32, #tpu.memory_space<vmem>> -> memref<4096xf32, #tpu.memory_space<vmem>>
    tpu.enqueue_dma source(%dma_start3A_493 : memref<4096xf32, #tpu.memory_space<vmem>>) target(%dma_start3A_491 : memref<4096xf32, #tpu.memory_space<hbm>>) target_semaphore(%arg9 : memref<!tpu.dma_semaphore, #tpu.memory_space<semaphore_mem>>)
    %add3A_494 = arith.constant 9 : i32
    %add3A_495 = arith.addi %add3A_4, %add3A_494 : i32
    %jit3A_496 = arith.constant 32 : i32
    %div3A_497 = arith.divsi %add3A_495, %jit3A_496 : i32
    %sign3A_498 = arith.constant 0 : i32
    %sign3A_499 = arith.cmpi sgt, %add3A_495, %sign3A_498 : i32
    %sign3A_500 = arith.extui %sign3A_499 : i1 to i32
    %sign3A_501 = arith.constant 0 : i32
    %sign3A_502 = arith.cmpi slt, %add3A_495, %sign3A_501 : i32
    %sign3A_503 = arith.extui %sign3A_502 : i1 to i32
    %sign3A_504 = arith.subi %sign3A_500, %sign3A_503 : i32
    %sign3A_505 = arith.constant 0 : i32
    %sign3A_506 = arith.cmpi sgt, %jit3A_496, %sign3A_505 : i32
    %sign3A_507 = arith.extui %sign3A_506 : i1 to i32
    %sign3A_508 = arith.constant 0 : i32
    %sign3A_509 = arith.cmpi slt, %jit3A_496, %sign3A_508 : i32
    %sign3A_510 = arith.extui %sign3A_509 : i1 to i32
    %sign3A_511 = arith.subi %sign3A_507, %sign3A_510 : i32
    %ne3A_512 = arith.cmpi ne, %sign3A_504, %sign3A_511 : i32
    %rem3A_513 = arith.remsi %add3A_495, %jit3A_496 : i32
    %ne3A_514 = arith.constant 0 : i32
    %ne3A_515 = arith.cmpi ne, %rem3A_513, %ne3A_514 : i32
    %and3A_516 = arith.andi %ne3A_512, %ne3A_515 : i1
    %sub3A_517 = arith.constant 1 : i32
    %sub3A_518 = arith.subi %div3A_497, %sub3A_517 : i32
    %select_n3A_519 = arith.select %and3A_516, %sub3A_518, %div3A_497 : i32
    %sub3A_520 = arith.subi %select_n3A_519, %select_n3A : i32
    %mul3A_521 = arith.constant 4096 : i32
    %mul3A_522 = arith.muli %sub3A_520, %mul3A_521 : i32
    "tpu.region"() ({
      %run_scoped3A = tpu.sem_alloc : memref<!tpu.dma_semaphore, #tpu.memory_space<semaphore_mem>>
      %dma_start3A_1432 = arith.constant 0 : i32
      %dma_start3A_1433 = tpu.memref_slice %arg3[%add3A_495, %dma_start3A_1432] : memref<832x100000xf32, #tpu.memory_space<hbm>> -> memref<1x100000xf32, #tpu.memory_space<hbm>>
      %dma_start3A_1434 = tpu.memref_squeeze %dma_start3A_1433 : memref<1x100000xf32, #tpu.memory_space<hbm>> -> memref<100000xf32, #tpu.memory_space<hbm>>
      %dma_start3A_1435 = arith.constant 0 : i32
      %dma_start3A_1436 = tpu.memref_slice %arg3[%add3A_495, %dma_start3A_1435] : memref<832x100000xf32, #tpu.memory_space<hbm>> -> memref<1x100000xf32, #tpu.memory_space<hbm>>
      %dma_start3A_1437 = tpu.memref_squeeze %dma_start3A_1436 : memref<1x100000xf32, #tpu.memory_space<hbm>> -> memref<100000xf32, #tpu.memory_space<hbm>>
      tpu.enqueue_dma source(%dma_start3A_1437 : memref<100000xf32, #tpu.memory_space<hbm>>) target(%arg6 : memref<100000xf32, #tpu.memory_space<vmem>>) target_semaphore(%run_scoped3A : memref<!tpu.dma_semaphore, #tpu.memory_space<semaphore_mem>>)
      %dma_wait3A_1438 = arith.constant 0 : i32
      %dma_wait3A_1439 = tpu.memref_slice %arg3[%add3A_495, %dma_wait3A_1438] : memref<832x100000xf32, #tpu.memory_space<hbm>> -> memref<1x100000xf32, #tpu.memory_space<hbm>>
      %dma_wait3A_1440 = tpu.memref_squeeze %dma_wait3A_1439 : memref<1x100000xf32, #tpu.memory_space<hbm>> -> memref<100000xf32, #tpu.memory_space<hbm>>
      %dma_wait3A_1441 = arith.constant 0 : i32
      %dma_wait3A_1442 = tpu.memref_slice %arg3[%add3A_495, %dma_wait3A_1441] : memref<832x100000xf32, #tpu.memory_space<hbm>> -> memref<1x100000xf32, #tpu.memory_space<hbm>>
      %dma_wait3A_1443 = tpu.memref_squeeze %dma_wait3A_1442 : memref<1x100000xf32, #tpu.memory_space<hbm>> -> memref<100000xf32, #tpu.memory_space<hbm>>
      tpu.wait_dma2 semaphore(%run_scoped3A : memref<!tpu.dma_semaphore, #tpu.memory_space<semaphore_mem>>) src(%dma_wait3A_1443 : memref<100000xf32, #tpu.memory_space<hbm>>) dst(%arg6 : memref<100000xf32, #tpu.memory_space<vmem>>)
      tpu.yield
    }) : () -> ()
    %dma_wait3A_523 = arith.constant 4096 : i32
    %dma_wait3A_524 = tpu.memref_slice %arg7[%dma_wait3A_523] : memref<8192xf32, #tpu.memory_space<vmem>> -> memref<4096xf32, #tpu.memory_space<vmem>>
    %dma_wait3A_525 = arith.constant 0 : i32
    %dma_wait3A_526 = tpu.memref_slice %arg4[%sub3A_429, %dma_wait3A_525] : memref<832x4096xf32, #tpu.memory_space<hbm>> -> memref<1x4096xf32, #tpu.memory_space<hbm>>
    %dma_wait3A_527 = tpu.memref_squeeze %dma_wait3A_526 : memref<1x4096xf32, #tpu.memory_space<hbm>> -> memref<4096xf32, #tpu.memory_space<hbm>>
    %dma_wait3A_528 = arith.constant 0 : i32
    %dma_wait3A_529 = tpu.memref_slice %arg4[%sub3A_429, %dma_wait3A_528] : memref<832x4096xf32, #tpu.memory_space<hbm>> -> memref<1x4096xf32, #tpu.memory_space<hbm>>
    %dma_wait3A_530 = tpu.memref_squeeze %dma_wait3A_529 : memref<1x4096xf32, #tpu.memory_space<hbm>> -> memref<4096xf32, #tpu.memory_space<hbm>>
    %dma_wait3A_531 = arith.constant 4096 : i32
    %dma_wait3A_532 = tpu.memref_slice %arg7[%dma_wait3A_531] : memref<8192xf32, #tpu.memory_space<vmem>> -> memref<4096xf32, #tpu.memory_space<vmem>>
    tpu.wait_dma2 semaphore(%arg9 : memref<!tpu.dma_semaphore, #tpu.memory_space<semaphore_mem>>) src(%dma_wait3A_532 : memref<4096xf32, #tpu.memory_space<vmem>>) dst(%dma_wait3A_530 : memref<4096xf32, #tpu.memory_space<hbm>>)
    %parallel_loop3A_533 = arith.constant 0 : i32
    %parallel_loop3A_534 = arith.constant 256 : i32
    %parallel_loop3A_535 = arith.constant 1 : i32
    scf.for %parallel_loop3A_1432 = %parallel_loop3A_533 to %parallel_loop3A_534 step %parallel_loop3A_535  : i32 {
      %parallel_loop3A_1433 = arith.constant 16 : i32
      %parallel_loop3A_1434 = arith.muli %parallel_loop3A_1432, %parallel_loop3A_1433 : i32
      %parallel_loop3A_1435 = arith.addi %mul3A_522, %parallel_loop3A_1434 : i32
      %parallel_loop3A_1436 = arith.index_cast %parallel_loop3A_1435 : i32 to index
      %parallel_loop3A_1437 = tpu.vector_load %arg5[%parallel_loop3A_1436] {strides = array<i32>} : memref<8192xi32, #tpu.memory_space<vmem>>, vector<16xi32>,
      %parallel_loop3A_1438 = tpu.vector_load_idx %arg6[%parallel_loop3A_1437] : memref<100000xf32, #tpu.memory_space<vmem>>[vector<16xi32>], vector<16xf32>,
      %parallel_loop3A_1439 = arith.constant 4096 : i32
      %parallel_loop3A_1440 = arith.addi %parallel_loop3A_1439, %parallel_loop3A_1434 : i32
      %parallel_loop3A_1441 = arith.index_cast %parallel_loop3A_1440 : i32 to index
      %parallel_loop3A_1442 = tpu.vector_load %arg7[%parallel_loop3A_1441] {strides = array<i32>} : memref<8192xf32, #tpu.memory_space<vmem>>, vector<16xf32>,
      tpu.vector_store %arg7[%parallel_loop3A_1441], %parallel_loop3A_1438 {strides = array<i32>} : memref<8192xf32, #tpu.memory_space<vmem>>, vector<16xf32>,
    } {sc.loop_unroll_factor = 8 : i64, sc.parallel_access}
    %sub3A_536 = arith.constant 0 : i32
    %sub3A_537 = arith.subi %add3A_495, %sub3A_536 : i32
    %dma_start3A_538 = arith.constant 4096 : i32
    %dma_start3A_539 = tpu.memref_slice %arg7[%dma_start3A_538] : memref<8192xf32, #tpu.memory_space<vmem>> -> memref<4096xf32, #tpu.memory_space<vmem>>
    %dma_start3A_540 = arith.constant 0 : i32
    %dma_start3A_541 = tpu.memref_slice %arg4[%sub3A_537, %dma_start3A_540] : memref<832x4096xf32, #tpu.memory_space<hbm>> -> memref<1x4096xf32, #tpu.memory_space<hbm>>
    %dma_start3A_542 = tpu.memref_squeeze %dma_start3A_541 : memref<1x4096xf32, #tpu.memory_space<hbm>> -> memref<4096xf32, #tpu.memory_space<hbm>>
    %dma_start3A_543 = arith.constant 0 : i32
    %dma_start3A_544 = tpu.memref_slice %arg4[%sub3A_537, %dma_start3A_543] : memref<832x4096xf32, #tpu.memory_space<hbm>> -> memref<1x4096xf32, #tpu.memory_space<hbm>>
    %dma_start3A_545 = tpu.memref_squeeze %dma_start3A_544 : memref<1x4096xf32, #tpu.memory_space<hbm>> -> memref<4096xf32, #tpu.memory_space<hbm>>
    %dma_start3A_546 = arith.constant 4096 : i32
    %dma_start3A_547 = tpu.memref_slice %arg7[%dma_start3A_546] : memref<8192xf32, #tpu.memory_space<vmem>> -> memref<4096xf32, #tpu.memory_space<vmem>>
    tpu.enqueue_dma source(%dma_start3A_547 : memref<4096xf32, #tpu.memory_space<vmem>>) target(%dma_start3A_545 : memref<4096xf32, #tpu.memory_space<hbm>>) target_semaphore(%arg9 : memref<!tpu.dma_semaphore, #tpu.memory_space<semaphore_mem>>)
    %add3A_548 = arith.constant 10 : i32
    %add3A_549 = arith.addi %add3A_4, %add3A_548 : i32
    %jit3A_550 = arith.constant 32 : i32
    %div3A_551 = arith.divsi %add3A_549, %jit3A_550 : i32
    %sign3A_552 = arith.constant 0 : i32
    %sign3A_553 = arith.cmpi sgt, %add3A_549, %sign3A_552 : i32
    %sign3A_554 = arith.extui %sign3A_553 : i1 to i32
    %sign3A_555 = arith.constant 0 : i32
    %sign3A_556 = arith.cmpi slt, %add3A_549, %sign3A_555 : i32
    %sign3A_557 = arith.extui %sign3A_556 : i1 to i32
    %sign3A_558 = arith.subi %sign3A_554, %sign3A_557 : i32
    %sign3A_559 = arith.constant 0 : i32
    %sign3A_560 = arith.cmpi sgt, %jit3A_550, %sign3A_559 : i32
    %sign3A_561 = arith.extui %sign3A_560 : i1 to i32
    %sign3A_562 = arith.constant 0 : i32
    %sign3A_563 = arith.cmpi slt, %jit3A_550, %sign3A_562 : i32
    %sign3A_564 = arith.extui %sign3A_563 : i1 to i32
    %sign3A_565 = arith.subi %sign3A_561, %sign3A_564 : i32
    %ne3A_566 = arith.cmpi ne, %sign3A_558, %sign3A_565 : i32
    %rem3A_567 = arith.remsi %add3A_549, %jit3A_550 : i32
    %ne3A_568 = arith.constant 0 : i32
    %ne3A_569 = arith.cmpi ne, %rem3A_567, %ne3A_568 : i32
    %and3A_570 = arith.andi %ne3A_566, %ne3A_569 : i1
    %sub3A_571 = arith.constant 1 : i32
    %sub3A_572 = arith.subi %div3A_551, %sub3A_571 : i32
    %select_n3A_573 = arith.select %and3A_570, %sub3A_572, %div3A_551 : i32
    %sub3A_574 = arith.subi %select_n3A_573, %select_n3A : i32
    %mul3A_575 = arith.constant 4096 : i32
    %mul3A_576 = arith.muli %sub3A_574, %mul3A_575 : i32
    "tpu.region"() ({
      %run_scoped3A = tpu.sem_alloc : memref<!tpu.dma_semaphore, #tpu.memory_space<semaphore_mem>>
      %dma_start3A_1432 = arith.constant 0 : i32
      %dma_start3A_1433 = tpu.memref_slice %arg3[%add3A_549, %dma_start3A_1432] : memref<832x100000xf32, #tpu.memory_space<hbm>> -> memref<1x100000xf32, #tpu.memory_space<hbm>>
      %dma_start3A_1434 = tpu.memref_squeeze %dma_start3A_1433 : memref<1x100000xf32, #tpu.memory_space<hbm>> -> memref<100000xf32, #tpu.memory_space<hbm>>
      %dma_start3A_1435 = arith.constant 0 : i32
      %dma_start3A_1436 = tpu.memref_slice %arg3[%add3A_549, %dma_start3A_1435] : memref<832x100000xf32, #tpu.memory_space<hbm>> -> memref<1x100000xf32, #tpu.memory_space<hbm>>
      %dma_start3A_1437 = tpu.memref_squeeze %dma_start3A_1436 : memref<1x100000xf32, #tpu.memory_space<hbm>> -> memref<100000xf32, #tpu.memory_space<hbm>>
      tpu.enqueue_dma source(%dma_start3A_1437 : memref<100000xf32, #tpu.memory_space<hbm>>) target(%arg6 : memref<100000xf32, #tpu.memory_space<vmem>>) target_semaphore(%run_scoped3A : memref<!tpu.dma_semaphore, #tpu.memory_space<semaphore_mem>>)
      %dma_wait3A_1438 = arith.constant 0 : i32
      %dma_wait3A_1439 = tpu.memref_slice %arg3[%add3A_549, %dma_wait3A_1438] : memref<832x100000xf32, #tpu.memory_space<hbm>> -> memref<1x100000xf32, #tpu.memory_space<hbm>>
      %dma_wait3A_1440 = tpu.memref_squeeze %dma_wait3A_1439 : memref<1x100000xf32, #tpu.memory_space<hbm>> -> memref<100000xf32, #tpu.memory_space<hbm>>
      %dma_wait3A_1441 = arith.constant 0 : i32
      %dma_wait3A_1442 = tpu.memref_slice %arg3[%add3A_549, %dma_wait3A_1441] : memref<832x100000xf32, #tpu.memory_space<hbm>> -> memref<1x100000xf32, #tpu.memory_space<hbm>>
      %dma_wait3A_1443 = tpu.memref_squeeze %dma_wait3A_1442 : memref<1x100000xf32, #tpu.memory_space<hbm>> -> memref<100000xf32, #tpu.memory_space<hbm>>
      tpu.wait_dma2 semaphore(%run_scoped3A : memref<!tpu.dma_semaphore, #tpu.memory_space<semaphore_mem>>) src(%dma_wait3A_1443 : memref<100000xf32, #tpu.memory_space<hbm>>) dst(%arg6 : memref<100000xf32, #tpu.memory_space<vmem>>)
      tpu.yield
    }) : () -> ()
    %dma_wait3A_577 = arith.constant 0 : i32
    %dma_wait3A_578 = tpu.memref_slice %arg7[%dma_wait3A_577] : memref<8192xf32, #tpu.memory_space<vmem>> -> memref<4096xf32, #tpu.memory_space<vmem>>
    %dma_wait3A_579 = arith.constant 0 : i32
    %dma_wait3A_580 = tpu.memref_slice %arg4[%sub3A_483, %dma_wait3A_579] : memref<832x4096xf32, #tpu.memory_space<hbm>> -> memref<1x4096xf32, #tpu.memory_space<hbm>>
    %dma_wait3A_581 = tpu.memref_squeeze %dma_wait3A_580 : memref<1x4096xf32, #tpu.memory_space<hbm>> -> memref<4096xf32, #tpu.memory_space<hbm>>
    %dma_wait3A_582 = arith.constant 0 : i32
    %dma_wait3A_583 = tpu.memref_slice %arg4[%sub3A_483, %dma_wait3A_582] : memref<832x4096xf32, #tpu.memory_space<hbm>> -> memref<1x4096xf32, #tpu.memory_space<hbm>>
    %dma_wait3A_584 = tpu.memref_squeeze %dma_wait3A_583 : memref<1x4096xf32, #tpu.memory_space<hbm>> -> memref<4096xf32, #tpu.memory_space<hbm>>
    %dma_wait3A_585 = arith.constant 0 : i32
    %dma_wait3A_586 = tpu.memref_slice %arg7[%dma_wait3A_585] : memref<8192xf32, #tpu.memory_space<vmem>> -> memref<4096xf32, #tpu.memory_space<vmem>>
    tpu.wait_dma2 semaphore(%arg9 : memref<!tpu.dma_semaphore, #tpu.memory_space<semaphore_mem>>) src(%dma_wait3A_586 : memref<4096xf32, #tpu.memory_space<vmem>>) dst(%dma_wait3A_584 : memref<4096xf32, #tpu.memory_space<hbm>>)
    %parallel_loop3A_587 = arith.constant 0 : i32
    %parallel_loop3A_588 = arith.constant 256 : i32
    %parallel_loop3A_589 = arith.constant 1 : i32
    scf.for %parallel_loop3A_1432 = %parallel_loop3A_587 to %parallel_loop3A_588 step %parallel_loop3A_589  : i32 {
      %parallel_loop3A_1433 = arith.constant 16 : i32
      %parallel_loop3A_1434 = arith.muli %parallel_loop3A_1432, %parallel_loop3A_1433 : i32
      %parallel_loop3A_1435 = arith.addi %mul3A_576, %parallel_loop3A_1434 : i32
      %parallel_loop3A_1436 = arith.index_cast %parallel_loop3A_1435 : i32 to index
      %parallel_loop3A_1437 = tpu.vector_load %arg5[%parallel_loop3A_1436] {strides = array<i32>} : memref<8192xi32, #tpu.memory_space<vmem>>, vector<16xi32>,
      %parallel_loop3A_1438 = tpu.vector_load_idx %arg6[%parallel_loop3A_1437] : memref<100000xf32, #tpu.memory_space<vmem>>[vector<16xi32>], vector<16xf32>,
      %parallel_loop3A_1439 = arith.constant 0 : i32
      %parallel_loop3A_1440 = arith.addi %parallel_loop3A_1439, %parallel_loop3A_1434 : i32
      %parallel_loop3A_1441 = arith.index_cast %parallel_loop3A_1440 : i32 to index
      %parallel_loop3A_1442 = tpu.vector_load %arg7[%parallel_loop3A_1441] {strides = array<i32>} : memref<8192xf32, #tpu.memory_space<vmem>>, vector<16xf32>,
      tpu.vector_store %arg7[%parallel_loop3A_1441], %parallel_loop3A_1438 {strides = array<i32>} : memref<8192xf32, #tpu.memory_space<vmem>>, vector<16xf32>,
    } {sc.loop_unroll_factor = 8 : i64, sc.parallel_access}
    %sub3A_590 = arith.constant 0 : i32
    %sub3A_591 = arith.subi %add3A_549, %sub3A_590 : i32
    %dma_start3A_592 = arith.constant 0 : i32
    %dma_start3A_593 = tpu.memref_slice %arg7[%dma_start3A_592] : memref<8192xf32, #tpu.memory_space<vmem>> -> memref<4096xf32, #tpu.memory_space<vmem>>
    %dma_start3A_594 = arith.constant 0 : i32
    %dma_start3A_595 = tpu.memref_slice %arg4[%sub3A_591, %dma_start3A_594] : memref<832x4096xf32, #tpu.memory_space<hbm>> -> memref<1x4096xf32, #tpu.memory_space<hbm>>
    %dma_start3A_596 = tpu.memref_squeeze %dma_start3A_595 : memref<1x4096xf32, #tpu.memory_space<hbm>> -> memref<4096xf32, #tpu.memory_space<hbm>>
    %dma_start3A_597 = arith.constant 0 : i32
    %dma_start3A_598 = tpu.memref_slice %arg4[%sub3A_591, %dma_start3A_597] : memref<832x4096xf32, #tpu.memory_space<hbm>> -> memref<1x4096xf32, #tpu.memory_space<hbm>>
    %dma_start3A_599 = tpu.memref_squeeze %dma_start3A_598 : memref<1x4096xf32, #tpu.memory_space<hbm>> -> memref<4096xf32, #tpu.memory_space<hbm>>
    %dma_start3A_600 = arith.constant 0 : i32
    %dma_start3A_601 = tpu.memref_slice %arg7[%dma_start3A_600] : memref<8192xf32, #tpu.memory_space<vmem>> -> memref<4096xf32, #tpu.memory_space<vmem>>
    tpu.enqueue_dma source(%dma_start3A_601 : memref<4096xf32, #tpu.memory_space<vmem>>) target(%dma_start3A_599 : memref<4096xf32, #tpu.memory_space<hbm>>) target_semaphore(%arg9 : memref<!tpu.dma_semaphore, #tpu.memory_space<semaphore_mem>>)
    %add3A_602 = arith.constant 11 : i32
    %add3A_603 = arith.addi %add3A_4, %add3A_602 : i32
    %jit3A_604 = arith.constant 32 : i32
    %div3A_605 = arith.divsi %add3A_603, %jit3A_604 : i32
    %sign3A_606 = arith.constant 0 : i32
    %sign3A_607 = arith.cmpi sgt, %add3A_603, %sign3A_606 : i32
    %sign3A_608 = arith.extui %sign3A_607 : i1 to i32
    %sign3A_609 = arith.constant 0 : i32
    %sign3A_610 = arith.cmpi slt, %add3A_603, %sign3A_609 : i32
    %sign3A_611 = arith.extui %sign3A_610 : i1 to i32
    %sign3A_612 = arith.subi %sign3A_608, %sign3A_611 : i32
    %sign3A_613 = arith.constant 0 : i32
    %sign3A_614 = arith.cmpi sgt, %jit3A_604, %sign3A_613 : i32
    %sign3A_615 = arith.extui %sign3A_614 : i1 to i32
    %sign3A_616 = arith.constant 0 : i32
    %sign3A_617 = arith.cmpi slt, %jit3A_604, %sign3A_616 : i32
    %sign3A_618 = arith.extui %sign3A_617 : i1 to i32
    %sign3A_619 = arith.subi %sign3A_615, %sign3A_618 : i32
    %ne3A_620 = arith.cmpi ne, %sign3A_612, %sign3A_619 : i32
    %rem3A_621 = arith.remsi %add3A_603, %jit3A_604 : i32
    %ne3A_622 = arith.constant 0 : i32
    %ne3A_623 = arith.cmpi ne, %rem3A_621, %ne3A_622 : i32
    %and3A_624 = arith.andi %ne3A_620, %ne3A_623 : i1
    %sub3A_625 = arith.constant 1 : i32
    %sub3A_626 = arith.subi %div3A_605, %sub3A_625 : i32
    %select_n3A_627 = arith.select %and3A_624, %sub3A_626, %div3A_605 : i32
    %sub3A_628 = arith.subi %select_n3A_627, %select_n3A : i32
    %mul3A_629 = arith.constant 4096 : i32
    %mul3A_630 = arith.muli %sub3A_628, %mul3A_629 : i32
    "tpu.region"() ({
      %run_scoped3A = tpu.sem_alloc : memref<!tpu.dma_semaphore, #tpu.memory_space<semaphore_mem>>
      %dma_start3A_1432 = arith.constant 0 : i32
      %dma_start3A_1433 = tpu.memref_slice %arg3[%add3A_603, %dma_start3A_1432] : memref<832x100000xf32, #tpu.memory_space<hbm>> -> memref<1x100000xf32, #tpu.memory_space<hbm>>
      %dma_start3A_1434 = tpu.memref_squeeze %dma_start3A_1433 : memref<1x100000xf32, #tpu.memory_space<hbm>> -> memref<100000xf32, #tpu.memory_space<hbm>>
      %dma_start3A_1435 = arith.constant 0 : i32
      %dma_start3A_1436 = tpu.memref_slice %arg3[%add3A_603, %dma_start3A_1435] : memref<832x100000xf32, #tpu.memory_space<hbm>> -> memref<1x100000xf32, #tpu.memory_space<hbm>>
      %dma_start3A_1437 = tpu.memref_squeeze %dma_start3A_1436 : memref<1x100000xf32, #tpu.memory_space<hbm>> -> memref<100000xf32, #tpu.memory_space<hbm>>
      tpu.enqueue_dma source(%dma_start3A_1437 : memref<100000xf32, #tpu.memory_space<hbm>>) target(%arg6 : memref<100000xf32, #tpu.memory_space<vmem>>) target_semaphore(%run_scoped3A : memref<!tpu.dma_semaphore, #tpu.memory_space<semaphore_mem>>)
      %dma_wait3A_1438 = arith.constant 0 : i32
      %dma_wait3A_1439 = tpu.memref_slice %arg3[%add3A_603, %dma_wait3A_1438] : memref<832x100000xf32, #tpu.memory_space<hbm>> -> memref<1x100000xf32, #tpu.memory_space<hbm>>
      %dma_wait3A_1440 = tpu.memref_squeeze %dma_wait3A_1439 : memref<1x100000xf32, #tpu.memory_space<hbm>> -> memref<100000xf32, #tpu.memory_space<hbm>>
      %dma_wait3A_1441 = arith.constant 0 : i32
      %dma_wait3A_1442 = tpu.memref_slice %arg3[%add3A_603, %dma_wait3A_1441] : memref<832x100000xf32, #tpu.memory_space<hbm>> -> memref<1x100000xf32, #tpu.memory_space<hbm>>
      %dma_wait3A_1443 = tpu.memref_squeeze %dma_wait3A_1442 : memref<1x100000xf32, #tpu.memory_space<hbm>> -> memref<100000xf32, #tpu.memory_space<hbm>>
      tpu.wait_dma2 semaphore(%run_scoped3A : memref<!tpu.dma_semaphore, #tpu.memory_space<semaphore_mem>>) src(%dma_wait3A_1443 : memref<100000xf32, #tpu.memory_space<hbm>>) dst(%arg6 : memref<100000xf32, #tpu.memory_space<vmem>>)
      tpu.yield
    }) : () -> ()
    %dma_wait3A_631 = arith.constant 4096 : i32
    %dma_wait3A_632 = tpu.memref_slice %arg7[%dma_wait3A_631] : memref<8192xf32, #tpu.memory_space<vmem>> -> memref<4096xf32, #tpu.memory_space<vmem>>
    %dma_wait3A_633 = arith.constant 0 : i32
    %dma_wait3A_634 = tpu.memref_slice %arg4[%sub3A_537, %dma_wait3A_633] : memref<832x4096xf32, #tpu.memory_space<hbm>> -> memref<1x4096xf32, #tpu.memory_space<hbm>>
    %dma_wait3A_635 = tpu.memref_squeeze %dma_wait3A_634 : memref<1x4096xf32, #tpu.memory_space<hbm>> -> memref<4096xf32, #tpu.memory_space<hbm>>
    %dma_wait3A_636 = arith.constant 0 : i32
    %dma_wait3A_637 = tpu.memref_slice %arg4[%sub3A_537, %dma_wait3A_636] : memref<832x4096xf32, #tpu.memory_space<hbm>> -> memref<1x4096xf32, #tpu.memory_space<hbm>>
    %dma_wait3A_638 = tpu.memref_squeeze %dma_wait3A_637 : memref<1x4096xf32, #tpu.memory_space<hbm>> -> memref<4096xf32, #tpu.memory_space<hbm>>
    %dma_wait3A_639 = arith.constant 4096 : i32
    %dma_wait3A_640 = tpu.memref_slice %arg7[%dma_wait3A_639] : memref<8192xf32, #tpu.memory_space<vmem>> -> memref<4096xf32, #tpu.memory_space<vmem>>
    tpu.wait_dma2 semaphore(%arg9 : memref<!tpu.dma_semaphore, #tpu.memory_space<semaphore_mem>>) src(%dma_wait3A_640 : memref<4096xf32, #tpu.memory_space<vmem>>) dst(%dma_wait3A_638 : memref<4096xf32, #tpu.memory_space<hbm>>)
    %parallel_loop3A_641 = arith.constant 0 : i32
    %parallel_loop3A_642 = arith.constant 256 : i32
    %parallel_loop3A_643 = arith.constant 1 : i32
    scf.for %parallel_loop3A_1432 = %parallel_loop3A_641 to %parallel_loop3A_642 step %parallel_loop3A_643  : i32 {
      %parallel_loop3A_1433 = arith.constant 16 : i32
      %parallel_loop3A_1434 = arith.muli %parallel_loop3A_1432, %parallel_loop3A_1433 : i32
      %parallel_loop3A_1435 = arith.addi %mul3A_630, %parallel_loop3A_1434 : i32
      %parallel_loop3A_1436 = arith.index_cast %parallel_loop3A_1435 : i32 to index
      %parallel_loop3A_1437 = tpu.vector_load %arg5[%parallel_loop3A_1436] {strides = array<i32>} : memref<8192xi32, #tpu.memory_space<vmem>>, vector<16xi32>,
      %parallel_loop3A_1438 = tpu.vector_load_idx %arg6[%parallel_loop3A_1437] : memref<100000xf32, #tpu.memory_space<vmem>>[vector<16xi32>], vector<16xf32>,
      %parallel_loop3A_1439 = arith.constant 4096 : i32
      %parallel_loop3A_1440 = arith.addi %parallel_loop3A_1439, %parallel_loop3A_1434 : i32
      %parallel_loop3A_1441 = arith.index_cast %parallel_loop3A_1440 : i32 to index
      %parallel_loop3A_1442 = tpu.vector_load %arg7[%parallel_loop3A_1441] {strides = array<i32>} : memref<8192xf32, #tpu.memory_space<vmem>>, vector<16xf32>,
      tpu.vector_store %arg7[%parallel_loop3A_1441], %parallel_loop3A_1438 {strides = array<i32>} : memref<8192xf32, #tpu.memory_space<vmem>>, vector<16xf32>,
    } {sc.loop_unroll_factor = 8 : i64, sc.parallel_access}
    %sub3A_644 = arith.constant 0 : i32
    %sub3A_645 = arith.subi %add3A_603, %sub3A_644 : i32
    %dma_start3A_646 = arith.constant 4096 : i32
    %dma_start3A_647 = tpu.memref_slice %arg7[%dma_start3A_646] : memref<8192xf32, #tpu.memory_space<vmem>> -> memref<4096xf32, #tpu.memory_space<vmem>>
    %dma_start3A_648 = arith.constant 0 : i32
    %dma_start3A_649 = tpu.memref_slice %arg4[%sub3A_645, %dma_start3A_648] : memref<832x4096xf32, #tpu.memory_space<hbm>> -> memref<1x4096xf32, #tpu.memory_space<hbm>>
    %dma_start3A_650 = tpu.memref_squeeze %dma_start3A_649 : memref<1x4096xf32, #tpu.memory_space<hbm>> -> memref<4096xf32, #tpu.memory_space<hbm>>
    %dma_start3A_651 = arith.constant 0 : i32
    %dma_start3A_652 = tpu.memref_slice %arg4[%sub3A_645, %dma_start3A_651] : memref<832x4096xf32, #tpu.memory_space<hbm>> -> memref<1x4096xf32, #tpu.memory_space<hbm>>
    %dma_start3A_653 = tpu.memref_squeeze %dma_start3A_652 : memref<1x4096xf32, #tpu.memory_space<hbm>> -> memref<4096xf32, #tpu.memory_space<hbm>>
    %dma_start3A_654 = arith.constant 4096 : i32
    %dma_start3A_655 = tpu.memref_slice %arg7[%dma_start3A_654] : memref<8192xf32, #tpu.memory_space<vmem>> -> memref<4096xf32, #tpu.memory_space<vmem>>
    tpu.enqueue_dma source(%dma_start3A_655 : memref<4096xf32, #tpu.memory_space<vmem>>) target(%dma_start3A_653 : memref<4096xf32, #tpu.memory_space<hbm>>) target_semaphore(%arg9 : memref<!tpu.dma_semaphore, #tpu.memory_space<semaphore_mem>>)
    %add3A_656 = arith.constant 12 : i32
    %add3A_657 = arith.addi %add3A_4, %add3A_656 : i32
    %jit3A_658 = arith.constant 32 : i32
    %div3A_659 = arith.divsi %add3A_657, %jit3A_658 : i32
    %sign3A_660 = arith.constant 0 : i32
    %sign3A_661 = arith.cmpi sgt, %add3A_657, %sign3A_660 : i32
    %sign3A_662 = arith.extui %sign3A_661 : i1 to i32
    %sign3A_663 = arith.constant 0 : i32
    %sign3A_664 = arith.cmpi slt, %add3A_657, %sign3A_663 : i32
    %sign3A_665 = arith.extui %sign3A_664 : i1 to i32
    %sign3A_666 = arith.subi %sign3A_662, %sign3A_665 : i32
    %sign3A_667 = arith.constant 0 : i32
    %sign3A_668 = arith.cmpi sgt, %jit3A_658, %sign3A_667 : i32
    %sign3A_669 = arith.extui %sign3A_668 : i1 to i32
    %sign3A_670 = arith.constant 0 : i32
    %sign3A_671 = arith.cmpi slt, %jit3A_658, %sign3A_670 : i32
    %sign3A_672 = arith.extui %sign3A_671 : i1 to i32
    %sign3A_673 = arith.subi %sign3A_669, %sign3A_672 : i32
    %ne3A_674 = arith.cmpi ne, %sign3A_666, %sign3A_673 : i32
    %rem3A_675 = arith.remsi %add3A_657, %jit3A_658 : i32
    %ne3A_676 = arith.constant 0 : i32
    %ne3A_677 = arith.cmpi ne, %rem3A_675, %ne3A_676 : i32
    %and3A_678 = arith.andi %ne3A_674, %ne3A_677 : i1
    %sub3A_679 = arith.constant 1 : i32
    %sub3A_680 = arith.subi %div3A_659, %sub3A_679 : i32
    %select_n3A_681 = arith.select %and3A_678, %sub3A_680, %div3A_659 : i32
    %sub3A_682 = arith.subi %select_n3A_681, %select_n3A : i32
    %mul3A_683 = arith.constant 4096 : i32
    %mul3A_684 = arith.muli %sub3A_682, %mul3A_683 : i32
    "tpu.region"() ({
      %run_scoped3A = tpu.sem_alloc : memref<!tpu.dma_semaphore, #tpu.memory_space<semaphore_mem>>
      %dma_start3A_1432 = arith.constant 0 : i32
      %dma_start3A_1433 = tpu.memref_slice %arg3[%add3A_657, %dma_start3A_1432] : memref<832x100000xf32, #tpu.memory_space<hbm>> -> memref<1x100000xf32, #tpu.memory_space<hbm>>
      %dma_start3A_1434 = tpu.memref_squeeze %dma_start3A_1433 : memref<1x100000xf32, #tpu.memory_space<hbm>> -> memref<100000xf32, #tpu.memory_space<hbm>>
      %dma_start3A_1435 = arith.constant 0 : i32
      %dma_start3A_1436 = tpu.memref_slice %arg3[%add3A_657, %dma_start3A_1435] : memref<832x100000xf32, #tpu.memory_space<hbm>> -> memref<1x100000xf32, #tpu.memory_space<hbm>>
      %dma_start3A_1437 = tpu.memref_squeeze %dma_start3A_1436 : memref<1x100000xf32, #tpu.memory_space<hbm>> -> memref<100000xf32, #tpu.memory_space<hbm>>
      tpu.enqueue_dma source(%dma_start3A_1437 : memref<100000xf32, #tpu.memory_space<hbm>>) target(%arg6 : memref<100000xf32, #tpu.memory_space<vmem>>) target_semaphore(%run_scoped3A : memref<!tpu.dma_semaphore, #tpu.memory_space<semaphore_mem>>)
      %dma_wait3A_1438 = arith.constant 0 : i32
      %dma_wait3A_1439 = tpu.memref_slice %arg3[%add3A_657, %dma_wait3A_1438] : memref<832x100000xf32, #tpu.memory_space<hbm>> -> memref<1x100000xf32, #tpu.memory_space<hbm>>
      %dma_wait3A_1440 = tpu.memref_squeeze %dma_wait3A_1439 : memref<1x100000xf32, #tpu.memory_space<hbm>> -> memref<100000xf32, #tpu.memory_space<hbm>>
      %dma_wait3A_1441 = arith.constant 0 : i32
      %dma_wait3A_1442 = tpu.memref_slice %arg3[%add3A_657, %dma_wait3A_1441] : memref<832x100000xf32, #tpu.memory_space<hbm>> -> memref<1x100000xf32, #tpu.memory_space<hbm>>
      %dma_wait3A_1443 = tpu.memref_squeeze %dma_wait3A_1442 : memref<1x100000xf32, #tpu.memory_space<hbm>> -> memref<100000xf32, #tpu.memory_space<hbm>>
      tpu.wait_dma2 semaphore(%run_scoped3A : memref<!tpu.dma_semaphore, #tpu.memory_space<semaphore_mem>>) src(%dma_wait3A_1443 : memref<100000xf32, #tpu.memory_space<hbm>>) dst(%arg6 : memref<100000xf32, #tpu.memory_space<vmem>>)
      tpu.yield
    }) : () -> ()
    %dma_wait3A_685 = arith.constant 0 : i32
    %dma_wait3A_686 = tpu.memref_slice %arg7[%dma_wait3A_685] : memref<8192xf32, #tpu.memory_space<vmem>> -> memref<4096xf32, #tpu.memory_space<vmem>>
    %dma_wait3A_687 = arith.constant 0 : i32
    %dma_wait3A_688 = tpu.memref_slice %arg4[%sub3A_591, %dma_wait3A_687] : memref<832x4096xf32, #tpu.memory_space<hbm>> -> memref<1x4096xf32, #tpu.memory_space<hbm>>
    %dma_wait3A_689 = tpu.memref_squeeze %dma_wait3A_688 : memref<1x4096xf32, #tpu.memory_space<hbm>> -> memref<4096xf32, #tpu.memory_space<hbm>>
    %dma_wait3A_690 = arith.constant 0 : i32
    %dma_wait3A_691 = tpu.memref_slice %arg4[%sub3A_591, %dma_wait3A_690] : memref<832x4096xf32, #tpu.memory_space<hbm>> -> memref<1x4096xf32, #tpu.memory_space<hbm>>
    %dma_wait3A_692 = tpu.memref_squeeze %dma_wait3A_691 : memref<1x4096xf32, #tpu.memory_space<hbm>> -> memref<4096xf32, #tpu.memory_space<hbm>>
    %dma_wait3A_693 = arith.constant 0 : i32
    %dma_wait3A_694 = tpu.memref_slice %arg7[%dma_wait3A_693] : memref<8192xf32, #tpu.memory_space<vmem>> -> memref<4096xf32, #tpu.memory_space<vmem>>
    tpu.wait_dma2 semaphore(%arg9 : memref<!tpu.dma_semaphore, #tpu.memory_space<semaphore_mem>>) src(%dma_wait3A_694 : memref<4096xf32, #tpu.memory_space<vmem>>) dst(%dma_wait3A_692 : memref<4096xf32, #tpu.memory_space<hbm>>)
    %parallel_loop3A_695 = arith.constant 0 : i32
    %parallel_loop3A_696 = arith.constant 256 : i32
    %parallel_loop3A_697 = arith.constant 1 : i32
    scf.for %parallel_loop3A_1432 = %parallel_loop3A_695 to %parallel_loop3A_696 step %parallel_loop3A_697  : i32 {
      %parallel_loop3A_1433 = arith.constant 16 : i32
      %parallel_loop3A_1434 = arith.muli %parallel_loop3A_1432, %parallel_loop3A_1433 : i32
      %parallel_loop3A_1435 = arith.addi %mul3A_684, %parallel_loop3A_1434 : i32
      %parallel_loop3A_1436 = arith.index_cast %parallel_loop3A_1435 : i32 to index
      %parallel_loop3A_1437 = tpu.vector_load %arg5[%parallel_loop3A_1436] {strides = array<i32>} : memref<8192xi32, #tpu.memory_space<vmem>>, vector<16xi32>,
      %parallel_loop3A_1438 = tpu.vector_load_idx %arg6[%parallel_loop3A_1437] : memref<100000xf32, #tpu.memory_space<vmem>>[vector<16xi32>], vector<16xf32>,
      %parallel_loop3A_1439 = arith.constant 0 : i32
      %parallel_loop3A_1440 = arith.addi %parallel_loop3A_1439, %parallel_loop3A_1434 : i32
      %parallel_loop3A_1441 = arith.index_cast %parallel_loop3A_1440 : i32 to index
      %parallel_loop3A_1442 = tpu.vector_load %arg7[%parallel_loop3A_1441] {strides = array<i32>} : memref<8192xf32, #tpu.memory_space<vmem>>, vector<16xf32>,
      tpu.vector_store %arg7[%parallel_loop3A_1441], %parallel_loop3A_1438 {strides = array<i32>} : memref<8192xf32, #tpu.memory_space<vmem>>, vector<16xf32>,
    } {sc.loop_unroll_factor = 8 : i64, sc.parallel_access}
    %sub3A_698 = arith.constant 0 : i32
    %sub3A_699 = arith.subi %add3A_657, %sub3A_698 : i32
    %dma_start3A_700 = arith.constant 0 : i32
    %dma_start3A_701 = tpu.memref_slice %arg7[%dma_start3A_700] : memref<8192xf32, #tpu.memory_space<vmem>> -> memref<4096xf32, #tpu.memory_space<vmem>>
    %dma_start3A_702 = arith.constant 0 : i32
    %dma_start3A_703 = tpu.memref_slice %arg4[%sub3A_699, %dma_start3A_702] : memref<832x4096xf32, #tpu.memory_space<hbm>> -> memref<1x4096xf32, #tpu.memory_space<hbm>>
    %dma_start3A_704 = tpu.memref_squeeze %dma_start3A_703 : memref<1x4096xf32, #tpu.memory_space<hbm>> -> memref<4096xf32, #tpu.memory_space<hbm>>
    %dma_start3A_705 = arith.constant 0 : i32
    %dma_start3A_706 = tpu.memref_slice %arg4[%sub3A_699, %dma_start3A_705] : memref<832x4096xf32, #tpu.memory_space<hbm>> -> memref<1x4096xf32, #tpu.memory_space<hbm>>
    %dma_start3A_707 = tpu.memref_squeeze %dma_start3A_706 : memref<1x4096xf32, #tpu.memory_space<hbm>> -> memref<4096xf32, #tpu.memory_space<hbm>>
    %dma_start3A_708 = arith.constant 0 : i32
    %dma_start3A_709 = tpu.memref_slice %arg7[%dma_start3A_708] : memref<8192xf32, #tpu.memory_space<vmem>> -> memref<4096xf32, #tpu.memory_space<vmem>>
    tpu.enqueue_dma source(%dma_start3A_709 : memref<4096xf32, #tpu.memory_space<vmem>>) target(%dma_start3A_707 : memref<4096xf32, #tpu.memory_space<hbm>>) target_semaphore(%arg9 : memref<!tpu.dma_semaphore, #tpu.memory_space<semaphore_mem>>)
    %add3A_710 = arith.constant 13 : i32
    %add3A_711 = arith.addi %add3A_4, %add3A_710 : i32
    %jit3A_712 = arith.constant 32 : i32
    %div3A_713 = arith.divsi %add3A_711, %jit3A_712 : i32
    %sign3A_714 = arith.constant 0 : i32
    %sign3A_715 = arith.cmpi sgt, %add3A_711, %sign3A_714 : i32
    %sign3A_716 = arith.extui %sign3A_715 : i1 to i32
    %sign3A_717 = arith.constant 0 : i32
    %sign3A_718 = arith.cmpi slt, %add3A_711, %sign3A_717 : i32
    %sign3A_719 = arith.extui %sign3A_718 : i1 to i32
    %sign3A_720 = arith.subi %sign3A_716, %sign3A_719 : i32
    %sign3A_721 = arith.constant 0 : i32
    %sign3A_722 = arith.cmpi sgt, %jit3A_712, %sign3A_721 : i32
    %sign3A_723 = arith.extui %sign3A_722 : i1 to i32
    %sign3A_724 = arith.constant 0 : i32
    %sign3A_725 = arith.cmpi slt, %jit3A_712, %sign3A_724 : i32
    %sign3A_726 = arith.extui %sign3A_725 : i1 to i32
    %sign3A_727 = arith.subi %sign3A_723, %sign3A_726 : i32
    %ne3A_728 = arith.cmpi ne, %sign3A_720, %sign3A_727 : i32
    %rem3A_729 = arith.remsi %add3A_711, %jit3A_712 : i32
    %ne3A_730 = arith.constant 0 : i32
    %ne3A_731 = arith.cmpi ne, %rem3A_729, %ne3A_730 : i32
    %and3A_732 = arith.andi %ne3A_728, %ne3A_731 : i1
    %sub3A_733 = arith.constant 1 : i32
    %sub3A_734 = arith.subi %div3A_713, %sub3A_733 : i32
    %select_n3A_735 = arith.select %and3A_732, %sub3A_734, %div3A_713 : i32
    %sub3A_736 = arith.subi %select_n3A_735, %select_n3A : i32
    %mul3A_737 = arith.constant 4096 : i32
    %mul3A_738 = arith.muli %sub3A_736, %mul3A_737 : i32
    "tpu.region"() ({
      %run_scoped3A = tpu.sem_alloc : memref<!tpu.dma_semaphore, #tpu.memory_space<semaphore_mem>>
      %dma_start3A_1432 = arith.constant 0 : i32
      %dma_start3A_1433 = tpu.memref_slice %arg3[%add3A_711, %dma_start3A_1432] : memref<832x100000xf32, #tpu.memory_space<hbm>> -> memref<1x100000xf32, #tpu.memory_space<hbm>>
      %dma_start3A_1434 = tpu.memref_squeeze %dma_start3A_1433 : memref<1x100000xf32, #tpu.memory_space<hbm>> -> memref<100000xf32, #tpu.memory_space<hbm>>
      %dma_start3A_1435 = arith.constant 0 : i32
      %dma_start3A_1436 = tpu.memref_slice %arg3[%add3A_711, %dma_start3A_1435] : memref<832x100000xf32, #tpu.memory_space<hbm>> -> memref<1x100000xf32, #tpu.memory_space<hbm>>
      %dma_start3A_1437 = tpu.memref_squeeze %dma_start3A_1436 : memref<1x100000xf32, #tpu.memory_space<hbm>> -> memref<100000xf32, #tpu.memory_space<hbm>>
      tpu.enqueue_dma source(%dma_start3A_1437 : memref<100000xf32, #tpu.memory_space<hbm>>) target(%arg6 : memref<100000xf32, #tpu.memory_space<vmem>>) target_semaphore(%run_scoped3A : memref<!tpu.dma_semaphore, #tpu.memory_space<semaphore_mem>>)
      %dma_wait3A_1438 = arith.constant 0 : i32
      %dma_wait3A_1439 = tpu.memref_slice %arg3[%add3A_711, %dma_wait3A_1438] : memref<832x100000xf32, #tpu.memory_space<hbm>> -> memref<1x100000xf32, #tpu.memory_space<hbm>>
      %dma_wait3A_1440 = tpu.memref_squeeze %dma_wait3A_1439 : memref<1x100000xf32, #tpu.memory_space<hbm>> -> memref<100000xf32, #tpu.memory_space<hbm>>
      %dma_wait3A_1441 = arith.constant 0 : i32
      %dma_wait3A_1442 = tpu.memref_slice %arg3[%add3A_711, %dma_wait3A_1441] : memref<832x100000xf32, #tpu.memory_space<hbm>> -> memref<1x100000xf32, #tpu.memory_space<hbm>>
      %dma_wait3A_1443 = tpu.memref_squeeze %dma_wait3A_1442 : memref<1x100000xf32, #tpu.memory_space<hbm>> -> memref<100000xf32, #tpu.memory_space<hbm>>
      tpu.wait_dma2 semaphore(%run_scoped3A : memref<!tpu.dma_semaphore, #tpu.memory_space<semaphore_mem>>) src(%dma_wait3A_1443 : memref<100000xf32, #tpu.memory_space<hbm>>) dst(%arg6 : memref<100000xf32, #tpu.memory_space<vmem>>)
      tpu.yield
    }) : () -> ()
    %dma_wait3A_739 = arith.constant 4096 : i32
    %dma_wait3A_740 = tpu.memref_slice %arg7[%dma_wait3A_739] : memref<8192xf32, #tpu.memory_space<vmem>> -> memref<4096xf32, #tpu.memory_space<vmem>>
    %dma_wait3A_741 = arith.constant 0 : i32
    %dma_wait3A_742 = tpu.memref_slice %arg4[%sub3A_645, %dma_wait3A_741] : memref<832x4096xf32, #tpu.memory_space<hbm>> -> memref<1x4096xf32, #tpu.memory_space<hbm>>
    %dma_wait3A_743 = tpu.memref_squeeze %dma_wait3A_742 : memref<1x4096xf32, #tpu.memory_space<hbm>> -> memref<4096xf32, #tpu.memory_space<hbm>>
    %dma_wait3A_744 = arith.constant 0 : i32
    %dma_wait3A_745 = tpu.memref_slice %arg4[%sub3A_645, %dma_wait3A_744] : memref<832x4096xf32, #tpu.memory_space<hbm>> -> memref<1x4096xf32, #tpu.memory_space<hbm>>
    %dma_wait3A_746 = tpu.memref_squeeze %dma_wait3A_745 : memref<1x4096xf32, #tpu.memory_space<hbm>> -> memref<4096xf32, #tpu.memory_space<hbm>>
    %dma_wait3A_747 = arith.constant 4096 : i32
    %dma_wait3A_748 = tpu.memref_slice %arg7[%dma_wait3A_747] : memref<8192xf32, #tpu.memory_space<vmem>> -> memref<4096xf32, #tpu.memory_space<vmem>>
    tpu.wait_dma2 semaphore(%arg9 : memref<!tpu.dma_semaphore, #tpu.memory_space<semaphore_mem>>) src(%dma_wait3A_748 : memref<4096xf32, #tpu.memory_space<vmem>>) dst(%dma_wait3A_746 : memref<4096xf32, #tpu.memory_space<hbm>>)
    %parallel_loop3A_749 = arith.constant 0 : i32
    %parallel_loop3A_750 = arith.constant 256 : i32
    %parallel_loop3A_751 = arith.constant 1 : i32
    scf.for %parallel_loop3A_1432 = %parallel_loop3A_749 to %parallel_loop3A_750 step %parallel_loop3A_751  : i32 {
      %parallel_loop3A_1433 = arith.constant 16 : i32
      %parallel_loop3A_1434 = arith.muli %parallel_loop3A_1432, %parallel_loop3A_1433 : i32
      %parallel_loop3A_1435 = arith.addi %mul3A_738, %parallel_loop3A_1434 : i32
      %parallel_loop3A_1436 = arith.index_cast %parallel_loop3A_1435 : i32 to index
      %parallel_loop3A_1437 = tpu.vector_load %arg5[%parallel_loop3A_1436] {strides = array<i32>} : memref<8192xi32, #tpu.memory_space<vmem>>, vector<16xi32>,
      %parallel_loop3A_1438 = tpu.vector_load_idx %arg6[%parallel_loop3A_1437] : memref<100000xf32, #tpu.memory_space<vmem>>[vector<16xi32>], vector<16xf32>,
      %parallel_loop3A_1439 = arith.constant 4096 : i32
      %parallel_loop3A_1440 = arith.addi %parallel_loop3A_1439, %parallel_loop3A_1434 : i32
      %parallel_loop3A_1441 = arith.index_cast %parallel_loop3A_1440 : i32 to index
      %parallel_loop3A_1442 = tpu.vector_load %arg7[%parallel_loop3A_1441] {strides = array<i32>} : memref<8192xf32, #tpu.memory_space<vmem>>, vector<16xf32>,
      tpu.vector_store %arg7[%parallel_loop3A_1441], %parallel_loop3A_1438 {strides = array<i32>} : memref<8192xf32, #tpu.memory_space<vmem>>, vector<16xf32>,
    } {sc.loop_unroll_factor = 8 : i64, sc.parallel_access}
    %sub3A_752 = arith.constant 0 : i32
    %sub3A_753 = arith.subi %add3A_711, %sub3A_752 : i32
    %dma_start3A_754 = arith.constant 4096 : i32
    %dma_start3A_755 = tpu.memref_slice %arg7[%dma_start3A_754] : memref<8192xf32, #tpu.memory_space<vmem>> -> memref<4096xf32, #tpu.memory_space<vmem>>
    %dma_start3A_756 = arith.constant 0 : i32
    %dma_start3A_757 = tpu.memref_slice %arg4[%sub3A_753, %dma_start3A_756] : memref<832x4096xf32, #tpu.memory_space<hbm>> -> memref<1x4096xf32, #tpu.memory_space<hbm>>
    %dma_start3A_758 = tpu.memref_squeeze %dma_start3A_757 : memref<1x4096xf32, #tpu.memory_space<hbm>> -> memref<4096xf32, #tpu.memory_space<hbm>>
    %dma_start3A_759 = arith.constant 0 : i32
    %dma_start3A_760 = tpu.memref_slice %arg4[%sub3A_753, %dma_start3A_759] : memref<832x4096xf32, #tpu.memory_space<hbm>> -> memref<1x4096xf32, #tpu.memory_space<hbm>>
    %dma_start3A_761 = tpu.memref_squeeze %dma_start3A_760 : memref<1x4096xf32, #tpu.memory_space<hbm>> -> memref<4096xf32, #tpu.memory_space<hbm>>
    %dma_start3A_762 = arith.constant 4096 : i32
    %dma_start3A_763 = tpu.memref_slice %arg7[%dma_start3A_762] : memref<8192xf32, #tpu.memory_space<vmem>> -> memref<4096xf32, #tpu.memory_space<vmem>>
    tpu.enqueue_dma source(%dma_start3A_763 : memref<4096xf32, #tpu.memory_space<vmem>>) target(%dma_start3A_761 : memref<4096xf32, #tpu.memory_space<hbm>>) target_semaphore(%arg9 : memref<!tpu.dma_semaphore, #tpu.memory_space<semaphore_mem>>)
    %add3A_764 = arith.constant 14 : i32
    %add3A_765 = arith.addi %add3A_4, %add3A_764 : i32
    %jit3A_766 = arith.constant 32 : i32
    %div3A_767 = arith.divsi %add3A_765, %jit3A_766 : i32
    %sign3A_768 = arith.constant 0 : i32
    %sign3A_769 = arith.cmpi sgt, %add3A_765, %sign3A_768 : i32
    %sign3A_770 = arith.extui %sign3A_769 : i1 to i32
    %sign3A_771 = arith.constant 0 : i32
    %sign3A_772 = arith.cmpi slt, %add3A_765, %sign3A_771 : i32
    %sign3A_773 = arith.extui %sign3A_772 : i1 to i32
    %sign3A_774 = arith.subi %sign3A_770, %sign3A_773 : i32
    %sign3A_775 = arith.constant 0 : i32
    %sign3A_776 = arith.cmpi sgt, %jit3A_766, %sign3A_775 : i32
    %sign3A_777 = arith.extui %sign3A_776 : i1 to i32
    %sign3A_778 = arith.constant 0 : i32
    %sign3A_779 = arith.cmpi slt, %jit3A_766, %sign3A_778 : i32
    %sign3A_780 = arith.extui %sign3A_779 : i1 to i32
    %sign3A_781 = arith.subi %sign3A_777, %sign3A_780 : i32
    %ne3A_782 = arith.cmpi ne, %sign3A_774, %sign3A_781 : i32
    %rem3A_783 = arith.remsi %add3A_765, %jit3A_766 : i32
    %ne3A_784 = arith.constant 0 : i32
    %ne3A_785 = arith.cmpi ne, %rem3A_783, %ne3A_784 : i32
    %and3A_786 = arith.andi %ne3A_782, %ne3A_785 : i1
    %sub3A_787 = arith.constant 1 : i32
    %sub3A_788 = arith.subi %div3A_767, %sub3A_787 : i32
    %select_n3A_789 = arith.select %and3A_786, %sub3A_788, %div3A_767 : i32
    %sub3A_790 = arith.subi %select_n3A_789, %select_n3A : i32
    %mul3A_791 = arith.constant 4096 : i32
    %mul3A_792 = arith.muli %sub3A_790, %mul3A_791 : i32
    "tpu.region"() ({
      %run_scoped3A = tpu.sem_alloc : memref<!tpu.dma_semaphore, #tpu.memory_space<semaphore_mem>>
      %dma_start3A_1432 = arith.constant 0 : i32
      %dma_start3A_1433 = tpu.memref_slice %arg3[%add3A_765, %dma_start3A_1432] : memref<832x100000xf32, #tpu.memory_space<hbm>> -> memref<1x100000xf32, #tpu.memory_space<hbm>>
      %dma_start3A_1434 = tpu.memref_squeeze %dma_start3A_1433 : memref<1x100000xf32, #tpu.memory_space<hbm>> -> memref<100000xf32, #tpu.memory_space<hbm>>
      %dma_start3A_1435 = arith.constant 0 : i32
      %dma_start3A_1436 = tpu.memref_slice %arg3[%add3A_765, %dma_start3A_1435] : memref<832x100000xf32, #tpu.memory_space<hbm>> -> memref<1x100000xf32, #tpu.memory_space<hbm>>
      %dma_start3A_1437 = tpu.memref_squeeze %dma_start3A_1436 : memref<1x100000xf32, #tpu.memory_space<hbm>> -> memref<100000xf32, #tpu.memory_space<hbm>>
      tpu.enqueue_dma source(%dma_start3A_1437 : memref<100000xf32, #tpu.memory_space<hbm>>) target(%arg6 : memref<100000xf32, #tpu.memory_space<vmem>>) target_semaphore(%run_scoped3A : memref<!tpu.dma_semaphore, #tpu.memory_space<semaphore_mem>>)
      %dma_wait3A_1438 = arith.constant 0 : i32
      %dma_wait3A_1439 = tpu.memref_slice %arg3[%add3A_765, %dma_wait3A_1438] : memref<832x100000xf32, #tpu.memory_space<hbm>> -> memref<1x100000xf32, #tpu.memory_space<hbm>>
      %dma_wait3A_1440 = tpu.memref_squeeze %dma_wait3A_1439 : memref<1x100000xf32, #tpu.memory_space<hbm>> -> memref<100000xf32, #tpu.memory_space<hbm>>
      %dma_wait3A_1441 = arith.constant 0 : i32
      %dma_wait3A_1442 = tpu.memref_slice %arg3[%add3A_765, %dma_wait3A_1441] : memref<832x100000xf32, #tpu.memory_space<hbm>> -> memref<1x100000xf32, #tpu.memory_space<hbm>>
      %dma_wait3A_1443 = tpu.memref_squeeze %dma_wait3A_1442 : memref<1x100000xf32, #tpu.memory_space<hbm>> -> memref<100000xf32, #tpu.memory_space<hbm>>
      tpu.wait_dma2 semaphore(%run_scoped3A : memref<!tpu.dma_semaphore, #tpu.memory_space<semaphore_mem>>) src(%dma_wait3A_1443 : memref<100000xf32, #tpu.memory_space<hbm>>) dst(%arg6 : memref<100000xf32, #tpu.memory_space<vmem>>)
      tpu.yield
    }) : () -> ()
    %dma_wait3A_793 = arith.constant 0 : i32
    %dma_wait3A_794 = tpu.memref_slice %arg7[%dma_wait3A_793] : memref<8192xf32, #tpu.memory_space<vmem>> -> memref<4096xf32, #tpu.memory_space<vmem>>
    %dma_wait3A_795 = arith.constant 0 : i32
    %dma_wait3A_796 = tpu.memref_slice %arg4[%sub3A_699, %dma_wait3A_795] : memref<832x4096xf32, #tpu.memory_space<hbm>> -> memref<1x4096xf32, #tpu.memory_space<hbm>>
    %dma_wait3A_797 = tpu.memref_squeeze %dma_wait3A_796 : memref<1x4096xf32, #tpu.memory_space<hbm>> -> memref<4096xf32, #tpu.memory_space<hbm>>
    %dma_wait3A_798 = arith.constant 0 : i32
    %dma_wait3A_799 = tpu.memref_slice %arg4[%sub3A_699, %dma_wait3A_798] : memref<832x4096xf32, #tpu.memory_space<hbm>> -> memref<1x4096xf32, #tpu.memory_space<hbm>>
    %dma_wait3A_800 = tpu.memref_squeeze %dma_wait3A_799 : memref<1x4096xf32, #tpu.memory_space<hbm>> -> memref<4096xf32, #tpu.memory_space<hbm>>
    %dma_wait3A_801 = arith.constant 0 : i32
    %dma_wait3A_802 = tpu.memref_slice %arg7[%dma_wait3A_801] : memref<8192xf32, #tpu.memory_space<vmem>> -> memref<4096xf32, #tpu.memory_space<vmem>>
    tpu.wait_dma2 semaphore(%arg9 : memref<!tpu.dma_semaphore, #tpu.memory_space<semaphore_mem>>) src(%dma_wait3A_802 : memref<4096xf32, #tpu.memory_space<vmem>>) dst(%dma_wait3A_800 : memref<4096xf32, #tpu.memory_space<hbm>>)
    %parallel_loop3A_803 = arith.constant 0 : i32
    %parallel_loop3A_804 = arith.constant 256 : i32
    %parallel_loop3A_805 = arith.constant 1 : i32
    scf.for %parallel_loop3A_1432 = %parallel_loop3A_803 to %parallel_loop3A_804 step %parallel_loop3A_805  : i32 {
      %parallel_loop3A_1433 = arith.constant 16 : i32
      %parallel_loop3A_1434 = arith.muli %parallel_loop3A_1432, %parallel_loop3A_1433 : i32
      %parallel_loop3A_1435 = arith.addi %mul3A_792, %parallel_loop3A_1434 : i32
      %parallel_loop3A_1436 = arith.index_cast %parallel_loop3A_1435 : i32 to index
      %parallel_loop3A_1437 = tpu.vector_load %arg5[%parallel_loop3A_1436] {strides = array<i32>} : memref<8192xi32, #tpu.memory_space<vmem>>, vector<16xi32>,
      %parallel_loop3A_1438 = tpu.vector_load_idx %arg6[%parallel_loop3A_1437] : memref<100000xf32, #tpu.memory_space<vmem>>[vector<16xi32>], vector<16xf32>,
      %parallel_loop3A_1439 = arith.constant 0 : i32
      %parallel_loop3A_1440 = arith.addi %parallel_loop3A_1439, %parallel_loop3A_1434 : i32
      %parallel_loop3A_1441 = arith.index_cast %parallel_loop3A_1440 : i32 to index
      %parallel_loop3A_1442 = tpu.vector_load %arg7[%parallel_loop3A_1441] {strides = array<i32>} : memref<8192xf32, #tpu.memory_space<vmem>>, vector<16xf32>,
      tpu.vector_store %arg7[%parallel_loop3A_1441], %parallel_loop3A_1438 {strides = array<i32>} : memref<8192xf32, #tpu.memory_space<vmem>>, vector<16xf32>,
    } {sc.loop_unroll_factor = 8 : i64, sc.parallel_access}
    %sub3A_806 = arith.constant 0 : i32
    %sub3A_807 = arith.subi %add3A_765, %sub3A_806 : i32
    %dma_start3A_808 = arith.constant 0 : i32
    %dma_start3A_809 = tpu.memref_slice %arg7[%dma_start3A_808] : memref<8192xf32, #tpu.memory_space<vmem>> -> memref<4096xf32, #tpu.memory_space<vmem>>
    %dma_start3A_810 = arith.constant 0 : i32
    %dma_start3A_811 = tpu.memref_slice %arg4[%sub3A_807, %dma_start3A_810] : memref<832x4096xf32, #tpu.memory_space<hbm>> -> memref<1x4096xf32, #tpu.memory_space<hbm>>
    %dma_start3A_812 = tpu.memref_squeeze %dma_start3A_811 : memref<1x4096xf32, #tpu.memory_space<hbm>> -> memref<4096xf32, #tpu.memory_space<hbm>>
    %dma_start3A_813 = arith.constant 0 : i32
    %dma_start3A_814 = tpu.memref_slice %arg4[%sub3A_807, %dma_start3A_813] : memref<832x4096xf32, #tpu.memory_space<hbm>> -> memref<1x4096xf32, #tpu.memory_space<hbm>>
    %dma_start3A_815 = tpu.memref_squeeze %dma_start3A_814 : memref<1x4096xf32, #tpu.memory_space<hbm>> -> memref<4096xf32, #tpu.memory_space<hbm>>
    %dma_start3A_816 = arith.constant 0 : i32
    %dma_start3A_817 = tpu.memref_slice %arg7[%dma_start3A_816] : memref<8192xf32, #tpu.memory_space<vmem>> -> memref<4096xf32, #tpu.memory_space<vmem>>
    tpu.enqueue_dma source(%dma_start3A_817 : memref<4096xf32, #tpu.memory_space<vmem>>) target(%dma_start3A_815 : memref<4096xf32, #tpu.memory_space<hbm>>) target_semaphore(%arg9 : memref<!tpu.dma_semaphore, #tpu.memory_space<semaphore_mem>>)
    %add3A_818 = arith.constant 15 : i32
    %add3A_819 = arith.addi %add3A_4, %add3A_818 : i32
    %jit3A_820 = arith.constant 32 : i32
    %div3A_821 = arith.divsi %add3A_819, %jit3A_820 : i32
    %sign3A_822 = arith.constant 0 : i32
    %sign3A_823 = arith.cmpi sgt, %add3A_819, %sign3A_822 : i32
    %sign3A_824 = arith.extui %sign3A_823 : i1 to i32
    %sign3A_825 = arith.constant 0 : i32
    %sign3A_826 = arith.cmpi slt, %add3A_819, %sign3A_825 : i32
    %sign3A_827 = arith.extui %sign3A_826 : i1 to i32
    %sign3A_828 = arith.subi %sign3A_824, %sign3A_827 : i32
    %sign3A_829 = arith.constant 0 : i32
    %sign3A_830 = arith.cmpi sgt, %jit3A_820, %sign3A_829 : i32
    %sign3A_831 = arith.extui %sign3A_830 : i1 to i32
    %sign3A_832 = arith.constant 0 : i32
    %sign3A_833 = arith.cmpi slt, %jit3A_820, %sign3A_832 : i32
    %sign3A_834 = arith.extui %sign3A_833 : i1 to i32
    %sign3A_835 = arith.subi %sign3A_831, %sign3A_834 : i32
    %ne3A_836 = arith.cmpi ne, %sign3A_828, %sign3A_835 : i32
    %rem3A_837 = arith.remsi %add3A_819, %jit3A_820 : i32
    %ne3A_838 = arith.constant 0 : i32
    %ne3A_839 = arith.cmpi ne, %rem3A_837, %ne3A_838 : i32
    %and3A_840 = arith.andi %ne3A_836, %ne3A_839 : i1
    %sub3A_841 = arith.constant 1 : i32
    %sub3A_842 = arith.subi %div3A_821, %sub3A_841 : i32
    %select_n3A_843 = arith.select %and3A_840, %sub3A_842, %div3A_821 : i32
    %sub3A_844 = arith.subi %select_n3A_843, %select_n3A : i32
    %mul3A_845 = arith.constant 4096 : i32
    %mul3A_846 = arith.muli %sub3A_844, %mul3A_845 : i32
    "tpu.region"() ({
      %run_scoped3A = tpu.sem_alloc : memref<!tpu.dma_semaphore, #tpu.memory_space<semaphore_mem>>
      %dma_start3A_1432 = arith.constant 0 : i32
      %dma_start3A_1433 = tpu.memref_slice %arg3[%add3A_819, %dma_start3A_1432] : memref<832x100000xf32, #tpu.memory_space<hbm>> -> memref<1x100000xf32, #tpu.memory_space<hbm>>
      %dma_start3A_1434 = tpu.memref_squeeze %dma_start3A_1433 : memref<1x100000xf32, #tpu.memory_space<hbm>> -> memref<100000xf32, #tpu.memory_space<hbm>>
      %dma_start3A_1435 = arith.constant 0 : i32
      %dma_start3A_1436 = tpu.memref_slice %arg3[%add3A_819, %dma_start3A_1435] : memref<832x100000xf32, #tpu.memory_space<hbm>> -> memref<1x100000xf32, #tpu.memory_space<hbm>>
      %dma_start3A_1437 = tpu.memref_squeeze %dma_start3A_1436 : memref<1x100000xf32, #tpu.memory_space<hbm>> -> memref<100000xf32, #tpu.memory_space<hbm>>
      tpu.enqueue_dma source(%dma_start3A_1437 : memref<100000xf32, #tpu.memory_space<hbm>>) target(%arg6 : memref<100000xf32, #tpu.memory_space<vmem>>) target_semaphore(%run_scoped3A : memref<!tpu.dma_semaphore, #tpu.memory_space<semaphore_mem>>)
      %dma_wait3A_1438 = arith.constant 0 : i32
      %dma_wait3A_1439 = tpu.memref_slice %arg3[%add3A_819, %dma_wait3A_1438] : memref<832x100000xf32, #tpu.memory_space<hbm>> -> memref<1x100000xf32, #tpu.memory_space<hbm>>
      %dma_wait3A_1440 = tpu.memref_squeeze %dma_wait3A_1439 : memref<1x100000xf32, #tpu.memory_space<hbm>> -> memref<100000xf32, #tpu.memory_space<hbm>>
      %dma_wait3A_1441 = arith.constant 0 : i32
      %dma_wait3A_1442 = tpu.memref_slice %arg3[%add3A_819, %dma_wait3A_1441] : memref<832x100000xf32, #tpu.memory_space<hbm>> -> memref<1x100000xf32, #tpu.memory_space<hbm>>
      %dma_wait3A_1443 = tpu.memref_squeeze %dma_wait3A_1442 : memref<1x100000xf32, #tpu.memory_space<hbm>> -> memref<100000xf32, #tpu.memory_space<hbm>>
      tpu.wait_dma2 semaphore(%run_scoped3A : memref<!tpu.dma_semaphore, #tpu.memory_space<semaphore_mem>>) src(%dma_wait3A_1443 : memref<100000xf32, #tpu.memory_space<hbm>>) dst(%arg6 : memref<100000xf32, #tpu.memory_space<vmem>>)
      tpu.yield
    }) : () -> ()
    %dma_wait3A_847 = arith.constant 4096 : i32
    %dma_wait3A_848 = tpu.memref_slice %arg7[%dma_wait3A_847] : memref<8192xf32, #tpu.memory_space<vmem>> -> memref<4096xf32, #tpu.memory_space<vmem>>
    %dma_wait3A_849 = arith.constant 0 : i32
    %dma_wait3A_850 = tpu.memref_slice %arg4[%sub3A_753, %dma_wait3A_849] : memref<832x4096xf32, #tpu.memory_space<hbm>> -> memref<1x4096xf32, #tpu.memory_space<hbm>>
    %dma_wait3A_851 = tpu.memref_squeeze %dma_wait3A_850 : memref<1x4096xf32, #tpu.memory_space<hbm>> -> memref<4096xf32, #tpu.memory_space<hbm>>
    %dma_wait3A_852 = arith.constant 0 : i32
    %dma_wait3A_853 = tpu.memref_slice %arg4[%sub3A_753, %dma_wait3A_852] : memref<832x4096xf32, #tpu.memory_space<hbm>> -> memref<1x4096xf32, #tpu.memory_space<hbm>>
    %dma_wait3A_854 = tpu.memref_squeeze %dma_wait3A_853 : memref<1x4096xf32, #tpu.memory_space<hbm>> -> memref<4096xf32, #tpu.memory_space<hbm>>
    %dma_wait3A_855 = arith.constant 4096 : i32
    %dma_wait3A_856 = tpu.memref_slice %arg7[%dma_wait3A_855] : memref<8192xf32, #tpu.memory_space<vmem>> -> memref<4096xf32, #tpu.memory_space<vmem>>
    tpu.wait_dma2 semaphore(%arg9 : memref<!tpu.dma_semaphore, #tpu.memory_space<semaphore_mem>>) src(%dma_wait3A_856 : memref<4096xf32, #tpu.memory_space<vmem>>) dst(%dma_wait3A_854 : memref<4096xf32, #tpu.memory_space<hbm>>)
    %parallel_loop3A_857 = arith.constant 0 : i32
    %parallel_loop3A_858 = arith.constant 256 : i32
    %parallel_loop3A_859 = arith.constant 1 : i32
    scf.for %parallel_loop3A_1432 = %parallel_loop3A_857 to %parallel_loop3A_858 step %parallel_loop3A_859  : i32 {
      %parallel_loop3A_1433 = arith.constant 16 : i32
      %parallel_loop3A_1434 = arith.muli %parallel_loop3A_1432, %parallel_loop3A_1433 : i32
      %parallel_loop3A_1435 = arith.addi %mul3A_846, %parallel_loop3A_1434 : i32
      %parallel_loop3A_1436 = arith.index_cast %parallel_loop3A_1435 : i32 to index
      %parallel_loop3A_1437 = tpu.vector_load %arg5[%parallel_loop3A_1436] {strides = array<i32>} : memref<8192xi32, #tpu.memory_space<vmem>>, vector<16xi32>,
      %parallel_loop3A_1438 = tpu.vector_load_idx %arg6[%parallel_loop3A_1437] : memref<100000xf32, #tpu.memory_space<vmem>>[vector<16xi32>], vector<16xf32>,
      %parallel_loop3A_1439 = arith.constant 4096 : i32
      %parallel_loop3A_1440 = arith.addi %parallel_loop3A_1439, %parallel_loop3A_1434 : i32
      %parallel_loop3A_1441 = arith.index_cast %parallel_loop3A_1440 : i32 to index
      %parallel_loop3A_1442 = tpu.vector_load %arg7[%parallel_loop3A_1441] {strides = array<i32>} : memref<8192xf32, #tpu.memory_space<vmem>>, vector<16xf32>,
      tpu.vector_store %arg7[%parallel_loop3A_1441], %parallel_loop3A_1438 {strides = array<i32>} : memref<8192xf32, #tpu.memory_space<vmem>>, vector<16xf32>,
    } {sc.loop_unroll_factor = 8 : i64, sc.parallel_access}
    %sub3A_860 = arith.constant 0 : i32
    %sub3A_861 = arith.subi %add3A_819, %sub3A_860 : i32
    %dma_start3A_862 = arith.constant 4096 : i32
    %dma_start3A_863 = tpu.memref_slice %arg7[%dma_start3A_862] : memref<8192xf32, #tpu.memory_space<vmem>> -> memref<4096xf32, #tpu.memory_space<vmem>>
    %dma_start3A_864 = arith.constant 0 : i32
    %dma_start3A_865 = tpu.memref_slice %arg4[%sub3A_861, %dma_start3A_864] : memref<832x4096xf32, #tpu.memory_space<hbm>> -> memref<1x4096xf32, #tpu.memory_space<hbm>>
    %dma_start3A_866 = tpu.memref_squeeze %dma_start3A_865 : memref<1x4096xf32, #tpu.memory_space<hbm>> -> memref<4096xf32, #tpu.memory_space<hbm>>
    %dma_start3A_867 = arith.constant 0 : i32
    %dma_start3A_868 = tpu.memref_slice %arg4[%sub3A_861, %dma_start3A_867] : memref<832x4096xf32, #tpu.memory_space<hbm>> -> memref<1x4096xf32, #tpu.memory_space<hbm>>
    %dma_start3A_869 = tpu.memref_squeeze %dma_start3A_868 : memref<1x4096xf32, #tpu.memory_space<hbm>> -> memref<4096xf32, #tpu.memory_space<hbm>>
    %dma_start3A_870 = arith.constant 4096 : i32
    %dma_start3A_871 = tpu.memref_slice %arg7[%dma_start3A_870] : memref<8192xf32, #tpu.memory_space<vmem>> -> memref<4096xf32, #tpu.memory_space<vmem>>
    tpu.enqueue_dma source(%dma_start3A_871 : memref<4096xf32, #tpu.memory_space<vmem>>) target(%dma_start3A_869 : memref<4096xf32, #tpu.memory_space<hbm>>) target_semaphore(%arg9 : memref<!tpu.dma_semaphore, #tpu.memory_space<semaphore_mem>>)
    %add3A_872 = arith.constant 16 : i32
    %add3A_873 = arith.addi %add3A_4, %add3A_872 : i32
    %jit3A_874 = arith.constant 32 : i32
    %div3A_875 = arith.divsi %add3A_873, %jit3A_874 : i32
    %sign3A_876 = arith.constant 0 : i32
    %sign3A_877 = arith.cmpi sgt, %add3A_873, %sign3A_876 : i32
    %sign3A_878 = arith.extui %sign3A_877 : i1 to i32
    %sign3A_879 = arith.constant 0 : i32
    %sign3A_880 = arith.cmpi slt, %add3A_873, %sign3A_879 : i32
    %sign3A_881 = arith.extui %sign3A_880 : i1 to i32
    %sign3A_882 = arith.subi %sign3A_878, %sign3A_881 : i32
    %sign3A_883 = arith.constant 0 : i32
    %sign3A_884 = arith.cmpi sgt, %jit3A_874, %sign3A_883 : i32
    %sign3A_885 = arith.extui %sign3A_884 : i1 to i32
    %sign3A_886 = arith.constant 0 : i32
    %sign3A_887 = arith.cmpi slt, %jit3A_874, %sign3A_886 : i32
    %sign3A_888 = arith.extui %sign3A_887 : i1 to i32
    %sign3A_889 = arith.subi %sign3A_885, %sign3A_888 : i32
    %ne3A_890 = arith.cmpi ne, %sign3A_882, %sign3A_889 : i32
    %rem3A_891 = arith.remsi %add3A_873, %jit3A_874 : i32
    %ne3A_892 = arith.constant 0 : i32
    %ne3A_893 = arith.cmpi ne, %rem3A_891, %ne3A_892 : i32
    %and3A_894 = arith.andi %ne3A_890, %ne3A_893 : i1
    %sub3A_895 = arith.constant 1 : i32
    %sub3A_896 = arith.subi %div3A_875, %sub3A_895 : i32
    %select_n3A_897 = arith.select %and3A_894, %sub3A_896, %div3A_875 : i32
    %sub3A_898 = arith.subi %select_n3A_897, %select_n3A : i32
    %mul3A_899 = arith.constant 4096 : i32
    %mul3A_900 = arith.muli %sub3A_898, %mul3A_899 : i32
    "tpu.region"() ({
      %run_scoped3A = tpu.sem_alloc : memref<!tpu.dma_semaphore, #tpu.memory_space<semaphore_mem>>
      %dma_start3A_1432 = arith.constant 0 : i32
      %dma_start3A_1433 = tpu.memref_slice %arg3[%add3A_873, %dma_start3A_1432] : memref<832x100000xf32, #tpu.memory_space<hbm>> -> memref<1x100000xf32, #tpu.memory_space<hbm>>
      %dma_start3A_1434 = tpu.memref_squeeze %dma_start3A_1433 : memref<1x100000xf32, #tpu.memory_space<hbm>> -> memref<100000xf32, #tpu.memory_space<hbm>>
      %dma_start3A_1435 = arith.constant 0 : i32
      %dma_start3A_1436 = tpu.memref_slice %arg3[%add3A_873, %dma_start3A_1435] : memref<832x100000xf32, #tpu.memory_space<hbm>> -> memref<1x100000xf32, #tpu.memory_space<hbm>>
      %dma_start3A_1437 = tpu.memref_squeeze %dma_start3A_1436 : memref<1x100000xf32, #tpu.memory_space<hbm>> -> memref<100000xf32, #tpu.memory_space<hbm>>
      tpu.enqueue_dma source(%dma_start3A_1437 : memref<100000xf32, #tpu.memory_space<hbm>>) target(%arg6 : memref<100000xf32, #tpu.memory_space<vmem>>) target_semaphore(%run_scoped3A : memref<!tpu.dma_semaphore, #tpu.memory_space<semaphore_mem>>)
      %dma_wait3A_1438 = arith.constant 0 : i32
      %dma_wait3A_1439 = tpu.memref_slice %arg3[%add3A_873, %dma_wait3A_1438] : memref<832x100000xf32, #tpu.memory_space<hbm>> -> memref<1x100000xf32, #tpu.memory_space<hbm>>
      %dma_wait3A_1440 = tpu.memref_squeeze %dma_wait3A_1439 : memref<1x100000xf32, #tpu.memory_space<hbm>> -> memref<100000xf32, #tpu.memory_space<hbm>>
      %dma_wait3A_1441 = arith.constant 0 : i32
      %dma_wait3A_1442 = tpu.memref_slice %arg3[%add3A_873, %dma_wait3A_1441] : memref<832x100000xf32, #tpu.memory_space<hbm>> -> memref<1x100000xf32, #tpu.memory_space<hbm>>
      %dma_wait3A_1443 = tpu.memref_squeeze %dma_wait3A_1442 : memref<1x100000xf32, #tpu.memory_space<hbm>> -> memref<100000xf32, #tpu.memory_space<hbm>>
      tpu.wait_dma2 semaphore(%run_scoped3A : memref<!tpu.dma_semaphore, #tpu.memory_space<semaphore_mem>>) src(%dma_wait3A_1443 : memref<100000xf32, #tpu.memory_space<hbm>>) dst(%arg6 : memref<100000xf32, #tpu.memory_space<vmem>>)
      tpu.yield
    }) : () -> ()
    %dma_wait3A_901 = arith.constant 0 : i32
    %dma_wait3A_902 = tpu.memref_slice %arg7[%dma_wait3A_901] : memref<8192xf32, #tpu.memory_space<vmem>> -> memref<4096xf32, #tpu.memory_space<vmem>>
    %dma_wait3A_903 = arith.constant 0 : i32
    %dma_wait3A_904 = tpu.memref_slice %arg4[%sub3A_807, %dma_wait3A_903] : memref<832x4096xf32, #tpu.memory_space<hbm>> -> memref<1x4096xf32, #tpu.memory_space<hbm>>
    %dma_wait3A_905 = tpu.memref_squeeze %dma_wait3A_904 : memref<1x4096xf32, #tpu.memory_space<hbm>> -> memref<4096xf32, #tpu.memory_space<hbm>>
    %dma_wait3A_906 = arith.constant 0 : i32
    %dma_wait3A_907 = tpu.memref_slice %arg4[%sub3A_807, %dma_wait3A_906] : memref<832x4096xf32, #tpu.memory_space<hbm>> -> memref<1x4096xf32, #tpu.memory_space<hbm>>
    %dma_wait3A_908 = tpu.memref_squeeze %dma_wait3A_907 : memref<1x4096xf32, #tpu.memory_space<hbm>> -> memref<4096xf32, #tpu.memory_space<hbm>>
    %dma_wait3A_909 = arith.constant 0 : i32
    %dma_wait3A_910 = tpu.memref_slice %arg7[%dma_wait3A_909] : memref<8192xf32, #tpu.memory_space<vmem>> -> memref<4096xf32, #tpu.memory_space<vmem>>
    tpu.wait_dma2 semaphore(%arg9 : memref<!tpu.dma_semaphore, #tpu.memory_space<semaphore_mem>>) src(%dma_wait3A_910 : memref<4096xf32, #tpu.memory_space<vmem>>) dst(%dma_wait3A_908 : memref<4096xf32, #tpu.memory_space<hbm>>)
    %parallel_loop3A_911 = arith.constant 0 : i32
    %parallel_loop3A_912 = arith.constant 256 : i32
    %parallel_loop3A_913 = arith.constant 1 : i32
    scf.for %parallel_loop3A_1432 = %parallel_loop3A_911 to %parallel_loop3A_912 step %parallel_loop3A_913  : i32 {
      %parallel_loop3A_1433 = arith.constant 16 : i32
      %parallel_loop3A_1434 = arith.muli %parallel_loop3A_1432, %parallel_loop3A_1433 : i32
      %parallel_loop3A_1435 = arith.addi %mul3A_900, %parallel_loop3A_1434 : i32
      %parallel_loop3A_1436 = arith.index_cast %parallel_loop3A_1435 : i32 to index
      %parallel_loop3A_1437 = tpu.vector_load %arg5[%parallel_loop3A_1436] {strides = array<i32>} : memref<8192xi32, #tpu.memory_space<vmem>>, vector<16xi32>,
      %parallel_loop3A_1438 = tpu.vector_load_idx %arg6[%parallel_loop3A_1437] : memref<100000xf32, #tpu.memory_space<vmem>>[vector<16xi32>], vector<16xf32>,
      %parallel_loop3A_1439 = arith.constant 0 : i32
      %parallel_loop3A_1440 = arith.addi %parallel_loop3A_1439, %parallel_loop3A_1434 : i32
      %parallel_loop3A_1441 = arith.index_cast %parallel_loop3A_1440 : i32 to index
      %parallel_loop3A_1442 = tpu.vector_load %arg7[%parallel_loop3A_1441] {strides = array<i32>} : memref<8192xf32, #tpu.memory_space<vmem>>, vector<16xf32>,
      tpu.vector_store %arg7[%parallel_loop3A_1441], %parallel_loop3A_1438 {strides = array<i32>} : memref<8192xf32, #tpu.memory_space<vmem>>, vector<16xf32>,
    } {sc.loop_unroll_factor = 8 : i64, sc.parallel_access}
    %sub3A_914 = arith.constant 0 : i32
    %sub3A_915 = arith.subi %add3A_873, %sub3A_914 : i32
    %dma_start3A_916 = arith.constant 0 : i32
    %dma_start3A_917 = tpu.memref_slice %arg7[%dma_start3A_916] : memref<8192xf32, #tpu.memory_space<vmem>> -> memref<4096xf32, #tpu.memory_space<vmem>>
    %dma_start3A_918 = arith.constant 0 : i32
    %dma_start3A_919 = tpu.memref_slice %arg4[%sub3A_915, %dma_start3A_918] : memref<832x4096xf32, #tpu.memory_space<hbm>> -> memref<1x4096xf32, #tpu.memory_space<hbm>>
    %dma_start3A_920 = tpu.memref_squeeze %dma_start3A_919 : memref<1x4096xf32, #tpu.memory_space<hbm>> -> memref<4096xf32, #tpu.memory_space<hbm>>
    %dma_start3A_921 = arith.constant 0 : i32
    %dma_start3A_922 = tpu.memref_slice %arg4[%sub3A_915, %dma_start3A_921] : memref<832x4096xf32, #tpu.memory_space<hbm>> -> memref<1x4096xf32, #tpu.memory_space<hbm>>
    %dma_start3A_923 = tpu.memref_squeeze %dma_start3A_922 : memref<1x4096xf32, #tpu.memory_space<hbm>> -> memref<4096xf32, #tpu.memory_space<hbm>>
    %dma_start3A_924 = arith.constant 0 : i32
    %dma_start3A_925 = tpu.memref_slice %arg7[%dma_start3A_924] : memref<8192xf32, #tpu.memory_space<vmem>> -> memref<4096xf32, #tpu.memory_space<vmem>>
    tpu.enqueue_dma source(%dma_start3A_925 : memref<4096xf32, #tpu.memory_space<vmem>>) target(%dma_start3A_923 : memref<4096xf32, #tpu.memory_space<hbm>>) target_semaphore(%arg9 : memref<!tpu.dma_semaphore, #tpu.memory_space<semaphore_mem>>)
    %add3A_926 = arith.constant 17 : i32
    %add3A_927 = arith.addi %add3A_4, %add3A_926 : i32
    %jit3A_928 = arith.constant 32 : i32
    %div3A_929 = arith.divsi %add3A_927, %jit3A_928 : i32
    %sign3A_930 = arith.constant 0 : i32
    %sign3A_931 = arith.cmpi sgt, %add3A_927, %sign3A_930 : i32
    %sign3A_932 = arith.extui %sign3A_931 : i1 to i32
    %sign3A_933 = arith.constant 0 : i32
    %sign3A_934 = arith.cmpi slt, %add3A_927, %sign3A_933 : i32
    %sign3A_935 = arith.extui %sign3A_934 : i1 to i32
    %sign3A_936 = arith.subi %sign3A_932, %sign3A_935 : i32
    %sign3A_937 = arith.constant 0 : i32
    %sign3A_938 = arith.cmpi sgt, %jit3A_928, %sign3A_937 : i32
    %sign3A_939 = arith.extui %sign3A_938 : i1 to i32
    %sign3A_940 = arith.constant 0 : i32
    %sign3A_941 = arith.cmpi slt, %jit3A_928, %sign3A_940 : i32
    %sign3A_942 = arith.extui %sign3A_941 : i1 to i32
    %sign3A_943 = arith.subi %sign3A_939, %sign3A_942 : i32
    %ne3A_944 = arith.cmpi ne, %sign3A_936, %sign3A_943 : i32
    %rem3A_945 = arith.remsi %add3A_927, %jit3A_928 : i32
    %ne3A_946 = arith.constant 0 : i32
    %ne3A_947 = arith.cmpi ne, %rem3A_945, %ne3A_946 : i32
    %and3A_948 = arith.andi %ne3A_944, %ne3A_947 : i1
    %sub3A_949 = arith.constant 1 : i32
    %sub3A_950 = arith.subi %div3A_929, %sub3A_949 : i32
    %select_n3A_951 = arith.select %and3A_948, %sub3A_950, %div3A_929 : i32
    %sub3A_952 = arith.subi %select_n3A_951, %select_n3A : i32
    %mul3A_953 = arith.constant 4096 : i32
    %mul3A_954 = arith.muli %sub3A_952, %mul3A_953 : i32
    "tpu.region"() ({
      %run_scoped3A = tpu.sem_alloc : memref<!tpu.dma_semaphore, #tpu.memory_space<semaphore_mem>>
      %dma_start3A_1432 = arith.constant 0 : i32
      %dma_start3A_1433 = tpu.memref_slice %arg3[%add3A_927, %dma_start3A_1432] : memref<832x100000xf32, #tpu.memory_space<hbm>> -> memref<1x100000xf32, #tpu.memory_space<hbm>>
      %dma_start3A_1434 = tpu.memref_squeeze %dma_start3A_1433 : memref<1x100000xf32, #tpu.memory_space<hbm>> -> memref<100000xf32, #tpu.memory_space<hbm>>
      %dma_start3A_1435 = arith.constant 0 : i32
      %dma_start3A_1436 = tpu.memref_slice %arg3[%add3A_927, %dma_start3A_1435] : memref<832x100000xf32, #tpu.memory_space<hbm>> -> memref<1x100000xf32, #tpu.memory_space<hbm>>
      %dma_start3A_1437 = tpu.memref_squeeze %dma_start3A_1436 : memref<1x100000xf32, #tpu.memory_space<hbm>> -> memref<100000xf32, #tpu.memory_space<hbm>>
      tpu.enqueue_dma source(%dma_start3A_1437 : memref<100000xf32, #tpu.memory_space<hbm>>) target(%arg6 : memref<100000xf32, #tpu.memory_space<vmem>>) target_semaphore(%run_scoped3A : memref<!tpu.dma_semaphore, #tpu.memory_space<semaphore_mem>>)
      %dma_wait3A_1438 = arith.constant 0 : i32
      %dma_wait3A_1439 = tpu.memref_slice %arg3[%add3A_927, %dma_wait3A_1438] : memref<832x100000xf32, #tpu.memory_space<hbm>> -> memref<1x100000xf32, #tpu.memory_space<hbm>>
      %dma_wait3A_1440 = tpu.memref_squeeze %dma_wait3A_1439 : memref<1x100000xf32, #tpu.memory_space<hbm>> -> memref<100000xf32, #tpu.memory_space<hbm>>
      %dma_wait3A_1441 = arith.constant 0 : i32
      %dma_wait3A_1442 = tpu.memref_slice %arg3[%add3A_927, %dma_wait3A_1441] : memref<832x100000xf32, #tpu.memory_space<hbm>> -> memref<1x100000xf32, #tpu.memory_space<hbm>>
      %dma_wait3A_1443 = tpu.memref_squeeze %dma_wait3A_1442 : memref<1x100000xf32, #tpu.memory_space<hbm>> -> memref<100000xf32, #tpu.memory_space<hbm>>
      tpu.wait_dma2 semaphore(%run_scoped3A : memref<!tpu.dma_semaphore, #tpu.memory_space<semaphore_mem>>) src(%dma_wait3A_1443 : memref<100000xf32, #tpu.memory_space<hbm>>) dst(%arg6 : memref<100000xf32, #tpu.memory_space<vmem>>)
      tpu.yield
    }) : () -> ()
    %dma_wait3A_955 = arith.constant 4096 : i32
    %dma_wait3A_956 = tpu.memref_slice %arg7[%dma_wait3A_955] : memref<8192xf32, #tpu.memory_space<vmem>> -> memref<4096xf32, #tpu.memory_space<vmem>>
    %dma_wait3A_957 = arith.constant 0 : i32
    %dma_wait3A_958 = tpu.memref_slice %arg4[%sub3A_861, %dma_wait3A_957] : memref<832x4096xf32, #tpu.memory_space<hbm>> -> memref<1x4096xf32, #tpu.memory_space<hbm>>
    %dma_wait3A_959 = tpu.memref_squeeze %dma_wait3A_958 : memref<1x4096xf32, #tpu.memory_space<hbm>> -> memref<4096xf32, #tpu.memory_space<hbm>>
    %dma_wait3A_960 = arith.constant 0 : i32
    %dma_wait3A_961 = tpu.memref_slice %arg4[%sub3A_861, %dma_wait3A_960] : memref<832x4096xf32, #tpu.memory_space<hbm>> -> memref<1x4096xf32, #tpu.memory_space<hbm>>
    %dma_wait3A_962 = tpu.memref_squeeze %dma_wait3A_961 : memref<1x4096xf32, #tpu.memory_space<hbm>> -> memref<4096xf32, #tpu.memory_space<hbm>>
    %dma_wait3A_963 = arith.constant 4096 : i32
    %dma_wait3A_964 = tpu.memref_slice %arg7[%dma_wait3A_963] : memref<8192xf32, #tpu.memory_space<vmem>> -> memref<4096xf32, #tpu.memory_space<vmem>>
    tpu.wait_dma2 semaphore(%arg9 : memref<!tpu.dma_semaphore, #tpu.memory_space<semaphore_mem>>) src(%dma_wait3A_964 : memref<4096xf32, #tpu.memory_space<vmem>>) dst(%dma_wait3A_962 : memref<4096xf32, #tpu.memory_space<hbm>>)
    %parallel_loop3A_965 = arith.constant 0 : i32
    %parallel_loop3A_966 = arith.constant 256 : i32
    %parallel_loop3A_967 = arith.constant 1 : i32
    scf.for %parallel_loop3A_1432 = %parallel_loop3A_965 to %parallel_loop3A_966 step %parallel_loop3A_967  : i32 {
      %parallel_loop3A_1433 = arith.constant 16 : i32
      %parallel_loop3A_1434 = arith.muli %parallel_loop3A_1432, %parallel_loop3A_1433 : i32
      %parallel_loop3A_1435 = arith.addi %mul3A_954, %parallel_loop3A_1434 : i32
      %parallel_loop3A_1436 = arith.index_cast %parallel_loop3A_1435 : i32 to index
      %parallel_loop3A_1437 = tpu.vector_load %arg5[%parallel_loop3A_1436] {strides = array<i32>} : memref<8192xi32, #tpu.memory_space<vmem>>, vector<16xi32>,
      %parallel_loop3A_1438 = tpu.vector_load_idx %arg6[%parallel_loop3A_1437] : memref<100000xf32, #tpu.memory_space<vmem>>[vector<16xi32>], vector<16xf32>,
      %parallel_loop3A_1439 = arith.constant 4096 : i32
      %parallel_loop3A_1440 = arith.addi %parallel_loop3A_1439, %parallel_loop3A_1434 : i32
      %parallel_loop3A_1441 = arith.index_cast %parallel_loop3A_1440 : i32 to index
      %parallel_loop3A_1442 = tpu.vector_load %arg7[%parallel_loop3A_1441] {strides = array<i32>} : memref<8192xf32, #tpu.memory_space<vmem>>, vector<16xf32>,
      tpu.vector_store %arg7[%parallel_loop3A_1441], %parallel_loop3A_1438 {strides = array<i32>} : memref<8192xf32, #tpu.memory_space<vmem>>, vector<16xf32>,
    } {sc.loop_unroll_factor = 8 : i64, sc.parallel_access}
    %sub3A_968 = arith.constant 0 : i32
    %sub3A_969 = arith.subi %add3A_927, %sub3A_968 : i32
    %dma_start3A_970 = arith.constant 4096 : i32
    %dma_start3A_971 = tpu.memref_slice %arg7[%dma_start3A_970] : memref<8192xf32, #tpu.memory_space<vmem>> -> memref<4096xf32, #tpu.memory_space<vmem>>
    %dma_start3A_972 = arith.constant 0 : i32
    %dma_start3A_973 = tpu.memref_slice %arg4[%sub3A_969, %dma_start3A_972] : memref<832x4096xf32, #tpu.memory_space<hbm>> -> memref<1x4096xf32, #tpu.memory_space<hbm>>
    %dma_start3A_974 = tpu.memref_squeeze %dma_start3A_973 : memref<1x4096xf32, #tpu.memory_space<hbm>> -> memref<4096xf32, #tpu.memory_space<hbm>>
    %dma_start3A_975 = arith.constant 0 : i32
    %dma_start3A_976 = tpu.memref_slice %arg4[%sub3A_969, %dma_start3A_975] : memref<832x4096xf32, #tpu.memory_space<hbm>> -> memref<1x4096xf32, #tpu.memory_space<hbm>>
    %dma_start3A_977 = tpu.memref_squeeze %dma_start3A_976 : memref<1x4096xf32, #tpu.memory_space<hbm>> -> memref<4096xf32, #tpu.memory_space<hbm>>
    %dma_start3A_978 = arith.constant 4096 : i32
    %dma_start3A_979 = tpu.memref_slice %arg7[%dma_start3A_978] : memref<8192xf32, #tpu.memory_space<vmem>> -> memref<4096xf32, #tpu.memory_space<vmem>>
    tpu.enqueue_dma source(%dma_start3A_979 : memref<4096xf32, #tpu.memory_space<vmem>>) target(%dma_start3A_977 : memref<4096xf32, #tpu.memory_space<hbm>>) target_semaphore(%arg9 : memref<!tpu.dma_semaphore, #tpu.memory_space<semaphore_mem>>)
    %add3A_980 = arith.constant 18 : i32
    %add3A_981 = arith.addi %add3A_4, %add3A_980 : i32
    %jit3A_982 = arith.constant 32 : i32
    %div3A_983 = arith.divsi %add3A_981, %jit3A_982 : i32
    %sign3A_984 = arith.constant 0 : i32
    %sign3A_985 = arith.cmpi sgt, %add3A_981, %sign3A_984 : i32
    %sign3A_986 = arith.extui %sign3A_985 : i1 to i32
    %sign3A_987 = arith.constant 0 : i32
    %sign3A_988 = arith.cmpi slt, %add3A_981, %sign3A_987 : i32
    %sign3A_989 = arith.extui %sign3A_988 : i1 to i32
    %sign3A_990 = arith.subi %sign3A_986, %sign3A_989 : i32
    %sign3A_991 = arith.constant 0 : i32
    %sign3A_992 = arith.cmpi sgt, %jit3A_982, %sign3A_991 : i32
    %sign3A_993 = arith.extui %sign3A_992 : i1 to i32
    %sign3A_994 = arith.constant 0 : i32
    %sign3A_995 = arith.cmpi slt, %jit3A_982, %sign3A_994 : i32
    %sign3A_996 = arith.extui %sign3A_995 : i1 to i32
    %sign3A_997 = arith.subi %sign3A_993, %sign3A_996 : i32
    %ne3A_998 = arith.cmpi ne, %sign3A_990, %sign3A_997 : i32
    %rem3A_999 = arith.remsi %add3A_981, %jit3A_982 : i32
    %ne3A_1000 = arith.constant 0 : i32
    %ne3A_1001 = arith.cmpi ne, %rem3A_999, %ne3A_1000 : i32
    %and3A_1002 = arith.andi %ne3A_998, %ne3A_1001 : i1
    %sub3A_1003 = arith.constant 1 : i32
    %sub3A_1004 = arith.subi %div3A_983, %sub3A_1003 : i32
    %select_n3A_1005 = arith.select %and3A_1002, %sub3A_1004, %div3A_983 : i32
    %sub3A_1006 = arith.subi %select_n3A_1005, %select_n3A : i32
    %mul3A_1007 = arith.constant 4096 : i32
    %mul3A_1008 = arith.muli %sub3A_1006, %mul3A_1007 : i32
    "tpu.region"() ({
      %run_scoped3A = tpu.sem_alloc : memref<!tpu.dma_semaphore, #tpu.memory_space<semaphore_mem>>
      %dma_start3A_1432 = arith.constant 0 : i32
      %dma_start3A_1433 = tpu.memref_slice %arg3[%add3A_981, %dma_start3A_1432] : memref<832x100000xf32, #tpu.memory_space<hbm>> -> memref<1x100000xf32, #tpu.memory_space<hbm>>
      %dma_start3A_1434 = tpu.memref_squeeze %dma_start3A_1433 : memref<1x100000xf32, #tpu.memory_space<hbm>> -> memref<100000xf32, #tpu.memory_space<hbm>>
      %dma_start3A_1435 = arith.constant 0 : i32
      %dma_start3A_1436 = tpu.memref_slice %arg3[%add3A_981, %dma_start3A_1435] : memref<832x100000xf32, #tpu.memory_space<hbm>> -> memref<1x100000xf32, #tpu.memory_space<hbm>>
      %dma_start3A_1437 = tpu.memref_squeeze %dma_start3A_1436 : memref<1x100000xf32, #tpu.memory_space<hbm>> -> memref<100000xf32, #tpu.memory_space<hbm>>
      tpu.enqueue_dma source(%dma_start3A_1437 : memref<100000xf32, #tpu.memory_space<hbm>>) target(%arg6 : memref<100000xf32, #tpu.memory_space<vmem>>) target_semaphore(%run_scoped3A : memref<!tpu.dma_semaphore, #tpu.memory_space<semaphore_mem>>)
      %dma_wait3A_1438 = arith.constant 0 : i32
      %dma_wait3A_1439 = tpu.memref_slice %arg3[%add3A_981, %dma_wait3A_1438] : memref<832x100000xf32, #tpu.memory_space<hbm>> -> memref<1x100000xf32, #tpu.memory_space<hbm>>
      %dma_wait3A_1440 = tpu.memref_squeeze %dma_wait3A_1439 : memref<1x100000xf32, #tpu.memory_space<hbm>> -> memref<100000xf32, #tpu.memory_space<hbm>>
      %dma_wait3A_1441 = arith.constant 0 : i32
      %dma_wait3A_1442 = tpu.memref_slice %arg3[%add3A_981, %dma_wait3A_1441] : memref<832x100000xf32, #tpu.memory_space<hbm>> -> memref<1x100000xf32, #tpu.memory_space<hbm>>
      %dma_wait3A_1443 = tpu.memref_squeeze %dma_wait3A_1442 : memref<1x100000xf32, #tpu.memory_space<hbm>> -> memref<100000xf32, #tpu.memory_space<hbm>>
      tpu.wait_dma2 semaphore(%run_scoped3A : memref<!tpu.dma_semaphore, #tpu.memory_space<semaphore_mem>>) src(%dma_wait3A_1443 : memref<100000xf32, #tpu.memory_space<hbm>>) dst(%arg6 : memref<100000xf32, #tpu.memory_space<vmem>>)
      tpu.yield
    }) : () -> ()
    %dma_wait3A_1009 = arith.constant 0 : i32
    %dma_wait3A_1010 = tpu.memref_slice %arg7[%dma_wait3A_1009] : memref<8192xf32, #tpu.memory_space<vmem>> -> memref<4096xf32, #tpu.memory_space<vmem>>
    %dma_wait3A_1011 = arith.constant 0 : i32
    %dma_wait3A_1012 = tpu.memref_slice %arg4[%sub3A_915, %dma_wait3A_1011] : memref<832x4096xf32, #tpu.memory_space<hbm>> -> memref<1x4096xf32, #tpu.memory_space<hbm>>
    %dma_wait3A_1013 = tpu.memref_squeeze %dma_wait3A_1012 : memref<1x4096xf32, #tpu.memory_space<hbm>> -> memref<4096xf32, #tpu.memory_space<hbm>>
    %dma_wait3A_1014 = arith.constant 0 : i32
    %dma_wait3A_1015 = tpu.memref_slice %arg4[%sub3A_915, %dma_wait3A_1014] : memref<832x4096xf32, #tpu.memory_space<hbm>> -> memref<1x4096xf32, #tpu.memory_space<hbm>>
    %dma_wait3A_1016 = tpu.memref_squeeze %dma_wait3A_1015 : memref<1x4096xf32, #tpu.memory_space<hbm>> -> memref<4096xf32, #tpu.memory_space<hbm>>
    %dma_wait3A_1017 = arith.constant 0 : i32
    %dma_wait3A_1018 = tpu.memref_slice %arg7[%dma_wait3A_1017] : memref<8192xf32, #tpu.memory_space<vmem>> -> memref<4096xf32, #tpu.memory_space<vmem>>
    tpu.wait_dma2 semaphore(%arg9 : memref<!tpu.dma_semaphore, #tpu.memory_space<semaphore_mem>>) src(%dma_wait3A_1018 : memref<4096xf32, #tpu.memory_space<vmem>>) dst(%dma_wait3A_1016 : memref<4096xf32, #tpu.memory_space<hbm>>)
    %parallel_loop3A_1019 = arith.constant 0 : i32
    %parallel_loop3A_1020 = arith.constant 256 : i32
    %parallel_loop3A_1021 = arith.constant 1 : i32
    scf.for %parallel_loop3A_1432 = %parallel_loop3A_1019 to %parallel_loop3A_1020 step %parallel_loop3A_1021  : i32 {
      %parallel_loop3A_1433 = arith.constant 16 : i32
      %parallel_loop3A_1434 = arith.muli %parallel_loop3A_1432, %parallel_loop3A_1433 : i32
      %parallel_loop3A_1435 = arith.addi %mul3A_1008, %parallel_loop3A_1434 : i32
      %parallel_loop3A_1436 = arith.index_cast %parallel_loop3A_1435 : i32 to index
      %parallel_loop3A_1437 = tpu.vector_load %arg5[%parallel_loop3A_1436] {strides = array<i32>} : memref<8192xi32, #tpu.memory_space<vmem>>, vector<16xi32>,
      %parallel_loop3A_1438 = tpu.vector_load_idx %arg6[%parallel_loop3A_1437] : memref<100000xf32, #tpu.memory_space<vmem>>[vector<16xi32>], vector<16xf32>,
      %parallel_loop3A_1439 = arith.constant 0 : i32
      %parallel_loop3A_1440 = arith.addi %parallel_loop3A_1439, %parallel_loop3A_1434 : i32
      %parallel_loop3A_1441 = arith.index_cast %parallel_loop3A_1440 : i32 to index
      %parallel_loop3A_1442 = tpu.vector_load %arg7[%parallel_loop3A_1441] {strides = array<i32>} : memref<8192xf32, #tpu.memory_space<vmem>>, vector<16xf32>,
      tpu.vector_store %arg7[%parallel_loop3A_1441], %parallel_loop3A_1438 {strides = array<i32>} : memref<8192xf32, #tpu.memory_space<vmem>>, vector<16xf32>,
    } {sc.loop_unroll_factor = 8 : i64, sc.parallel_access}
    %sub3A_1022 = arith.constant 0 : i32
    %sub3A_1023 = arith.subi %add3A_981, %sub3A_1022 : i32
    %dma_start3A_1024 = arith.constant 0 : i32
    %dma_start3A_1025 = tpu.memref_slice %arg7[%dma_start3A_1024] : memref<8192xf32, #tpu.memory_space<vmem>> -> memref<4096xf32, #tpu.memory_space<vmem>>
    %dma_start3A_1026 = arith.constant 0 : i32
    %dma_start3A_1027 = tpu.memref_slice %arg4[%sub3A_1023, %dma_start3A_1026] : memref<832x4096xf32, #tpu.memory_space<hbm>> -> memref<1x4096xf32, #tpu.memory_space<hbm>>
    %dma_start3A_1028 = tpu.memref_squeeze %dma_start3A_1027 : memref<1x4096xf32, #tpu.memory_space<hbm>> -> memref<4096xf32, #tpu.memory_space<hbm>>
    %dma_start3A_1029 = arith.constant 0 : i32
    %dma_start3A_1030 = tpu.memref_slice %arg4[%sub3A_1023, %dma_start3A_1029] : memref<832x4096xf32, #tpu.memory_space<hbm>> -> memref<1x4096xf32, #tpu.memory_space<hbm>>
    %dma_start3A_1031 = tpu.memref_squeeze %dma_start3A_1030 : memref<1x4096xf32, #tpu.memory_space<hbm>> -> memref<4096xf32, #tpu.memory_space<hbm>>
    %dma_start3A_1032 = arith.constant 0 : i32
    %dma_start3A_1033 = tpu.memref_slice %arg7[%dma_start3A_1032] : memref<8192xf32, #tpu.memory_space<vmem>> -> memref<4096xf32, #tpu.memory_space<vmem>>
    tpu.enqueue_dma source(%dma_start3A_1033 : memref<4096xf32, #tpu.memory_space<vmem>>) target(%dma_start3A_1031 : memref<4096xf32, #tpu.memory_space<hbm>>) target_semaphore(%arg9 : memref<!tpu.dma_semaphore, #tpu.memory_space<semaphore_mem>>)
    %add3A_1034 = arith.constant 19 : i32
    %add3A_1035 = arith.addi %add3A_4, %add3A_1034 : i32
    %jit3A_1036 = arith.constant 32 : i32
    %div3A_1037 = arith.divsi %add3A_1035, %jit3A_1036 : i32
    %sign3A_1038 = arith.constant 0 : i32
    %sign3A_1039 = arith.cmpi sgt, %add3A_1035, %sign3A_1038 : i32
    %sign3A_1040 = arith.extui %sign3A_1039 : i1 to i32
    %sign3A_1041 = arith.constant 0 : i32
    %sign3A_1042 = arith.cmpi slt, %add3A_1035, %sign3A_1041 : i32
    %sign3A_1043 = arith.extui %sign3A_1042 : i1 to i32
    %sign3A_1044 = arith.subi %sign3A_1040, %sign3A_1043 : i32
    %sign3A_1045 = arith.constant 0 : i32
    %sign3A_1046 = arith.cmpi sgt, %jit3A_1036, %sign3A_1045 : i32
    %sign3A_1047 = arith.extui %sign3A_1046 : i1 to i32
    %sign3A_1048 = arith.constant 0 : i32
    %sign3A_1049 = arith.cmpi slt, %jit3A_1036, %sign3A_1048 : i32
    %sign3A_1050 = arith.extui %sign3A_1049 : i1 to i32
    %sign3A_1051 = arith.subi %sign3A_1047, %sign3A_1050 : i32
    %ne3A_1052 = arith.cmpi ne, %sign3A_1044, %sign3A_1051 : i32
    %rem3A_1053 = arith.remsi %add3A_1035, %jit3A_1036 : i32
    %ne3A_1054 = arith.constant 0 : i32
    %ne3A_1055 = arith.cmpi ne, %rem3A_1053, %ne3A_1054 : i32
    %and3A_1056 = arith.andi %ne3A_1052, %ne3A_1055 : i1
    %sub3A_1057 = arith.constant 1 : i32
    %sub3A_1058 = arith.subi %div3A_1037, %sub3A_1057 : i32
    %select_n3A_1059 = arith.select %and3A_1056, %sub3A_1058, %div3A_1037 : i32
    %sub3A_1060 = arith.subi %select_n3A_1059, %select_n3A : i32
    %mul3A_1061 = arith.constant 4096 : i32
    %mul3A_1062 = arith.muli %sub3A_1060, %mul3A_1061 : i32
    "tpu.region"() ({
      %run_scoped3A = tpu.sem_alloc : memref<!tpu.dma_semaphore, #tpu.memory_space<semaphore_mem>>
      %dma_start3A_1432 = arith.constant 0 : i32
      %dma_start3A_1433 = tpu.memref_slice %arg3[%add3A_1035, %dma_start3A_1432] : memref<832x100000xf32, #tpu.memory_space<hbm>> -> memref<1x100000xf32, #tpu.memory_space<hbm>>
      %dma_start3A_1434 = tpu.memref_squeeze %dma_start3A_1433 : memref<1x100000xf32, #tpu.memory_space<hbm>> -> memref<100000xf32, #tpu.memory_space<hbm>>
      %dma_start3A_1435 = arith.constant 0 : i32
      %dma_start3A_1436 = tpu.memref_slice %arg3[%add3A_1035, %dma_start3A_1435] : memref<832x100000xf32, #tpu.memory_space<hbm>> -> memref<1x100000xf32, #tpu.memory_space<hbm>>
      %dma_start3A_1437 = tpu.memref_squeeze %dma_start3A_1436 : memref<1x100000xf32, #tpu.memory_space<hbm>> -> memref<100000xf32, #tpu.memory_space<hbm>>
      tpu.enqueue_dma source(%dma_start3A_1437 : memref<100000xf32, #tpu.memory_space<hbm>>) target(%arg6 : memref<100000xf32, #tpu.memory_space<vmem>>) target_semaphore(%run_scoped3A : memref<!tpu.dma_semaphore, #tpu.memory_space<semaphore_mem>>)
      %dma_wait3A_1438 = arith.constant 0 : i32
      %dma_wait3A_1439 = tpu.memref_slice %arg3[%add3A_1035, %dma_wait3A_1438] : memref<832x100000xf32, #tpu.memory_space<hbm>> -> memref<1x100000xf32, #tpu.memory_space<hbm>>
      %dma_wait3A_1440 = tpu.memref_squeeze %dma_wait3A_1439 : memref<1x100000xf32, #tpu.memory_space<hbm>> -> memref<100000xf32, #tpu.memory_space<hbm>>
      %dma_wait3A_1441 = arith.constant 0 : i32
      %dma_wait3A_1442 = tpu.memref_slice %arg3[%add3A_1035, %dma_wait3A_1441] : memref<832x100000xf32, #tpu.memory_space<hbm>> -> memref<1x100000xf32, #tpu.memory_space<hbm>>
      %dma_wait3A_1443 = tpu.memref_squeeze %dma_wait3A_1442 : memref<1x100000xf32, #tpu.memory_space<hbm>> -> memref<100000xf32, #tpu.memory_space<hbm>>
      tpu.wait_dma2 semaphore(%run_scoped3A : memref<!tpu.dma_semaphore, #tpu.memory_space<semaphore_mem>>) src(%dma_wait3A_1443 : memref<100000xf32, #tpu.memory_space<hbm>>) dst(%arg6 : memref<100000xf32, #tpu.memory_space<vmem>>)
      tpu.yield
    }) : () -> ()
    %dma_wait3A_1063 = arith.constant 4096 : i32
    %dma_wait3A_1064 = tpu.memref_slice %arg7[%dma_wait3A_1063] : memref<8192xf32, #tpu.memory_space<vmem>> -> memref<4096xf32, #tpu.memory_space<vmem>>
    %dma_wait3A_1065 = arith.constant 0 : i32
    %dma_wait3A_1066 = tpu.memref_slice %arg4[%sub3A_969, %dma_wait3A_1065] : memref<832x4096xf32, #tpu.memory_space<hbm>> -> memref<1x4096xf32, #tpu.memory_space<hbm>>
    %dma_wait3A_1067 = tpu.memref_squeeze %dma_wait3A_1066 : memref<1x4096xf32, #tpu.memory_space<hbm>> -> memref<4096xf32, #tpu.memory_space<hbm>>
    %dma_wait3A_1068 = arith.constant 0 : i32
    %dma_wait3A_1069 = tpu.memref_slice %arg4[%sub3A_969, %dma_wait3A_1068] : memref<832x4096xf32, #tpu.memory_space<hbm>> -> memref<1x4096xf32, #tpu.memory_space<hbm>>
    %dma_wait3A_1070 = tpu.memref_squeeze %dma_wait3A_1069 : memref<1x4096xf32, #tpu.memory_space<hbm>> -> memref<4096xf32, #tpu.memory_space<hbm>>
    %dma_wait3A_1071 = arith.constant 4096 : i32
    %dma_wait3A_1072 = tpu.memref_slice %arg7[%dma_wait3A_1071] : memref<8192xf32, #tpu.memory_space<vmem>> -> memref<4096xf32, #tpu.memory_space<vmem>>
    tpu.wait_dma2 semaphore(%arg9 : memref<!tpu.dma_semaphore, #tpu.memory_space<semaphore_mem>>) src(%dma_wait3A_1072 : memref<4096xf32, #tpu.memory_space<vmem>>) dst(%dma_wait3A_1070 : memref<4096xf32, #tpu.memory_space<hbm>>)
    %parallel_loop3A_1073 = arith.constant 0 : i32
    %parallel_loop3A_1074 = arith.constant 256 : i32
    %parallel_loop3A_1075 = arith.constant 1 : i32
    scf.for %parallel_loop3A_1432 = %parallel_loop3A_1073 to %parallel_loop3A_1074 step %parallel_loop3A_1075  : i32 {
      %parallel_loop3A_1433 = arith.constant 16 : i32
      %parallel_loop3A_1434 = arith.muli %parallel_loop3A_1432, %parallel_loop3A_1433 : i32
      %parallel_loop3A_1435 = arith.addi %mul3A_1062, %parallel_loop3A_1434 : i32
      %parallel_loop3A_1436 = arith.index_cast %parallel_loop3A_1435 : i32 to index
      %parallel_loop3A_1437 = tpu.vector_load %arg5[%parallel_loop3A_1436] {strides = array<i32>} : memref<8192xi32, #tpu.memory_space<vmem>>, vector<16xi32>,
      %parallel_loop3A_1438 = tpu.vector_load_idx %arg6[%parallel_loop3A_1437] : memref<100000xf32, #tpu.memory_space<vmem>>[vector<16xi32>], vector<16xf32>,
      %parallel_loop3A_1439 = arith.constant 4096 : i32
      %parallel_loop3A_1440 = arith.addi %parallel_loop3A_1439, %parallel_loop3A_1434 : i32
      %parallel_loop3A_1441 = arith.index_cast %parallel_loop3A_1440 : i32 to index
      %parallel_loop3A_1442 = tpu.vector_load %arg7[%parallel_loop3A_1441] {strides = array<i32>} : memref<8192xf32, #tpu.memory_space<vmem>>, vector<16xf32>,
      tpu.vector_store %arg7[%parallel_loop3A_1441], %parallel_loop3A_1438 {strides = array<i32>} : memref<8192xf32, #tpu.memory_space<vmem>>, vector<16xf32>,
    } {sc.loop_unroll_factor = 8 : i64, sc.parallel_access}
    %sub3A_1076 = arith.constant 0 : i32
    %sub3A_1077 = arith.subi %add3A_1035, %sub3A_1076 : i32
    %dma_start3A_1078 = arith.constant 4096 : i32
    %dma_start3A_1079 = tpu.memref_slice %arg7[%dma_start3A_1078] : memref<8192xf32, #tpu.memory_space<vmem>> -> memref<4096xf32, #tpu.memory_space<vmem>>
    %dma_start3A_1080 = arith.constant 0 : i32
    %dma_start3A_1081 = tpu.memref_slice %arg4[%sub3A_1077, %dma_start3A_1080] : memref<832x4096xf32, #tpu.memory_space<hbm>> -> memref<1x4096xf32, #tpu.memory_space<hbm>>
    %dma_start3A_1082 = tpu.memref_squeeze %dma_start3A_1081 : memref<1x4096xf32, #tpu.memory_space<hbm>> -> memref<4096xf32, #tpu.memory_space<hbm>>
    %dma_start3A_1083 = arith.constant 0 : i32
    %dma_start3A_1084 = tpu.memref_slice %arg4[%sub3A_1077, %dma_start3A_1083] : memref<832x4096xf32, #tpu.memory_space<hbm>> -> memref<1x4096xf32, #tpu.memory_space<hbm>>
    %dma_start3A_1085 = tpu.memref_squeeze %dma_start3A_1084 : memref<1x4096xf32, #tpu.memory_space<hbm>> -> memref<4096xf32, #tpu.memory_space<hbm>>
    %dma_start3A_1086 = arith.constant 4096 : i32
    %dma_start3A_1087 = tpu.memref_slice %arg7[%dma_start3A_1086] : memref<8192xf32, #tpu.memory_space<vmem>> -> memref<4096xf32, #tpu.memory_space<vmem>>
    tpu.enqueue_dma source(%dma_start3A_1087 : memref<4096xf32, #tpu.memory_space<vmem>>) target(%dma_start3A_1085 : memref<4096xf32, #tpu.memory_space<hbm>>) target_semaphore(%arg9 : memref<!tpu.dma_semaphore, #tpu.memory_space<semaphore_mem>>)
    %add3A_1088 = arith.constant 20 : i32
    %add3A_1089 = arith.addi %add3A_4, %add3A_1088 : i32
    %jit3A_1090 = arith.constant 32 : i32
    %div3A_1091 = arith.divsi %add3A_1089, %jit3A_1090 : i32
    %sign3A_1092 = arith.constant 0 : i32
    %sign3A_1093 = arith.cmpi sgt, %add3A_1089, %sign3A_1092 : i32
    %sign3A_1094 = arith.extui %sign3A_1093 : i1 to i32
    %sign3A_1095 = arith.constant 0 : i32
    %sign3A_1096 = arith.cmpi slt, %add3A_1089, %sign3A_1095 : i32
    %sign3A_1097 = arith.extui %sign3A_1096 : i1 to i32
    %sign3A_1098 = arith.subi %sign3A_1094, %sign3A_1097 : i32
    %sign3A_1099 = arith.constant 0 : i32
    %sign3A_1100 = arith.cmpi sgt, %jit3A_1090, %sign3A_1099 : i32
    %sign3A_1101 = arith.extui %sign3A_1100 : i1 to i32
    %sign3A_1102 = arith.constant 0 : i32
    %sign3A_1103 = arith.cmpi slt, %jit3A_1090, %sign3A_1102 : i32
    %sign3A_1104 = arith.extui %sign3A_1103 : i1 to i32
    %sign3A_1105 = arith.subi %sign3A_1101, %sign3A_1104 : i32
    %ne3A_1106 = arith.cmpi ne, %sign3A_1098, %sign3A_1105 : i32
    %rem3A_1107 = arith.remsi %add3A_1089, %jit3A_1090 : i32
    %ne3A_1108 = arith.constant 0 : i32
    %ne3A_1109 = arith.cmpi ne, %rem3A_1107, %ne3A_1108 : i32
    %and3A_1110 = arith.andi %ne3A_1106, %ne3A_1109 : i1
    %sub3A_1111 = arith.constant 1 : i32
    %sub3A_1112 = arith.subi %div3A_1091, %sub3A_1111 : i32
    %select_n3A_1113 = arith.select %and3A_1110, %sub3A_1112, %div3A_1091 : i32
    %sub3A_1114 = arith.subi %select_n3A_1113, %select_n3A : i32
    %mul3A_1115 = arith.constant 4096 : i32
    %mul3A_1116 = arith.muli %sub3A_1114, %mul3A_1115 : i32
    "tpu.region"() ({
      %run_scoped3A = tpu.sem_alloc : memref<!tpu.dma_semaphore, #tpu.memory_space<semaphore_mem>>
      %dma_start3A_1432 = arith.constant 0 : i32
      %dma_start3A_1433 = tpu.memref_slice %arg3[%add3A_1089, %dma_start3A_1432] : memref<832x100000xf32, #tpu.memory_space<hbm>> -> memref<1x100000xf32, #tpu.memory_space<hbm>>
      %dma_start3A_1434 = tpu.memref_squeeze %dma_start3A_1433 : memref<1x100000xf32, #tpu.memory_space<hbm>> -> memref<100000xf32, #tpu.memory_space<hbm>>
      %dma_start3A_1435 = arith.constant 0 : i32
      %dma_start3A_1436 = tpu.memref_slice %arg3[%add3A_1089, %dma_start3A_1435] : memref<832x100000xf32, #tpu.memory_space<hbm>> -> memref<1x100000xf32, #tpu.memory_space<hbm>>
      %dma_start3A_1437 = tpu.memref_squeeze %dma_start3A_1436 : memref<1x100000xf32, #tpu.memory_space<hbm>> -> memref<100000xf32, #tpu.memory_space<hbm>>
      tpu.enqueue_dma source(%dma_start3A_1437 : memref<100000xf32, #tpu.memory_space<hbm>>) target(%arg6 : memref<100000xf32, #tpu.memory_space<vmem>>) target_semaphore(%run_scoped3A : memref<!tpu.dma_semaphore, #tpu.memory_space<semaphore_mem>>)
      %dma_wait3A_1438 = arith.constant 0 : i32
      %dma_wait3A_1439 = tpu.memref_slice %arg3[%add3A_1089, %dma_wait3A_1438] : memref<832x100000xf32, #tpu.memory_space<hbm>> -> memref<1x100000xf32, #tpu.memory_space<hbm>>
      %dma_wait3A_1440 = tpu.memref_squeeze %dma_wait3A_1439 : memref<1x100000xf32, #tpu.memory_space<hbm>> -> memref<100000xf32, #tpu.memory_space<hbm>>
      %dma_wait3A_1441 = arith.constant 0 : i32
      %dma_wait3A_1442 = tpu.memref_slice %arg3[%add3A_1089, %dma_wait3A_1441] : memref<832x100000xf32, #tpu.memory_space<hbm>> -> memref<1x100000xf32, #tpu.memory_space<hbm>>
      %dma_wait3A_1443 = tpu.memref_squeeze %dma_wait3A_1442 : memref<1x100000xf32, #tpu.memory_space<hbm>> -> memref<100000xf32, #tpu.memory_space<hbm>>
      tpu.wait_dma2 semaphore(%run_scoped3A : memref<!tpu.dma_semaphore, #tpu.memory_space<semaphore_mem>>) src(%dma_wait3A_1443 : memref<100000xf32, #tpu.memory_space<hbm>>) dst(%arg6 : memref<100000xf32, #tpu.memory_space<vmem>>)
      tpu.yield
    }) : () -> ()
    %dma_wait3A_1117 = arith.constant 0 : i32
    %dma_wait3A_1118 = tpu.memref_slice %arg7[%dma_wait3A_1117] : memref<8192xf32, #tpu.memory_space<vmem>> -> memref<4096xf32, #tpu.memory_space<vmem>>
    %dma_wait3A_1119 = arith.constant 0 : i32
    %dma_wait3A_1120 = tpu.memref_slice %arg4[%sub3A_1023, %dma_wait3A_1119] : memref<832x4096xf32, #tpu.memory_space<hbm>> -> memref<1x4096xf32, #tpu.memory_space<hbm>>
    %dma_wait3A_1121 = tpu.memref_squeeze %dma_wait3A_1120 : memref<1x4096xf32, #tpu.memory_space<hbm>> -> memref<4096xf32, #tpu.memory_space<hbm>>
    %dma_wait3A_1122 = arith.constant 0 : i32
    %dma_wait3A_1123 = tpu.memref_slice %arg4[%sub3A_1023, %dma_wait3A_1122] : memref<832x4096xf32, #tpu.memory_space<hbm>> -> memref<1x4096xf32, #tpu.memory_space<hbm>>
    %dma_wait3A_1124 = tpu.memref_squeeze %dma_wait3A_1123 : memref<1x4096xf32, #tpu.memory_space<hbm>> -> memref<4096xf32, #tpu.memory_space<hbm>>
    %dma_wait3A_1125 = arith.constant 0 : i32
    %dma_wait3A_1126 = tpu.memref_slice %arg7[%dma_wait3A_1125] : memref<8192xf32, #tpu.memory_space<vmem>> -> memref<4096xf32, #tpu.memory_space<vmem>>
    tpu.wait_dma2 semaphore(%arg9 : memref<!tpu.dma_semaphore, #tpu.memory_space<semaphore_mem>>) src(%dma_wait3A_1126 : memref<4096xf32, #tpu.memory_space<vmem>>) dst(%dma_wait3A_1124 : memref<4096xf32, #tpu.memory_space<hbm>>)
    %parallel_loop3A_1127 = arith.constant 0 : i32
    %parallel_loop3A_1128 = arith.constant 256 : i32
    %parallel_loop3A_1129 = arith.constant 1 : i32
    scf.for %parallel_loop3A_1432 = %parallel_loop3A_1127 to %parallel_loop3A_1128 step %parallel_loop3A_1129  : i32 {
      %parallel_loop3A_1433 = arith.constant 16 : i32
      %parallel_loop3A_1434 = arith.muli %parallel_loop3A_1432, %parallel_loop3A_1433 : i32
      %parallel_loop3A_1435 = arith.addi %mul3A_1116, %parallel_loop3A_1434 : i32
      %parallel_loop3A_1436 = arith.index_cast %parallel_loop3A_1435 : i32 to index
      %parallel_loop3A_1437 = tpu.vector_load %arg5[%parallel_loop3A_1436] {strides = array<i32>} : memref<8192xi32, #tpu.memory_space<vmem>>, vector<16xi32>,
      %parallel_loop3A_1438 = tpu.vector_load_idx %arg6[%parallel_loop3A_1437] : memref<100000xf32, #tpu.memory_space<vmem>>[vector<16xi32>], vector<16xf32>,
      %parallel_loop3A_1439 = arith.constant 0 : i32
      %parallel_loop3A_1440 = arith.addi %parallel_loop3A_1439, %parallel_loop3A_1434 : i32
      %parallel_loop3A_1441 = arith.index_cast %parallel_loop3A_1440 : i32 to index
      %parallel_loop3A_1442 = tpu.vector_load %arg7[%parallel_loop3A_1441] {strides = array<i32>} : memref<8192xf32, #tpu.memory_space<vmem>>, vector<16xf32>,
      tpu.vector_store %arg7[%parallel_loop3A_1441], %parallel_loop3A_1438 {strides = array<i32>} : memref<8192xf32, #tpu.memory_space<vmem>>, vector<16xf32>,
    } {sc.loop_unroll_factor = 8 : i64, sc.parallel_access}
    %sub3A_1130 = arith.constant 0 : i32
    %sub3A_1131 = arith.subi %add3A_1089, %sub3A_1130 : i32
    %dma_start3A_1132 = arith.constant 0 : i32
    %dma_start3A_1133 = tpu.memref_slice %arg7[%dma_start3A_1132] : memref<8192xf32, #tpu.memory_space<vmem>> -> memref<4096xf32, #tpu.memory_space<vmem>>
    %dma_start3A_1134 = arith.constant 0 : i32
    %dma_start3A_1135 = tpu.memref_slice %arg4[%sub3A_1131, %dma_start3A_1134] : memref<832x4096xf32, #tpu.memory_space<hbm>> -> memref<1x4096xf32, #tpu.memory_space<hbm>>
    %dma_start3A_1136 = tpu.memref_squeeze %dma_start3A_1135 : memref<1x4096xf32, #tpu.memory_space<hbm>> -> memref<4096xf32, #tpu.memory_space<hbm>>
    %dma_start3A_1137 = arith.constant 0 : i32
    %dma_start3A_1138 = tpu.memref_slice %arg4[%sub3A_1131, %dma_start3A_1137] : memref<832x4096xf32, #tpu.memory_space<hbm>> -> memref<1x4096xf32, #tpu.memory_space<hbm>>
    %dma_start3A_1139 = tpu.memref_squeeze %dma_start3A_1138 : memref<1x4096xf32, #tpu.memory_space<hbm>> -> memref<4096xf32, #tpu.memory_space<hbm>>
    %dma_start3A_1140 = arith.constant 0 : i32
    %dma_start3A_1141 = tpu.memref_slice %arg7[%dma_start3A_1140] : memref<8192xf32, #tpu.memory_space<vmem>> -> memref<4096xf32, #tpu.memory_space<vmem>>
    tpu.enqueue_dma source(%dma_start3A_1141 : memref<4096xf32, #tpu.memory_space<vmem>>) target(%dma_start3A_1139 : memref<4096xf32, #tpu.memory_space<hbm>>) target_semaphore(%arg9 : memref<!tpu.dma_semaphore, #tpu.memory_space<semaphore_mem>>)
    %add3A_1142 = arith.constant 21 : i32
    %add3A_1143 = arith.addi %add3A_4, %add3A_1142 : i32
    %jit3A_1144 = arith.constant 32 : i32
    %div3A_1145 = arith.divsi %add3A_1143, %jit3A_1144 : i32
    %sign3A_1146 = arith.constant 0 : i32
    %sign3A_1147 = arith.cmpi sgt, %add3A_1143, %sign3A_1146 : i32
    %sign3A_1148 = arith.extui %sign3A_1147 : i1 to i32
    %sign3A_1149 = arith.constant 0 : i32
    %sign3A_1150 = arith.cmpi slt, %add3A_1143, %sign3A_1149 : i32
    %sign3A_1151 = arith.extui %sign3A_1150 : i1 to i32
    %sign3A_1152 = arith.subi %sign3A_1148, %sign3A_1151 : i32
    %sign3A_1153 = arith.constant 0 : i32
    %sign3A_1154 = arith.cmpi sgt, %jit3A_1144, %sign3A_1153 : i32
    %sign3A_1155 = arith.extui %sign3A_1154 : i1 to i32
    %sign3A_1156 = arith.constant 0 : i32
    %sign3A_1157 = arith.cmpi slt, %jit3A_1144, %sign3A_1156 : i32
    %sign3A_1158 = arith.extui %sign3A_1157 : i1 to i32
    %sign3A_1159 = arith.subi %sign3A_1155, %sign3A_1158 : i32
    %ne3A_1160 = arith.cmpi ne, %sign3A_1152, %sign3A_1159 : i32
    %rem3A_1161 = arith.remsi %add3A_1143, %jit3A_1144 : i32
    %ne3A_1162 = arith.constant 0 : i32
    %ne3A_1163 = arith.cmpi ne, %rem3A_1161, %ne3A_1162 : i32
    %and3A_1164 = arith.andi %ne3A_1160, %ne3A_1163 : i1
    %sub3A_1165 = arith.constant 1 : i32
    %sub3A_1166 = arith.subi %div3A_1145, %sub3A_1165 : i32
    %select_n3A_1167 = arith.select %and3A_1164, %sub3A_1166, %div3A_1145 : i32
    %sub3A_1168 = arith.subi %select_n3A_1167, %select_n3A : i32
    %mul3A_1169 = arith.constant 4096 : i32
    %mul3A_1170 = arith.muli %sub3A_1168, %mul3A_1169 : i32
    "tpu.region"() ({
      %run_scoped3A = tpu.sem_alloc : memref<!tpu.dma_semaphore, #tpu.memory_space<semaphore_mem>>
      %dma_start3A_1432 = arith.constant 0 : i32
      %dma_start3A_1433 = tpu.memref_slice %arg3[%add3A_1143, %dma_start3A_1432] : memref<832x100000xf32, #tpu.memory_space<hbm>> -> memref<1x100000xf32, #tpu.memory_space<hbm>>
      %dma_start3A_1434 = tpu.memref_squeeze %dma_start3A_1433 : memref<1x100000xf32, #tpu.memory_space<hbm>> -> memref<100000xf32, #tpu.memory_space<hbm>>
      %dma_start3A_1435 = arith.constant 0 : i32
      %dma_start3A_1436 = tpu.memref_slice %arg3[%add3A_1143, %dma_start3A_1435] : memref<832x100000xf32, #tpu.memory_space<hbm>> -> memref<1x100000xf32, #tpu.memory_space<hbm>>
      %dma_start3A_1437 = tpu.memref_squeeze %dma_start3A_1436 : memref<1x100000xf32, #tpu.memory_space<hbm>> -> memref<100000xf32, #tpu.memory_space<hbm>>
      tpu.enqueue_dma source(%dma_start3A_1437 : memref<100000xf32, #tpu.memory_space<hbm>>) target(%arg6 : memref<100000xf32, #tpu.memory_space<vmem>>) target_semaphore(%run_scoped3A : memref<!tpu.dma_semaphore, #tpu.memory_space<semaphore_mem>>)
      %dma_wait3A_1438 = arith.constant 0 : i32
      %dma_wait3A_1439 = tpu.memref_slice %arg3[%add3A_1143, %dma_wait3A_1438] : memref<832x100000xf32, #tpu.memory_space<hbm>> -> memref<1x100000xf32, #tpu.memory_space<hbm>>
      %dma_wait3A_1440 = tpu.memref_squeeze %dma_wait3A_1439 : memref<1x100000xf32, #tpu.memory_space<hbm>> -> memref<100000xf32, #tpu.memory_space<hbm>>
      %dma_wait3A_1441 = arith.constant 0 : i32
      %dma_wait3A_1442 = tpu.memref_slice %arg3[%add3A_1143, %dma_wait3A_1441] : memref<832x100000xf32, #tpu.memory_space<hbm>> -> memref<1x100000xf32, #tpu.memory_space<hbm>>
      %dma_wait3A_1443 = tpu.memref_squeeze %dma_wait3A_1442 : memref<1x100000xf32, #tpu.memory_space<hbm>> -> memref<100000xf32, #tpu.memory_space<hbm>>
      tpu.wait_dma2 semaphore(%run_scoped3A : memref<!tpu.dma_semaphore, #tpu.memory_space<semaphore_mem>>) src(%dma_wait3A_1443 : memref<100000xf32, #tpu.memory_space<hbm>>) dst(%arg6 : memref<100000xf32, #tpu.memory_space<vmem>>)
      tpu.yield
    }) : () -> ()
    %dma_wait3A_1171 = arith.constant 4096 : i32
    %dma_wait3A_1172 = tpu.memref_slice %arg7[%dma_wait3A_1171] : memref<8192xf32, #tpu.memory_space<vmem>> -> memref<4096xf32, #tpu.memory_space<vmem>>
    %dma_wait3A_1173 = arith.constant 0 : i32
    %dma_wait3A_1174 = tpu.memref_slice %arg4[%sub3A_1077, %dma_wait3A_1173] : memref<832x4096xf32, #tpu.memory_space<hbm>> -> memref<1x4096xf32, #tpu.memory_space<hbm>>
    %dma_wait3A_1175 = tpu.memref_squeeze %dma_wait3A_1174 : memref<1x4096xf32, #tpu.memory_space<hbm>> -> memref<4096xf32, #tpu.memory_space<hbm>>
    %dma_wait3A_1176 = arith.constant 0 : i32
    %dma_wait3A_1177 = tpu.memref_slice %arg4[%sub3A_1077, %dma_wait3A_1176] : memref<832x4096xf32, #tpu.memory_space<hbm>> -> memref<1x4096xf32, #tpu.memory_space<hbm>>
    %dma_wait3A_1178 = tpu.memref_squeeze %dma_wait3A_1177 : memref<1x4096xf32, #tpu.memory_space<hbm>> -> memref<4096xf32, #tpu.memory_space<hbm>>
    %dma_wait3A_1179 = arith.constant 4096 : i32
    %dma_wait3A_1180 = tpu.memref_slice %arg7[%dma_wait3A_1179] : memref<8192xf32, #tpu.memory_space<vmem>> -> memref<4096xf32, #tpu.memory_space<vmem>>
    tpu.wait_dma2 semaphore(%arg9 : memref<!tpu.dma_semaphore, #tpu.memory_space<semaphore_mem>>) src(%dma_wait3A_1180 : memref<4096xf32, #tpu.memory_space<vmem>>) dst(%dma_wait3A_1178 : memref<4096xf32, #tpu.memory_space<hbm>>)
    %parallel_loop3A_1181 = arith.constant 0 : i32
    %parallel_loop3A_1182 = arith.constant 256 : i32
    %parallel_loop3A_1183 = arith.constant 1 : i32
    scf.for %parallel_loop3A_1432 = %parallel_loop3A_1181 to %parallel_loop3A_1182 step %parallel_loop3A_1183  : i32 {
      %parallel_loop3A_1433 = arith.constant 16 : i32
      %parallel_loop3A_1434 = arith.muli %parallel_loop3A_1432, %parallel_loop3A_1433 : i32
      %parallel_loop3A_1435 = arith.addi %mul3A_1170, %parallel_loop3A_1434 : i32
      %parallel_loop3A_1436 = arith.index_cast %parallel_loop3A_1435 : i32 to index
      %parallel_loop3A_1437 = tpu.vector_load %arg5[%parallel_loop3A_1436] {strides = array<i32>} : memref<8192xi32, #tpu.memory_space<vmem>>, vector<16xi32>,
      %parallel_loop3A_1438 = tpu.vector_load_idx %arg6[%parallel_loop3A_1437] : memref<100000xf32, #tpu.memory_space<vmem>>[vector<16xi32>], vector<16xf32>,
      %parallel_loop3A_1439 = arith.constant 4096 : i32
      %parallel_loop3A_1440 = arith.addi %parallel_loop3A_1439, %parallel_loop3A_1434 : i32
      %parallel_loop3A_1441 = arith.index_cast %parallel_loop3A_1440 : i32 to index
      %parallel_loop3A_1442 = tpu.vector_load %arg7[%parallel_loop3A_1441] {strides = array<i32>} : memref<8192xf32, #tpu.memory_space<vmem>>, vector<16xf32>,
      tpu.vector_store %arg7[%parallel_loop3A_1441], %parallel_loop3A_1438 {strides = array<i32>} : memref<8192xf32, #tpu.memory_space<vmem>>, vector<16xf32>,
    } {sc.loop_unroll_factor = 8 : i64, sc.parallel_access}
    %sub3A_1184 = arith.constant 0 : i32
    %sub3A_1185 = arith.subi %add3A_1143, %sub3A_1184 : i32
    %dma_start3A_1186 = arith.constant 4096 : i32
    %dma_start3A_1187 = tpu.memref_slice %arg7[%dma_start3A_1186] : memref<8192xf32, #tpu.memory_space<vmem>> -> memref<4096xf32, #tpu.memory_space<vmem>>
    %dma_start3A_1188 = arith.constant 0 : i32
    %dma_start3A_1189 = tpu.memref_slice %arg4[%sub3A_1185, %dma_start3A_1188] : memref<832x4096xf32, #tpu.memory_space<hbm>> -> memref<1x4096xf32, #tpu.memory_space<hbm>>
    %dma_start3A_1190 = tpu.memref_squeeze %dma_start3A_1189 : memref<1x4096xf32, #tpu.memory_space<hbm>> -> memref<4096xf32, #tpu.memory_space<hbm>>
    %dma_start3A_1191 = arith.constant 0 : i32
    %dma_start3A_1192 = tpu.memref_slice %arg4[%sub3A_1185, %dma_start3A_1191] : memref<832x4096xf32, #tpu.memory_space<hbm>> -> memref<1x4096xf32, #tpu.memory_space<hbm>>
    %dma_start3A_1193 = tpu.memref_squeeze %dma_start3A_1192 : memref<1x4096xf32, #tpu.memory_space<hbm>> -> memref<4096xf32, #tpu.memory_space<hbm>>
    %dma_start3A_1194 = arith.constant 4096 : i32
    %dma_start3A_1195 = tpu.memref_slice %arg7[%dma_start3A_1194] : memref<8192xf32, #tpu.memory_space<vmem>> -> memref<4096xf32, #tpu.memory_space<vmem>>
    tpu.enqueue_dma source(%dma_start3A_1195 : memref<4096xf32, #tpu.memory_space<vmem>>) target(%dma_start3A_1193 : memref<4096xf32, #tpu.memory_space<hbm>>) target_semaphore(%arg9 : memref<!tpu.dma_semaphore, #tpu.memory_space<semaphore_mem>>)
    %add3A_1196 = arith.constant 22 : i32
    %add3A_1197 = arith.addi %add3A_4, %add3A_1196 : i32
    %jit3A_1198 = arith.constant 32 : i32
    %div3A_1199 = arith.divsi %add3A_1197, %jit3A_1198 : i32
    %sign3A_1200 = arith.constant 0 : i32
    %sign3A_1201 = arith.cmpi sgt, %add3A_1197, %sign3A_1200 : i32
    %sign3A_1202 = arith.extui %sign3A_1201 : i1 to i32
    %sign3A_1203 = arith.constant 0 : i32
    %sign3A_1204 = arith.cmpi slt, %add3A_1197, %sign3A_1203 : i32
    %sign3A_1205 = arith.extui %sign3A_1204 : i1 to i32
    %sign3A_1206 = arith.subi %sign3A_1202, %sign3A_1205 : i32
    %sign3A_1207 = arith.constant 0 : i32
    %sign3A_1208 = arith.cmpi sgt, %jit3A_1198, %sign3A_1207 : i32
    %sign3A_1209 = arith.extui %sign3A_1208 : i1 to i32
    %sign3A_1210 = arith.constant 0 : i32
    %sign3A_1211 = arith.cmpi slt, %jit3A_1198, %sign3A_1210 : i32
    %sign3A_1212 = arith.extui %sign3A_1211 : i1 to i32
    %sign3A_1213 = arith.subi %sign3A_1209, %sign3A_1212 : i32
    %ne3A_1214 = arith.cmpi ne, %sign3A_1206, %sign3A_1213 : i32
    %rem3A_1215 = arith.remsi %add3A_1197, %jit3A_1198 : i32
    %ne3A_1216 = arith.constant 0 : i32
    %ne3A_1217 = arith.cmpi ne, %rem3A_1215, %ne3A_1216 : i32
    %and3A_1218 = arith.andi %ne3A_1214, %ne3A_1217 : i1
    %sub3A_1219 = arith.constant 1 : i32
    %sub3A_1220 = arith.subi %div3A_1199, %sub3A_1219 : i32
    %select_n3A_1221 = arith.select %and3A_1218, %sub3A_1220, %div3A_1199 : i32
    %sub3A_1222 = arith.subi %select_n3A_1221, %select_n3A : i32
    %mul3A_1223 = arith.constant 4096 : i32
    %mul3A_1224 = arith.muli %sub3A_1222, %mul3A_1223 : i32
    "tpu.region"() ({
      %run_scoped3A = tpu.sem_alloc : memref<!tpu.dma_semaphore, #tpu.memory_space<semaphore_mem>>
      %dma_start3A_1432 = arith.constant 0 : i32
      %dma_start3A_1433 = tpu.memref_slice %arg3[%add3A_1197, %dma_start3A_1432] : memref<832x100000xf32, #tpu.memory_space<hbm>> -> memref<1x100000xf32, #tpu.memory_space<hbm>>
      %dma_start3A_1434 = tpu.memref_squeeze %dma_start3A_1433 : memref<1x100000xf32, #tpu.memory_space<hbm>> -> memref<100000xf32, #tpu.memory_space<hbm>>
      %dma_start3A_1435 = arith.constant 0 : i32
      %dma_start3A_1436 = tpu.memref_slice %arg3[%add3A_1197, %dma_start3A_1435] : memref<832x100000xf32, #tpu.memory_space<hbm>> -> memref<1x100000xf32, #tpu.memory_space<hbm>>
      %dma_start3A_1437 = tpu.memref_squeeze %dma_start3A_1436 : memref<1x100000xf32, #tpu.memory_space<hbm>> -> memref<100000xf32, #tpu.memory_space<hbm>>
      tpu.enqueue_dma source(%dma_start3A_1437 : memref<100000xf32, #tpu.memory_space<hbm>>) target(%arg6 : memref<100000xf32, #tpu.memory_space<vmem>>) target_semaphore(%run_scoped3A : memref<!tpu.dma_semaphore, #tpu.memory_space<semaphore_mem>>)
      %dma_wait3A_1438 = arith.constant 0 : i32
      %dma_wait3A_1439 = tpu.memref_slice %arg3[%add3A_1197, %dma_wait3A_1438] : memref<832x100000xf32, #tpu.memory_space<hbm>> -> memref<1x100000xf32, #tpu.memory_space<hbm>>
      %dma_wait3A_1440 = tpu.memref_squeeze %dma_wait3A_1439 : memref<1x100000xf32, #tpu.memory_space<hbm>> -> memref<100000xf32, #tpu.memory_space<hbm>>
      %dma_wait3A_1441 = arith.constant 0 : i32
      %dma_wait3A_1442 = tpu.memref_slice %arg3[%add3A_1197, %dma_wait3A_1441] : memref<832x100000xf32, #tpu.memory_space<hbm>> -> memref<1x100000xf32, #tpu.memory_space<hbm>>
      %dma_wait3A_1443 = tpu.memref_squeeze %dma_wait3A_1442 : memref<1x100000xf32, #tpu.memory_space<hbm>> -> memref<100000xf32, #tpu.memory_space<hbm>>
      tpu.wait_dma2 semaphore(%run_scoped3A : memref<!tpu.dma_semaphore, #tpu.memory_space<semaphore_mem>>) src(%dma_wait3A_1443 : memref<100000xf32, #tpu.memory_space<hbm>>) dst(%arg6 : memref<100000xf32, #tpu.memory_space<vmem>>)
      tpu.yield
    }) : () -> ()
    %dma_wait3A_1225 = arith.constant 0 : i32
    %dma_wait3A_1226 = tpu.memref_slice %arg7[%dma_wait3A_1225] : memref<8192xf32, #tpu.memory_space<vmem>> -> memref<4096xf32, #tpu.memory_space<vmem>>
    %dma_wait3A_1227 = arith.constant 0 : i32
    %dma_wait3A_1228 = tpu.memref_slice %arg4[%sub3A_1131, %dma_wait3A_1227] : memref<832x4096xf32, #tpu.memory_space<hbm>> -> memref<1x4096xf32, #tpu.memory_space<hbm>>
    %dma_wait3A_1229 = tpu.memref_squeeze %dma_wait3A_1228 : memref<1x4096xf32, #tpu.memory_space<hbm>> -> memref<4096xf32, #tpu.memory_space<hbm>>
    %dma_wait3A_1230 = arith.constant 0 : i32
    %dma_wait3A_1231 = tpu.memref_slice %arg4[%sub3A_1131, %dma_wait3A_1230] : memref<832x4096xf32, #tpu.memory_space<hbm>> -> memref<1x4096xf32, #tpu.memory_space<hbm>>
    %dma_wait3A_1232 = tpu.memref_squeeze %dma_wait3A_1231 : memref<1x4096xf32, #tpu.memory_space<hbm>> -> memref<4096xf32, #tpu.memory_space<hbm>>
    %dma_wait3A_1233 = arith.constant 0 : i32
    %dma_wait3A_1234 = tpu.memref_slice %arg7[%dma_wait3A_1233] : memref<8192xf32, #tpu.memory_space<vmem>> -> memref<4096xf32, #tpu.memory_space<vmem>>
    tpu.wait_dma2 semaphore(%arg9 : memref<!tpu.dma_semaphore, #tpu.memory_space<semaphore_mem>>) src(%dma_wait3A_1234 : memref<4096xf32, #tpu.memory_space<vmem>>) dst(%dma_wait3A_1232 : memref<4096xf32, #tpu.memory_space<hbm>>)
    %parallel_loop3A_1235 = arith.constant 0 : i32
    %parallel_loop3A_1236 = arith.constant 256 : i32
    %parallel_loop3A_1237 = arith.constant 1 : i32
    scf.for %parallel_loop3A_1432 = %parallel_loop3A_1235 to %parallel_loop3A_1236 step %parallel_loop3A_1237  : i32 {
      %parallel_loop3A_1433 = arith.constant 16 : i32
      %parallel_loop3A_1434 = arith.muli %parallel_loop3A_1432, %parallel_loop3A_1433 : i32
      %parallel_loop3A_1435 = arith.addi %mul3A_1224, %parallel_loop3A_1434 : i32
      %parallel_loop3A_1436 = arith.index_cast %parallel_loop3A_1435 : i32 to index
      %parallel_loop3A_1437 = tpu.vector_load %arg5[%parallel_loop3A_1436] {strides = array<i32>} : memref<8192xi32, #tpu.memory_space<vmem>>, vector<16xi32>,
      %parallel_loop3A_1438 = tpu.vector_load_idx %arg6[%parallel_loop3A_1437] : memref<100000xf32, #tpu.memory_space<vmem>>[vector<16xi32>], vector<16xf32>,
      %parallel_loop3A_1439 = arith.constant 0 : i32
      %parallel_loop3A_1440 = arith.addi %parallel_loop3A_1439, %parallel_loop3A_1434 : i32
      %parallel_loop3A_1441 = arith.index_cast %parallel_loop3A_1440 : i32 to index
      %parallel_loop3A_1442 = tpu.vector_load %arg7[%parallel_loop3A_1441] {strides = array<i32>} : memref<8192xf32, #tpu.memory_space<vmem>>, vector<16xf32>,
      tpu.vector_store %arg7[%parallel_loop3A_1441], %parallel_loop3A_1438 {strides = array<i32>} : memref<8192xf32, #tpu.memory_space<vmem>>, vector<16xf32>,
    } {sc.loop_unroll_factor = 8 : i64, sc.parallel_access}
    %sub3A_1238 = arith.constant 0 : i32
    %sub3A_1239 = arith.subi %add3A_1197, %sub3A_1238 : i32
    %dma_start3A_1240 = arith.constant 0 : i32
    %dma_start3A_1241 = tpu.memref_slice %arg7[%dma_start3A_1240] : memref<8192xf32, #tpu.memory_space<vmem>> -> memref<4096xf32, #tpu.memory_space<vmem>>
    %dma_start3A_1242 = arith.constant 0 : i32
    %dma_start3A_1243 = tpu.memref_slice %arg4[%sub3A_1239, %dma_start3A_1242] : memref<832x4096xf32, #tpu.memory_space<hbm>> -> memref<1x4096xf32, #tpu.memory_space<hbm>>
    %dma_start3A_1244 = tpu.memref_squeeze %dma_start3A_1243 : memref<1x4096xf32, #tpu.memory_space<hbm>> -> memref<4096xf32, #tpu.memory_space<hbm>>
    %dma_start3A_1245 = arith.constant 0 : i32
    %dma_start3A_1246 = tpu.memref_slice %arg4[%sub3A_1239, %dma_start3A_1245] : memref<832x4096xf32, #tpu.memory_space<hbm>> -> memref<1x4096xf32, #tpu.memory_space<hbm>>
    %dma_start3A_1247 = tpu.memref_squeeze %dma_start3A_1246 : memref<1x4096xf32, #tpu.memory_space<hbm>> -> memref<4096xf32, #tpu.memory_space<hbm>>
    %dma_start3A_1248 = arith.constant 0 : i32
    %dma_start3A_1249 = tpu.memref_slice %arg7[%dma_start3A_1248] : memref<8192xf32, #tpu.memory_space<vmem>> -> memref<4096xf32, #tpu.memory_space<vmem>>
    tpu.enqueue_dma source(%dma_start3A_1249 : memref<4096xf32, #tpu.memory_space<vmem>>) target(%dma_start3A_1247 : memref<4096xf32, #tpu.memory_space<hbm>>) target_semaphore(%arg9 : memref<!tpu.dma_semaphore, #tpu.memory_space<semaphore_mem>>)
    %add3A_1250 = arith.constant 23 : i32
    %add3A_1251 = arith.addi %add3A_4, %add3A_1250 : i32
    %jit3A_1252 = arith.constant 32 : i32
    %div3A_1253 = arith.divsi %add3A_1251, %jit3A_1252 : i32
    %sign3A_1254 = arith.constant 0 : i32
    %sign3A_1255 = arith.cmpi sgt, %add3A_1251, %sign3A_1254 : i32
    %sign3A_1256 = arith.extui %sign3A_1255 : i1 to i32
    %sign3A_1257 = arith.constant 0 : i32
    %sign3A_1258 = arith.cmpi slt, %add3A_1251, %sign3A_1257 : i32
    %sign3A_1259 = arith.extui %sign3A_1258 : i1 to i32
    %sign3A_1260 = arith.subi %sign3A_1256, %sign3A_1259 : i32
    %sign3A_1261 = arith.constant 0 : i32
    %sign3A_1262 = arith.cmpi sgt, %jit3A_1252, %sign3A_1261 : i32
    %sign3A_1263 = arith.extui %sign3A_1262 : i1 to i32
    %sign3A_1264 = arith.constant 0 : i32
    %sign3A_1265 = arith.cmpi slt, %jit3A_1252, %sign3A_1264 : i32
    %sign3A_1266 = arith.extui %sign3A_1265 : i1 to i32
    %sign3A_1267 = arith.subi %sign3A_1263, %sign3A_1266 : i32
    %ne3A_1268 = arith.cmpi ne, %sign3A_1260, %sign3A_1267 : i32
    %rem3A_1269 = arith.remsi %add3A_1251, %jit3A_1252 : i32
    %ne3A_1270 = arith.constant 0 : i32
    %ne3A_1271 = arith.cmpi ne, %rem3A_1269, %ne3A_1270 : i32
    %and3A_1272 = arith.andi %ne3A_1268, %ne3A_1271 : i1
    %sub3A_1273 = arith.constant 1 : i32
    %sub3A_1274 = arith.subi %div3A_1253, %sub3A_1273 : i32
    %select_n3A_1275 = arith.select %and3A_1272, %sub3A_1274, %div3A_1253 : i32
    %sub3A_1276 = arith.subi %select_n3A_1275, %select_n3A : i32
    %mul3A_1277 = arith.constant 4096 : i32
    %mul3A_1278 = arith.muli %sub3A_1276, %mul3A_1277 : i32
    "tpu.region"() ({
      %run_scoped3A = tpu.sem_alloc : memref<!tpu.dma_semaphore, #tpu.memory_space<semaphore_mem>>
      %dma_start3A_1432 = arith.constant 0 : i32
      %dma_start3A_1433 = tpu.memref_slice %arg3[%add3A_1251, %dma_start3A_1432] : memref<832x100000xf32, #tpu.memory_space<hbm>> -> memref<1x100000xf32, #tpu.memory_space<hbm>>
      %dma_start3A_1434 = tpu.memref_squeeze %dma_start3A_1433 : memref<1x100000xf32, #tpu.memory_space<hbm>> -> memref<100000xf32, #tpu.memory_space<hbm>>
      %dma_start3A_1435 = arith.constant 0 : i32
      %dma_start3A_1436 = tpu.memref_slice %arg3[%add3A_1251, %dma_start3A_1435] : memref<832x100000xf32, #tpu.memory_space<hbm>> -> memref<1x100000xf32, #tpu.memory_space<hbm>>
      %dma_start3A_1437 = tpu.memref_squeeze %dma_start3A_1436 : memref<1x100000xf32, #tpu.memory_space<hbm>> -> memref<100000xf32, #tpu.memory_space<hbm>>
      tpu.enqueue_dma source(%dma_start3A_1437 : memref<100000xf32, #tpu.memory_space<hbm>>) target(%arg6 : memref<100000xf32, #tpu.memory_space<vmem>>) target_semaphore(%run_scoped3A : memref<!tpu.dma_semaphore, #tpu.memory_space<semaphore_mem>>)
      %dma_wait3A_1438 = arith.constant 0 : i32
      %dma_wait3A_1439 = tpu.memref_slice %arg3[%add3A_1251, %dma_wait3A_1438] : memref<832x100000xf32, #tpu.memory_space<hbm>> -> memref<1x100000xf32, #tpu.memory_space<hbm>>
      %dma_wait3A_1440 = tpu.memref_squeeze %dma_wait3A_1439 : memref<1x100000xf32, #tpu.memory_space<hbm>> -> memref<100000xf32, #tpu.memory_space<hbm>>
      %dma_wait3A_1441 = arith.constant 0 : i32
      %dma_wait3A_1442 = tpu.memref_slice %arg3[%add3A_1251, %dma_wait3A_1441] : memref<832x100000xf32, #tpu.memory_space<hbm>> -> memref<1x100000xf32, #tpu.memory_space<hbm>>
      %dma_wait3A_1443 = tpu.memref_squeeze %dma_wait3A_1442 : memref<1x100000xf32, #tpu.memory_space<hbm>> -> memref<100000xf32, #tpu.memory_space<hbm>>
      tpu.wait_dma2 semaphore(%run_scoped3A : memref<!tpu.dma_semaphore, #tpu.memory_space<semaphore_mem>>) src(%dma_wait3A_1443 : memref<100000xf32, #tpu.memory_space<hbm>>) dst(%arg6 : memref<100000xf32, #tpu.memory_space<vmem>>)
      tpu.yield
    }) : () -> ()
    %dma_wait3A_1279 = arith.constant 4096 : i32
    %dma_wait3A_1280 = tpu.memref_slice %arg7[%dma_wait3A_1279] : memref<8192xf32, #tpu.memory_space<vmem>> -> memref<4096xf32, #tpu.memory_space<vmem>>
    %dma_wait3A_1281 = arith.constant 0 : i32
    %dma_wait3A_1282 = tpu.memref_slice %arg4[%sub3A_1185, %dma_wait3A_1281] : memref<832x4096xf32, #tpu.memory_space<hbm>> -> memref<1x4096xf32, #tpu.memory_space<hbm>>
    %dma_wait3A_1283 = tpu.memref_squeeze %dma_wait3A_1282 : memref<1x4096xf32, #tpu.memory_space<hbm>> -> memref<4096xf32, #tpu.memory_space<hbm>>
    %dma_wait3A_1284 = arith.constant 0 : i32
    %dma_wait3A_1285 = tpu.memref_slice %arg4[%sub3A_1185, %dma_wait3A_1284] : memref<832x4096xf32, #tpu.memory_space<hbm>> -> memref<1x4096xf32, #tpu.memory_space<hbm>>
    %dma_wait3A_1286 = tpu.memref_squeeze %dma_wait3A_1285 : memref<1x4096xf32, #tpu.memory_space<hbm>> -> memref<4096xf32, #tpu.memory_space<hbm>>
    %dma_wait3A_1287 = arith.constant 4096 : i32
    %dma_wait3A_1288 = tpu.memref_slice %arg7[%dma_wait3A_1287] : memref<8192xf32, #tpu.memory_space<vmem>> -> memref<4096xf32, #tpu.memory_space<vmem>>
    tpu.wait_dma2 semaphore(%arg9 : memref<!tpu.dma_semaphore, #tpu.memory_space<semaphore_mem>>) src(%dma_wait3A_1288 : memref<4096xf32, #tpu.memory_space<vmem>>) dst(%dma_wait3A_1286 : memref<4096xf32, #tpu.memory_space<hbm>>)
    %parallel_loop3A_1289 = arith.constant 0 : i32
    %parallel_loop3A_1290 = arith.constant 256 : i32
    %parallel_loop3A_1291 = arith.constant 1 : i32
    scf.for %parallel_loop3A_1432 = %parallel_loop3A_1289 to %parallel_loop3A_1290 step %parallel_loop3A_1291  : i32 {
      %parallel_loop3A_1433 = arith.constant 16 : i32
      %parallel_loop3A_1434 = arith.muli %parallel_loop3A_1432, %parallel_loop3A_1433 : i32
      %parallel_loop3A_1435 = arith.addi %mul3A_1278, %parallel_loop3A_1434 : i32
      %parallel_loop3A_1436 = arith.index_cast %parallel_loop3A_1435 : i32 to index
      %parallel_loop3A_1437 = tpu.vector_load %arg5[%parallel_loop3A_1436] {strides = array<i32>} : memref<8192xi32, #tpu.memory_space<vmem>>, vector<16xi32>,
      %parallel_loop3A_1438 = tpu.vector_load_idx %arg6[%parallel_loop3A_1437] : memref<100000xf32, #tpu.memory_space<vmem>>[vector<16xi32>], vector<16xf32>,
      %parallel_loop3A_1439 = arith.constant 4096 : i32
      %parallel_loop3A_1440 = arith.addi %parallel_loop3A_1439, %parallel_loop3A_1434 : i32
      %parallel_loop3A_1441 = arith.index_cast %parallel_loop3A_1440 : i32 to index
      %parallel_loop3A_1442 = tpu.vector_load %arg7[%parallel_loop3A_1441] {strides = array<i32>} : memref<8192xf32, #tpu.memory_space<vmem>>, vector<16xf32>,
      tpu.vector_store %arg7[%parallel_loop3A_1441], %parallel_loop3A_1438 {strides = array<i32>} : memref<8192xf32, #tpu.memory_space<vmem>>, vector<16xf32>,
    } {sc.loop_unroll_factor = 8 : i64, sc.parallel_access}
    %sub3A_1292 = arith.constant 0 : i32
    %sub3A_1293 = arith.subi %add3A_1251, %sub3A_1292 : i32
    %dma_start3A_1294 = arith.constant 4096 : i32
    %dma_start3A_1295 = tpu.memref_slice %arg7[%dma_start3A_1294] : memref<8192xf32, #tpu.memory_space<vmem>> -> memref<4096xf32, #tpu.memory_space<vmem>>
    %dma_start3A_1296 = arith.constant 0 : i32
    %dma_start3A_1297 = tpu.memref_slice %arg4[%sub3A_1293, %dma_start3A_1296] : memref<832x4096xf32, #tpu.memory_space<hbm>> -> memref<1x4096xf32, #tpu.memory_space<hbm>>
    %dma_start3A_1298 = tpu.memref_squeeze %dma_start3A_1297 : memref<1x4096xf32, #tpu.memory_space<hbm>> -> memref<4096xf32, #tpu.memory_space<hbm>>
    %dma_start3A_1299 = arith.constant 0 : i32
    %dma_start3A_1300 = tpu.memref_slice %arg4[%sub3A_1293, %dma_start3A_1299] : memref<832x4096xf32, #tpu.memory_space<hbm>> -> memref<1x4096xf32, #tpu.memory_space<hbm>>
    %dma_start3A_1301 = tpu.memref_squeeze %dma_start3A_1300 : memref<1x4096xf32, #tpu.memory_space<hbm>> -> memref<4096xf32, #tpu.memory_space<hbm>>
    %dma_start3A_1302 = arith.constant 4096 : i32
    %dma_start3A_1303 = tpu.memref_slice %arg7[%dma_start3A_1302] : memref<8192xf32, #tpu.memory_space<vmem>> -> memref<4096xf32, #tpu.memory_space<vmem>>
    tpu.enqueue_dma source(%dma_start3A_1303 : memref<4096xf32, #tpu.memory_space<vmem>>) target(%dma_start3A_1301 : memref<4096xf32, #tpu.memory_space<hbm>>) target_semaphore(%arg9 : memref<!tpu.dma_semaphore, #tpu.memory_space<semaphore_mem>>)
    %add3A_1304 = arith.constant 24 : i32
    %add3A_1305 = arith.addi %add3A_4, %add3A_1304 : i32
    %jit3A_1306 = arith.constant 32 : i32
    %div3A_1307 = arith.divsi %add3A_1305, %jit3A_1306 : i32
    %sign3A_1308 = arith.constant 0 : i32
    %sign3A_1309 = arith.cmpi sgt, %add3A_1305, %sign3A_1308 : i32
    %sign3A_1310 = arith.extui %sign3A_1309 : i1 to i32
    %sign3A_1311 = arith.constant 0 : i32
    %sign3A_1312 = arith.cmpi slt, %add3A_1305, %sign3A_1311 : i32
    %sign3A_1313 = arith.extui %sign3A_1312 : i1 to i32
    %sign3A_1314 = arith.subi %sign3A_1310, %sign3A_1313 : i32
    %sign3A_1315 = arith.constant 0 : i32
    %sign3A_1316 = arith.cmpi sgt, %jit3A_1306, %sign3A_1315 : i32
    %sign3A_1317 = arith.extui %sign3A_1316 : i1 to i32
    %sign3A_1318 = arith.constant 0 : i32
    %sign3A_1319 = arith.cmpi slt, %jit3A_1306, %sign3A_1318 : i32
    %sign3A_1320 = arith.extui %sign3A_1319 : i1 to i32
    %sign3A_1321 = arith.subi %sign3A_1317, %sign3A_1320 : i32
    %ne3A_1322 = arith.cmpi ne, %sign3A_1314, %sign3A_1321 : i32
    %rem3A_1323 = arith.remsi %add3A_1305, %jit3A_1306 : i32
    %ne3A_1324 = arith.constant 0 : i32
    %ne3A_1325 = arith.cmpi ne, %rem3A_1323, %ne3A_1324 : i32
    %and3A_1326 = arith.andi %ne3A_1322, %ne3A_1325 : i1
    %sub3A_1327 = arith.constant 1 : i32
    %sub3A_1328 = arith.subi %div3A_1307, %sub3A_1327 : i32
    %select_n3A_1329 = arith.select %and3A_1326, %sub3A_1328, %div3A_1307 : i32
    %sub3A_1330 = arith.subi %select_n3A_1329, %select_n3A : i32
    %mul3A_1331 = arith.constant 4096 : i32
    %mul3A_1332 = arith.muli %sub3A_1330, %mul3A_1331 : i32
    "tpu.region"() ({
      %run_scoped3A = tpu.sem_alloc : memref<!tpu.dma_semaphore, #tpu.memory_space<semaphore_mem>>
      %dma_start3A_1432 = arith.constant 0 : i32
      %dma_start3A_1433 = tpu.memref_slice %arg3[%add3A_1305, %dma_start3A_1432] : memref<832x100000xf32, #tpu.memory_space<hbm>> -> memref<1x100000xf32, #tpu.memory_space<hbm>>
      %dma_start3A_1434 = tpu.memref_squeeze %dma_start3A_1433 : memref<1x100000xf32, #tpu.memory_space<hbm>> -> memref<100000xf32, #tpu.memory_space<hbm>>
      %dma_start3A_1435 = arith.constant 0 : i32
      %dma_start3A_1436 = tpu.memref_slice %arg3[%add3A_1305, %dma_start3A_1435] : memref<832x100000xf32, #tpu.memory_space<hbm>> -> memref<1x100000xf32, #tpu.memory_space<hbm>>
      %dma_start3A_1437 = tpu.memref_squeeze %dma_start3A_1436 : memref<1x100000xf32, #tpu.memory_space<hbm>> -> memref<100000xf32, #tpu.memory_space<hbm>>
      tpu.enqueue_dma source(%dma_start3A_1437 : memref<100000xf32, #tpu.memory_space<hbm>>) target(%arg6 : memref<100000xf32, #tpu.memory_space<vmem>>) target_semaphore(%run_scoped3A : memref<!tpu.dma_semaphore, #tpu.memory_space<semaphore_mem>>)
      %dma_wait3A_1438 = arith.constant 0 : i32
      %dma_wait3A_1439 = tpu.memref_slice %arg3[%add3A_1305, %dma_wait3A_1438] : memref<832x100000xf32, #tpu.memory_space<hbm>> -> memref<1x100000xf32, #tpu.memory_space<hbm>>
      %dma_wait3A_1440 = tpu.memref_squeeze %dma_wait3A_1439 : memref<1x100000xf32, #tpu.memory_space<hbm>> -> memref<100000xf32, #tpu.memory_space<hbm>>
      %dma_wait3A_1441 = arith.constant 0 : i32
      %dma_wait3A_1442 = tpu.memref_slice %arg3[%add3A_1305, %dma_wait3A_1441] : memref<832x100000xf32, #tpu.memory_space<hbm>> -> memref<1x100000xf32, #tpu.memory_space<hbm>>
      %dma_wait3A_1443 = tpu.memref_squeeze %dma_wait3A_1442 : memref<1x100000xf32, #tpu.memory_space<hbm>> -> memref<100000xf32, #tpu.memory_space<hbm>>
      tpu.wait_dma2 semaphore(%run_scoped3A : memref<!tpu.dma_semaphore, #tpu.memory_space<semaphore_mem>>) src(%dma_wait3A_1443 : memref<100000xf32, #tpu.memory_space<hbm>>) dst(%arg6 : memref<100000xf32, #tpu.memory_space<vmem>>)
      tpu.yield
    }) : () -> ()
    %dma_wait3A_1333 = arith.constant 0 : i32
    %dma_wait3A_1334 = tpu.memref_slice %arg7[%dma_wait3A_1333] : memref<8192xf32, #tpu.memory_space<vmem>> -> memref<4096xf32, #tpu.memory_space<vmem>>
    %dma_wait3A_1335 = arith.constant 0 : i32
    %dma_wait3A_1336 = tpu.memref_slice %arg4[%sub3A_1239, %dma_wait3A_1335] : memref<832x4096xf32, #tpu.memory_space<hbm>> -> memref<1x4096xf32, #tpu.memory_space<hbm>>
    %dma_wait3A_1337 = tpu.memref_squeeze %dma_wait3A_1336 : memref<1x4096xf32, #tpu.memory_space<hbm>> -> memref<4096xf32, #tpu.memory_space<hbm>>
    %dma_wait3A_1338 = arith.constant 0 : i32
    %dma_wait3A_1339 = tpu.memref_slice %arg4[%sub3A_1239, %dma_wait3A_1338] : memref<832x4096xf32, #tpu.memory_space<hbm>> -> memref<1x4096xf32, #tpu.memory_space<hbm>>
    %dma_wait3A_1340 = tpu.memref_squeeze %dma_wait3A_1339 : memref<1x4096xf32, #tpu.memory_space<hbm>> -> memref<4096xf32, #tpu.memory_space<hbm>>
    %dma_wait3A_1341 = arith.constant 0 : i32
    %dma_wait3A_1342 = tpu.memref_slice %arg7[%dma_wait3A_1341] : memref<8192xf32, #tpu.memory_space<vmem>> -> memref<4096xf32, #tpu.memory_space<vmem>>
    tpu.wait_dma2 semaphore(%arg9 : memref<!tpu.dma_semaphore, #tpu.memory_space<semaphore_mem>>) src(%dma_wait3A_1342 : memref<4096xf32, #tpu.memory_space<vmem>>) dst(%dma_wait3A_1340 : memref<4096xf32, #tpu.memory_space<hbm>>)
    %parallel_loop3A_1343 = arith.constant 0 : i32
    %parallel_loop3A_1344 = arith.constant 256 : i32
    %parallel_loop3A_1345 = arith.constant 1 : i32
    scf.for %parallel_loop3A_1432 = %parallel_loop3A_1343 to %parallel_loop3A_1344 step %parallel_loop3A_1345  : i32 {
      %parallel_loop3A_1433 = arith.constant 16 : i32
      %parallel_loop3A_1434 = arith.muli %parallel_loop3A_1432, %parallel_loop3A_1433 : i32
      %parallel_loop3A_1435 = arith.addi %mul3A_1332, %parallel_loop3A_1434 : i32
      %parallel_loop3A_1436 = arith.index_cast %parallel_loop3A_1435 : i32 to index
      %parallel_loop3A_1437 = tpu.vector_load %arg5[%parallel_loop3A_1436] {strides = array<i32>} : memref<8192xi32, #tpu.memory_space<vmem>>, vector<16xi32>,
      %parallel_loop3A_1438 = tpu.vector_load_idx %arg6[%parallel_loop3A_1437] : memref<100000xf32, #tpu.memory_space<vmem>>[vector<16xi32>], vector<16xf32>,
      %parallel_loop3A_1439 = arith.constant 0 : i32
      %parallel_loop3A_1440 = arith.addi %parallel_loop3A_1439, %parallel_loop3A_1434 : i32
      %parallel_loop3A_1441 = arith.index_cast %parallel_loop3A_1440 : i32 to index
      %parallel_loop3A_1442 = tpu.vector_load %arg7[%parallel_loop3A_1441] {strides = array<i32>} : memref<8192xf32, #tpu.memory_space<vmem>>, vector<16xf32>,
      tpu.vector_store %arg7[%parallel_loop3A_1441], %parallel_loop3A_1438 {strides = array<i32>} : memref<8192xf32, #tpu.memory_space<vmem>>, vector<16xf32>,
    } {sc.loop_unroll_factor = 8 : i64, sc.parallel_access}
    %sub3A_1346 = arith.constant 0 : i32
    %sub3A_1347 = arith.subi %add3A_1305, %sub3A_1346 : i32
    %dma_start3A_1348 = arith.constant 0 : i32
    %dma_start3A_1349 = tpu.memref_slice %arg7[%dma_start3A_1348] : memref<8192xf32, #tpu.memory_space<vmem>> -> memref<4096xf32, #tpu.memory_space<vmem>>
    %dma_start3A_1350 = arith.constant 0 : i32
    %dma_start3A_1351 = tpu.memref_slice %arg4[%sub3A_1347, %dma_start3A_1350] : memref<832x4096xf32, #tpu.memory_space<hbm>> -> memref<1x4096xf32, #tpu.memory_space<hbm>>
    %dma_start3A_1352 = tpu.memref_squeeze %dma_start3A_1351 : memref<1x4096xf32, #tpu.memory_space<hbm>> -> memref<4096xf32, #tpu.memory_space<hbm>>
    %dma_start3A_1353 = arith.constant 0 : i32
    %dma_start3A_1354 = tpu.memref_slice %arg4[%sub3A_1347, %dma_start3A_1353] : memref<832x4096xf32, #tpu.memory_space<hbm>> -> memref<1x4096xf32, #tpu.memory_space<hbm>>
    %dma_start3A_1355 = tpu.memref_squeeze %dma_start3A_1354 : memref<1x4096xf32, #tpu.memory_space<hbm>> -> memref<4096xf32, #tpu.memory_space<hbm>>
    %dma_start3A_1356 = arith.constant 0 : i32
    %dma_start3A_1357 = tpu.memref_slice %arg7[%dma_start3A_1356] : memref<8192xf32, #tpu.memory_space<vmem>> -> memref<4096xf32, #tpu.memory_space<vmem>>
    tpu.enqueue_dma source(%dma_start3A_1357 : memref<4096xf32, #tpu.memory_space<vmem>>) target(%dma_start3A_1355 : memref<4096xf32, #tpu.memory_space<hbm>>) target_semaphore(%arg9 : memref<!tpu.dma_semaphore, #tpu.memory_space<semaphore_mem>>)
    %add3A_1358 = arith.constant 25 : i32
    %add3A_1359 = arith.addi %add3A_4, %add3A_1358 : i32
    %jit3A_1360 = arith.constant 32 : i32
    %div3A_1361 = arith.divsi %add3A_1359, %jit3A_1360 : i32
    %sign3A_1362 = arith.constant 0 : i32
    %sign3A_1363 = arith.cmpi sgt, %add3A_1359, %sign3A_1362 : i32
    %sign3A_1364 = arith.extui %sign3A_1363 : i1 to i32
    %sign3A_1365 = arith.constant 0 : i32
    %sign3A_1366 = arith.cmpi slt, %add3A_1359, %sign3A_1365 : i32
    %sign3A_1367 = arith.extui %sign3A_1366 : i1 to i32
    %sign3A_1368 = arith.subi %sign3A_1364, %sign3A_1367 : i32
    %sign3A_1369 = arith.constant 0 : i32
    %sign3A_1370 = arith.cmpi sgt, %jit3A_1360, %sign3A_1369 : i32
    %sign3A_1371 = arith.extui %sign3A_1370 : i1 to i32
    %sign3A_1372 = arith.constant 0 : i32
    %sign3A_1373 = arith.cmpi slt, %jit3A_1360, %sign3A_1372 : i32
    %sign3A_1374 = arith.extui %sign3A_1373 : i1 to i32
    %sign3A_1375 = arith.subi %sign3A_1371, %sign3A_1374 : i32
    %ne3A_1376 = arith.cmpi ne, %sign3A_1368, %sign3A_1375 : i32
    %rem3A_1377 = arith.remsi %add3A_1359, %jit3A_1360 : i32
    %ne3A_1378 = arith.constant 0 : i32
    %ne3A_1379 = arith.cmpi ne, %rem3A_1377, %ne3A_1378 : i32
    %and3A_1380 = arith.andi %ne3A_1376, %ne3A_1379 : i1
    %sub3A_1381 = arith.constant 1 : i32
    %sub3A_1382 = arith.subi %div3A_1361, %sub3A_1381 : i32
    %select_n3A_1383 = arith.select %and3A_1380, %sub3A_1382, %div3A_1361 : i32
    %sub3A_1384 = arith.subi %select_n3A_1383, %select_n3A : i32
    %mul3A_1385 = arith.constant 4096 : i32
    %mul3A_1386 = arith.muli %sub3A_1384, %mul3A_1385 : i32
    "tpu.region"() ({
      %run_scoped3A = tpu.sem_alloc : memref<!tpu.dma_semaphore, #tpu.memory_space<semaphore_mem>>
      %dma_start3A_1432 = arith.constant 0 : i32
      %dma_start3A_1433 = tpu.memref_slice %arg3[%add3A_1359, %dma_start3A_1432] : memref<832x100000xf32, #tpu.memory_space<hbm>> -> memref<1x100000xf32, #tpu.memory_space<hbm>>
      %dma_start3A_1434 = tpu.memref_squeeze %dma_start3A_1433 : memref<1x100000xf32, #tpu.memory_space<hbm>> -> memref<100000xf32, #tpu.memory_space<hbm>>
      %dma_start3A_1435 = arith.constant 0 : i32
      %dma_start3A_1436 = tpu.memref_slice %arg3[%add3A_1359, %dma_start3A_1435] : memref<832x100000xf32, #tpu.memory_space<hbm>> -> memref<1x100000xf32, #tpu.memory_space<hbm>>
      %dma_start3A_1437 = tpu.memref_squeeze %dma_start3A_1436 : memref<1x100000xf32, #tpu.memory_space<hbm>> -> memref<100000xf32, #tpu.memory_space<hbm>>
      tpu.enqueue_dma source(%dma_start3A_1437 : memref<100000xf32, #tpu.memory_space<hbm>>) target(%arg6 : memref<100000xf32, #tpu.memory_space<vmem>>) target_semaphore(%run_scoped3A : memref<!tpu.dma_semaphore, #tpu.memory_space<semaphore_mem>>)
      %dma_wait3A_1438 = arith.constant 0 : i32
      %dma_wait3A_1439 = tpu.memref_slice %arg3[%add3A_1359, %dma_wait3A_1438] : memref<832x100000xf32, #tpu.memory_space<hbm>> -> memref<1x100000xf32, #tpu.memory_space<hbm>>
      %dma_wait3A_1440 = tpu.memref_squeeze %dma_wait3A_1439 : memref<1x100000xf32, #tpu.memory_space<hbm>> -> memref<100000xf32, #tpu.memory_space<hbm>>
      %dma_wait3A_1441 = arith.constant 0 : i32
      %dma_wait3A_1442 = tpu.memref_slice %arg3[%add3A_1359, %dma_wait3A_1441] : memref<832x100000xf32, #tpu.memory_space<hbm>> -> memref<1x100000xf32, #tpu.memory_space<hbm>>
      %dma_wait3A_1443 = tpu.memref_squeeze %dma_wait3A_1442 : memref<1x100000xf32, #tpu.memory_space<hbm>> -> memref<100000xf32, #tpu.memory_space<hbm>>
      tpu.wait_dma2 semaphore(%run_scoped3A : memref<!tpu.dma_semaphore, #tpu.memory_space<semaphore_mem>>) src(%dma_wait3A_1443 : memref<100000xf32, #tpu.memory_space<hbm>>) dst(%arg6 : memref<100000xf32, #tpu.memory_space<vmem>>)
      tpu.yield
    }) : () -> ()
    %dma_wait3A_1387 = arith.constant 4096 : i32
    %dma_wait3A_1388 = tpu.memref_slice %arg7[%dma_wait3A_1387] : memref<8192xf32, #tpu.memory_space<vmem>> -> memref<4096xf32, #tpu.memory_space<vmem>>
    %dma_wait3A_1389 = arith.constant 0 : i32
    %dma_wait3A_1390 = tpu.memref_slice %arg4[%sub3A_1293, %dma_wait3A_1389] : memref<832x4096xf32, #tpu.memory_space<hbm>> -> memref<1x4096xf32, #tpu.memory_space<hbm>>
    %dma_wait3A_1391 = tpu.memref_squeeze %dma_wait3A_1390 : memref<1x4096xf32, #tpu.memory_space<hbm>> -> memref<4096xf32, #tpu.memory_space<hbm>>
    %dma_wait3A_1392 = arith.constant 0 : i32
    %dma_wait3A_1393 = tpu.memref_slice %arg4[%sub3A_1293, %dma_wait3A_1392] : memref<832x4096xf32, #tpu.memory_space<hbm>> -> memref<1x4096xf32, #tpu.memory_space<hbm>>
    %dma_wait3A_1394 = tpu.memref_squeeze %dma_wait3A_1393 : memref<1x4096xf32, #tpu.memory_space<hbm>> -> memref<4096xf32, #tpu.memory_space<hbm>>
    %dma_wait3A_1395 = arith.constant 4096 : i32
    %dma_wait3A_1396 = tpu.memref_slice %arg7[%dma_wait3A_1395] : memref<8192xf32, #tpu.memory_space<vmem>> -> memref<4096xf32, #tpu.memory_space<vmem>>
    tpu.wait_dma2 semaphore(%arg9 : memref<!tpu.dma_semaphore, #tpu.memory_space<semaphore_mem>>) src(%dma_wait3A_1396 : memref<4096xf32, #tpu.memory_space<vmem>>) dst(%dma_wait3A_1394 : memref<4096xf32, #tpu.memory_space<hbm>>)
    %parallel_loop3A_1397 = arith.constant 0 : i32
    %parallel_loop3A_1398 = arith.constant 256 : i32
    %parallel_loop3A_1399 = arith.constant 1 : i32
    scf.for %parallel_loop3A_1432 = %parallel_loop3A_1397 to %parallel_loop3A_1398 step %parallel_loop3A_1399  : i32 {
      %parallel_loop3A_1433 = arith.constant 16 : i32
      %parallel_loop3A_1434 = arith.muli %parallel_loop3A_1432, %parallel_loop3A_1433 : i32
      %parallel_loop3A_1435 = arith.addi %mul3A_1386, %parallel_loop3A_1434 : i32
      %parallel_loop3A_1436 = arith.index_cast %parallel_loop3A_1435 : i32 to index
      %parallel_loop3A_1437 = tpu.vector_load %arg5[%parallel_loop3A_1436] {strides = array<i32>} : memref<8192xi32, #tpu.memory_space<vmem>>, vector<16xi32>,
      %parallel_loop3A_1438 = tpu.vector_load_idx %arg6[%parallel_loop3A_1437] : memref<100000xf32, #tpu.memory_space<vmem>>[vector<16xi32>], vector<16xf32>,
      %parallel_loop3A_1439 = arith.constant 4096 : i32
      %parallel_loop3A_1440 = arith.addi %parallel_loop3A_1439, %parallel_loop3A_1434 : i32
      %parallel_loop3A_1441 = arith.index_cast %parallel_loop3A_1440 : i32 to index
      %parallel_loop3A_1442 = tpu.vector_load %arg7[%parallel_loop3A_1441] {strides = array<i32>} : memref<8192xf32, #tpu.memory_space<vmem>>, vector<16xf32>,
      tpu.vector_store %arg7[%parallel_loop3A_1441], %parallel_loop3A_1438 {strides = array<i32>} : memref<8192xf32, #tpu.memory_space<vmem>>, vector<16xf32>,
    } {sc.loop_unroll_factor = 8 : i64, sc.parallel_access}
    %sub3A_1400 = arith.constant 0 : i32
    %sub3A_1401 = arith.subi %add3A_1359, %sub3A_1400 : i32
    %dma_start3A_1402 = arith.constant 4096 : i32
    %dma_start3A_1403 = tpu.memref_slice %arg7[%dma_start3A_1402] : memref<8192xf32, #tpu.memory_space<vmem>> -> memref<4096xf32, #tpu.memory_space<vmem>>
    %dma_start3A_1404 = arith.constant 0 : i32
    %dma_start3A_1405 = tpu.memref_slice %arg4[%sub3A_1401, %dma_start3A_1404] : memref<832x4096xf32, #tpu.memory_space<hbm>> -> memref<1x4096xf32, #tpu.memory_space<hbm>>
    %dma_start3A_1406 = tpu.memref_squeeze %dma_start3A_1405 : memref<1x4096xf32, #tpu.memory_space<hbm>> -> memref<4096xf32, #tpu.memory_space<hbm>>
    %dma_start3A_1407 = arith.constant 0 : i32
    %dma_start3A_1408 = tpu.memref_slice %arg4[%sub3A_1401, %dma_start3A_1407] : memref<832x4096xf32, #tpu.memory_space<hbm>> -> memref<1x4096xf32, #tpu.memory_space<hbm>>
    %dma_start3A_1409 = tpu.memref_squeeze %dma_start3A_1408 : memref<1x4096xf32, #tpu.memory_space<hbm>> -> memref<4096xf32, #tpu.memory_space<hbm>>
    %dma_start3A_1410 = arith.constant 4096 : i32
    %dma_start3A_1411 = tpu.memref_slice %arg7[%dma_start3A_1410] : memref<8192xf32, #tpu.memory_space<vmem>> -> memref<4096xf32, #tpu.memory_space<vmem>>
    tpu.enqueue_dma source(%dma_start3A_1411 : memref<4096xf32, #tpu.memory_space<vmem>>) target(%dma_start3A_1409 : memref<4096xf32, #tpu.memory_space<hbm>>) target_semaphore(%arg9 : memref<!tpu.dma_semaphore, #tpu.memory_space<semaphore_mem>>)
    %dma_wait3A_1412 = arith.constant 0 : i32
    %dma_wait3A_1413 = tpu.memref_slice %arg7[%dma_wait3A_1412] : memref<8192xf32, #tpu.memory_space<vmem>> -> memref<4096xf32, #tpu.memory_space<vmem>>
    %dma_wait3A_1414 = arith.constant 0 : i32
    %dma_wait3A_1415 = tpu.memref_slice %arg4[%sub3A_1347, %dma_wait3A_1414] : memref<832x4096xf32, #tpu.memory_space<hbm>> -> memref<1x4096xf32, #tpu.memory_space<hbm>>
    %dma_wait3A_1416 = tpu.memref_squeeze %dma_wait3A_1415 : memref<1x4096xf32, #tpu.memory_space<hbm>> -> memref<4096xf32, #tpu.memory_space<hbm>>
    %dma_wait3A_1417 = arith.constant 0 : i32
    %dma_wait3A_1418 = tpu.memref_slice %arg4[%sub3A_1347, %dma_wait3A_1417] : memref<832x4096xf32, #tpu.memory_space<hbm>> -> memref<1x4096xf32, #tpu.memory_space<hbm>>
    %dma_wait3A_1419 = tpu.memref_squeeze %dma_wait3A_1418 : memref<1x4096xf32, #tpu.memory_space<hbm>> -> memref<4096xf32, #tpu.memory_space<hbm>>
    %dma_wait3A_1420 = arith.constant 0 : i32
    %dma_wait3A_1421 = tpu.memref_slice %arg7[%dma_wait3A_1420] : memref<8192xf32, #tpu.memory_space<vmem>> -> memref<4096xf32, #tpu.memory_space<vmem>>
    tpu.wait_dma2 semaphore(%arg9 : memref<!tpu.dma_semaphore, #tpu.memory_space<semaphore_mem>>) src(%dma_wait3A_1421 : memref<4096xf32, #tpu.memory_space<vmem>>) dst(%dma_wait3A_1419 : memref<4096xf32, #tpu.memory_space<hbm>>)
    %dma_wait3A_1422 = arith.constant 4096 : i32
    %dma_wait3A_1423 = tpu.memref_slice %arg7[%dma_wait3A_1422] : memref<8192xf32, #tpu.memory_space<vmem>> -> memref<4096xf32, #tpu.memory_space<vmem>>
    %dma_wait3A_1424 = arith.constant 0 : i32
    %dma_wait3A_1425 = tpu.memref_slice %arg4[%sub3A_1401, %dma_wait3A_1424] : memref<832x4096xf32, #tpu.memory_space<hbm>> -> memref<1x4096xf32, #tpu.memory_space<hbm>>
    %dma_wait3A_1426 = tpu.memref_squeeze %dma_wait3A_1425 : memref<1x4096xf32, #tpu.memory_space<hbm>> -> memref<4096xf32, #tpu.memory_space<hbm>>
    %dma_wait3A_1427 = arith.constant 0 : i32
    %dma_wait3A_1428 = tpu.memref_slice %arg4[%sub3A_1401, %dma_wait3A_1427] : memref<832x4096xf32, #tpu.memory_space<hbm>> -> memref<1x4096xf32, #tpu.memory_space<hbm>>
    %dma_wait3A_1429 = tpu.memref_squeeze %dma_wait3A_1428 : memref<1x4096xf32, #tpu.memory_space<hbm>> -> memref<4096xf32, #tpu.memory_space<hbm>>
    %dma_wait3A_1430 = arith.constant 4096 : i32
    %dma_wait3A_1431 = tpu.memref_slice %arg7[%dma_wait3A_1430] : memref<8192xf32, #tpu.memory_space<vmem>> -> memref<4096xf32, #tpu.memory_space<vmem>>
    tpu.wait_dma2 semaphore(%arg9 : memref<!tpu.dma_semaphore, #tpu.memory_space<semaphore_mem>>) src(%dma_wait3A_1431 : memref<4096xf32, #tpu.memory_space<vmem>>) dst(%dma_wait3A_1429 : memref<4096xf32, #tpu.memory_space<hbm>>)
    return
  }
}

module attributes {stable_mosaic.version = 14 : i64} {
  func.func @_mlp_body(%arg0: i32, %arg1: i32, %arg2: memref<1x32x4096xf32, #tpu.memory_space<vmem>>, %arg3: memref<1x32x32xf32, #tpu.memory_space<vmem>>, %arg4: memref<1x32x1xf32, #tpu.memory_space<vmem>>, %arg5: memref<1x32x16xf32, #tpu.memory_space<vmem>>, %arg6: memref<1x16x1xf32, #tpu.memory_space<vmem>>, %arg7: memref<1x16x4096xf32, #tpu.memory_space<vmem>>) attributes {dimension_semantics = [#tpu.dimension_semantics<arbitrary>, #tpu.dimension_semantics<arbitrary>], iteration_bounds = array<i64: 26, 1>, scalar_prefetch = 0 : i64, scratch_operands = 0 : i64, tpu.core_type = #tpu.core_type<tc>, window_params = [{transform_indices = @transform_0, window_bounds = array<i64: 1, 32, 4096>}, {transform_indices = @transform_1, window_bounds = array<i64: 1, 32, 32>}, {transform_indices = @transform_2, window_bounds = array<i64: 1, 32, 1>}, {transform_indices = @transform_3, window_bounds = array<i64: 1, 32, 16>}, {transform_indices = @transform_4, window_bounds = array<i64: 1, 16, 1>}, {transform_indices = @transform_5, window_bounds = array<i64: 1, 16, 4096>}]} {
    %get3A = arith.constant 0 : index
    %get3A_0 = arith.constant 0 : index
    %get3A_1 = arith.constant 0 : index
    %get3A_2 = vector.load %arg2[%get3A, %get3A_0, %get3A_1] : memref<1x32x4096xf32, #tpu.memory_space<vmem>>, vector<1x32x4096xf32>
    %get3A_3 = vector.shape_cast %get3A_2 : vector<1x32x4096xf32> to vector<32x4096xf32>
    %get3A_4 = arith.constant 0 : index
    %get3A_5 = arith.constant 0 : index
    %get3A_6 = arith.constant 0 : index
    %get3A_7 = vector.load %arg3[%get3A_4, %get3A_5, %get3A_6] : memref<1x32x32xf32, #tpu.memory_space<vmem>>, vector<1x32x32xf32>
    %get3A_8 = vector.shape_cast %get3A_7 : vector<1x32x32xf32> to vector<32x32xf32>
    %dot_general3A = arith.constant dense<0.000000e+00> : vector<32x4096xf32>
    %dot_general3A_9 = tpu.matmul %get3A_8, %get3A_3, %dot_general3A {dimension_numbers = #tpu.dot_dimension_numbers<[0], [0], [1], [1], [0, 1, 1, 1], [], []>, transpose_lhs_hint = false} : vector<32x32xf32>, vector<32x4096xf32>, vector<32x4096xf32> -> vector<32x4096xf32>
    %get3A_10 = arith.constant 0 : index
    %get3A_11 = arith.constant 0 : index
    %get3A_12 = arith.constant 0 : index
    %get3A_13 = vector.load %arg4[%get3A_10, %get3A_11, %get3A_12] : memref<1x32x1xf32, #tpu.memory_space<vmem>>, vector<1x32x1xf32>
    %get3A_14 = vector.shape_cast %get3A_13 : vector<1x32x1xf32> to vector<32x1xf32>
    %add3A = vector.broadcast %get3A_14 : vector<32x1xf32> to vector<32x4096xf32>
    %add3A_15 = arith.addf %dot_general3A_9, %add3A : vector<32x4096xf32>
    %max3A = arith.constant 0.000000e+00 : f32
    %max3A_16 = vector.broadcast %max3A : f32 to vector<32x4096xf32>
    %max3A_17 = arith.maximumf %add3A_15, %max3A_16 : vector<32x4096xf32>
    %get3A_18 = arith.constant 0 : index
    %get3A_19 = arith.constant 0 : index
    %get3A_20 = arith.constant 0 : index
    %get3A_21 = vector.load %arg5[%get3A_18, %get3A_19, %get3A_20] : memref<1x32x16xf32, #tpu.memory_space<vmem>>, vector<1x32x16xf32>
    %get3A_22 = vector.shape_cast %get3A_21 : vector<1x32x16xf32> to vector<32x16xf32>
    %dot_general3A_23 = arith.constant dense<0.000000e+00> : vector<16x4096xf32>
    %dot_general3A_24 = tpu.matmul %get3A_22, %max3A_17, %dot_general3A_23 {dimension_numbers = #tpu.dot_dimension_numbers<[0], [0], [1], [1], [0, 1, 1, 1], [], []>, transpose_lhs_hint = false} : vector<32x16xf32>, vector<32x4096xf32>, vector<16x4096xf32> -> vector<16x4096xf32>
    %get3A_25 = arith.constant 0 : index
    %get3A_26 = arith.constant 0 : index
    %get3A_27 = arith.constant 0 : index
    %get3A_28 = vector.load %arg6[%get3A_25, %get3A_26, %get3A_27] : memref<1x16x1xf32, #tpu.memory_space<vmem>>, vector<1x16x1xf32>
    %get3A_29 = vector.shape_cast %get3A_28 : vector<1x16x1xf32> to vector<16x1xf32>
    %add3A_30 = vector.broadcast %get3A_29 : vector<16x1xf32> to vector<16x4096xf32>
    %add3A_31 = arith.addf %dot_general3A_24, %add3A_30 : vector<16x4096xf32>
    %swap3A = arith.constant 0 : index
    %swap3A_32 = arith.constant 0 : index
    %swap3A_33 = arith.constant 0 : index
    %swap3A_34 = vector.load %arg7[%swap3A, %swap3A_32, %swap3A_33] : memref<1x16x4096xf32, #tpu.memory_space<vmem>>, vector<1x16x4096xf32>
    %swap3A_35 = vector.shape_cast %swap3A_34 : vector<1x16x4096xf32> to vector<16x4096xf32>
    %swap3A_36 = vector.shape_cast %add3A_31 : vector<16x4096xf32> to vector<1x16x4096xf32>
    tpu.vector_store %arg7[%swap3A, %swap3A_32, %swap3A_33], %swap3A_36 {strides = array<i32>} : memref<1x16x4096xf32, #tpu.memory_space<vmem>>, vector<1x16x4096xf32>,
    return
  }
  func.func @transform_0(%arg0: i32, %arg1: i32) -> (i32, i32, i32) {
    %c0_i32 = arith.constant 0 : i32
    %c0_i32_0 = arith.constant 0 : i32
    return %arg0, %c0_i32, %arg1 : i32, i32, i32
  }
  func.func @transform_1(%arg0: i32, %arg1: i32) -> (i32, i32, i32) {
    %c0_i32 = arith.constant 0 : i32
    %c0_i32_0 = arith.constant 0 : i32
    %c0_i32_1 = arith.constant 0 : i32
    return %arg0, %c0_i32, %c0_i32_0 : i32, i32, i32
  }
  func.func @transform_2(%arg0: i32, %arg1: i32) -> (i32, i32, i32) {
    %c0_i32 = arith.constant 0 : i32
    %c0_i32_0 = arith.constant 0 : i32
    %c0_i32_1 = arith.constant 0 : i32
    return %arg0, %c0_i32, %c0_i32_0 : i32, i32, i32
  }
  func.func @transform_3(%arg0: i32, %arg1: i32) -> (i32, i32, i32) {
    %c0_i32 = arith.constant 0 : i32
    %c0_i32_0 = arith.constant 0 : i32
    %c0_i32_1 = arith.constant 0 : i32
    return %arg0, %c0_i32, %c0_i32_0 : i32, i32, i32
  }
  func.func @transform_4(%arg0: i32, %arg1: i32) -> (i32, i32, i32) {
    %c0_i32 = arith.constant 0 : i32
    %c0_i32_0 = arith.constant 0 : i32
    %c0_i32_1 = arith.constant 0 : i32
    return %arg0, %c0_i32, %c0_i32_0 : i32, i32, i32
  }
  func.func @transform_5(%arg0: i32, %arg1: i32) -> (i32, i32, i32) {
    %c0_i32 = arith.constant 0 : i32
    %c0_i32_0 = arith.constant 0 : i32
    return %arg0, %c0_i32, %arg1 : i32, i32, i32
  }
}

</mosaic_0001>

<sc_bundles>
// kernel: kernel.4.cloned.1.call-start
scs
__scs_entry_jumppad:
0x0: {  	(pc) =	sbr.rel $0x88, $3  }
0x1: {  	(tag) =	ssettag $0x0;
	lr =	simm.s32 $0x1  }
0x2: {  	[smem:$0x3F9B] =	sst lr;
	_ =	strace $0xD0000000  }
0x3: {  	_ = 	snop  }
0x4: {  	_ = 	snop  }
0x5: {  	_ = 	snop  }
0x6: {  	_ = 	snop  }
0x7: {  	_ = 	snop  }
__scs_overlays_trampoline_lowered:
0x8: {  	[smem:$0x3FAA] =	sst s0  }
0x9: {  	[smem:$0x3FAB] =	sst s1  }
0xa: {  	[smem:$0x3FAC] =	sst s2  }
0xb: {  	[smem:$0x3FAD] =	sst s3  }
0xc: {  	[smem:$0x3FAE] =	sst s4  }
0xd: {  	[smem:$0x3FAF] =	sst s5  }
0xe: {  	[smem:$0x3FB0] =	sst s6  }
0xf: {  	[smem:$0x3FB1] =	sst s7  }
0x10: {  	[smem:$0x3FB2] =	sst s8  }
0x11: {  	[smem:$0x3FB3] =	sst s9;
	s0 =	simm.s32 @!p0 $0x0  }
0x12: {  	s1 =	sld [smem:$0x3F99];
	s0 =	simm.s32 @p0 $0x1  }
0x13: {  	[smem:$0x3FB4] =	sst s0;
	s0 =	simm.s32 @!p1 $0x0  }
0x14: {  	s2 =	sld [smem:$0x3F98];
	s0 =	simm.s32 @p1 $0x1  }
0x15: {  	[smem:$0x3FB5] =	sst s0;
	s0 =	simm.s32 @!p2 $0x0  }
0x16: {  	s3 =	sld [smem:$0x3FDB];
	s0 =	simm.s32 @p2 $0x1  }
0x17: {  	s4 =	simm.s32 $0x1BF5;
	[smem:$0x3FB7] =	sst s0  }
0x18: {  	s0 =	sld [smem:$0x3F9A];
	_ =	swait.ge [sflag:s4], $0x0  }
0x19: {  	s7 =	sld [smem:$0x3F9B]  }
0x1a: {  	s8 =	sadd.s32 $0xFFFFE003, lr  }
0x1b: {  	s9 =	sadd.s32 $0xFFFFFEF7, lr;
	s5 =	simm.s32 $0xFFFFFFFF;
	p2 =	slt.u32 s8, $0xFFFFF086  }
0x1c: {  	p1 =	slt.u32 s9, $0xF7A;
	s5 =	simm.s32 @!p2 $0x0  }
0x1d: {  	s5 =	simm.s32 @p1 $0x1;
	p0 =	seq.s32 s7, s2  }
0x1e: {  	s7 =	smul.u32 @!p0 $0xF7A, s2;
	p2 =	seq.s32 @!p0 s5, $0x0  }
0x1f: {  	s9 =	smul.u32 $0xF7A, s1;
	s8 =	simm.s32 @!p0 $0x1BF5;
	p2 =	por !p2, p0  }
0x20: {  	[sflag:s8] =	ssyncset.s32 @!p0 $0xFFFFF086;
	s6 =	sadd.s32 @!p0 s3, s7;
	s7 =	simm.s32 @!p0 $0x108  }
0x21: {  	s3 =	sadd.s32 s3, s9;
	s6 =	sadd.s32 @!p0 $0x88, s6;
	s7 =	simm.s32 @p2 $0x1082  }
0x22: {  	[simem:s7], [sflag:s8] =	dma.local @!p0 [hbm:s6], $0xF7A  }
0x23: {  	s9 =	sor.u32 $0xD0000000, s2;
	s6 =	simm.s32 $0x108;
	_ =	swait.ge @!p0 [sflag:s8], $0x0  }
0x24: {  	s3 =	sadd.s32 $0x88, s3;
	s6 =	simm.s32 @!p1 $0x1082;
	[sflag:s4] =	ssyncset.s32 $0xFFFFF086  }
0x25: {  	[simem:s6], [sflag:s4] =	dma.local [hbm:s3], $0xF7A  }
0x26: {  	[smem:$0x3F9B] =	sst s1;
	(tag) =	ssettag s2;
	_ =	strace s9  }
0x27: {  	s1 =	sld [smem:$0x3FAB]  }
0x28: {  	s2 =	sld [smem:$0x3FAC]  }
0x29: {  	s4 =	sld [smem:$0x3FAE]  }
0x2a: {  	p0 =	seq.s32 s5, $0x0;
	s5 =	sld [smem:$0x3FAF]  }
0x2b: {  	s6 =	sld [smem:$0x3FB0]  }
0x2c: {  	s7 =	sld [smem:$0x3FB1]  }
0x2d: {  	s3 =	simm.s32 $0x108;
	s8 =	sld [smem:$0x3FB2]  }
0x2e: {  	s3 =	simm.s32 @!p0 $0x1082;
	s9 =	sld [smem:$0x3FB3]  }
0x2f: {  	lr =	sadd.s32 s0, s3;
	s0 =	sld [smem:$0x3FAA]  }
0x30: {  	s3 =	sld [smem:$0x3FAD]  }
0x31: {  	[smem:$0x3FB6] =	sst s10  }
0x32: {  	s10 =	sld [smem:$0x3FB4];
	_ =	sdelay $0x3  }
0x33: {  	p0 =	seq.s32 s10, $0x1;
	s10 =	sld [smem:$0x3FB6];
	_ =	sdelay $0x3  }
0x34: {  	[smem:$0x3FB6] =	sst s10  }
0x35: {  	s10 =	sld [smem:$0x3FB5];
	_ =	sdelay $0x3  }
0x36: {  	p1 =	seq.s32 s10, $0x1;
	s10 =	sld [smem:$0x3FB6];
	_ =	sdelay $0x3  }
0x37: {  	[smem:$0x3FB6] =	sst s10  }
0x38: {  	s10 =	sld [smem:$0x3FB7]  }
0x39: {  	_ = 	snop;
	(pc) =	sbr.ind lr, $3  }
0x3a: {  	_ = 	snop  }
0x3b: {  	_ = 	snop  }
0x3c: {  	p2 =	seq.s32 s10, $0x1;
	s10 =	sld [smem:$0x3FB6]  }
0x3d: {  	_ =	shalt  }
0x3e: {  	_ =	shalt  }
0x3f: {  	_ =	shalt  }
0x40: {  	_ =	shalt  }
0x41: {  	_ =	shalt  }
0x42: {  	_ =	shalt  }
0x43: {  	_ =	shalt  }
0x44: {  	_ =	shalt  }
0x45: {  	_ =	shalt  }
0x46: {  	_ =	shalt  }
0x47: {  	_ =	shalt  }
0x48: {  	_ =	shalt  }
0x49: {  	_ =	shalt  }
0x4a: {  	_ =	shalt  }
0x4b: {  	_ =	shalt  }
0x4c: {  	_ =	shalt  }
0x4d: {  	_ =	shalt  }
0x4e: {  	_ =	shalt  }
0x4f: {  	_ =	shalt  }
0x50: {  	_ =	shalt  }
0x51: {  	_ =	shalt  }
0x52: {  	_ =	shalt  }
0x53: {  	_ =	shalt  }
0x54: {  	_ =	shalt  }
0x55: {  	_ =	shalt  }
0x56: {  	_ =	shalt  }
0x57: {  	_ =	shalt  }
0x58: {  	_ =	shalt  }
0x59: {  	_ =	shalt  }
0x5a: {  	_ =	shalt  }
0x5b: {  	_ =	shalt  }
0x5c: {  	_ =	shalt  }
0x5d: {  	_ =	shalt  }
0x5e: {  	_ =	shalt  }
0x5f: {  	_ =	shalt  }
0x60: {  	_ =	shalt  }
0x61: {  	_ =	shalt  }
0x62: {  	_ =	shalt  }
0x63: {  	_ =	shalt  }
0x64: {  	_ =	shalt  }
0x65: {  	_ =	shalt  }
0x66: {  	_ =	shalt  }
0x67: {  	_ =	shalt  }
0x68: {  	_ =	shalt  }
0x69: {  	_ =	shalt  }
0x6a: {  	_ =	shalt  }
0x6b: {  	_ =	shalt  }
0x6c: {  	_ =	shalt  }
0x6d: {  	_ =	shalt  }
0x6e: {  	_ =	shalt  }
0x6f: {  	_ =	shalt  }
0x70: {  	_ =	shalt  }
0x71: {  	_ =	shalt  }
0x72: {  	_ =	shalt  }
0x73: {  	_ =	shalt  }
0x74: {  	_ =	shalt  }
0x75: {  	_ =	shalt  }
0x76: {  	_ =	shalt  }
0x77: {  	_ =	shalt  }
0x78: {  	_ =	shalt  }
0x79: {  	_ =	shalt  }
0x7a: {  	_ =	shalt  }
0x7b: {  	_ =	shalt  }
0x7c: {  	_ =	shalt  }
0x7d: {  	_ =	shalt  }
0x7e: {  	_ =	shalt  }
0x7f: {  	_ =	shalt  }
0x80: {  	_ =	shalt  }
0x81: {  	_ =	shalt  }
0x82: {  	_ =	shalt  }
0x83: {  	_ =	shalt  }
0x84: {  	_ =	shalt  }
0x85: {  	_ =	shalt  }
0x86: {  	_ =	shalt  }
0x87: {  	_ =	shalt  }
.Lfunc_end0:
.L_simem_size_0:
called_computation_lowered:
.L_overlay_start_0:
0x88: {  	s2 =	sld [smem:$0x3FD9]  }
0x89: {  	s3 =	sld [smem:$0x3FFE];
	_ =	sdelay $0x1  }
0x8a: {  	s1 =	srdreg.scid  }
0x8b: {  	s0 =	sand.u32 $0x1, s1  }
0x8c: {  	s17 =	sshll.u32 s0, $0xA;
	s2 =	sadd.s32 s3, s2  }
0x8d: {  	s2 =	sadd.s32 s2, s17  }
0x8e: {  	[smem:$0x3FC2] =	sst s2  }
0x8f: {  	_ = 	snop  }
0x90: {  	s2 =	sld [smem:$0x3FC8]  }
0x91: {  	s18 =	sld [smem:$0x3FD0];
	(tm) =	ssettm $0x1  }
0x92: {  	s4 =	sld [smem:$0x3FFB];
	_ =	sdelay $0x3  }
0x93: {  	_ =	strace s4  }
0x94: {  	s4 =	sld [smem:$0x3FFC];
	_ =	sdelay $0x3  }
0x95: {  	_ =	strace s4  }
0x96: {  	s4 =	sld [smem:$0x3FFD];
	_ =	sdelay $0x3  }
0x97: {  	_ =	strace s4  }
0x98: {  	_ =	strace $0x8FFFFFFF  }
0x99: {  	s19 =	sld [smem:$0x3FDB];
	_ =	sdelay $0x1  }
0x9a: {  	s5 =	simm.s32 $_scs_section_size  }
0x9b: {  	s6 =	simm.s32 $_size__tile_overlayer_lowered;
	s7 =	simm.s32 $_tile_overlayer_lowered  }
0x9c: {  	s22 =	simm.s32 $0x1BFF;
	s21 =	sshll.u32 s7, $0x1;
	s4 =	sadd.s32 s5, s19  }
0x9d: {  	s8 =	simm.s32 $0x0;
	s20 =	sshll.u32 s6, $0x1;
	s6 =	sadd.s32 s21, s4  }
0x9e: {  	[timem:s8], [sflag:s22] =	dma.local [hbm:s6], s20  }
0x9f: {  	_ =	swait.ge [sflag:s22], s20  }
0xa0: {  	s5 =	ssub.s32 $0x0, s20;
	[sflag:s22] =	ssyncset.done $0x0  }
0xa1: {  	[sflag:s22] =	ssyncadd.s32 s5;
	_ =	sdelay $0x1  }
0xa2: {  	s23 =	simm.s32 $0x1B8B  }
0xa3: {  	_ =	swait.ge [sflag:s23], $0x1  }
0xa4: {  	[sflag:s23] =	ssyncset.done $0x0  }
0xa5: {  	s25 =	simm.s32 $0x1B8E;
	s24 =	sld [smem:$0x3FFE];
	[sflag:s23] =	ssyncadd.s32 $0xFFFFFFFF  }
0xa6: {  	s26 =	simm.s32 $execute0_lowered;
	[smem:$0x3FD2] =	sst s25  }
0xa7: {  	s6 =	sshll.u32 s26, $0x1;
	_ =	strace $0x80000046;
	[dreg:$0x1] =	wrdreg $0xFFFFFFFF  }
0xa8: {  	s28 =	simm.s32 $_size_execute0_lowered;
	s4 =	sadd.s32 s4, s6;
	[dreg:$0x0] =	wrdreg $0x0  }
0xa9: {  	s6 =	sshll.u32 s28, $0x1;
	[dreg:$0x2] =	wrdreg s4  }
0xaa: {  	[dreg:$0x3] =	wrdreg s6  }
0xab: {  	[dreg:$0x4] =	wrdreg $0xC0  }
0xac: {  	_ =	task [dreg:s8], $0x5FFFF  }
0xad: {  	[dreg:$0x1] =	wrdreg $0xFFFFFFFF  }
0xae: {  	[dreg:$0x0] =	wrdreg $0x60  }
0xaf: {  	[dreg:$0x2] =	wrdreg s18  }
0xb0: {  	[dreg:$0x3] =	wrdreg s2  }
0xb1: {  	[dreg:$0x4] =	wrdreg s24  }
0xb2: {  	[dreg:$0x5] =	wrdreg $0x9  }
0xb3: {  	_ =	task.clear_ibuf [dreg:s8], $0x6FFFF;
	_ =	strace $0x90000046  }
0xb4: {  	s29 =	simm.s32 $0x9;
	_ =	strace $0x80000048  }
0xb5: {  	_ =	swait.ge [sflag:s29], $0x1  }
0xb6: {  	[sflag:s29] =	ssyncadd.s32 $0xFFFFFFFF  }
0xb7: {  	_ =	strace $0x90000048  }
0xb8: {  	_ =	sfence  }
0xb9: {  	s30 =	sld [smem:$0x0];
	_ =	sdelay $0x2  }
0xba: {  	s31 =	sshll.u32 s1, $0xD;
	s1 =	sshrl.u32 s1, $0x2  }
0xbb: {  	s3 =	sand.u32 $0x4000, s31;
	s1 =	sadd.s32 s1, s30  }
0xbc: {  	s0 =	sor.u32 s3, s0;
	s1 =	sshll.u32 s1, $0x11  }
0xbd: {  	s0 =	sor.u32 s1, s0  }
0xbe: {  	s0 =	sadd.s32 $0x8F2B, s0  }
0xbf: {  	[sflag:s0] =	ssyncadd.remote.s32 $0x1  }
0xc0: {  	_ =	sfence.sel $0xFFFF  }
0xc1: {  	[dreg:$0x0] =	wrdreg $0xFFFFFFFF;
	(pc) =	sbr.abs _section_cstart, $3  }
0xc2: {  	[dreg:$0x1] =	wrdreg $0xFFFFFFFF  }
0xc3: {  	_ =	task.clear_ibuf [dreg:s8], $0x2FFFF;
	_ =	strace $0x9FFFFFFF  }
0xc4: {  	(tm) =	ssettm $0x7FFFFFFF  }
0xc5: {  	_ =	shalt  }
tec
execute0_lowered:
.L_overlay_start_1:
0x0: {  	(tag) =	ssettag $0x1  }
0x1: {  	s0 =	srdreg.scid;
	s1 =	stileid.u32  }
0x2: {  	s21 =	sand.u32 $0x1, s0;
	s6 =	sshll.u32 s1, $0x1  }
0x3: {  	s18 =	sor.u32 s21, s6;
	s7 =	ssub.s32 $0x2, s21  }
0x4: {  	s4 =	smul.u32 $0x1A, s18;
	s2 =	sshrl.u32 s7, $0x1  }
0x5: {  	s8 =	rddreg [dreg:$0x0];
	s0 =	ssub.s32 s7, s2  }
0x6: {  	[smem:$0x7E4] =	sst s0;
	s9 =	sshrl.u32 s4, $0x5  }
0x7: {  	s10 =	sshll.u32 s4, $0x4;
	s3 =	sadd.s32 $0x2, s4;
	s6 =	sadd.s32 $0x3, s4  }
0x8: {  	s16 =	sadd.s32 $0x4, s4;
	s24 =	sadd.s32 $0x5, s4;
	s29 =	sadd.s32 $0x6, s4  }
0x9: {  	s7 =	sadd.s32 $0x7, s4;
	s2 =	sand.u32 $0x3E00, s10;
	s0 =	smin.u32 s9, $0x18  }
0xa: {  	s11 =	sshrl.u32 s3, $0x3;
	s3 =	sshll.u32 s3, $0x7;
	s13 =	sshrl.u32 s6, $0x3  }
0xb: {  	s14 =	sshll.u32 s6, $0x7;
	s19 =	sshrl.u32 s16, $0x3;
	s20 =	sshll.u32 s16, $0x7  }
0xc: {  	s26 =	sshrl.u32 s24, $0x3;
	s31 =	sshrl.u32 s29, $0x3;
	s9 =	sshrl.u32 s7, $0x3  }
0xd: {  	s10 =	sshll.u32 s7, $0x7;
	s16 =	sadd.s32 $0xA, s4;
	s5 =	smul.u32 $0xC3800, s11  }
0xe: {  	s7 =	sadd.s32 $0xC, s4;
	s2 =	sadd.s32 s8, s2;
	s15 =	smul.u32 $0xC3800, s13  }
0xf: {  	s0 =	sshll.u32 s0, $0x9;
	s12 =	sand.u32 $0x300, s3;
	s22 =	smul.u32 $0xC3800, s19  }
0x10: {  	s1 =	sshll.u32 s13, $0xF;
	s23 =	sand.u32 $0x300, s20;
	s28 =	smul.u32 $0xC3800, s26  }
0x11: {  	s6 =	smul.u32 $0xC3800, s31;
	s13 =	sadd.s32 $0x9, s4;
	s20 =	sshll.u32 s16, $0x7  }
0x12: {  	[smem:$0x797] =	sst s2;
	s0 =	sadd.s32 s0, s8;
	s2 =	sshll.u32 s11, $0xF  }
0x13: {  	s11 =	smul.u32 $0xC3800, s9;
	[smem:$0x7E2] =	sst s0;
	s3 =	sor.u32 s12, s5  }
0x14: {  	s0 =	sor.u32 s12, s2;
	s25 =	sor.u32 s23, s22;
	s2 =	sshll.u32 s24, $0x7  }
0x15: {  	s5 =	sshll.u32 s29, $0x7;
	s12 =	sand.u32 $0x380, s10;
	[smem:$0x79A] =	sst s3  }
0x16: {  	s10 =	sadd.s32 $0xD, s4;
	s3 =	sand.u32 $0x380, s14;
	[smem:$0x7B9] =	sst s0  }
0x17: {  	[smem:$0x79C] =	sst s25;
	s0 =	sshll.u32 s19, $0xF;
	s30 =	sand.u32 $0x380, s2  }
0x18: {  	s14 =	sshrl.u32 s13, $0x3;
	s19 =	sshrl.u32 s16, $0x3;
	s17 =	sor.u32 s3, s15  }
0x19: {  	s1 =	sor.u32 s3, s1;
	s0 =	sor.u32 s23, s0;
	[smem:$0x79B] =	sst s17  }
0x1a: {  	s2 =	sor.u32 s30, s28;
	s3 =	sshll.u32 s26, $0xF;
	[smem:$0x7BA] =	sst s1  }
0x1b: {  	s28 =	sor.u32 s12, s11;
	s15 =	smul.u32 $0xC3800, s14;
	[smem:$0x7BB] =	sst s0  }
0x1c: {  	s22 =	smul.u32 $0xC3800, s19;
	s23 =	sadd.s32 $0xB, s4;
	[smem:$0x7A0] =	sst s2  }
0x1d: {  	s2 =	sand.u32 $0x300, s5;
	s0 =	sor.u32 s30, s3;
	s1 =	sshll.u32 s31, $0xF  }
0x1e: {  	s3 =	sshll.u32 s14, $0xF;
	s24 =	sshrl.u32 s23, $0x3;
	s26 =	sshll.u32 s23, $0x7  }
0x1f: {  	s5 =	sadd.s32 $0x16, s4;
	[smem:$0x7BF] =	sst s0;
	s8 =	sor.u32 s2, s6  }
0x20: {  	s1 =	sor.u32 s2, s1;
	s0 =	sshll.u32 s9, $0xF;
	s2 =	sshll.u32 s13, $0x7  }
0x21: {  	s29 =	smul.u32 $0xC3800, s24;
	s6 =	sand.u32 $0x380, s26;
	[smem:$0x7A1] =	sst s8  }
0x22: {  	s13 =	sshll.u32 s10, $0x7;
	s26 =	sadd.s32 $0xF, s4;
	[smem:$0x7C0] =	sst s1  }
0x23: {  	s0 =	sor.u32 s12, s0;
	s17 =	sand.u32 $0x380, s2;
	s2 =	sand.u32 $0x300, s20  }
0x24: {  	s1 =	sshll.u32 s19, $0xF;
	s8 =	sshrl.u32 s7, $0x3;
	s12 =	sshrl.u32 s10, $0x3  }
0x25: {  	[smem:$0x7C1] =	sst s0;
	s30 =	sor.u32 s17, s15;
	s0 =	sor.u32 s17, s3  }
0x26: {  	s31 =	sor.u32 s2, s22;
	s1 =	sor.u32 s2, s1;
	s9 =	smul.u32 $0xC3800, s8  }
0x27: {  	s25 =	sor.u32 s6, s29;
	s2 =	sshll.u32 s7, $0x7;
	s14 =	smul.u32 $0xC3800, s12  }
0x28: {  	s3 =	sshll.u32 s8, $0xF;
	s15 =	sadd.s32 $0xE, s4;
	[smem:$0x7C5] =	sst s0  }
0x29: {  	s29 =	sshrl.u32 s26, $0x3;
	s7 =	sadd.s32 $0x11, s4;
	[smem:$0x7C6] =	sst s1  }
0x2a: {  	s0 =	sshll.u32 s24, $0xF;
	s11 =	sand.u32 $0x300, s2;
	s2 =	sand.u32 $0x380, s13  }
0x2b: {  	s16 =	sshrl.u32 s15, $0x3;
	s1 =	sshll.u32 s12, $0xF;
	s17 =	sshll.u32 s15, $0x7  }
0x2c: {  	s10 =	sshll.u32 s7, $0x7;
	s12 =	sadd.s32 $0x12, s4;
	s0 =	sor.u32 s6, s0  }
0x2d: {  	s24 =	sor.u32 s11, s9;
	s23 =	sor.u32 s2, s14;
	s19 =	smul.u32 $0xC3800, s16  }
0x2e: {  	s1 =	sor.u32 s2, s1;
	s20 =	sand.u32 $0x300, s17;
	s2 =	sshll.u32 s26, $0x7  }
0x2f: {  	s6 =	smul.u32 $0xC3800, s29;
	s9 =	sshrl.u32 s7, $0x3;
	s13 =	sshrl.u32 s12, $0x3  }
0x30: {  	s14 =	sshll.u32 s12, $0x7;
	s26 =	sadd.s32 $0x13, s4;
	[smem:$0x7CA] =	sst s0  }
0x31: {  	s0 =	sor.u32 s11, s3;
	[smem:$0x7CC] =	sst s1;
	s8 =	sand.u32 $0x380, s2  }
0x32: {  	s11 =	smul.u32 $0xC3800, s9;
	s3 =	sshll.u32 s29, $0xF;
	s2 =	sand.u32 $0x380, s10  }
0x33: {  	s1 =	sshll.u32 s9, $0xF;
	s15 =	smul.u32 $0xC3800, s13;
	s29 =	sshrl.u32 s26, $0x3  }
0x34: {  	[smem:$0x7CB] =	sst s0;
	s22 =	sor.u32 s20, s19;
	s0 =	sshll.u32 s16, $0xF  }
0x35: {  	s1 =	sor.u32 s2, s1;
	s16 =	sand.u32 $0x300, s14;
	s7 =	smul.u32 $0xC3800, s29  }
0x36: {  	s0 =	sor.u32 s20, s0;
	s20 =	sor.u32 s8, s6;
	s19 =	sor.u32 s2, s11  }
0x37: {  	[smem:$0x7D5] =	sst s1;
	s17 =	sor.u32 s16, s15;
	s2 =	sshll.u32 s26, $0x7  }
0x38: {  	s6 =	sshrl.u32 s5, $0x3;
	[smem:$0x7D0] =	sst s0;
	s0 =	sor.u32 s8, s3  }
0x39: {  	s8 =	sadd.s32 $0x14, s4;
	s9 =	sand.u32 $0x380, s2;
	s3 =	sshll.u32 s29, $0xF  }
0x3a: {  	[smem:$0x7D1] =	sst s0;
	s0 =	sshll.u32 s13, $0xF;
	s10 =	sshrl.u32 s8, $0x3  }
0x3b: {  	s11 =	sshll.u32 s8, $0x7;
	s13 =	sadd.s32 $0x15, s4;
	s8 =	smul.u32 $0xC3800, s6  }
0x3c: {  	s0 =	sor.u32 s16, s0;
	s16 =	sor.u32 s9, s7;
	s12 =	smul.u32 $0xC3800, s10  }
0x3d: {  	s2 =	sand.u32 $0x300, s11;
	s14 =	sshrl.u32 s13, $0x3;
	s1 =	sshll.u32 s10, $0xF  }
0x3e: {  	s26 =	sshll.u32 s13, $0x7;
	s7 =	sadd.s32 $0x17, s4;
	[smem:$0x7D6] =	sst s0  }
0x3f: {  	s0 =	sor.u32 s9, s3;
	s29 =	smul.u32 $0xC3800, s14;
	s1 =	sor.u32 s2, s1  }
0x40: {  	s3 =	sand.u32 $0x380, s26;
	s9 =	sshrl.u32 s7, $0x3;
	[smem:$0x7D9] =	sst s0  }
0x41: {  	s15 =	sor.u32 s2, s12;
	[smem:$0x7DB] =	sst s1;
	s0 =	sshll.u32 s14, $0xF  }
0x42: {  	s1 =	sshll.u32 s6, $0xF;
	s12 =	sshll.u32 s7, $0x7;
	s11 =	smul.u32 $0xC3800, s9  }
0x43: {  	s14 =	sshll.u32 s18, $0x8;
	s6 =	sshll.u32 s9, $0xF;
	s7 =	sadd.s32 $0x18, s4  }
0x44: {  	s13 =	sor.u32 s3, s29;
	s29 =	sor.u32 s3, s0;
	s0 =	sshll.u32 s5, $0x7  }
0x45: {  	s12 =	sand.u32 $0x380, s12;
	s5 =	sadd.s32 $0x8, s4;
	s3 =	sshrl.u32 s7, $0x3  }
0x46: {  	s0 =	sand.u32 $0x300, s0;
	s11 =	sor.u32 s12, s11;
	s18 =	sor.u32 s12, s6  }
0x47: {  	s12 =	sand.u32 $0x300, s14;
	s6 =	sshrl.u32 s5, $0x3;
	s10 =	sor.u32 s0, s8  }
0x48: {  	s26 =	sor.u32 s0, s1;
	s1 =	sshrl.u32 s4, $0x3;
	s14 =	smul.u32 $0xC3800, s6  }
0x49: {  	s9 =	sor.u32 $0x80, s12;
	s0 =	smul.u32 $0xC3800, s3;
	s6 =	sshll.u32 s6, $0xF  }
0x4a: {  	s3 =	sshll.u32 s3, $0xF;
	s2 =	smul.u32 $0xC3800, s1;
	s8 =	sshll.u32 s1, $0xF  }
0x4b: {  	s5 =	sor.u32 s12, s14;
	s14 =	sor.u32 s12, s6;
	s6 =	sor.u32 s12, s0  }
0x4c: {  	s0 =	rddreg [dreg:$0x1];
	s7 =	sor.u32 s12, s2;
	s1 =	sor.u32 s9, s2  }
0x4d: {  	s9 =	sor.u32 s9, s8;
	s8 =	sor.u32 s12, s8;
	s2 =	sshrl.u32 s1, $0x3  }
0x4e: {  	s12 =	sor.u32 s12, s3;
	s3 =	sadd.s32 s0, s2;
	s2 =	sld [smem:$0x79A]  }
0x4f: {  	[smem:$0x799] =	sst s3  }
0x50: {  	s1 =	sshrl.u32 s7, $0x3;
	s3 =	sld [smem:$0x79B]  }
0x51: {  	s1 =	sadd.s32 s0, s1  }
0x52: {  	[smem:$0x798] =	sst s1  }
0x53: {  	s1 =	sshrl.u32 s2, $0x3;
	s2 =	sshrl.u32 s3, $0x3;
	s3 =	sld [smem:$0x79C]  }
0x54: {  	_ = 	snop  }
0x55: {  	s2 =	sadd.s32 s0, s2  }
0x56: {  	[smem:$0x79E] =	sst s2;
	s3 =	sshrl.u32 s3, $0x3  }
0x57: {  	s2 =	sld [smem:$0x7A0];
	s3 =	sadd.s32 s0, s3  }
0x58: {  	s28 =	sshrl.u32 s28, $0x3;
	[smem:$0x79F] =	sst s3  }
0x59: {  	s30 =	sshrl.u32 s30, $0x3;
	s1 =	sadd.s32 s0, s1;
	s3 =	sld [smem:$0x7A1]  }
0x5a: {  	s31 =	sshrl.u32 s31, $0x3;
	[smem:$0x79D] =	sst s1;
	s1 =	sshrl.u32 s2, $0x3  }
0x5b: {  	s4 =	sadd.s32 $0x19, s4;
	s10 =	sshrl.u32 s10, $0x3;
	s1 =	sadd.s32 s0, s1  }
0x5c: {  	[smem:$0x7A2] =	sst s1;
	s2 =	sshrl.u32 s3, $0x3;
	s3 =	sadd.s32 s0, s28  }
0x5d: {  	s28 =	sshrl.u32 s5, $0x3;
	s5 =	sadd.s32 s0, s31;
	[smem:$0x7A4] =	sst s3  }
0x5e: {  	s31 =	sshrl.u32 s23, $0x3;
	s2 =	sadd.s32 s0, s2;
	[smem:$0x7A7] =	sst s5  }
0x5f: {  	s23 =	sadd.s32 $0x187000, s7;
	s1 =	sadd.s32 s0, s28;
	[smem:$0x7A3] =	sst s2  }
0x60: {  	s28 =	sshrl.u32 s25, $0x3;
	s3 =	sadd.s32 s0, s31;
	[smem:$0x7A5] =	sst s1  }
0x61: {  	s5 =	sshrl.u32 s22, $0x3;
	s2 =	sadd.s32 s0, s30;
	[smem:$0x7AA] =	sst s3  }
0x62: {  	s3 =	sshrl.u32 s15, $0x3;
	s15 =	sadd.s32 s0, s10;
	s10 =	sld [smem:$0x7BB]  }
0x63: {  	s22 =	sshrl.u32 s20, $0x3;
	s1 =	sadd.s32 s0, s28;
	[smem:$0x7A6] =	sst s2  }
0x64: {  	s30 =	sshrl.u32 s24, $0x3;
	s24 =	sadd.s32 s0, s22;
	[smem:$0x7A8] =	sst s1  }
0x65: {  	s7 =	sshrl.u32 s4, $0x3;
	s25 =	sshrl.u32 s23, $0x3;
	[smem:$0x7AC] =	sst s24  }
0x66: {  	s23 =	sshll.u32 s7, $0xF;
	s1 =	sadd.s32 s0, s5;
	[smem:$0x7B3] =	sst s15  }
0x67: {  	s5 =	sshrl.u32 s13, $0x3;
	s13 =	smul.u32 $0xC3800, s7;
	s7 =	sld [smem:$0x7B9]  }
0x68: {  	s2 =	sadd.s32 s0, s30;
	s15 =	sld [smem:$0x7BF]  }
0x69: {  	s28 =	sshrl.u32 s19, $0x3;
	s19 =	sshrl.u32 s6, $0x3;
	[smem:$0x7A9] =	sst s2  }
0x6a: {  	s20 =	sadd.s32 s0, s19;
	[smem:$0x7AB] =	sst s1  }
0x6b: {  	[smem:$0x7B5] =	sst s20  }
0x6c: {  	s30 =	sshrl.u32 s17, $0x3;
	s1 =	sadd.s32 s0, s25;
	s25 =	rddreg [dreg:$0x2]  }
0x6d: {  	s31 =	sadd.s32 s0, s30;
	s30 =	sshrl.u32 s9, $0x3;
	s9 =	sld [smem:$0x7BA]  }
0x6e: {  	s17 =	sshrl.u32 s11, $0x3;
	s2 =	sshrl.u32 s16, $0x3;
	[smem:$0x7AD] =	sst s1  }
0x6f: {  	s1 =	sadd.s32 s0, s28;
	[smem:$0x7AF] =	sst s31;
	s28 =	stileid.u32  }
0x70: {  	s31 =	sshrl.u32 s8, $0x3;
	[smem:$0x7AE] =	sst s1;
	s1 =	sadd.s32 s0, s2  }
0x71: {  	s2 =	sshll.u32 s4, $0x7;
	s4 =	sadd.s32 $0xE00, s25;
	[smem:$0x7B0] =	sst s1  }
0x72: {  	s16 =	sand.u32 $0x380, s2;
	s2 =	sadd.s32 s0, s17;
	s17 =	sld [smem:$0x7C1]  }
0x73: {  	s1 =	sadd.s32 s0, s3;
	s3 =	smul.u32 $0x34, s28;
	s28 =	sld [smem:$0x7CA]  }
0x74: {  	s6 =	sadd.s32 s4, s31;
	s31 =	sld [smem:$0x7CC]  }
0x75: {  	[smem:$0x7B1] =	sst s1  }
0x76: {  	[smem:$0x7B4] =	sst s2  }
0x77: {  	s1 =	sadd.s32 s0, s5;
	[smem:$0x7B7] =	sst s6  }
0x78: {  	s24 =	smul.u32 $0x1A, s21;
	[smem:$0x7B2] =	sst s1  }
0x79: {  	s5 =	sor.u32 s16, s13;
	s1 =	sor.u32 s16, s23;
	s16 =	sld [smem:$0x7C0]  }
0x7a: {  	s23 =	sld [smem:$0x7C6]  }
0x7b: {  	s2 =	sadd.s32 s24, s3;
	s3 =	sshrl.u32 s9, $0x3;
	s9 =	sld [smem:$0x7D0]  }
0x7c: {  	s22 =	sshrl.u32 s5, $0x3;
	s5 =	sshrl.u32 s10, $0x3;
	s10 =	sld [smem:$0x7D1]  }
0x7d: {  	s0 =	sadd.s32 s0, s22;
	s22 =	sld [smem:$0x7C5]  }
0x7e: {  	s11 =	sadd.s32 s4, s3;
	[smem:$0x7B6] =	sst s0  }
0x7f: {  	s13 =	sadd.s32 s4, s5;
	[smem:$0x7BD] =	sst s11  }
0x80: {  	[smem:$0x7BE] =	sst s13  }
0x81: {  	s5 =	sshrl.u32 s17, $0x3;
	s0 =	sadd.s32 s4, s30;
	s30 =	sld [smem:$0x7CB]  }
0x82: {  	s20 =	sadd.s32 s4, s5;
	[smem:$0x7B8] =	sst s0  }
0x83: {  	[smem:$0x7C4] =	sst s20  }
0x84: {  	s1 =	sshrl.u32 s1, $0x3;
	s3 =	sshrl.u32 s16, $0x3;
	s16 =	sld [smem:$0x7D6]  }
0x85: {  	s1 =	sadd.s32 s4, s1;
	s0 =	sshrl.u32 s7, $0x3;
	s20 =	sld [smem:$0x7DB]  }
0x86: {  	[smem:$0x7E1] =	sst s1;
	s0 =	sadd.s32 s4, s0  }
0x87: {  	s5 =	sshrl.u32 s23, $0x3;
	s19 =	sadd.s32 s4, s3;
	[smem:$0x7BC] =	sst s0  }
0x88: {  	s25 =	sadd.s32 s4, s5;
	[smem:$0x7C3] =	sst s19  }
0x89: {  	s21 =	sshrl.u32 s14, $0x3;
	s11 =	sadd.s32 $0x10000, s8;
	[smem:$0x7C9] =	sst s25  }
0x8a: {  	s3 =	sshrl.u32 s22, $0x3;
	s0 =	sshrl.u32 s15, $0x3;
	s15 =	sld [smem:$0x7D5]  }
0x8b: {  	s5 =	sshrl.u32 s31, $0x3;
	s24 =	sadd.s32 s4, s3;
	s19 =	sld [smem:$0x7D9]  }
0x8c: {  	s14 =	sshrl.u32 s11, $0x3;
	s7 =	sadd.s32 s4, s5;
	[smem:$0x7C8] =	sst s24  }
0x8d: {  	s3 =	sshrl.u32 s30, $0x3;
	s0 =	sadd.s32 s4, s0;
	[smem:$0x7CF] =	sst s7  }
0x8e: {  	s25 =	sshrl.u32 s12, $0x3;
	s6 =	sadd.s32 s4, s3;
	[smem:$0x7C2] =	sst s0  }
0x8f: {  	s23 =	sshrl.u32 s26, $0x3;
	s26 =	sadd.s32 s4, s25;
	[smem:$0x7CE] =	sst s6  }
0x90: {  	s3 =	sshrl.u32 s10, $0x3;
	s0 =	sadd.s32 s4, s21;
	[smem:$0x7E0] =	sst s26  }
0x91: {  	s13 =	sadd.s32 s4, s3;
	s3 =	sshrl.u32 s16, $0x3;
	[smem:$0x7C7] =	sst s0  }
0x92: {  	s21 =	sshrl.u32 s29, $0x3;
	s29 =	simm.s32 $0x0;
	[smem:$0x7D3] =	sst s13  }
0x93: {  	s24 =	sshrl.u32 s18, $0x3;
	s17 =	sadd.s32 s4, s3;
	[smem:$0x7FF] =	sst s29  }
0x94: {  	s0 =	sshrl.u32 s28, $0x3;
	s22 =	sadd.s32 s4, s21;
	[smem:$0x7D8] =	sst s17  }
0x95: {  	s28 =	sshll.u32 s2, $0x9;
	s0 =	sadd.s32 s4, s0;
	[smem:$0x7DD] =	sst s22  }
0x96: {  	s2 =	sadd.s32 $0x400, s28;
	s31 =	sand.u32 $0xFC000, s28;
	s5 =	sadd.s32 $0x600, s28  }
0x97: {  	s6 =	sadd.s32 $0x800, s28;
	s7 =	sadd.s32 $0xA00, s28;
	s8 =	sadd.s32 $0xC00, s28  }
0x98: {  	s10 =	sadd.s32 $0x1000, s28;
	s11 =	sadd.s32 $0x1200, s28;
	s12 =	sadd.s32 $0x1400, s28  }
0x99: {  	s13 =	sadd.s32 $0x1600, s28;
	s16 =	sadd.s32 $0x1C00, s28;
	s17 =	sadd.s32 $0x1E00, s28  }
0x9a: {  	s18 =	sadd.s32 $0x2000, s28;
	s21 =	sadd.s32 $0x2600, s28;
	s22 =	sadd.s32 $0x2800, s28  }
0x9b: {  	s25 =	sadd.s32 $0x2E00, s28;
	s26 =	sadd.s32 $0x3000, s28;
	[smem:$0x7CD] =	sst s0  }
0x9c: {  	s0 =	sshrl.u32 s9, $0x3;
	s30 =	sand.u32 $0x1FC000, s2;
	s3 =	sand.u32 $0x1FC000, s5  }
0x9d: {  	s5 =	sand.u32 $0x1FC000, s7;
	s9 =	sadd.s32 $0xE00, s28;
	s0 =	sadd.s32 s4, s0  }
0x9e: {  	s1 =	ssub.s32 s30, s31;
	s3 =	ssub.s32 s3, s31;
	s5 =	ssub.s32 s5, s31  }
0x9f: {  	s7 =	sand.u32 $0x1FC000, s9;
	s9 =	sand.u32 $0x1FC000, s11;
	s11 =	sand.u32 $0x1FC000, s13  }
0xa0: {  	[smem:$0x7D2] =	sst s0;
	s0 =	sadd.s32 s4, s14;
	s7 =	ssub.s32 s7, s31  }
0xa1: {  	s9 =	ssub.s32 s9, s31;
	s14 =	sadd.s32 $0x1800, s28;
	s11 =	ssub.s32 s11, s31  }
0xa2: {  	s1 =	sor.u32 $0x100, s1;
	s5 =	sor.u32 $0x100, s5;
	[smem:$0x7D4] =	sst s0  }
0xa3: {  	s0 =	sshrl.u32 s15, $0x3;
	s15 =	sadd.s32 $0x1A00, s28;
	s1 =	sshra.s32 s1, $0x2  }
0xa4: {  	s0 =	sadd.s32 s4, s0;
	s13 =	sand.u32 $0x1FC000, s15;
	s15 =	sand.u32 $0x1FC000, s17  }
0xa5: {  	[smem:$0x7D7] =	sst s0;
	s0 =	sshrl.u32 s19, $0x3;
	s13 =	ssub.s32 s13, s31  }
0xa6: {  	s15 =	ssub.s32 s15, s31;
	s19 =	sadd.s32 $0x2200, s28;
	s0 =	sadd.s32 s4, s0  }
0xa7: {  	s17 =	sand.u32 $0x1FC000, s19;
	[smem:$0x7DA] =	sst s0;
	s0 =	sshrl.u32 s20, $0x3  }
0xa8: {  	s19 =	sand.u32 $0x1FC000, s21;
	s20 =	sadd.s32 $0x2400, s28;
	s0 =	sadd.s32 s4, s0  }
0xa9: {  	s17 =	ssub.s32 s17, s31;
	[smem:$0x7DC] =	sst s0;
	s0 =	sadd.s32 s4, s23  }
0xaa: {  	s19 =	ssub.s32 s19, s31;
	s23 =	sadd.s32 $0x2A00, s28;
	[smem:$0x7DE] =	sst s0  }
0xab: {  	s0 =	sadd.s32 s4, s24;
	s4 =	sand.u32 $0x1FC000, s6;
	s6 =	sand.u32 $0x1FC000, s8  }
0xac: {  	s8 =	sand.u32 $0x1FC000, s10;
	s10 =	sand.u32 $0x1FC000, s12;
	s12 =	sand.u32 $0x1FC000, s14  }
0xad: {  	s14 =	sand.u32 $0x1FC000, s16;
	s16 =	sand.u32 $0x1FC000, s18;
	s18 =	sand.u32 $0x1FC000, s20  }
0xae: {  	s20 =	sand.u32 $0x1FC000, s22;
	s24 =	sadd.s32 $0x2C00, s28;
	s21 =	sand.u32 $0x1FC000, s23  }
0xaf: {  	s23 =	sand.u32 $0x1FC000, s25;
	s25 =	sor.u32 $0x100, s7;
	s7 =	sor.u32 $0x100, s13  }
0xb0: {  	[smem:$0x7DF] =	sst s0;
	s4 =	ssub.s32 s4, s31;
	s6 =	ssub.s32 s6, s31  }
0xb1: {  	s8 =	ssub.s32 s8, s31;
	s10 =	ssub.s32 s10, s31;
	s12 =	ssub.s32 s12, s31  }
0xb2: {  	s14 =	ssub.s32 s14, s31;
	s16 =	ssub.s32 s16, s31;
	s18 =	ssub.s32 s18, s31  }
0xb3: {  	s20 =	ssub.s32 s20, s31;
	s22 =	sand.u32 $0x1FC000, s24;
	s21 =	ssub.s32 s21, s31  }
0xb4: {  	s0 =	sadd.s32 $0x3200, s28;
	s23 =	ssub.s32 s23, s31;
	s24 =	sand.u32 $0x1FC000, s26  }
0xb5: {  	s22 =	ssub.s32 s22, s31;
	s0 =	sand.u32 $0x1FC000, s0;
	s24 =	ssub.s32 s24, s31  }
0xb6: {  	_ =	strace $0x80000047;
	[smem:$0x7E6] =	sst s1;
	s6 =	sor.u32 $0x100, s6  }
0xb7: {  	s1 =	sshra.s32 s5, $0x2;
	s5 =	sor.u32 $0x100, s11;
	s11 =	sor.u32 $0x100, s15  }
0xb8: {  	s15 =	sor.u32 $0x100, s17;
	s17 =	sor.u32 $0x100, s19;
	s28 =	sld [smem:$0x7E2]  }
0xb9: {  	s0 =	ssub.s32 s0, s31;
	s29 =	sld [smem:$0x7E4];
	s31 =	sor.u32 $0x100, s4  }
0xba: {  	[smem:$0x7E9] =	sst s1;
	s26 =	sshra.s32 s6, $0x2;
	s6 =	sor.u32 $0x100, s12  }
0xbb: {  	s12 =	sor.u32 $0x100, s16;
	s13 =	sshra.s32 s11, $0x2;
	[smem:$0x7EA] =	sst s26  }
0xbc: {  	s16 =	sor.u32 $0x100, s18;
	s19 =	sshra.s32 s17, $0x2;
	[smem:$0x7F3] =	sst s13  }
0xbd: {  	s4 =	sshra.s32 s31, $0x2;
	s31 =	sor.u32 $0x100, s10;
	[smem:$0x7F7] =	sst s19  }
0xbe: {  	s10 =	sor.u32 $0x100, s14;
	s14 =	sshra.s32 s12, $0x2;
	[smem:$0x7E8] =	sst s4  }
0xbf: {  	s21 =	sor.u32 $0x100, s21;
	s18 =	sshra.s32 s16, $0x2;
	[smem:$0x7F4] =	sst s14  }
0xc0: {  	s26 =	sshra.s32 s21, $0x2;
	[smem:$0x7F6] =	sst s18  }
0xc1: {  	s0 =	sor.u32 $0x100, s0;
	s4 =	sshra.s32 s31, $0x2;
	[smem:$0x7F9] =	sst s26  }
0xc2: {  	s0 =	sshra.s32 s0, $0x2;
	[smem:$0x7EE] =	sst s4  }
0xc3: {  	s2 =	sadd.s32 $0x200, s28;
	[smem:$0x7FD] =	sst s0  }
0xc4: {  	s28 =	sshra.s32 s25, $0x2;
	[smem:$0x7E3] =	sst s2  }
0xc5: {  	s25 =	sor.u32 $0x100, s22;
	s2 =	smax.u32 s29, $0x1;
	[smem:$0x7EB] =	sst s28  }
0xc6: {  	s29 =	sor.u32 $0x100, s8;
	s8 =	sshra.s32 s6, $0x2;
	[smem:$0x7E5] =	sst s2  }
0xc7: {  	s30 =	sor.u32 $0x100, s3;
	s28 =	sshra.s32 s25, $0x2;
	[smem:$0x7F0] =	sst s8  }
0xc8: {  	s2 =	sshra.s32 s30, $0x2;
	[smem:$0x7FA] =	sst s28  }
0xc9: {  	s1 =	sshra.s32 s29, $0x2;
	[smem:$0x7E7] =	sst s2  }
0xca: {  	s30 =	sor.u32 $0x100, s9;
	s9 =	sshra.s32 s7, $0x2;
	[smem:$0x7EC] =	sst s1  }
0xcb: {  	s2 =	sshra.s32 s30, $0x2;
	[smem:$0x7F1] =	sst s9  }
0xcc: {  	v0 =	vimm.s32 $0xECA86420;
	vm0 =	vcmask $0xB08;
	vm1 =	vcmask $0x1310;
	s1 =	sshra.s32 s5, $0x2;
	[smem:$0x7ED] =	sst s2  }
0xcd: {  	vm2 =	vcmask $0x1B18;
	vm3 =	vcmask $0x300;
	vm4 =	vcmask $0x2320;
	s30 =	sor.u32 $0x100, s24;
	[smem:$0x7EF] =	sst s1;
	s1 =	sshra.s32 s10, $0x2  }
0xce: {  	vm5 =	vcmask $0x2B28;
	vm6 =	vcmask $0x3330;
	vm7 =	vcmask $0x3B38;
	s31 =	sshra.s32 s30, $0x2;
	[smem:$0x7F2] =	sst s1  }
0xcf: {  	v1 =	vlaneseq.u32;
	vm8 =	vmmov $0xff;
	vm9 =	vcmask $0x704;
	s20 =	sor.u32 $0x100, s20;
	s1 =	sshra.s32 s15, $0x2;
	[smem:$0x7FC] =	sst s31  }
0xd0: {  	vm10 =	vcmask $0xF0C;
	vm11 =	vcmask $0x1714;
	v0 =	vunpack.c.l.s4.s8 v0;
	s29 =	sor.u32 $0x100, s23;
	[smem:$0x7F5] =	sst s1;
	s1 =	sshra.s32 s20, $0x2  }
0xd1: {  	vm12 =	vcmask $0x1F1C;
	vm13 =	vcmask $0x2724;
	vm14 =	vcmask $0x2F2C;
	[smem:$0x7F8] =	sst s1;
	s1 =	sshra.s32 s29, $0x2  }
0xd2: {  	vm15 =	vcmask $0x3734;
	v1 =	vmul.u32 $0x2, v1;
	v0 =	vunpack.c.0.s8.s32 v0;
	s3 =	simm.s32 $0x2;
	[smem:$0x7FB] =	sst s1;
	s1 =	simm.s32 $0x0  }
.LBB2_1:
0xd3: {  	s0 =	sld [smem:$0x797];
	_ =	sdelay $0x1  }
0xd4: {  	[smem:$0x735] =	sst s1;
	s15 =	simm.s32 $0x0  }
0xd5: {  	[tilespmem:s15], [sflag:$0x2] =	stream.linear.gather [hbm4b:s0+s15], $0x1000, $0x38;
	[tilespmem:$0x1C700] =	vst v63  }
0xd6: {  	_ =	swait.ge [sflag:s3], $0x1000  }
0xd7: {  	s16 =	sld [smem:$0x7E3]  }
0xd8: {  	[sflag:s3] =	ssyncset.done $0x0  }
0xd9: {  	s2 =	simm.s32 $0x1000;
	[sflag:s3] =	ssyncadd.s32 $0xFFFFF000  }
0xda: {  	[tilespmem:s2], [sflag:$0x2] =	stream.linear.gather [hbm4b:s16+s15], $0x1000, $0x38;
	[tilespmem:$0x1C700] =	vst v63  }
0xdb: {  	_ =	swait.ge [sflag:s3], $0x1000  }
0xdc: {  	[sflag:s3] =	ssyncset.done $0x0  }
0xdd: {  	s17 =	simm.s32 $0x20;
	[sflag:s3] =	ssyncadd.s32 $0xFFFFF000  }
0xde: {  	v2 =	vld [tilespmem:s17+$0x10];
	_ =	sdelay $0x4  }
0xdf: {  	v5 =	vadd.s32 $0x1, v2  }
0xe0: {  	(v2sf) =	vpush v5, $0xF  }
0xe1: {  	(v2sf) =	vpush v5, $0xB  }
0xe2: {  	(v2sf) =	vpush v5, $0x6  }
0xe3: {  	(v2sf) =	vpush v5, $0xE  }
0xe4: {  	(v2sf) =	vpush v5, $0xA  }
0xe5: {  	(v2sf) =	vpush v5, $0xD  }
0xe6: {  	(v2sf) =	vpush v5, $0x9  }
0xe7: {  	(v2sf) =	vpush v5, $0x5  }
0xe8: {  	(v2sf) =	vpush v5, $0xC;
	_ =	sdelay $0x4  }
0xe9: {  	(v2sf) =	vpush v5, $0x8;
	_ =	sdelay $0x1  }
0xea: {  	(v2sf) =	vpush v5, $0x4;
	s18 =	spop (v2sf)  }
0xeb: {  	(v2sf) =	vpush v5, $0x3;
	s20 =	smulhi.u32 $0x14F8B589, s18;
	s21 =	spop (v2sf)  }
0xec: {  	s0 =	sshra.s32 s18, $0x1F;
	s14 =	smulhi.u32 $0x14F8B589, s21;
	s4 =	spop (v2sf)  }
0xed: {  	s1 =	smul.u32 $0x14F8B589, s0;
	s5 =	spop (v2sf)  }
0xee: {  	s3 =	sshra.s32 s21, $0x1F;
	s19 =	smulhi.u32 $0x14F8B589, s4;
	s6 =	spop (v2sf)  }
0xef: {  	s3 =	smul.u32 $0x14F8B589, s3;
	s7 =	spop (v2sf)  }
0xf0: {  	s25 =	smulhi.u32 $0x14F8B589, s5;
	s8 =	spop (v2sf)  }
0xf1: {  	s5 =	sshra.s32 s5, $0x1F;
	s29 =	smulhi.u32 $0x14F8B589, s6;
	s9 =	spop (v2sf)  }
0xf2: {  	s2 =	smul.u32 $0x14F8B589, s5;
	s10 =	spop (v2sf)  }
0xf3: {  	(v2sf) =	vpush v5, $0x2;
	s23 =	smulhi.u32 $0x14F8B589, s10  }
0xf4: {  	[smem:$0x736] =	sst s20;
	s6 =	sshra.s32 s6, $0x1F;
	s28 =	smulhi.u32 $0x14F8B589, s7  }
0xf5: {  	s24 =	simm.s32 $0x20;
	(v2sf) =	vpush v5, $0x1;
	s15 =	smul.u32 $0x14F8B589, s6;
	[smem:$0x737] =	sst s23  }
0xf6: {  	s7 =	sshra.s32 s7, $0x1F;
	s16 =	smulhi.u32 $0x14F8B589, s8;
	v2 =	vld [tilespmem:s24+$0xFFFFFFE0]  }
0xf7: {  	s0 =	smul.u32 $0x14F8B589, s7;
	s11 =	spop (v2sf);
	(v2sf) =	vpush v5, $0x0;
	v4 =	vld [tilespmem:s24+$0xFFFFFFF0]  }
0xf8: {  	s26 =	smulhi.u32 $0x14F8B589, s9  }
0xf9: {  	s30 =	smulhi.u32 $0x14F8B589, s11;
	s12 =	spop (v2sf);
	(v2sf) =	vpush v5, $0x7;
	v6 =	vld [tilespmem:s24+$0x0]  }
0xfa: {  	s31 =	smulhi.u32 $0x14F8B589, s12;
	s13 =	spop (v2sf)  }
0xfb: {  	s4 =	sshra.s32 s4, $0x1F;
	s22 =	smulhi.u32 $0x14F8B589, s13;
	v3 =	vadd.s32 $0x1, v2  }
0xfc: {  	s8 =	sshra.s32 s8, $0x1F;
	s24 =	smul.u32 $0x14F8B589, s4;
	v2 =	vadd.s32 $0x1, v4;
	(v2sf) =	vpush v3, $0x7  }
0xfd: {  	s4 =	smul.u32 $0x14F8B589, s8;
	s23 =	sshra.s32 s13, $0x1F;
	(v2sf) =	vpush v2, $0x7  }
0xfe: {  	s3 =	sadd.s32 s3, s14;
	s9 =	sshra.s32 s9, $0x1F;
	s5 =	smul.u32 $0x14F8B589, s23;
	v4 =	vadd.s32 $0x1, v6  }
0xff: {  	s20 =	sshra.s32 s12, $0x1F;
	[smem:$0x738] =	sst s4;
	s4 =	smul.u32 $0x14F8B589, s9;
	(v2sf) =	vpush v4, $0x7  }
0x100: {  	s17 =	sshra.s32 s10, $0x1F;
	[smem:$0x770] =	sst s3;
	s9 =	smul.u32 $0x14F8B589, s20;
	(v2sf) =	vpush v3, $0x0  }
0x101: {  	s18 =	sshra.s32 s11, $0x1F;
	[smem:$0x739] =	sst s4;
	s4 =	smul.u32 $0x14F8B589, s17  }
0x102: {  	s17 =	smul.u32 $0x14F8B589, s18;
	s21 =	spop (v2sf)  }
0x103: {  	[smem:$0x740] =	sst s5;
	s8 =	smulhi.u32 $0x14F8B589, s21;
	s6 =	sshra.s32 s21, $0x1F  }
0x104: {  	s11 =	spop (v2sf);
	s10 =	smul.u32 $0x14F8B589, s6;
	(v2sf) =	vpush v2, $0x0  }
0x105: {  	s12 =	smulhi.u32 $0x14F8B589, s11;
	s5 =	sshra.s32 s11, $0x1F;
	[smem:$0x73C] =	sst s8  }
0x106: {  	s5 =	smul.u32 $0x14F8B589, s5;
	(v2sf) =	vpush v4, $0x0;
	s13 =	spop (v2sf)  }
0x107: {  	[smem:$0x73D] =	sst s10;
	s10 =	smulhi.u32 $0x14F8B589, s13;
	s6 =	sshra.s32 s13, $0x1F  }
0x108: {  	(v2sf) =	vpush v3, $0x1;
	s20 =	spop (v2sf);
	s18 =	smul.u32 $0x14F8B589, s6  }
0x109: {  	[smem:$0x73F] =	sst s5;
	(v2sf) =	vpush v2, $0x1;
	s21 =	smulhi.u32 $0x14F8B589, s20;
	s5 =	sshra.s32 s20, $0x1F  }
0x10a: {  	[smem:$0x73E] =	sst s12;
	s20 =	smul.u32 $0x14F8B589, s5  }
0x10b: {  	(v2sf) =	vpush v4, $0x1;
	[smem:$0x73B] =	sst s18;
	s23 =	spop (v2sf)  }
0x10c: {  	s11 =	spop (v2sf);
	s12 =	sshra.s32 s23, $0x1F;
	s6 =	smulhi.u32 $0x14F8B589, s23  }
0x10d: {  	[smem:$0x73A] =	sst s21;
	s7 =	smul.u32 $0x14F8B589, s12;
	s18 =	sshra.s32 s11, $0x1F  }
0x10e: {  	(v2sf) =	vpush v3, $0x2;
	s13 =	spop (v2sf);
	s8 =	smul.u32 $0x14F8B589, s18  }
0x10f: {  	[smem:$0x742] =	sst s6;
	s23 =	spop (v2sf)  }
0x110: {  	(v2sf) =	vpush v2, $0x2;
	s21 =	sshra.s32 s13, $0x1F;
	[smem:$0x741] =	sst s7;
	s7 =	smulhi.u32 $0x14F8B589, s13  }
0x111: {  	s13 =	sshra.s32 s23, $0x1F;
	[smem:$0x743] =	sst s8;
	s8 =	smul.u32 $0x14F8B589, s21  }
0x112: {  	(v2sf) =	vpush v4, $0x2;
	[smem:$0x746] =	sst s7;
	s7 =	smul.u32 $0x14F8B589, s13  }
0x113: {  	[smem:$0x745] =	sst s8;
	s8 =	spop (v2sf)  }
0x114: {  	s5 =	smulhi.u32 $0x14F8B589, s11;
	[smem:$0x747] =	sst s7;
	s11 =	sshra.s32 s8, $0x1F  }
0x115: {  	s18 =	spop (v2sf);
	s7 =	smul.u32 $0x14F8B589, s11  }
0x116: {  	[smem:$0x744] =	sst s5;
	s12 =	sshra.s32 s18, $0x1F;
	s6 =	smulhi.u32 $0x14F8B589, s18  }
0x117: {  	s5 =	spop (v2sf);
	s21 =	smul.u32 $0x14F8B589, s12  }
0x118: {  	(v2sf) =	vpush v3, $0x3;
	s11 =	spop (v2sf);
	s13 =	sshra.s32 s5, $0x1F;
	s5 =	smulhi.u32 $0x14F8B589, s5  }
0x119: {  	(v2sf) =	vpush v2, $0x3;
	[smem:$0x748] =	sst s7;
	s7 =	smulhi.u32 $0x14F8B589, s8  }
0x11a: {  	s18 =	smul.u32 $0x14F8B589, s13;
	s12 =	spop (v2sf)  }
0x11b: {  	s8 =	sshra.s32 s11, $0x1F;
	s11 =	smulhi.u32 $0x14F8B589, s11;
	[smem:$0x74A] =	sst s5  }
0x11c: {  	[smem:$0x749] =	sst s18;
	s18 =	smul.u32 $0x14F8B589, s8  }
0x11d: {  	s5 =	spop (v2sf);
	s8 =	sshra.s32 s12, $0x1F;
	[smem:$0x74C] =	sst s11  }
0x11e: {  	(v2sf) =	vpush v4, $0x3;
	[smem:$0x74B] =	sst s18;
	s18 =	smul.u32 $0x14F8B589, s8  }
0x11f: {  	s12 =	smulhi.u32 $0x14F8B589, s12;
	s13 =	sshra.s32 s5, $0x1F;
	s11 =	spop (v2sf)  }
0x120: {  	[smem:$0x74D] =	sst s18;
	s18 =	smul.u32 $0x14F8B589, s13  }
0x121: {  	[smem:$0x74E] =	sst s12;
	s12 =	spop (v2sf);
	s8 =	sshra.s32 s11, $0x1F  }
0x122: {  	s0 =	sadd.s32 s0, s28;
	[smem:$0x74F] =	sst s18;
	s18 =	smul.u32 $0x14F8B589, s8  }
0x123: {  	[smem:$0x76A] =	sst s0;
	s5 =	smulhi.u32 $0x14F8B589, s5;
	s8 =	sshra.s32 s12, $0x1F  }
0x124: {  	(v2sf) =	vpush v3, $0x4;
	[smem:$0x751] =	sst s18;
	s18 =	smul.u32 $0x14F8B589, s8  }
0x125: {  	[smem:$0x750] =	sst s5  }
0x126: {  	(v2sf) =	vpush v2, $0x4;
	s13 =	smulhi.u32 $0x14F8B589, s11;
	[smem:$0x753] =	sst s18  }
0x127: {  	s5 =	spop (v2sf);
	s18 =	smulhi.u32 $0x14F8B589, s12  }
0x128: {  	[smem:$0x752] =	sst s13;
	s12 =	spop (v2sf)  }
0x129: {  	s11 =	sshra.s32 s5, $0x1F;
	s8 =	smulhi.u32 $0x14F8B589, s5;
	[smem:$0x754] =	sst s18  }
0x12a: {  	s13 =	smul.u32 $0x14F8B589, s11;
	s11 =	sld [smem:$0x736]  }
0x12b: {  	s18 =	sshra.s32 s12, $0x1F;
	s12 =	smulhi.u32 $0x14F8B589, s12;
	[smem:$0x756] =	sst s8  }
0x12c: {  	s18 =	smul.u32 $0x14F8B589, s18;
	[smem:$0x755] =	sst s13  }
0x12d: {  	(v2sf) =	vpush v4, $0x4;
	s13 =	spop (v2sf);
	[smem:$0x758] =	sst s12  }
0x12e: {  	[smem:$0x757] =	sst s18;
	s18 =	sshra.s32 s13, $0x1F  }
0x12f: {  	s1 =	sadd.s32 s1, s11;
	s14 =	smulhi.u32 $0x14F8B589, s13;
	s13 =	sld [smem:$0x737]  }
0x130: {  	s11 =	sadd.s32 s2, s25;
	[smem:$0x76F] =	sst s1  }
0x131: {  	[smem:$0x76C] =	sst s11  }
0x132: {  	(v2sf) =	vpush v3, $0xC;
	s11 =	sadd.s32 s15, s29;
	s15 =	sld [smem:$0x739]  }
0x133: {  	(v2sf) =	vpush v3, $0x8;
	s0 =	spop (v2sf);
	[smem:$0x75A] =	sst s14  }
0x134: {  	s18 =	smul.u32 $0x14F8B589, s18;
	[smem:$0x76E] =	sst s11  }
0x135: {  	s1 =	spop (v2sf);
	s14 =	sld [smem:$0x738]  }
0x136: {  	(v2sf) =	vpush v2, $0xC;
	s8 =	sshra.s32 s1, $0x1F;
	[smem:$0x759] =	sst s18  }
0x137: {  	s3 =	smul.u32 $0x14F8B589, s8;
	s4 =	sadd.s32 s4, s13;
	s13 =	sld [smem:$0x73A]  }
0x138: {  	(v2sf) =	vpush v2, $0x8;
	s18 =	sshra.s32 s0, $0x1F;
	s0 =	smulhi.u32 $0x14F8B589, s0;
	[smem:$0x768] =	sst s4  }
0x139: {  	s2 =	smul.u32 $0x14F8B589, s18;
	[smem:$0x75D] =	sst s3  }
0x13a: {  	[smem:$0x75C] =	sst s0  }
0x13b: {  	s4 =	sadd.s32 s14, s16;
	[smem:$0x75B] =	sst s2  }
0x13c: {  	s25 =	spop (v2sf);
	s16 =	sadd.s32 s17, s30;
	[smem:$0x76B] =	sst s4  }
0x13d: {  	(v2sf) =	vpush v4, $0xC;
	s18 =	smulhi.u32 $0x14F8B589, s25;
	s17 =	sadd.s32 s9, s31;
	[smem:$0x769] =	sst s16  }
0x13e: {  	s12 =	sshra.s32 s25, $0x1F;
	[smem:$0x771] =	sst s17  }
0x13f: {  	s3 =	smul.u32 $0x14F8B589, s12;
	[smem:$0x75F] =	sst s18  }
0x140: {  	s31 =	smulhi.u32 $0x14F8B589, s1;
	s16 =	sld [smem:$0x73C]  }
0x141: {  	s9 =	spop (v2sf);
	s17 =	sld [smem:$0x73D]  }
0x142: {  	s4 =	spop (v2sf);
	[smem:$0x75E] =	sst s3  }
0x143: {  	(v2sf) =	vpush v4, $0x8;
	s25 =	sshra.s32 s9, $0x1F;
	s3 =	sadd.s32 s15, s26;
	s15 =	sld [smem:$0x73B]  }
0x144: {  	s26 =	smul.u32 $0x14F8B589, s25;
	s25 =	sld [smem:$0x73E]  }
0x145: {  	s0 =	sshra.s32 s4, $0x1F;
	[smem:$0x772] =	sst s3;
	s3 =	spop (v2sf)  }
0x146: {  	s1 =	smul.u32 $0x14F8B589, s0;
	[smem:$0x760] =	sst s26  }
0x147: {  	s18 =	spop (v2sf);
	s26 =	sld [smem:$0x73F]  }
0x148: {  	s2 =	sshra.s32 s3, $0x1F;
	s16 =	sadd.s32 s17, s16;
	s17 =	sld [smem:$0x744]  }
0x149: {  	[smem:$0x762] =	sst s1;
	s5 =	smul.u32 $0x14F8B589, s2;
	s8 =	sshra.s32 s18, $0x1F  }
0x14a: {  	s10 =	sadd.s32 s15, s10;
	s15 =	sld [smem:$0x743];
	s11 =	smul.u32 $0x14F8B589, s8  }
0x14b: {  	s8 =	smulhi.u32 $0x14F8B589, s9;
	s9 =	sadd.s32 s24, s19;
	s19 =	sld [smem:$0x745]  }
0x14c: {  	s2 =	spop (v2sf);
	s24 =	sld [smem:$0x747]  }
0x14d: {  	s12 =	sshra.s32 s2, $0x1F;
	[smem:$0x764] =	sst s5  }
0x14e: {  	s1 =	smul.u32 $0x14F8B589, s12;
	s12 =	sld [smem:$0x742]  }
0x14f: {  	(v2sf) =	vpush v3, $0xD;
	s5 =	sadd.s32 s20, s13;
	[smem:$0x765] =	sst s11  }
0x150: {  	(v2sf) =	vpush v3, $0x9;
	[smem:$0x76D] =	sst s5  }
0x151: {  	(v2sf) =	vpush v3, $0x5;
	s5 =	sld [smem:$0x740]  }
0x152: {  	(v2sf) =	vpush v2, $0xD;
	s0 =	spop (v2sf);
	[smem:$0x761] =	sst s8  }
0x153: {  	(v2sf) =	vpush v2, $0x9;
	s14 =	sshra.s32 s0, $0x1F;
	s13 =	smulhi.u32 $0x14F8B589, s4;
	s11 =	sld [smem:$0x741]  }
0x154: {  	(v2sf) =	vpush v2, $0x5;
	s20 =	smul.u32 $0x14F8B589, s14;
	s14 =	sadd.s32 s26, s25;
	s25 =	sld [smem:$0x748]  }
0x155: {  	(v2sf) =	vpush v4, $0xD;
	[smem:$0x766] =	sst s1  }
0x156: {  	(v2sf) =	vpush v4, $0x9;
	s26 =	sadd.s32 s21, s6;
	[smem:$0x763] =	sst s13  }
0x157: {  	[smem:$0x776] =	sst s26  }
0x158: {  	[smem:$0x767] =	sst s20  }
0x159: {  	s20 =	sadd.s32 s5, s22;
	s22 =	sld [smem:$0x746]  }
0x15a: {  	s23 =	smulhi.u32 $0x14F8B589, s23;
	s13 =	sld [smem:$0x74A];
	s1 =	sadd.s32 s11, s12  }
0x15b: {  	s29 =	smulhi.u32 $0x14F8B589, s3;
	[dreg:$0x7] =	wrdreg s1;
	s1 =	sadd.s32 s15, s17  }
0x15c: {  	(v2sf) =	vpush v4, $0x5;
	s26 =	smulhi.u32 $0x14F8B589, s2;
	[dreg:$0x6] =	wrdreg s1;
	s1 =	sadd.s32 s19, s22  }
0x15d: {  	s22 =	smulhi.u32 $0x14F8B589, s18;
	[dreg:$0x5] =	wrdreg s1;
	s1 =	sadd.s32 s24, s23  }
0x15e: {  	s18 =	spop (v2sf);
	[smem:$0x774] =	sst s1;
	s1 =	sadd.s32 s25, s7  }
0x15f: {  	s8 =	spop (v2sf);
	[smem:$0x775] =	sst s1;
	s1 =	sshra.s32 s18, $0x1F  }
0x160: {  	s2 =	sshra.s32 s8, $0x1F;
	s24 =	smul.u32 $0x14F8B589, s1;
	s1 =	spop (v2sf)  }
0x161: {  	s23 =	smul.u32 $0x14F8B589, s2;
	s2 =	spop (v2sf)  }
0x162: {  	s11 =	sld [smem:$0x749];
	s4 =	sshra.s32 s1, $0x1F;
	s3 =	spop (v2sf)  }
0x163: {  	s12 =	smul.u32 $0x14F8B589, s4;
	s5 =	sshra.s32 s2, $0x1F;
	s4 =	spop (v2sf)  }
0x164: {  	s21 =	smul.u32 $0x14F8B589, s5;
	s6 =	sshra.s32 s3, $0x1F;
	s5 =	spop (v2sf)  }
0x165: {  	s19 =	smul.u32 $0x14F8B589, s6;
	s6 =	spop (v2sf)  }
0x166: {  	s30 =	sadd.s32 s11, s13;
	s11 =	sld [smem:$0x74B];
	s25 =	sshra.s32 s6, $0x1F  }
0x167: {  	s13 =	smul.u32 $0x14F8B589, s25;
	s25 =	sld [smem:$0x74C]  }
0x168: {  	[smem:$0x773] =	sst s9;
	s9 =	sshra.s32 s5, $0x1F  }
0x169: {  	s15 =	smul.u32 $0x14F8B589, s9;
	s9 =	sld [smem:$0x74D]  }
0x16a: {  	s7 =	sshra.s32 s4, $0x1F;
	s25 =	sadd.s32 s11, s25;
	s11 =	sld [smem:$0x74E]  }
0x16b: {  	s17 =	smul.u32 $0x14F8B589, s7;
	s7 =	spop (v2sf)  }
0x16c: {  	s28 =	smulhi.u32 $0x14F8B589, s0;
	s0 =	sshra.s32 s7, $0x1F  }
0x16d: {  	s9 =	sadd.s32 s9, s11;
	s11 =	smul.u32 $0x14F8B589, s0;
	s0 =	sld [smem:$0x74F]  }
0x16e: {  	[smem:$0x777] =	sst s9  }
0x16f: {  	s9 =	sld [smem:$0x750];
	_ =	sdelay $0x2  }
0x170: {  	s0 =	sadd.s32 s0, s9;
	s9 =	sld [smem:$0x752]  }
0x171: {  	[smem:$0x778] =	sst s0  }
0x172: {  	s0 =	sld [smem:$0x751];
	_ =	sdelay $0x2  }
0x173: {  	s0 =	sadd.s32 s0, s9;
	s9 =	smulhi.u32 $0x14F8B589, s18;
	s18 =	sld [smem:$0x754]  }
0x174: {  	[smem:$0x77B] =	sst s0  }
0x175: {  	s0 =	sld [smem:$0x753];
	_ =	sdelay $0x2  }
0x176: {  	s0 =	sadd.s32 s0, s18;
	s18 =	sld [smem:$0x756]  }
0x177: {  	[smem:$0x77C] =	sst s0  }
0x178: {  	s0 =	sld [smem:$0x755];
	_ =	sdelay $0x2  }
0x179: {  	s0 =	sadd.s32 s0, s18;
	s18 =	sld [smem:$0x758]  }
0x17a: {  	[smem:$0x77E] =	sst s0  }
0x17b: {  	s0 =	sld [smem:$0x757];
	_ =	sdelay $0x2  }
0x17c: {  	s0 =	sadd.s32 s0, s18;
	s18 =	sld [smem:$0x75A]  }
0x17d: {  	[smem:$0x780] =	sst s0  }
0x17e: {  	s0 =	sld [smem:$0x759];
	_ =	sdelay $0x2  }
0x17f: {  	s0 =	sadd.s32 s0, s18;
	s18 =	sld [smem:$0x75C]  }
0x180: {  	[smem:$0x790] =	sst s0  }
0x181: {  	s8 =	smulhi.u32 $0x14F8B589, s8;
	s0 =	sld [smem:$0x75B]  }
0x182: {  	_ = 	snop  }
0x183: {  	s8 =	sadd.s32 s23, s8;
	s23 =	sld [smem:$0x76C]  }
0x184: {  	s0 =	sadd.s32 s0, s18;
	s18 =	sld [smem:$0x75D]  }
0x185: {  	[smem:$0x78A] =	sst s8  }
0x186: {  	[dreg:$0xb] =	wrdreg s0  }
0x187: {  	s1 =	smulhi.u32 $0x14F8B589, s1;
	s0 =	sadd.s32 s18, s31;
	s18 =	sld [smem:$0x75F]  }
0x188: {  	[dreg:$0xa] =	wrdreg s0  }
0x189: {  	s2 =	smulhi.u32 $0x14F8B589, s2;
	s1 =	sadd.s32 s12, s1;
	s0 =	sld [smem:$0x75E]  }
0x18a: {  	[smem:$0x792] =	sst s1  }
0x18b: {  	s2 =	sadd.s32 s21, s2;
	s21 =	sld [smem:$0x76A]  }
0x18c: {  	s0 =	sadd.s32 s0, s18;
	s18 =	sld [smem:$0x761]  }
0x18d: {  	s5 =	smulhi.u32 $0x14F8B589, s5;
	[smem:$0x785] =	sst s0  }
0x18e: {  	s0 =	sld [smem:$0x760]  }
0x18f: {  	[smem:$0x78D] =	sst s2;
	s12 =	sadd.s32 s15, s5  }
0x190: {  	[smem:$0x791] =	sst s12  }
0x191: {  	s0 =	sadd.s32 s0, s18;
	s18 =	sld [smem:$0x763]  }
0x192: {  	s4 =	smulhi.u32 $0x14F8B589, s4;
	[smem:$0x779] =	sst s0  }
0x193: {  	s0 =	smulhi.u32 $0x14F8B589, s3;
	s3 =	sld [smem:$0x762]  }
0x194: {  	s6 =	smulhi.u32 $0x14F8B589, s6;
	s12 =	sld [smem:$0x76D]  }
0x195: {  	s31 =	sadd.s32 s17, s4;
	s17 =	sld [smem:$0x768]  }
0x196: {  	s15 =	sadd.s32 s13, s6;
	s3 =	sadd.s32 s3, s18;
	s18 =	sld [smem:$0x764]  }
0x197: {  	[smem:$0x793] =	sst s15  }
0x198: {  	s4 =	sld [smem:$0x76E]  }
0x199: {  	s1 =	sshra.s32 s17, $0xD;
	s29 =	sadd.s32 s18, s29;
	s18 =	sld [smem:$0x765]  }
0x19a: {  	v9 =	vmov s1;
	s1 =	sld [smem:$0x772]  }
0x19b: {  	s0 =	sadd.s32 s19, s0;
	s19 =	sld [smem:$0x769]  }
0x19c: {  	s5 =	sshra.s32 s10, $0xD;
	s18 =	sadd.s32 s18, s22;
	s22 =	sld [smem:$0x766]  }
0x19d: {  	s6 =	sshra.s32 s10, $0x1F;
	[smem:$0x78E] =	sst s0;
	s0 =	sshrl.u32 s17, $0x1F  }
0x19e: {  	s17 =	sshrl.u32 s23, $0x1F;
	[smem:$0x77A] =	sst s3;
	s8 =	sshrl.u32 s19, $0x1F  }
0x19f: {  	v7 =	vmov s0;
	s0 =	sshra.s32 s12, $0xD;
	v8 =	vmov s8;
	s8 =	sshrl.u32 s16, $0x1F;
	s3 =	sadd.s32 s22, s26  }
0x1a0: {  	s22 =	sld [smem:$0x767];
	s26 =	sadd.s32 s24, s9;
	s9 =	smulhi.u32 $0x14F8B589, s7  }
0x1a1: {  	s7 =	sshrl.u32 s10, $0x1F;
	s10 =	sshrl.u32 s21, $0x1F;
	[smem:$0x77D] =	sst s3  }
0x1a2: {  	s24 =	sshra.s32 s12, $0x1F;
	[smem:$0x787] =	sst s26;
	s26 =	sshra.s32 s14, $0x1F  }
0x1a3: {  	v6 =	vmov s24;
	s24 =	sshrl.u32 s4, $0x1F;
	v10 =	vmov s7;
	s7 =	sshra.s32 s20, $0x1F;
	v7 =	vsel vm0, s10, v7;
	s2 =	sadd.s32 s11, s9  }
0x1a4: {  	s9 =	sshra.s32 s19, $0xD;
	s11 =	sshra.s32 s21, $0xD;
	v7 =	vsel vm1, s17, v7;
	s17 =	sld [smem:$0x774]  }
0x1a5: {  	s19 =	sshra.s32 s23, $0xD;
	v6 =	vsel vm3, s5, v6;
	s3 =	sadd.s32 s22, s28;
	s22 =	sld [smem:$0x76B]  }
0x1a6: {  	s23 =	sshra.s32 s14, $0xD;
	s14 =	sshrl.u32 s14, $0x1F;
	v6 =	vsel vm9, s6, v6;
	[smem:$0x783] =	sst s3  }
0x1a7: {  	s5 =	sshra.s32 s16, $0xD;
	s21 =	sshra.s32 s1, $0xD;
	v9 =	vsel vm0, s11, v9;
	v6 =	vsel vm0, s23, v6;
	s23 =	sld [smem:$0x770]  }
0x1a8: {  	s28 =	sshra.s32 s16, $0x1F;
	v9 =	vsel vm1, s19, v9;
	s19 =	sshrl.u32 s12, $0x1F;
	s12 =	sld [smem:$0x775]  }
0x1a9: {  	v11 =	vmov s9;
	s6 =	sshra.s32 s20, $0xD;
	s9 =	sshrl.u32 s20, $0x1F;
	v6 =	vsel vm10, s26, v6;
	s26 =	sld [smem:$0x771]  }
0x1aa: {  	s13 =	sshrl.u32 s22, $0x1F;
	s15 =	sshra.s32 s22, $0xD;
	s22 =	sld [smem:$0x76F]  }
0x1ab: {  	v10 =	vnsel vm3, $0x0, v10;
	s3 =	sshra.s32 s4, $0xD;
	v6 =	vsel vm1, s5, v6;
	s5 =	sld [smem:$0x773];
	s10 =	sshrl.u32 s23, $0x1F  }
0x1ac: {  	v10 =	vsel vm0, s14, v10;
	v8 =	vsel vm0, s13, v8;
	s13 =	sshra.s32 s23, $0xD;
	s23 =	sshra.s32 s1, $0x1F;
	s14 =	sshra.s32 s12, $0xD  }
0x1ad: {  	v11 =	vsel vm0, s15, v11;
	v6 =	vsel vm11, s28, v6;
	s20 =	sshra.s32 s26, $0xD;
	s11 =	sshra.s32 s26, $0x1F;
	s15 =	sshrl.u32 s26, $0x1F  }
0x1ae: {  	s26 =	sshrl.u32 s1, $0x1F;
	v6 =	vsel vm2, s6, v6;
	s6 =	sshra.s32 s17, $0x1F;
	s1 =	sshrl.u32 s17, $0x1F  }
0x1af: {  	s16 =	sshrl.u32 s22, $0x1F;
	s4 =	sshra.s32 s22, $0xD;
	s22 =	sshra.s32 s5, $0xD  }
0x1b0: {  	v8 =	vsel vm1, s24, v8;
	s24 =	sshrl.u32 s5, $0x1F;
	s28 =	sshra.s32 s5, $0x1F;
	[smem:$0x77F] =	sst s1  }
0x1b1: {  	s5 =	sshra.s32 s17, $0xD;
	s1 =	sshrl.u32 s12, $0x1F;
	s17 =	sld [smem:$0x776]  }
0x1b2: {  	v6 =	vsel vm12, s7, v6;
	s7 =	sshra.s32 s12, $0x1F;
	s12 =	sshrl.u32 s30, $0x1F;
	[smem:$0x781] =	sst s1  }
0x1b3: {  	v10 =	vsel vm1, s8, v10;
	v12 =	vsel vm4, s20, v6;
	v6 =	vsel vm2, s16, v7;
	[smem:$0x782] =	sst s12  }
0x1b4: {  	v7 =	vsel vm2, s10, v8;
	v8 =	vsel vm2, s9, v10;
	s9 =	rddreg [dreg:$0x7];
	v12 =	vsel vm13, s11, v12  }
0x1b5: {  	v8 =	vsel vm4, s15, v8;
	s15 =	sshrl.u32 s25, $0x1F;
	v10 =	vsel vm5, s21, v12;
	s21 =	sld [smem:$0x777]  }
0x1b6: {  	[smem:$0x784] =	sst s15  }
0x1b7: {  	v11 =	vsel vm1, s3, v11;
	s10 =	sshra.s32 s25, $0xD;
	s1 =	sshra.s32 s25, $0x1F;
	v8 =	vsel vm5, s26, v8;
	s26 =	sld [smem:$0x778]  }
0x1b8: {  	v11 =	vsel vm2, s13, v11;
	s13 =	sshra.s32 s9, $0x1F;
	v12 =	vsel vm14, s23, v10;
	v8 =	vsel vm6, s24, v8;
	s24 =	rddreg [dreg:$0x6];
	s15 =	sshra.s32 s21, $0xD  }
0x1b9: {  	v10 =	vsel vm2, s4, v9;
	v9 =	vsel vm6, s22, v12;
	v12 =	vmov s13;
	s23 =	sshra.s32 s21, $0x1F;
	s25 =	sshrl.u32 s21, $0x1F;
	s21 =	sld [smem:$0x779]  }
0x1ba: {  	(v2sf) =	vpush v3, $0xE;
	v12 =	vsel vm3, s5, v12;
	s5 =	sld [smem:$0x77B]  }
0x1bb: {  	s4 =	sshrl.u32 s26, $0x1F;
	[smem:$0x786] =	sst s25  }
0x1bc: {  	[smem:$0x788] =	sst s4  }
0x1bd: {  	(v2sf) =	vpush v3, $0xA;
	s16 =	sshra.s32 s30, $0x1F;
	s11 =	sshra.s32 s30, $0xD;
	s4 =	sld [smem:$0x77A];
	v12 =	vsel vm9, s6, v12  }
0x1be: {  	s12 =	sshra.s32 s26, $0xD;
	s8 =	sshra.s32 s26, $0x1F;
	v9 =	vsel vm15, s28, v9;
	s25 =	rddreg [dreg:$0x5];
	v12 =	vsel vm0, s11, v12  }
0x1bf: {  	(v2sf) =	vpush v2, $0xE;
	v9 =	vsel vm7, s0, v9;
	s0 =	sshra.s32 s24, $0x1F;
	s22 =	sshra.s32 s21, $0xD;
	v12 =	vsel vm10, s16, v12;
	s16 =	sld [smem:$0x77C]  }
0x1c0: {  	(v2sf) =	vpush v2, $0xA;
	s26 =	sshra.s32 s25, $0x1F;
	v13 =	vmov s0;
	[smem:$0x789] =	sst s22;
	s0 =	sshra.s32 s4, $0xD  }
0x1c1: {  	v13 =	vsel vm3, s14, v13;
	s24 =	sshrl.u32 s4, $0x1F;
	s4 =	sshrl.u32 s5, $0x1F;
	[smem:$0x78B] =	sst s0  }
0x1c2: {  	(v2sf) =	vpush v4, $0xE;
	s20 =	sshra.s32 s17, $0xD;
	v14 =	vmov s26;
	v13 =	vsel vm9, s7, v13;
	[smem:$0x78C] =	sst s4  }
0x1c3: {  	s3 =	sshra.s32 s17, $0x1F;
	v14 =	vsel vm3, s20, v14;
	v13 =	vsel vm0, s10, v13;
	s10 =	sld [smem:$0x77D]  }
0x1c4: {  	v14 =	vsel vm9, s3, v14;
	v19 =	vmov s24;
	s24 =	sld [smem:$0x788]  }
0x1c5: {  	(v2sf) =	vpush v4, $0xA;
	v14 =	vsel vm0, s15, v14;
	s15 =	sld [smem:$0x77F]  }
0x1c6: {  	s17 =	sshrl.u32 s17, $0x1F;
	v8 =	vsel vm7, s19, v8;
	s19 =	sshra.s32 s29, $0xD;
	v13 =	vsel vm10, s1, v13;
	s1 =	sld [smem:$0x780]  }
0x1c7: {  	s25 =	sshrl.u32 s29, $0x1F;
	s9 =	sshra.s32 s5, $0xD;
	s29 =	sld [smem:$0x78B]  }
0x1c8: {  	s13 =	sshra.s32 s5, $0x1F;
	v23 =	vmov s25;
	s4 =	sshrl.u32 s18, $0x1F;
	s25 =	sld [smem:$0x78C]  }
0x1c9: {  	s20 =	spop (v2sf);
	s18 =	sshra.s32 s18, $0xD;
	v24 =	vmov s4;
	s4 =	sld [smem:$0x78D]  }
0x1ca: {  	s5 =	sshra.s32 s20, $0x1F;
	s26 =	sshrl.u32 s16, $0x1F;
	v26 =	vmov s18;
	s18 =	sld [smem:$0x78E]  }
0x1cb: {  	s30 =	sshrl.u32 s21, $0x1F;
	s6 =	smul.u32 $0x14F8B589, s5;
	[smem:$0x78F] =	sst s26  }
0x1cc: {  	s14 =	spop (v2sf);
	s21 =	sshra.s32 s16, $0xD;
	v14 =	vsel vm10, s23, v14;
	s23 =	sld [smem:$0x790]  }
0x1cd: {  	v12 =	vsel vm1, s12, v12;
	v13 =	vsel vm1, s9, v13;
	s9 =	sshra.s32 s14, $0x1F;
	[dreg:$0x16] =	wrdreg s6;
	s28 =	sshrl.u32 s10, $0x1F  }
0x1ce: {  	v12 =	vsel vm11, s8, v12;
	s8 =	sshra.s32 s10, $0xD;
	s0 =	smul.u32 $0x14F8B589, s9;
	s10 =	spop (v2sf)  }
0x1cf: {  	s22 =	sshra.s32 s16, $0x1F;
	v14 =	vsel vm1, s21, v14;
	v13 =	vsel vm11, s13, v13;
	s21 =	sld [smem:$0x77E];
	s13 =	spop (v2sf)  }
0x1d0: {  	v14 =	vsel vm11, s22, v14;
	s12 =	sshra.s32 s10, $0x1F;
	s16 =	sshra.s32 s1, $0xD;
	s22 =	sld [smem:$0x781]  }
0x1d1: {  	v15 =	vmov s15;
	s9 =	smul.u32 $0x14F8B589, s12;
	s15 =	spop (v2sf);
	s26 =	sshra.s32 s23, $0xD  }
0x1d2: {  	v22 =	vmov s29;
	v13 =	vsel vm2, s16, v13;
	s29 =	smulhi.u32 $0x14F8B589, s13;
	s11 =	sshra.s32 s21, $0xD;
	s16 =	sshra.s32 s15, $0x1F  }
0x1d3: {  	(v2sf) =	vpush v3, $0xF;
	s12 =	sshra.s32 s1, $0x1F;
	v12 =	vsel vm2, s11, v12;
	s11 =	sshra.s32 s13, $0x1F;
	s3 =	smul.u32 $0x14F8B589, s16  }
0x1d4: {  	(v2sf) =	vpush v3, $0xB;
	v16 =	vmov s22;
	s16 =	spop (v2sf);
	s22 =	sld [smem:$0x782];
	s13 =	sshrl.u32 s1, $0x1F  }
0x1d5: {  	v14 =	vsel vm2, s26, v14;
	s1 =	sshra.s32 s4, $0xD;
	s26 =	smul.u32 $0x14F8B589, s11;
	s11 =	rddreg [dreg:$0xb]  }
0x1d6: {  	v17 =	vmov s17;
	(v2sf) =	vpush v3, $0x6;
	s17 =	sshra.s32 s23, $0x1F;
	s23 =	sshra.s32 s16, $0x1F;
	[smem:$0x794] =	sst s1  }
0x1d7: {  	v15 =	vnsel vm3, $0x0, v15;
	s6 =	sshra.s32 s21, $0x1F;
	v14 =	vsel vm12, s17, v14;
	s17 =	smul.u32 $0x14F8B589, s23;
	s23 =	sld [smem:$0x784]  }
0x1d8: {  	v13 =	vsel vm12, s12, v13;
	v12 =	vsel vm12, s6, v12;
	s12 =	sshra.s32 s11, $0xD;
	v15 =	vsel vm0, s22, v15;
	s22 =	sld [smem:$0x783]  }
0x1d9: {  	v12 =	vsel vm4, s12, v12;
	s12 =	rddreg [dreg:$0xa]  }
0x1da: {  	(v2sf) =	vpush v2, $0xF;
	v16 =	vnsel vm3, $0x0, v16;
	v15 =	vsel vm1, s24, v15;
	s24 =	sld [smem:$0x789]  }
0x1db: {  	(v2sf) =	vpush v2, $0xB;
	v16 =	vsel vm0, s23, v16;
	s23 =	sld [smem:$0x785];
	s5 =	sshrl.u32 s22, $0x1F  }
0x1dc: {  	v25 =	vmov s19;
	(v2sf) =	vpush v2, $0x6;
	s6 =	sshra.s32 s22, $0xD;
	s22 =	sshrl.u32 s21, $0x1F;
	s21 =	sld [smem:$0x786]  }
0x1dd: {  	v18 =	vmov s30;
	s30 =	smulhi.u32 $0x14F8B589, s14;
	s19 =	sshrl.u32 s4, $0x1F;
	(v2sf) =	vpush v4, $0xF;
	v16 =	vsel vm1, s25, v16;
	s25 =	sld [smem:$0x78F]  }
0x1de: {  	v17 =	vnsel vm3, $0x0, v17;
	(v2sf) =	vpush v4, $0xB;
	s1 =	sshra.s32 s18, $0xD;
	s7 =	sshra.s32 s12, $0xD;
	v21 =	vmov s24;
	s24 =	sld [smem:$0x78A]  }
0x1df: {  	v27 =	vmov s28;
	s28 =	smulhi.u32 $0x14F8B589, s16;
	s12 =	sshra.s32 s12, $0x1F;
	v13 =	vsel vm4, s7, v13;
	v30 =	vmov s6;
	s6 =	sld [smem:$0x791]  }
0x1e0: {  	v13 =	vsel vm13, s12, v13;
	s12 =	sshrl.u32 s18, $0x1F;
	s7 =	sshra.s32 s23, $0xD;
	v17 =	vsel vm0, s21, v17;
	s21 =	sld [smem:$0x787]  }
0x1e1: {  	v14 =	vsel vm4, s7, v14;
	s7 =	smulhi.u32 $0x14F8B589, s10;
	s10 =	sshra.s32 s11, $0x1F;
	s11 =	sshrl.u32 s24, $0x1F  }
0x1e2: {  	v12 =	vsel vm13, s10, v12;
	s10 =	sshra.s32 s24, $0xD;
	s24 =	smulhi.u32 $0x14F8B589, s15;
	s15 =	spop (v2sf)  }
0x1e3: {  	v10 =	vcombine.low v11, v10;
	v11 =	vsel vm1, s25, v17;
	s25 =	smov.u32 s23;
	v17 =	vsel vm2, s22, v15;
	s22 =	sld [smem:$0x792];
	s16 =	spop (v2sf)  }
0x1e4: {  	(v2sf) =	vpush v4, $0x6;
	v28 =	vmov s5;
	[dreg:$0xf] =	wrdreg s15;
	s5 =	sshra.s32 s15, $0x1F;
	s15 =	sshra.s32 s23, $0x1F  }
0x1e5: {  	v20 =	vsel vm0, s11, v19;
	v19 =	vsel vm2, s13, v16;
	s13 =	simm.s32 $0x0;
	s18 =	spop (v2sf);
	[dreg:$0x10] =	wrdreg s16  }
0x1e6: {  	v7 =	vcombine.low v7, v6;
	v29 =	vmov s8;
	s14 =	sshrl.u32 s21, $0x1F;
	s8 =	smul.u32 $0x14F8B589, s5;
	s5 =	sld [smem:$0x790]  }
0x1e7: {  	s21 =	sshra.s32 s21, $0xD;
	v6 =	vsel vm13, s15, v14;
	s15 =	sshra.s32 s6, $0xD;
	[dreg:$0x11] =	wrdreg s18  }
0x1e8: {  	v14 =	vperm.xlane v7, v0;
	v7 =	vsel vm0, s14, v18;
	v18 =	vsel vm0, s21, v21;
	s21 =	sshrl.u32 s6, $0x1F;
	s6 =	sshra.s32 s18, $0x1F;
	s18 =	sld [smem:$0x793]  }
0x1e9: {  	v31 =	vperm.xlane v8, v1;
	v8 =	vsel vm0, s10, v22;
	[dreg:$0x8] =	wrdreg s13;
	s23 =	spop (v2sf);
	s10 =	sshra.s32 s22, $0xD  }
0x1ea: {  	[dreg:$0x12] =	wrdreg s23;
	s4 =	sshrl.u32 s5, $0x1F;
	s5 =	spop (v2sf)  }
0x1eb: {  	v10 =	vperm.xlane v10, v0;
	v9 =	vperm.xlane v9, v1;
	[smem:$0x795] =	sst s4;
	s4 =	spop (v2sf);
	s14 =	sshrl.u32 s18, $0x1F  }
0x1ec: {  	v22 =	vsel vm5, s10, v12;
	v12 =	vsel vm0, s19, v23;
	s19 =	sshra.s32 s18, $0xD;
	s18 =	sld [smem:$0x794];
	s11 =	spop (v2sf)  }
0x1ed: {  	v9 =	vsel vm8, v9, v10;
	v14 =	vsel vm8, v31, v14;
	[dreg:$0x13] =	wrdreg s5;
	s13 =	spop (v2sf)  }
0x1ee: {  	s20 =	smulhi.u32 $0x14F8B589, s20;
	s16 =	sshra.s32 s16, $0x1F;
	v9 =	vadd.s32 v14, v9;
	[dreg:$0xd] =	wrdreg s13  }
0x1ef: {  	s16 =	smul.u32 $0x14F8B589, s16;
	v15 =	vmul.u32 $0x186A0, v9;
	v9 =	vsel vm0, s14, v28;
	s14 =	sshra.s32 s13, $0x1F;
	s13 =	sld [smem:$0x795]  }
0x1f0: {  	s10 =	smul.u32 $0x14F8B589, s6;
	[dreg:$0x14] =	wrdreg s4  }
0x1f1: {  	s6 =	sshra.s32 s31, $0xD;
	v5 =	vsub.s32 v5, v15;
	[dreg:$0xe] =	wrdreg s11;
	v15 =	vsel vm0, s15, v29;
	s15 =	simm.s32 $0x20  }
0x1f2: {  	v14 =	vsel vm0, s1, v26;
	s1 =	sshra.s32 s23, $0x1F;
	[dreg:$0x4] =	wrdreg s15;
	v21 =	vsel vm2, s13, v11;
	v11 =	vsel vm0, s19, v30;
	s19 =	simm.s32 $0x20  }
0x1f3: {  	v10 =	vsel vm0, s12, v24;
	v23 =	vsel vm5, s6, v13;
	s12 =	sshra.s32 s5, $0x1F;
	s23 =	sshra.s32 s11, $0x1F;
	s6 =	spop (v2sf);
	[tilespmem:s19+$0x10] =	vst v5  }
0x1f4: {  	v13 =	vsel vm0, s21, v27;
	v16 =	vsel vm0, s18, v25;
	s18 =	sshra.s32 s4, $0x1F;
	s21 =	sshra.s32 s6, $0x1F;
	[dreg:$0xc] =	wrdreg s6  }
0x1f5: {  	s4 =	simm.s32 $0x60;
	s13 =	sshra.s32 s2, $0xD;
	[smem:$0x796] =	sst s21  }
.LBB2_2:
0x1f6: {  	[dreg:$0x9] =	wrdreg s4  }
0x1f7: {  	s5 =	rddreg [dreg:$0x16]  }
0x1f8: {  	s15 =	sadd.s32 s0, s30;
	s1 =	smul.u32 $0x14F8B589, s1;
	s6 =	smov.u32 s4  }
0x1f9: {  	s0 =	smul.u32 $0x14F8B589, s12;
	s19 =	sadd.s32 s5, s20;
	s5 =	rddreg [dreg:$0x4]  }
0x1fa: {  	v24 =	vsel vm5, s13, v6;
	s25 =	sshrl.u32 s25, $0x1F;
	[dreg:$0x4] =	wrdreg s6;
	s13 =	sadd.s32 s9, s7  }
0x1fb: {  	s20 =	sadd.s32 s26, s29;
	s6 =	smul.u32 $0x14F8B589, s18;
	s21 =	sadd.s32 s3, s24  }
0x1fc: {  	s17 =	sadd.s32 s17, s28;
	s3 =	smul.u32 $0x14F8B589, s23;
	s18 =	rddreg [dreg:$0xb]  }
0x1fd: {  	s12 =	sshrl.u32 s15, $0x1F;
	s7 =	smul.u32 $0x14F8B589, s14;
	s9 =	sld [smem:$0x796]  }
0x1fe: {  	s24 =	sshra.s32 s15, $0xD;
	s26 =	sshra.s32 s22, $0x1F;
	s14 =	rddreg [dreg:$0x12]  }
0x1ff: {  	v5 =	vld [tilespmem:s4+$0x10];
	s30 =	smov.u32 s5;
	s11 =	sshrl.u32 s19, $0x1F;
	s23 =	sshrl.u32 s18, $0x1F  }
0x200: {  	v20 =	vsel vm1, s12, v20;
	s12 =	rddreg [dreg:$0xf];
	s15 =	sshrl.u32 s13, $0x1F;
	s18 =	sshrl.u32 s20, $0x1F  }
0x201: {  	v22 =	vsel vm14, s26, v22;
	s13 =	sshra.s32 s13, $0xD;
	s26 =	rddreg [dreg:$0x11];
	s14 =	smulhi.u32 $0x14F8B589, s14  }
0x202: {  	v27 =	vsel vm1, s11, v7;
	s11 =	sshra.s32 s19, $0xD;
	s5 =	smulhi.u32 $0x14F8B589, s12;
	s19 =	rddreg [dreg:$0x10]  }
0x203: {  	v17 =	vsel vm4, s23, v17;
	s23 =	rddreg [dreg:$0xa];
	s12 =	sshra.s32 s31, $0x1F;
	s9 =	smul.u32 $0x14F8B589, s9  }
0x204: {  	v58 =	vsel vm1, s24, v8;
	v10 =	vsel vm1, s18, v10;
	s18 =	rddreg [dreg:$0x13];
	s19 =	smulhi.u32 $0x14F8B589, s19;
	s24 =	sshrl.u32 s23, $0x1F;
	v5 =	vadd.s32 $0x1, v5  }
0x205: {  	v18 =	vsel vm1, s11, v18;
	s23 =	smulhi.u32 $0x14F8B589, s26;
	s11 =	sshra.s32 s20, $0xD;
	s20 =	sshrl.u32 s21, $0x1F;
	(v2sf) =	vpush v5, $0xF  }
0x206: {  	v12 =	vsel vm1, s15, v12;
	s15 =	smulhi.u32 $0x14F8B589, s18;
	s21 =	sshra.s32 s21, $0xD;
	s26 =	rddreg [dreg:$0x14];
	(v2sf) =	vpush v5, $0xB  }
0x207: {  	s18 =	sshra.s32 s2, $0x1F;
	s14 =	sadd.s32 s1, s14;
	v19 =	vsel vm4, s24, v19;
	s24 =	sshrl.u32 s17, $0x1F;
	(v2sf) =	vpush v5, $0x6  }
0x208: {  	v23 =	vsel vm14, s12, v23;
	s12 =	smulhi.u32 $0x14F8B589, s26;
	s17 =	sshra.s32 s17, $0xD;
	s8 =	sadd.s32 s8, s5  }
0x209: {  	v6 =	vld [tilespmem:s4+$0xFFFFFFF0];
	s26 =	rddreg [dreg:$0xe];
	v24 =	vsel vm14, s18, v24;
	s18 =	sshrl.u32 s22, $0x1F;
	s22 =	sshrl.u32 s14, $0x1F;
	(v2sf) =	vpush v5, $0xE  }
0x20a: {  	v25 =	vld [tilespmem:s4+$0x0];
	v21 =	vsel vm4, s25, v21;
	s25 =	sshra.s32 s14, $0xD;
	s14 =	sshrl.u32 s2, $0x1F;
	s16 =	sadd.s32 s16, s19  }
0x20b: {  	v26 =	vld [tilespmem:s4+$0xFFFFFFE0];
	s4 =	smulhi.u32 $0x14F8B589, s26;
	s5 =	sadd.s32 s10, s23;
	s23 =	rddreg [dreg:$0xd];
	(v2sf) =	vpush v5, $0xA  }
0x20c: {  	s26 =	sadd.s32 s0, s15;
	s15 =	sshrl.u32 s8, $0x1F;
	s19 =	sshra.s32 s8, $0xD;
	(v2sf) =	vpush v5, $0xD  }
0x20d: {  	v13 =	vsel vm1, s20, v13;
	v9 =	vsel vm1, s24, v9;
	s24 =	smulhi.u32 $0x14F8B589, s23;
	s1 =	sadd.s32 s6, s12;
	s12 =	rddreg [dreg:$0xc]  }
0x20e: {  	v15 =	vsel vm1, s21, v15;
	v11 =	vsel vm1, s17, v11;
	s17 =	sshrl.u32 s16, $0x1F;
	s20 =	sshra.s32 s16, $0xD;
	s21 =	sshra.s32 s5, $0xD;
	(v2sf) =	vpush v5, $0x9  }
0x20f: {  	s23 =	sshrl.u32 s26, $0x1F;
	s26 =	sshra.s32 s26, $0xD;
	s0 =	smulhi.u32 $0x14F8B589, s12  }
0x210: {  	v14 =	vsel vm1, s11, v14;
	s3 =	sadd.s32 s3, s4;
	s11 =	sshra.s32 s1, $0xD;
	s7 =	sadd.s32 s7, s24;
	(v2sf) =	vpush v5, $0x5  }
0x211: {  	v16 =	vsel vm1, s13, v16;
	v7 =	vadd.s32 $0x1, v25;
	s24 =	sshrl.u32 s31, $0x1F;
	s12 =	sshrl.u32 s3, $0x1F;
	s16 =	sshra.s32 s3, $0xD;
	(v2sf) =	vpush v5, $0xC  }
0x212: {  	v21 =	vsel vm5, s14, v21;
	v16 =	vsel vm2, s25, v16;
	v23 =	vsel vm6, s11, v23;
	s11 =	rddreg [dreg:$0x8];
	s0 =	sadd.s32 s9, s0;
	s13 =	sshrl.u32 s7, $0x1F  }
0x213: {  	v59 =	vsel vm2, s15, v27;
	v20 =	vsel vm2, s17, v20;
	s17 =	sshra.s32 s7, $0xD;
	s7 =	rddreg [dreg:$0x7];
	s3 =	sshrl.u32 s0, $0x1F;
	(v2sf) =	vpush v5, $0x8  }
0x214: {  	v22 =	vsel vm6, s21, v22;
	v25 =	vsel vm2, s20, v58;
	s8 =	sshrl.u32 s7, $0x1F;
	v21 =	vsel vm6, s3, v21;
	s3 =	rddreg [dreg:$0x5];
	s15 =	spop (v2sf)  }
0x215: {  	v14 =	vsel vm2, s26, v14;
	v20 =	vcombine.low v20, v59;
	s9 =	sshra.s32 s7, $0xD;
	(v2sf) =	vpush v5, $0x4;
	s29 =	smulhi.u32 $0x14F8B589, s15;
	s21 =	spop (v2sf)  }
0x216: {  	v14 =	vcombine.low v14, v16;
	v15 =	vsel vm2, s16, v15;
	s7 =	sshrl.u32 s3, $0x1F;
	(v2sf) =	vpush v5, $0x3;
	s31 =	smulhi.u32 $0x14F8B589, s21;
	s14 =	spop (v2sf)  }
0x217: {  	s16 =	rddreg [dreg:$0x6];
	v16 =	vperm.xlane v20, v0;
	v20 =	vsel vm7, s7, v21;
	(v2sf) =	vpush v5, $0x2;
	s7 =	sshra.s32 s21, $0x1F;
	s20 =	smulhi.u32 $0x14F8B589, s14  }
0x218: {  	v13 =	vsel vm2, s12, v13;
	s2 =	sadd.s32 $0x4, s11;
	(v2sf) =	vpush v5, $0x1;
	s12 =	spop (v2sf);
	s7 =	smul.u32 $0x14F8B589, s7  }
0x219: {  	v18 =	vsel vm2, s19, v18;
	s19 =	sshrl.u32 s5, $0x1F;
	v10 =	vsel vm2, s23, v10;
	[dreg:$0x8] =	wrdreg s2;
	(v2sf) =	vpush v5, $0x0;
	s23 =	smulhi.u32 $0x14F8B589, s12  }
0x21a: {  	v8 =	vadd.s32 $0x1, v26;
	v12 =	vsel vm2, s22, v12;
	s22 =	sshra.s32 s5, $0x1F;
	(v2sf) =	vpush v5, $0x7;
	s5 =	spop (v2sf);
	[dreg:$0x15] =	wrdreg s20  }
0x21b: {  	v6 =	vadd.s32 $0x1, v6;
	v19 =	vsel vm5, s24, v19;
	s24 =	sshrl.u32 s1, $0x1F;
	(v2sf) =	vpush v8, $0x7;
	s25 =	smulhi.u32 $0x14F8B589, s5;
	s20 =	spop (v2sf)  }
0x21c: {  	(v2sf) =	vpush v6, $0x7;
	s5 =	sshra.s32 s5, $0x1F;
	[smem:$0x6F6] =	sst s23;
	s26 =	smulhi.u32 $0x14F8B589, s20  }
0x21d: {  	v19 =	vsel vm6, s24, v19;
	(v2sf) =	vpush v7, $0x7;
	s24 =	spop (v2sf);
	s5 =	smul.u32 $0x14F8B589, s5  }
0x21e: {  	(v2sf) =	vpush v8, $0x0;
	[smem:$0x6F7] =	sst s25;
	s4 =	smulhi.u32 $0x14F8B589, s24  }
0x21f: {  	s10 =	spop (v2sf);
	[smem:$0x6F5] =	sst s26  }
0x220: {  	v17 =	vsel vm5, s18, v17;
	v22 =	vsel vm15, s22, v22;
	s18 =	sshra.s32 s0, $0xD;
	(v2sf) =	vpush v6, $0x0;
	s6 =	smulhi.u32 $0x14F8B589, s10;
	s22 =	spop (v2sf)  }
0x221: {  	(v2sf) =	vpush v7, $0x0;
	s10 =	sshra.s32 s10, $0x1F;
	[smem:$0x6F8] =	sst s4;
	s25 =	smulhi.u32 $0x14F8B589, s22  }
0x222: {  	v17 =	vsel vm6, s19, v17;
	s0 =	sshra.s32 s0, $0x1F;
	v24 =	vsel vm6, s18, v24;
	(v2sf) =	vpush v8, $0x1;
	s28 =	spop (v2sf);
	s10 =	smul.u32 $0x14F8B589, s10  }
0x223: {  	v10 =	vcombine.low v10, v12;
	v12 =	vsel vm15, s0, v24;
	(v2sf) =	vpush v6, $0x1;
	s0 =	sshra.s32 s22, $0x1F;
	[smem:$0x6F9] =	sst s6;
	s23 =	smulhi.u32 $0x14F8B589, s28  }
0x224: {  	v18 =	vcombine.low v25, v18;
	s1 =	sshra.s32 s1, $0x1F;
	v9 =	vsel vm2, s13, v9;
	(v2sf) =	vpush v7, $0x1;
	s26 =	spop (v2sf);
	s0 =	smul.u32 $0x14F8B589, s0  }
0x225: {  	v11 =	vsel vm2, s17, v11;
	v23 =	vsel vm15, s1, v23;
	p0 =	slt.u32 s2, $0x1FC;
	(v2sf) =	vpush v8, $0x2;
	s19 =	smulhi.u32 $0x14F8B589, s26;
	s11 =	spop (v2sf)  }
0x226: {  	s17 =	sshrl.u32 s16, $0x1F;
	v9 =	vcombine.low v9, v13;
	v13 =	vsel vm7, s9, v22;
	(v2sf) =	vpush v6, $0x2;
	s13 =	smulhi.u32 $0x14F8B589, s11;
	s9 =	spop (v2sf)  }
0x227: {  	v11 =	vcombine.low v11, v15;
	v15 =	vsel vm7, s8, v17;
	(v2sf) =	vpush v7, $0x2;
	s11 =	sshra.s32 s11, $0x1F;
	s18 =	smulhi.u32 $0x14F8B589, s9;
	s8 =	spop (v2sf)  }
0x228: {  	s2 =	sshra.s32 s16, $0xD;
	v10 =	vperm.xlane v10, v0;
	v17 =	vperm.xlane v18, v0;
	(v2sf) =	vpush v8, $0x3;
	s11 =	smul.u32 $0x14F8B589, s11;
	s4 =	spop (v2sf)  }
0x229: {  	v18 =	vsel vm7, s17, v19;
	v19 =	vsel vm7, s2, v23;
	s1 =	sshra.s32 s15, $0x1F;
	[smem:$0x6FA] =	sst s13;
	(v2sf) =	vpush v6, $0x3;
	s2 =	spop (v2sf)  }
0x22a: {  	v14 =	vperm.xlane v14, v0;
	v13 =	vperm.xlane v13, v1;
	s17 =	smulhi.u32 $0x14F8B589, s8;
	s13 =	sshra.s32 s3, $0xD;
	(v2sf) =	vpush v7, $0x3;
	s3 =	spop (v2sf)  }
0x22b: {  	v15 =	vperm.xlane v15, v1;
	v12 =	vsel vm7, s13, v12;
	s13 =	smul.u32 $0x14F8B589, s1;
	(v2sf) =	vpush v8, $0x4;
	s21 =	spop (v2sf)  }
0x22c: {  	v18 =	vperm.xlane v18, v1;
	v19 =	vperm.xlane v19, v1;
	[dreg:$0x1d] =	wrdreg s21;
	s21 =	spop (v2sf)  }
0x22d: {  	v9 =	vperm.xlane v9, v0;
	v11 =	vperm.xlane v11, v0;
	s1 =	sshra.s32 s14, $0x1F;
	[dreg:$0x1c] =	wrdreg s3;
	s6 =	spop (v2sf)  }
0x22e: {  	v20 =	vperm.xlane v20, v1;
	v13 =	vsel vm8, v13, v17;
	v15 =	vsel vm8, v15, v16;
	s12 =	sshra.s32 s12, $0x1F;
	s3 =	smul.u32 $0x14F8B589, s1;
	[dreg:$0x1e] =	wrdreg s6  }
0x22f: {  	v10 =	vsel vm8, v18, v10;
	v14 =	vsel vm8, v19, v14;
	v12 =	vperm.xlane v12, v1;
	s6 =	smul.u32 $0x14F8B589, s12;
	s12 =	spop (v2sf)  }
0x230: {  	v13 =	vadd.s32 v15, v13;
	v10 =	vadd.s32 v10, v14;
	s20 =	sshra.s32 s20, $0x1F;
	[dreg:$0x1f] =	wrdreg s12;
	s12 =	spop (v2sf)  }
0x231: {  	v13 =	vmul.u32 $0x186A0, v13;
	v9 =	vsel vm8, v20, v9;
	s14 =	sshra.s32 s24, $0x1F;
	v11 =	vsel vm8, v12, v11;
	[smem:$0x6FB] =	sst s3;
	s24 =	spop (v2sf)  }
0x232: {  	v10 =	vmul.u32 $0x186A0, v10;
	s3 =	smul.u32 $0x14F8B589, s20;
	v9 =	vadd.s32 v9, v11;
	s20 =	spop (v2sf)  }
0x233: {  	s15 =	smulhi.u32 $0x14F8B589, s2;
	v12 =	vsub.s32 v3, v13;
	v3 =	vmov v8;
	v8 =	vmul.u32 $0x186A0, v9;
	s22 =	spop (v2sf)  }
0x234: {  	[tilespmem:s30+$0xFFFFFFE0] =	vst v12;
	v9 =	vsub.s32 v2, v10;
	[smem:$0x6FC] =	sst s22;
	s22 =	spop (v2sf)  }
0x235: {  	v2 =	vmov v6;
	[tilespmem:s30+$0xFFFFFFF0] =	vst v9;
	v6 =	vsub.s32 v4, v8;
	[smem:$0x6FD] =	sst s22;
	s22 =	sshra.s32 s26, $0x1F;
	s26 =	spop (v2sf)  }
0x236: {  	[tilespmem:s30+$0x0] =	vst v6;
	s30 =	smul.u32 $0x14F8B589, s22;
	s22 =	spop (v2sf)  }
0x237: {  	[smem:$0x6FE] =	sst s26;
	s26 =	spop (v2sf)  }
0x238: {  	s1 =	smul.u32 $0x14F8B589, s14;
	s14 =	sshra.s32 s28, $0x1F;
	s28 =	spop (v2sf)  }
0x239: {  	[smem:$0x6FF] =	sst s26;
	s26 =	spop (v2sf)  }
0x23a: {  	[smem:$0x700] =	sst s26;
	s26 =	sshra.s32 s2, $0x1F;
	s2 =	spop (v2sf)  }
0x23b: {  	s8 =	sshra.s32 s8, $0x1F;
	s16 =	smulhi.u32 $0x14F8B589, s4;
	[smem:$0x705] =	sst s2  }
0x23c: {  	s2 =	sadd.s32 s13, s29;
	s13 =	sadd.s32 s7, s31;
	s7 =	sld [smem:$0x6F5]  }
0x23d: {  	s4 =	sshra.s32 s4, $0x1F;
	s8 =	smul.u32 $0x14F8B589, s8  }
0x23e: {  	s9 =	sshra.s32 s9, $0x1F;
	s4 =	smul.u32 $0x14F8B589, s4  }
0x23f: {  	s14 =	smul.u32 $0x14F8B589, s14;
	s29 =	sadd.s32 s3, s7;
	s7 =	sld [smem:$0x6F6]  }
0x240: {  	s9 =	smul.u32 $0x14F8B589, s9;
	s8 =	sadd.s32 s8, s17;
	s4 =	sadd.s32 s4, s16  }
0x241: {  	s16 =	sshra.s32 s4, $0xD;
	s14 =	sadd.s32 s14, s23;
	(v2sf) =	vpush v2, $0x4;
	s3 =	sld [smem:$0x6F8]  }
0x242: {  	v4 =	vmov v7;
	s26 =	smul.u32 $0x14F8B589, s26;
	s31 =	sadd.s32 s6, s7;
	s7 =	sld [smem:$0x6F7]  }
0x243: {  	s23 =	sshra.s32 s8, $0xD;
	s17 =	sshrl.u32 s14, $0x1F;
	(v2sf) =	vpush v4, $0x4;
	s6 =	sld [smem:$0x6F9]  }
0x244: {  	s1 =	sadd.s32 s1, s3;
	s3 =	sadd.s32 s26, s15;
	s15 =	sshra.s32 s29, $0xD  }
0x245: {  	v8 =	vmov s17;
	s17 =	sshrl.u32 s31, $0x1F;
	s7 =	sadd.s32 s5, s7;
	s5 =	sadd.s32 s0, s25  }
0x246: {  	s0 =	sadd.s32 s10, s6;
	s6 =	sadd.s32 s30, s19;
	s10 =	sadd.s32 s9, s18  }
0x247: {  	s25 =	sshra.s32 s3, $0x1F;
	s18 =	sshra.s32 s4, $0x1F;
	s4 =	sshrl.u32 s4, $0x1F  }
0x248: {  	s19 =	sshra.s32 s14, $0xD;
	s9 =	sshra.s32 s8, $0x1F;
	s8 =	sshrl.u32 s8, $0x1F  }
0x249: {  	(v2sf) =	vpush v3, $0xC;
	s30 =	sld [smem:$0x6FF];
	s26 =	sshrl.u32 s5, $0x1F;
	v6 =	vmov s25;
	s5 =	sshra.s32 s5, $0xD;
	v10 =	vmov s4  }
0x24a: {  	s25 =	sshrl.u32 s29, $0x1F;
	v11 =	vmov s19;
	s19 =	sshra.s32 s10, $0x1F;
	v7 =	vmov s26;
	v6 =	vsel vm3, s16, v6;
	s26 =	sshrl.u32 s1, $0x1F  }
0x24b: {  	v9 =	vmov s5;
	s1 =	sshra.s32 s1, $0xD;
	s16 =	sshra.s32 s10, $0xD;
	v10 =	vnsel vm3, $0x0, v10;
	v6 =	vsel vm9, s18, v6;
	s18 =	sld [smem:$0x6FA]  }
0x24c: {  	v7 =	vsel vm0, s25, v7;
	v9 =	vsel vm0, s15, v9;
	s25 =	sshra.s32 s31, $0xD;
	s15 =	sshrl.u32 s2, $0x1F;
	v10 =	vsel vm0, s8, v10;
	s8 =	rddreg [dreg:$0x15]  }
0x24d: {  	(v2sf) =	vpush v3, $0x8;
	s31 =	sld [smem:$0x6FD];
	v6 =	vsel vm0, s23, v6;
	v7 =	vsel vm1, s17, v7;
	s23 =	sshrl.u32 s7, $0x1F;
	s17 =	sshra.s32 s6, $0xD  }
0x24e: {  	v9 =	vsel vm1, s25, v9;
	s25 =	sshra.s32 s13, $0xD;
	v6 =	vsel vm10, s9, v6;
	s9 =	sshra.s32 s7, $0xD;
	s7 =	sshrl.u32 s6, $0x1F  }
0x24f: {  	v11 =	vsel vm0, s1, v11;
	s11 =	sadd.s32 s11, s18;
	v6 =	vsel vm1, s16, v6;
	s16 =	sshrl.u32 s13, $0x1F;
	s18 =	sshrl.u32 s10, $0x1F  }
0x250: {  	v8 =	vsel vm0, s26, v8;
	v11 =	vsel vm1, s9, v11;
	s9 =	sld [smem:$0x6FB];
	s10 =	sshra.s32 s0, $0x1F;
	s13 =	spop (v2sf)  }
0x251: {  	v8 =	vsel vm1, s23, v8;
	s4 =	sshra.s32 s31, $0x1F;
	s26 =	sshra.s32 s11, $0xD;
	s14 =	sshra.s32 s11, $0x1F  }
0x252: {  	v6 =	vsel vm11, s19, v6;
	v8 =	vsel vm2, s16, v8;
	s19 =	sshra.s32 s6, $0x1F;
	[smem:$0x706] =	sst s13;
	s16 =	spop (v2sf)  }
0x253: {  	v10 =	vsel vm1, s18, v10;
	s23 =	sshrl.u32 s11, $0x1F;
	s13 =	sshra.s32 s13, $0x1F;
	[smem:$0x709] =	sst s16  }
0x254: {  	(v2sf) =	vpush v2, $0xC;
	s4 =	smul.u32 $0x14F8B589, s4;
	v6 =	vsel vm2, s26, v6;
	s26 =	sshra.s32 s0, $0xD;
	v10 =	vsel vm2, s23, v10;
	s23 =	rddreg [dreg:$0x1c]  }
0x255: {  	v7 =	vsel vm2, s15, v7;
	s0 =	sshrl.u32 s0, $0x1F;
	[smem:$0x703] =	sst s13;
	s13 =	sshra.s32 s16, $0x1F  }
0x256: {  	v7 =	vcombine.low v8, v7;
	s16 =	smulhi.u32 $0x14F8B589, s24;
	v6 =	vsel vm12, s14, v6;
	s5 =	sadd.s32 s9, s8;
	v8 =	vsel vm4, s7, v10;
	s8 =	sshra.s32 s12, $0x1F  }
0x257: {  	v6 =	vsel vm4, s17, v6;
	v8 =	vsel vm5, s0, v8;
	s14 =	sshrl.u32 s5, $0x1F;
	s0 =	sshra.s32 s30, $0x1F;
	s8 =	smul.u32 $0x14F8B589, s8  }
0x258: {  	s17 =	sshrl.u32 s3, $0x1F;
	v6 =	vsel vm13, s19, v6;
	v8 =	vsel vm6, s14, v8;
	s19 =	spop (v2sf);
	s0 =	smul.u32 $0x14F8B589, s0  }
0x259: {  	[smem:$0x701] =	sst s19;
	v8 =	vsel vm7, s17, v8;
	s17 =	sshra.s32 s21, $0x1F;
	s19 =	smulhi.u32 $0x14F8B589, s23  }
0x25a: {  	s18 =	sshra.s32 s3, $0xD;
	v6 =	vsel vm5, s26, v6;
	s26 =	rddreg [dreg:$0x1d];
	s9 =	smul.u32 $0x14F8B589, s17  }
0x25b: {  	v6 =	vsel vm14, s10, v6;
	s10 =	sshra.s32 s26, $0x1F;
	s17 =	sshra.s32 s20, $0x1F;
	s20 =	smulhi.u32 $0x14F8B589, s20  }
0x25c: {  	s11 =	sshra.s32 s5, $0xD;
	s14 =	spop (v2sf);
	s3 =	smul.u32 $0x14F8B589, s10  }
0x25d: {  	v11 =	vsel vm2, s25, v11;
	s25 =	sshra.s32 s23, $0x1F;
	s23 =	sld [smem:$0x6FE];
	v6 =	vsel vm6, s11, v6;
	s11 =	smulhi.u32 $0x14F8B589, s26  }
0x25e: {  	s2 =	sshra.s32 s2, $0xD;
	[smem:$0x702] =	sst s14;
	s26 =	smulhi.u32 $0x14F8B589, s21  }
0x25f: {  	s15 =	sshra.s32 s5, $0x1F;
	s14 =	rddreg [dreg:$0x1e];
	s17 =	smul.u32 $0x14F8B589, s17  }
0x260: {  	v9 =	vsel vm2, s2, v9;
	s5 =	sshra.s32 s14, $0x1F;
	v6 =	vsel vm15, s15, v6;
	s15 =	smul.u32 $0x14F8B589, s25  }
0x261: {  	s29 =	smov.u32 s28;
	v9 =	vcombine.low v11, v9;
	s7 =	sshra.s32 s24, $0x1F;
	s5 =	smul.u32 $0x14F8B589, s5  }
0x262: {  	v7 =	vperm.xlane v7, v0;
	s25 =	sld [smem:$0x6FC];
	s2 =	sshra.s32 s23, $0x1F;
	s23 =	smulhi.u32 $0x14F8B589, s23  }
0x263: {  	v9 =	vperm.xlane v9, v0;
	v6 =	vsel vm7, s18, v6;
	s18 =	spop (v2sf);
	(v2sf) =	vpush v2, $0x8;
	s3 =	sadd.s32 s3, s11;
	s9 =	sadd.s32 s9, s26  }
0x264: {  	v8 =	vperm.xlane v8, v1;
	s11 =	rddreg [dreg:$0x9];
	s26 =	smulhi.u32 $0x14F8B589, s14;
	s14 =	sshra.s32 s28, $0x1F;
	v6 =	vperm.xlane v6, v1;
	(v2sf) =	vpush v4, $0xC  }
0x265: {  	s2 =	smul.u32 $0x14F8B589, s2;
	[smem:$0x704] =	sst s18;
	s10 =	sadd.s32 s15, s19;
	(v2sf) =	vpush v4, $0x8  }
0x266: {  	v7 =	vsel vm8, v8, v7;
	[dreg:$0x5] =	wrdreg s9;
	s19 =	sshra.s32 s9, $0x1F;
	s9 =	smul.u32 $0x14F8B589, s7;
	v6 =	vsel vm8, v6, v9;
	(v2sf) =	vpush v3, $0xD  }
0x267: {  	s18 =	rddreg [dreg:$0x1f];
	s15 =	sshra.s32 s22, $0x1F;
	s22 =	smulhi.u32 $0x14F8B589, s22;
	v6 =	vadd.s32 v7, v6;
	(v2sf) =	vpush v3, $0x9  }
0x268: {  	s28 =	sld [smem:$0x700];
	s6 =	sshra.s32 s18, $0x1F;
	s15 =	smul.u32 $0x14F8B589, s15;
	v6 =	vmul.u32 $0x186A0, v6;
	(v2sf) =	vpush v3, $0x5  }
0x269: {  	[dreg:$0x7] =	wrdreg s10;
	s10 =	sshra.s32 s10, $0x1F;
	s6 =	smul.u32 $0x14F8B589, s6;
	(v2sf) =	vpush v2, $0xD  }
0x26a: {  	[dreg:$0x6] =	wrdreg s3;
	s3 =	sshra.s32 s3, $0x1F;
	v5 =	vsub.s32 v5, v6;
	v6 =	vmov s10;
	s10 =	smulhi.u32 $0x14F8B589, s18  }
0x26b: {  	s1 =	sshra.s32 s25, $0x1F;
	s9 =	sadd.s32 s9, s16;
	(v2sf) =	vpush v2, $0x9;
	s18 =	smulhi.u32 $0x14F8B589, s12  }
0x26c: {  	s1 =	smul.u32 $0x14F8B589, s1;
	v7 =	vmov s19;
	s19 =	sadd.s32 s5, s26;
	[smem:$0x711] =	sst s9;
	(v2sf) =	vpush v2, $0x5  }
0x26d: {  	[tilespmem:s11+$0x10] =	vst v5;
	s11 =	sld [smem:$0x705];
	s10 =	sadd.s32 s6, s10;
	s7 =	sadd.s32 s8, s18  }
0x26e: {  	s26 =	sshra.s32 s19, $0xD;
	v5 =	vmov s3;
	(v2sf) =	vpush v4, $0xD;
	s6 =	sshra.s32 s10, $0xD;
	s12 =	sshra.s32 s7, $0xD  }
0x26f: {  	s8 =	sld [smem:$0x703];
	s18 =	sshra.s32 s10, $0x1F;
	v5 =	vsel vm3, s6, v5;
	v7 =	vsel vm3, s12, v7;
	s12 =	smulhi.u32 $0x14F8B589, s25  }
0x270: {  	s3 =	sshra.s32 s11, $0x1F;
	s11 =	sshra.s32 s19, $0x1F;
	v5 =	vsel vm9, s18, v5;
	s18 =	sadd.s32 s17, s20  }
0x271: {  	v6 =	vsel vm3, s26, v6;
	(v2sf) =	vpush v4, $0x9;
	s17 =	smulhi.u32 $0x14F8B589, s31;
	s6 =	sadd.s32 s1, s12;
	[smem:$0x712] =	sst s18  }
0x272: {  	v6 =	vsel vm9, s11, v6;
	[smem:$0x713] =	sst s6;
	s11 =	spop (v2sf)  }
0x273: {  	s21 =	sshra.s32 s28, $0x1F;
	[smem:$0x710] =	sst s11;
	s26 =	spop (v2sf)  }
0x274: {  	s24 =	sshra.s32 s7, $0x1F;
	[smem:$0x707] =	sst s26;
	s16 =	spop (v2sf)  }
0x275: {  	(v2sf) =	vpush v4, $0x5;
	v7 =	vsel vm9, s24, v7;
	s26 =	sshra.s32 s9, $0xD;
	[smem:$0x708] =	sst s16;
	s24 =	spop (v2sf)  }
0x276: {  	s16 =	smov.u32 s18;
	[smem:$0x70A] =	sst s24;
	s25 =	spop (v2sf)  }
0x277: {  	s18 =	sshra.s32 s18, $0xD;
	[smem:$0x70B] =	sst s25;
	s12 =	spop (v2sf)  }
0x278: {  	v6 =	vsel vm0, s26, v6;
	s26 =	sshra.s32 s9, $0x1F;
	[smem:$0x70C] =	sst s12;
	s20 =	spop (v2sf)  }
0x279: {  	s24 =	sshra.s32 s6, $0xD;
	s9 =	sshra.s32 s16, $0x1F;
	[dreg:$0x17] =	wrdreg s20  }
0x27a: {  	(v2sf) =	vpush v3, $0xE;
	s25 =	spop (v2sf);
	s20 =	sadd.s32 s4, s17;
	s4 =	smul.u32 $0x14F8B589, s21  }
0x27b: {  	s12 =	sshra.s32 s6, $0x1F;
	[dreg:$0x18] =	wrdreg s25;
	s5 =	spop (v2sf)  }
0x27c: {  	s25 =	sadd.s32 s2, s23;
	[smem:$0x71D] =	sst s20;
	s2 =	smul.u32 $0x14F8B589, s14  }
0x27d: {  	v6 =	vsel vm10, s26, v6;
	v7 =	vsel vm0, s24, v7;
	s26 =	sshra.s32 s20, $0xD;
	[dreg:$0x19] =	wrdreg s5;
	s16 =	spop (v2sf)  }
0x27e: {  	v7 =	vsel vm10, s12, v7;
	[smem:$0x71E] =	sst s25;
	s5 =	sadd.s32 s15, s22;
	s12 =	sshra.s32 s25, $0xD  }
0x27f: {  	(v2sf) =	vpush v3, $0xA;
	s22 =	sshra.s32 s25, $0x1F;
	s25 =	smulhi.u32 $0x14F8B589, s28;
	[smem:$0x71F] =	sst s16  }
0x280: {  	(v2sf) =	vpush v2, $0xE;
	s17 =	sshra.s32 s20, $0x1F;
	s23 =	spop (v2sf);
	[smem:$0x721] =	sst s5  }
0x281: {  	(v2sf) =	vpush v2, $0xA;
	s20 =	smulhi.u32 $0x14F8B589, s29;
	s16 =	sshra.s32 s5, $0xD;
	[smem:$0x720] =	sst s23  }
0x282: {  	v6 =	vsel vm1, s26, v6;
	v7 =	vsel vm1, s16, v7;
	s16 =	sadd.s32 s4, s25;
	s4 =	smul.u32 $0x14F8B589, s3;
	s3 =	sld [smem:$0x702]  }
0x283: {  	(v2sf) =	vpush v4, $0xE;
	v6 =	vsel vm11, s17, v6;
	s20 =	sadd.s32 s2, s20;
	s17 =	smul.u32 $0x14F8B589, s13;
	s25 =	sld [smem:$0x705]  }
0x284: {  	v5 =	vsel vm0, s18, v5;
	s18 =	spop (v2sf);
	[smem:$0x72E] =	sst s20  }
0x285: {  	s15 =	smulhi.u32 $0x14F8B589, s30;
	[smem:$0x722] =	sst s18  }
0x286: {  	(v2sf) =	vpush v4, $0xA;
	[smem:$0x70F] =	sst s17  }
0x287: {  	(v2sf) =	vpush v3, $0xF;
	s24 =	sadd.s32 s0, s15;
	s17 =	sshra.s32 s11, $0x1F;
	s11 =	sld [smem:$0x709]  }
0x288: {  	(v2sf) =	vpush v3, $0xB;
	[smem:$0x72B] =	sst s24  }
0x289: {  	s6 =	spop (v2sf);
	[smem:$0x732] =	sst s16  }
0x28a: {  	(v2sf) =	vpush v3, $0x6;
	[dreg:$0x1a] =	wrdreg s6  }
0x28b: {  	(v2sf) =	vpush v2, $0xF;
	s0 =	smul.u32 $0x14F8B589, s8;
	s6 =	sld [smem:$0x701]  }
0x28c: {  	(v2sf) =	vpush v2, $0xB;
	[smem:$0x70D] =	sst s4  }
0x28d: {  	(v2sf) =	vpush v2, $0x6;
	[smem:$0x70E] =	sst s0  }
0x28e: {  	s14 =	spop (v2sf);
	s4 =	sld [smem:$0x706]  }
0x28f: {  	s10 =	sshrl.u32 s10, $0x1F;
	(v2sf) =	vpush v4, $0xF;
	[dreg:$0x1b] =	wrdreg s14;
	s26 =	spop (v2sf)  }
0x290: {  	v5 =	vsel vm10, s9, v5;
	(v2sf) =	vpush v4, $0xB;
	s9 =	sshra.s32 s3, $0x1F;
	[smem:$0x72C] =	sst s26;
	s21 =	spop (v2sf)  }
0x291: {  	v9 =	vmov s10;
	s10 =	smul.u32 $0x14F8B589, s9;
	s9 =	sld [smem:$0x70C]  }
0x292: {  	v5 =	vsel vm1, s12, v5;
	[smem:$0x72D] =	sst s21;
	s12 =	spop (v2sf)  }
0x293: {  	s13 =	smulhi.u32 $0x14F8B589, s4;
	s4 =	sld [smem:$0x707]  }
0x294: {  	(v2sf) =	vpush v4, $0x6;
	[smem:$0x72F] =	sst s12  }
0x295: {  	s15 =	spop (v2sf);
	[smem:$0x715] =	sst s10  }
0x296: {  	[smem:$0x730] =	sst s15;
	s2 =	spop (v2sf)  }
0x297: {  	s1 =	sshra.s32 s5, $0x1F;
	[dreg:$0xf] =	wrdreg s2;
	s5 =	spop (v2sf)  }
0x298: {  	[dreg:$0x10] =	wrdreg s5  }
0x299: {  	s14 =	spop (v2sf);
	s5 =	sld [smem:$0x704]  }
0x29a: {  	v5 =	vsel vm11, s22, v5;
	[dreg:$0x11] =	wrdreg s14;
	s22 =	spop (v2sf)  }
0x29b: {  	[dreg:$0x12] =	wrdreg s22;
	s2 =	spop (v2sf)  }
0x29c: {  	[dreg:$0x13] =	wrdreg s2;
	s8 =	spop (v2sf)  }
0x29d: {  	s0 =	smov.u32 s16;
	s29 =	smulhi.u32 $0x14F8B589, s11;
	[dreg:$0x14] =	wrdreg s8  }
0x29e: {  	v7 =	vsel vm11, s1, v7;
	s1 =	sshra.s32 s6, $0x1F;
	s8 =	sld [smem:$0x708];
	s2 =	spop (v2sf)  }
0x29f: {  	[dreg:$0xe] =	wrdreg s2;
	s2 =	sshrl.u32 s19, $0x1F;
	s11 =	spop (v2sf)  }
0x2a0: {  	[dreg:$0xd] =	wrdreg s11;
	v8 =	vmov s2;
	s11 =	sshra.s32 s20, $0xD;
	s2 =	smul.u32 $0x14F8B589, s1  }
0x2a1: {  	s1 =	sshrl.u32 s7, $0x1F;
	s7 =	sshra.s32 s16, $0xD;
	s16 =	sld [smem:$0x70B]  }
0x2a2: {  	v5 =	vsel vm2, s11, v5;
	s11 =	sld [smem:$0x70A]  }
0x2a3: {  	s30 =	spop (v2sf);
	v7 =	vsel vm2, s7, v7;
	s7 =	rddreg [dreg:$0x17]  }
0x2a4: {  	[dreg:$0xc] =	wrdreg s30  }
0x2a5: {  	s14 =	sshra.s32 s5, $0x1F;
	[smem:$0x714] =	sst s2  }
0x2a6: {  	v10 =	vmov s1;
	s1 =	sshra.s32 s7, $0x1F;
	s2 =	smul.u32 $0x14F8B589, s14;
	s7 =	rddreg [dreg:$0x18]  }
0x2a7: {  	s20 =	sshra.s32 s20, $0x1F;
	s14 =	smul.u32 $0x14F8B589, s17;
	s17 =	rddreg [dreg:$0x19]  }
0x2a8: {  	v5 =	vsel vm12, s20, v5;
	s20 =	sld [smem:$0x70F]  }
0x2a9: {  	[smem:$0x716] =	sst s1  }
0x2aa: {  	s1 =	sshra.s32 s7, $0x1F;
	[smem:$0x717] =	sst s2  }
0x2ab: {  	s22 =	sshra.s32 s4, $0x1F;
	[smem:$0x718] =	sst s1  }
0x2ac: {  	s19 =	sshra.s32 s24, $0xD;
	s28 =	sshra.s32 s8, $0x1F;
	[smem:$0x719] =	sst s14  }
0x2ad: {  	s7 =	sshra.s32 s23, $0x1F;
	s1 =	sshra.s32 s17, $0x1F;
	s2 =	sld [smem:$0x71F]  }
0x2ae: {  	[smem:$0x71C] =	sst s7;
	s17 =	sshra.s32 s24, $0x1F;
	s24 =	smul.u32 $0x14F8B589, s28  }
0x2af: {  	s23 =	sshra.s32 s0, $0x1F;
	s28 =	smulhi.u32 $0x14F8B589, s3;
	s3 =	sld [smem:$0x70D]  }
0x2b0: {  	s14 =	smul.u32 $0x14F8B589, s22;
	s22 =	sshra.s32 s18, $0x1F;
	s18 =	rddreg [dreg:$0x1a]  }
0x2b1: {  	v7 =	vsel vm12, s23, v7;
	s23 =	rddreg [dreg:$0x1b]  }
0x2b2: {  	s25 =	smulhi.u32 $0x14F8B589, s25;
	s10 =	sshra.s32 s9, $0x1F;
	[smem:$0x71A] =	sst s1  }
0x2b3: {  	s7 =	sadd.s32 s20, s29;
	s20 =	sshra.s32 s15, $0x1F;
	s15 =	sld [smem:$0x713]  }
0x2b4: {  	v6 =	vsel vm2, s19, v6;
	s19 =	sshra.s32 s16, $0x1F;
	[smem:$0x72A] =	sst s20;
	s20 =	smul.u32 $0x14F8B589, s10  }
0x2b5: {  	s10 =	sld [smem:$0x716];
	s1 =	sshra.s32 s2, $0x1F;
	s2 =	smulhi.u32 $0x14F8B589, s6  }
0x2b6: {  	s0 =	sadd.s32 s3, s25;
	s6 =	sld [smem:$0x70E];
	s25 =	sshra.s32 s26, $0x1F  }
0x2b7: {  	s26 =	sld [smem:$0x710];
	s3 =	sshra.s32 s21, $0x1F;
	s21 =	smulhi.u32 $0x14F8B589, s8  }
0x2b8: {  	s8 =	smul.u32 $0x14F8B589, s19;
	s19 =	sld [smem:$0x714]  }
0x2b9: {  	[smem:$0x71B] =	sst s1  }
0x2ba: {  	[smem:$0x727] =	sst s25  }
0x2bb: {  	[smem:$0x728] =	sst s3  }
0x2bc: {  	[smem:$0x726] =	sst s20  }
0x2bd: {  	s20 =	sld [smem:$0x71A]  }
0x2be: {  	s1 =	sshra.s32 s23, $0x1F;
	[dreg:$0xb] =	wrdreg s0  }
0x2bf: {  	[smem:$0x725] =	sst s1  }
0x2c0: {  	s1 =	smulhi.u32 $0x14F8B589, s4;
	s4 =	sshra.s32 s12, $0x1F;
	s12 =	sld [smem:$0x711]  }
0x2c1: {  	[smem:$0x724] =	sst s8  }
0x2c2: {  	s31 =	sshra.s32 s11, $0x1F;
	s8 =	sld [smem:$0x715]  }
0x2c3: {  	s29 =	smul.u32 $0x14F8B589, s10;
	s10 =	sadd.s32 s24, s21;
	s21 =	rddreg [dreg:$0x10]  }
0x2c4: {  	s23 =	smul.u32 $0x14F8B589, s31;
	s24 =	sld [smem:$0x71B]  }
0x2c5: {  	[smem:$0x729] =	sst s4  }
0x2c6: {  	s6 =	sadd.s32 s6, s13;
	s13 =	smulhi.u32 $0x14F8B589, s5;
	[smem:$0x723] =	sst s23  }
0x2c7: {  	v6 =	vsel vm12, s17, v6;
	s25 =	sshra.s32 s0, $0xD;
	s5 =	smulhi.u32 $0x14F8B589, s26;
	s26 =	sld [smem:$0x712]  }
0x2c8: {  	v6 =	vsel vm4, s25, v6;
	s25 =	sshra.s32 s7, $0xD;
	s23 =	rddreg [dreg:$0x11]  }
0x2c9: {  	s17 =	sshra.s32 s18, $0x1F;
	v7 =	vsel vm4, s25, v7;
	s25 =	sadd.s32 s14, s1;
	s14 =	rddreg [dreg:$0x14]  }
0x2ca: {  	[dreg:$0xa] =	wrdreg s6;
	s18 =	sshrl.u32 s12, $0x1F;
	s12 =	sshra.s32 s6, $0xD  }
0x2cb: {  	v8 =	vnsel vm3, $0x0, v8;
	v5 =	vsel vm4, s12, v5;
	s12 =	sld [smem:$0x717]  }
0x2cc: {  	v8 =	vsel vm0, s18, v8;
	s18 =	sshrl.u32 s15, $0x1F;
	s15 =	sld [smem:$0x718]  }
0x2cd: {  	s4 =	sshrl.u32 s26, $0x1F;
	s26 =	sadd.s32 s19, s2;
	s19 =	rddreg [dreg:$0xf]  }
0x2ce: {  	v10 =	vnsel vm3, $0x0, v10;
	s3 =	sadd.s32 s8, s28;
	s2 =	smul.u32 $0x14F8B589, s20;
	s20 =	rddreg [dreg:$0xd]  }
0x2cf: {  	s28 =	sshrl.u32 s3, $0x1F;
	v10 =	vsel vm0, s18, v10;
	s18 =	sld [smem:$0x719]  }
0x2d0: {  	s1 =	sshra.s32 s19, $0x1F;
	v12 =	vmov s28;
	s28 =	smulhi.u32 $0x14F8B589, s9;
	s9 =	rddreg [dreg:$0x18]  }
0x2d1: {  	[smem:$0x731] =	sst s1  }
0x2d2: {  	s1 =	sshra.s32 s21, $0x1F;
	s21 =	smul.u32 $0x14F8B589, s24;
	s24 =	sshra.s32 s30, $0x1F  }
0x2d3: {  	s30 =	smulhi.u32 $0x14F8B589, s9;
	s9 =	sshra.s32 s6, $0x1F;
	s6 =	sld [smem:$0x721]  }
0x2d4: {  	v9 =	vnsel vm3, $0x0, v9;
	[smem:$0x733] =	sst s1  }
0x2d5: {  	v9 =	vsel vm0, s4, v9;
	s4 =	sadd.s32 s12, s13;
	s12 =	rddreg [dreg:$0x13]  }
0x2d6: {  	s13 =	sld [smem:$0x71C]  }
0x2d7: {  	s31 =	smul.u32 $0x14F8B589, s15;
	s15 =	rddreg [dreg:$0xe]  }
0x2d8: {  	s1 =	sshra.s32 s23, $0x1F;
	[smem:$0x796] =	sst s24  }
0x2d9: {  	s22 =	smul.u32 $0x14F8B589, s22;
	s3 =	sshra.s32 s3, $0xD;
	[smem:$0x734] =	sst s1  }
0x2da: {  	s24 =	sshra.s32 s0, $0x1F;
	s8 =	sadd.s32 s18, s5;
	s5 =	rddreg [dreg:$0x12]  }
0x2db: {  	s0 =	sshrl.u32 s10, $0x1F;
	s23 =	sshra.s32 s15, $0x1F;
	s15 =	sld [smem:$0x71D]  }
0x2dc: {  	v5 =	vsel vm13, s9, v5;
	s18 =	sshra.s32 s14, $0x1F;
	v15 =	vsel vm13, s24, v6;
	s24 =	rddreg [dreg:$0x19];
	s9 =	sshrl.u32 s6, $0x1F  }
0x2dd: {  	s6 =	sshra.s32 s10, $0xD;
	s10 =	sld [smem:$0x723];
	s19 =	smul.u32 $0x14F8B589, s13  }
0x2de: {  	s13 =	smulhi.u32 $0x14F8B589, s11;
	s11 =	sshrl.u32 s26, $0x1F;
	s26 =	sshra.s32 s26, $0xD  }
0x2df: {  	s14 =	sshra.s32 s20, $0x1F;
	s20 =	smulhi.u32 $0x14F8B589, s16;
	v13 =	vmov s26;
	s26 =	rddreg [dreg:$0x17]  }
0x2e0: {  	v11 =	vmov s11;
	s16 =	sshrl.u32 s15, $0x1F;
	s11 =	sshrl.u32 s8, $0x1F;
	s15 =	sld [smem:$0x71E]  }
0x2e1: {  	s1 =	sshra.s32 s5, $0x1F;
	s5 =	sshrl.u32 s4, $0x1F;
	v19 =	vmov s11;
	s11 =	sld [smem:$0x71F]  }
0x2e2: {  	v16 =	vmov s5;
	s5 =	sshra.s32 s8, $0xD;
	s13 =	sadd.s32 s10, s13;
	s10 =	sld [smem:$0x729]  }
0x2e3: {  	v8 =	vsel vm1, s16, v8;
	s16 =	sshrl.u32 s15, $0x1F;
	s15 =	smulhi.u32 $0x14F8B589, s24;
	s24 =	sld [smem:$0x720]  }
0x2e4: {  	v9 =	vsel vm1, s16, v9;
	s8 =	smulhi.u32 $0x14F8B589, s11;
	s16 =	sshrl.u32 s25, $0x1F;
	s11 =	sld [smem:$0x722]  }
0x2e5: {  	v60 =	vmov s16;
	s16 =	sshra.s32 s25, $0xD;
	s25 =	smul.u32 $0x14F8B589, s17;
	s17 =	sld [smem:$0x726]  }
0x2e6: {  	s4 =	sshra.s32 s4, $0xD;
	s26 =	smulhi.u32 $0x14F8B589, s26;
	v63 =	vmov s16;
	s16 =	sld [smem:$0x725]  }
0x2e7: {  	s12 =	sshra.s32 s12, $0x1F;
	v21 =	vmov s4;
	s4 =	smulhi.u32 $0x14F8B589, s24;
	s24 =	sld [smem:$0x727]  }
0x2e8: {  	v14 =	vmov s3;
	v62 =	vsel vm1, s9, v10;
	s9 =	sshra.s32 s7, $0x1F;
	s3 =	smul.u32 $0x14F8B589, s10;
	[dreg:$0x16] =	wrdreg s25  }
0x2e9: {  	v23 =	vmov s5;
	s5 =	smulhi.u32 $0x14F8B589, s11;
	s25 =	smov.u32 s7;
	s11 =	sld [smem:$0x724]  }
0x2ea: {  	v61 =	vmov s0;
	s4 =	sadd.s32 s19, s4;
	s19 =	sld [smem:$0x72A];
	s0 =	smul.u32 $0x14F8B589, s16  }
0x2eb: {  	v6 =	vsel vm13, s9, v7;
	s16 =	sadd.s32 s29, s26;
	s9 =	smul.u32 $0x14F8B589, s24;
	s24 =	sadd.s32 s31, s30  }
0x2ec: {  	s26 =	sld [smem:$0x728];
	s31 =	sadd.s32 s2, s15;
	s15 =	sadd.s32 s21, s8  }
0x2ed: {  	s2 =	sadd.s32 s22, s5;
	s8 =	sld [smem:$0x72B];
	s7 =	sadd.s32 s11, s20  }
0x2ee: {  	s20 =	sadd.s32 s17, s28;
	s11 =	sshrl.u32 s13, $0x1F;
	s17 =	smul.u32 $0x14F8B589, s19  }
0x2ef: {  	s22 =	smov.u32 s20;
	s20 =	rddreg [dreg:$0x1a];
	s21 =	sshrl.u32 s7, $0x1F  }
0x2f0: {  	v7 =	vsel vm0, s11, v11;
	s11 =	rddreg [dreg:$0x1b];
	s7 =	sshra.s32 s7, $0xD;
	s26 =	smul.u32 $0x14F8B589, s26  }
0x2f1: {  	s10 =	sshrl.u32 s8, $0x1F;
	s30 =	smulhi.u32 $0x14F8B589, s11;
	s11 =	sld [smem:$0x72E]  }
0x2f2: {  	s13 =	sshra.s32 s13, $0xD;
	s20 =	smulhi.u32 $0x14F8B589, s20;
	v17 =	vsel vm2, s10, v8;
	v8 =	vsel vm0, s7, v14;
	s7 =	sld [smem:$0x72C]  }
0x2f3: {  	v20 =	vsel vm0, s21, v12;
	s19 =	sshra.s32 s22, $0xD;
	s21 =	sshrl.u32 s16, $0x1F;
	s10 =	sld [smem:$0x72D]  }
0x2f4: {  	s8 =	sshrl.u32 s24, $0x1F;
	v12 =	vsel vm0, s21, v16;
	s21 =	sshra.s32 s24, $0xD;
	s24 =	sld [smem:$0x72F]  }
0x2f5: {  	v22 =	vsel vm5, s19, v15;
	s19 =	sshra.s32 s16, $0xD;
	s16 =	sld [smem:$0x730];
	s7 =	smulhi.u32 $0x14F8B589, s7  }
0x2f6: {  	v18 =	vsel vm0, s13, v13;
	v16 =	vsel vm0, s19, v21;
	s19 =	sld [smem:$0x731];
	s13 =	sshrl.u32 s11, $0x1F;
	s29 =	smulhi.u32 $0x14F8B589, s10  }
0x2f7: {  	v10 =	vsel vm0, s8, v19;
	v19 =	vsel vm2, s13, v9;
	s24 =	smulhi.u32 $0x14F8B589, s24;
	s10 =	sshra.s32 s31, $0xD;
	s13 =	sld [smem:$0x733]  }
.Ltmp0:
0x2f8: {  	v14 =	vsel vm0, s21, v23;
	s21 =	sshrl.u32 s4, $0x1F;
	v23 =	vsel vm5, s10, v5;
	s10 =	sld [smem:$0x732];
	(pc) =	sbr.rel @p0 .LBB2_2-.Ltmp0, $4  }
0x2f9: {  	s4 =	sshra.s32 s4, $0xD;
	s8 =	smul.u32 $0x14F8B589, s19;
	s19 =	sld [smem:$0x734]  }
0x2fa: {  	s11 =	sshrl.u32 s15, $0x1F;
	s15 =	sshra.s32 s15, $0xD;
	s28 =	smulhi.u32 $0x14F8B589, s16  }
0x2fb: {  	v28 =	vmov s6;
	v13 =	vsel vm0, s11, v60;
	v9 =	vsel vm0, s21, v61;
	s21 =	rddreg [dreg:$0x9];
	s16 =	smul.u32 $0x14F8B589, s13;
	s11 =	sshrl.u32 s10, $0x1F  }
0x2fc: {  	v11 =	vsel vm0, s4, v28;
	v15 =	vsel vm0, s15, v63;
	s4 =	sadd.s32 $0x40, s21;
	s13 =	sshra.s32 s2, $0xD;
	s10 =	smul.u32 $0x14F8B589, s19;
	v21 =	vsel vm2, s11, v62  }
0x2fd: {  	s4 =	smul.u32 $0x14F8B589, s1  }
0x2fe: {  	s5 =	smul.u32 $0x14F8B589, s12;
	s15 =	rddreg [dreg:$0xf]  }
0x2ff: {  	s18 =	smul.u32 $0x14F8B589, s18;
	s6 =	rddreg [dreg:$0x10]  }
0x300: {  	s19 =	rddreg [dreg:$0x11];
	s1 =	smulhi.u32 $0x14F8B589, s15  }
0x301: {  	s21 =	rddreg [dreg:$0x16];
	s7 =	sadd.s32 s9, s7;
	s6 =	smulhi.u32 $0x14F8B589, s6  }
0x302: {  	s11 =	rddreg [dreg:$0x13];
	s17 =	sadd.s32 s17, s28;
	s15 =	smulhi.u32 $0x14F8B589, s19  }
0x303: {  	s19 =	sadd.s32 s21, s20;
	s20 =	sadd.s32 s0, s30;
	s30 =	rddreg [dreg:$0x12]  }
0x304: {  	s21 =	sadd.s32 s26, s29;
	s26 =	smov.u32 s22;
	s9 =	smulhi.u32 $0x14F8B589, s11  }
0x305: {  	s29 =	sadd.s32 s3, s24;
	s11 =	rddreg [dreg:$0x14];
	s0 =	smulhi.u32 $0x14F8B589, s30  }
0x306: {  	s24 =	rddreg [dreg:$0xa];
	s12 =	smulhi.u32 $0x14F8B589, s11;
	s22 =	sshrl.u32 s19, $0x1F  }
0x307: {  	s11 =	smul.u32 $0x14F8B589, s14;
	s28 =	sshrl.u32 s24, $0x1F;
	s30 =	sshrl.u32 s7, $0x1F  }
0x308: {  	s7 =	sshra.s32 s7, $0xD;
	s24 =	sshra.s32 s31, $0x1F;
	s8 =	sadd.s32 s8, s1  }
0x309: {  	s16 =	sadd.s32 s16, s6;
	s1 =	sadd.s32 s10, s15;
	s3 =	sadd.s32 s5, s9  }
0x30a: {  	s10 =	sshra.s32 s19, $0xD;
	s15 =	sshrl.u32 s20, $0x1F;
	s19 =	sshra.s32 s20, $0xD  }
0x30b: {  	v5 =	vsel vm5, s13, v6;
	s20 =	sshrl.u32 s21, $0x1F;
	v6 =	vsel vm1, s22, v7;
	s22 =	sshra.s32 s26, $0x1F;
	v19 =	vsel vm4, s28, v19;
	s28 =	sshra.s32 s29, $0xD  }
0x30c: {  	v12 =	vsel vm1, s30, v12;
	v52 =	vsel vm14, s24, v23;
	s30 =	sshrl.u32 s17, $0x1F;
	s24 =	sshrl.u32 s26, $0x1F;
	s6 =	sadd.s32 s4, s0  }
0x30d: {  	v16 =	vsel vm1, s7, v16;
	s0 =	sadd.s32 s18, s12;
	s4 =	smul.u32 $0x14F8B589, s23;
	s18 =	rddreg [dreg:$0xb]  }
0x30e: {  	s23 =	sld [smem:$0x796];
	v7 =	vsel vm1, s15, v20;
	v51 =	vsel vm14, s22, v22;
	v10 =	vsel vm1, s20, v10;
	s20 =	sshra.s32 s17, $0xD;
	s22 =	sshrl.u32 s8, $0x1F  }
0x30f: {  	v18 =	vsel vm1, s10, v18;
	v9 =	vsel vm1, s30, v9;
	v15 =	vsel vm1, s28, v15;
	s26 =	sshra.s32 s16, $0xD;
	s28 =	sshra.s32 s1, $0xD;
	s30 =	sshrl.u32 s31, $0x1F  }
0x310: {  	v8 =	vsel vm1, s19, v8;
	s15 =	sshra.s32 s1, $0x1F;
	s19 =	rddreg [dreg:$0x7];
	s5 =	sshrl.u32 s18, $0x1F;
	v11 =	vsel vm1, s20, v11;
	v6 =	vsel vm2, s22, v6  }
0x311: {  	s18 =	sshra.s32 s21, $0xD;
	s21 =	sshrl.u32 s25, $0x1F;
	s25 =	sshrl.u32 s29, $0x1F;
	v20 =	vsel vm6, s28, v51;
	v8 =	vsel vm2, s26, v8;
	v19 =	vsel vm5, s30, v19  }
0x312: {  	s29 =	rddreg [dreg:$0xd];
	s31 =	sshra.s32 s0, $0xD;
	s17 =	sshrl.u32 s0, $0x1F;
	v17 =	vsel vm4, s5, v17;
	v14 =	vsel vm1, s18, v14;
	v21 =	vsel vm4, s21, v21  }
0x313: {  	s0 =	sshra.s32 s0, $0x1F;
	s14 =	smulhi.u32 $0x14F8B589, s29;
	v13 =	vsel vm1, s25, v13;
	s25 =	sshra.s32 s8, $0xD;
	v22 =	vsel vm6, s31, v52;
	v20 =	vsel vm15, s15, v20  }
0x314: {  	s29 =	sshrl.u32 s6, $0x1F;
	s8 =	sshrl.u32 s3, $0x1F;
	s6 =	sshra.s32 s6, $0xD;
	v19 =	vsel vm6, s17, v19;
	v17 =	vsel vm5, s24, v17;
	v18 =	vsel vm2, s25, v18  }
0x315: {  	s20 =	sshra.s32 s19, $0xD;
	s22 =	rddreg [dreg:$0x6];
	s3 =	sshra.s32 s3, $0xD;
	v12 =	vsel vm2, s29, v12;
	v10 =	vsel vm2, s8, v10;
	v16 =	vsel vm2, s6, v16  }
0x316: {  	s1 =	sshrl.u32 s1, $0x1F;
	s18 =	rddreg [dreg:$0xc];
	s12 =	smul.u32 $0x14F8B589, s23;
	v14 =	vsel vm2, s3, v14;
	v22 =	vsel vm15, s0, v22;
	v20 =	vsel vm7, s20, v20  }
0x317: {  	s23 =	rddreg [dreg:$0xe];
	s24 =	sshra.s32 s22, $0xD;
	s21 =	sadd.s32 s11, s14;
	v17 =	vsel vm6, s1, v17;
	v8 =	vcombine.low v8, v18;
	v10 =	vcombine.low v10, v12  }
0x318: {  	s10 =	smulhi.u32 $0x14F8B589, s23;
	s23 =	sshrl.u32 s16, $0x1F;
	v53 =	vcombine.low v14, v16;
	v56 =	vperm.xlane v20, v1;
	v57 =	vsel vm7, s24, v22;
	s13 =	sshrl.u32 s21, $0x1F  }
0x319: {  	s7 =	smulhi.u32 $0x14F8B589, s18;
	v7 =	vsel vm2, s23, v7;
	s16 =	sshra.s32 s21, $0xD;
	s21 =	sshrl.u32 s19, $0x1F;
	v16 =	vperm.xlane v57, v1;
	v9 =	vsel vm2, s13, v9  }
0x31a: {  	s23 =	sshrl.u32 s22, $0x1F;
	v11 =	vsel vm2, s16, v11;
	v6 =	vcombine.low v7, v6;
	v54 =	vsel vm7, s21, v17  }
0x31b: {  	s5 =	sadd.s32 s12, s7;
	s4 =	sadd.s32 s4, s10;
	s10 =	sshra.s32 s2, $0x1F;
	v55 =	vsel vm7, s23, v19;
	v8 =	vperm.xlane v8, v0;
	v10 =	vperm.xlane v10, v0  }
0x31c: {  	s12 =	sshra.s32 s5, $0xD;
	v12 =	vperm.xlane v53, v0;
	v5 =	vsel vm14, s10, v5;
	s10 =	sshrl.u32 s2, $0x1F;
	s11 =	sshrl.u32 s4, $0x1F;
	v14 =	vperm.xlane v55, v1  }
0x31d: {  	s14 =	sshra.s32 s4, $0xD;
	v21 =	vsel vm5, s10, v21;
	v13 =	vsel vm2, s11, v13;
	v5 =	vsel vm6, s12, v5  }
0x31e: {  	s18 =	sshrl.u32 s5, $0x1F;
	v15 =	vsel vm2, s14, v15;
	v6 =	vperm.xlane v6, v0;
	v8 =	vsel vm8, v56, v8  }
0x31f: {  	s25 =	rddreg [dreg:$0x5];
	s28 =	sshra.s32 s5, $0x1F;
	v58 =	vsel vm8, v16, v12;
	v7 =	vsel vm6, s18, v21;
	v9 =	vcombine.low v9, v13  }
0x320: {  	s26 =	sshrl.u32 s25, $0x1F;
	s29 =	sshra.s32 s25, $0xD;
	v11 =	vcombine.low v11, v15;
	v13 =	vperm.xlane v54, v1;
	v5 =	vsel vm15, s28, v5  }
0x321: {  	v10 =	vsel vm8, v14, v10;
	v7 =	vsel vm7, s26, v7;
	v5 =	vsel vm7, s29, v5  }
0x322: {  	v7 =	vperm.xlane v7, v1;
	v5 =	vperm.xlane v5, v1;
	v6 =	vsel vm8, v13, v6  }
0x323: {  	v9 =	vperm.xlane v9, v0;
	v6 =	vadd.s32 v6, v8;
	v8 =	vperm.xlane v11, v0  }
0x324: {  	v59 =	vadd.s32 v10, v58  }
0x325: {  	v6 =	vmul.u32 $0x186A0, v6;
	v7 =	vsel vm8, v7, v9;
	v5 =	vsel vm8, v5, v8  }
0x326: {  	v8 =	vmul.u32 $0x186A0, v59;
	v5 =	vadd.s32 v7, v5  }
0x327: {  	s30 =	rddreg [dreg:$0x4];
	v3 =	vsub.s32 v3, v6;
	v5 =	vmul.u32 $0x186A0, v5  }
0x328: {  	[tilespmem:s30+$0xFFFFFFE0] =	vst v3;
	v2 =	vsub.s32 v2, v8  }
0x329: {  	[tilespmem:s30+$0xFFFFFFF0] =	vst v2;
	v2 =	vsub.s32 v4, v5  }
0x32a: {  	[tilespmem:s30+$0x0] =	vst v2  }
0x32b: {  	s0 =	sld [smem:$0x798]  }
0x32c: {  	s6 =	simm.s32 $0x2000  }
0x32d: {  	s3 =	simm.s32 $0x2;
	s5 =	simm.s32 $0x400;
	s4 =	simm.s32 $0x80  }
0x32e: {  	[tilespmem:s6], [sflag:$0x2] =	stream.strided.gather [hbm4b:s0+s4], $0x18700, s5, s4, $0x38;
	[tilespmem:$0x1C700] =	vst v63  }
0x32f: {  	_ =	swait.ge [sflag:s3], $0x18700  }
0x330: {  	[sflag:s3] =	ssyncset.done $0x0  }
0x331: {  	s31 =	simm.s32 $0x40;
	[sflag:s3] =	ssyncadd.s32 $0xFFFE7900  }
0x332: {  	v2 =	vld [tilespmem:s31+$0x30]  }
0x333: {  	v3 =	vld [tilespmem:s31+$0xFFFFFFD0]  }
0x334: {  	v4 =	vld [tilespmem:s31+$0xFFFFFFE0]  }
0x335: {  	v5 =	vld [tilespmem:s31+$0xFFFFFFF0]  }
0x336: {  	v6 =	vld [tilespmem:s31+$0x0]  }
0x337: {  	v8 =	vld [tilespmem:s31+$0x10]  }
0x338: {  	v60 =	vld [tilespmem:s31+$0x20]  }
0x339: {  	v61 =	vld [tilespmem:s31+$0xFFFFFFC0]  }
0x33a: {  	v62 =	vld.idx.msk [tilespmem:v2+s6+$0x0], $0xffff  }
0x33b: {  	v63 =	vld.idx.msk [tilespmem:v3+s6+$0x0], $0xffff  }
0x33c: {  	v7 =	vld.idx.msk [tilespmem:v4+s6+$0x0], $0xffff  }
0x33d: {  	v5 =	vld.idx.msk [tilespmem:v5+s6+$0x0], $0xffff  }
0x33e: {  	v2 =	vld.idx.msk [tilespmem:v6+s6+$0x0], $0xffff  }
0x33f: {  	s0 =	simm.s32 $0x1A740;
	v3 =	vld.idx.msk [tilespmem:v8+s6+$0x0], $0xffff  }
0x340: {  	v4 =	vld.idx.msk [tilespmem:v60+s6+$0x0], $0xffff;
	[tilespmem:s0+$0x30] =	vst v62  }
0x341: {  	s1 =	simm.s32 $0x0;
	s2 =	simm.s32 $0xC0;
	v6 =	vld.idx.msk [tilespmem:v61+s6+$0x0], $0xffff;
	[tilespmem:s0+$0xFFFFFFD0] =	vst v63  }
.LBB2_4:
0x342: {  	v8 =	vld [tilespmem:s2+$0x30];
	s1 =	sadd.s32 $0x8, s1;
	[tilespmem:s0+$0xFFFFFFE0] =	vst v7  }
0x343: {  	v7 =	vld [tilespmem:s2+$0xFFFFFFD0];
	p0 =	slt.u32 s1, $0xF8;
	[tilespmem:s0+$0xFFFFFFF0] =	vst v5  }
0x344: {  	v5 =	vld [tilespmem:s2+$0xFFFFFFE0];
	[tilespmem:s0+$0x0] =	vst v2  }
0x345: {  	v2 =	vld [tilespmem:s2+$0xFFFFFFF0];
	[tilespmem:s0+$0x10] =	vst v3  }
0x346: {  	v3 =	vld [tilespmem:s2+$0x0];
	[tilespmem:s0+$0x20] =	vst v4  }
0x347: {  	v4 =	vld [tilespmem:s2+$0x10];
	[tilespmem:s0+$0xFFFFFFC0] =	vst v6  }
0x348: {  	v6 =	vld [tilespmem:s2+$0x20]  }
0x349: {  	v9 =	vld [tilespmem:s2+$0xFFFFFFC0]  }
0x34a: {  	v8 =	vld.idx.msk [tilespmem:v8+s6+$0x0], $0xffff  }
0x34b: {  	v10 =	vld.idx.msk [tilespmem:v7+s6+$0x0], $0xffff  }
0x34c: {  	v7 =	vld.idx.msk [tilespmem:v5+s6+$0x0], $0xffff  }
.Ltmp1:
0x34d: {  	v5 =	vld.idx.msk [tilespmem:v2+s6+$0x0], $0xffff;
	(pc) =	sbr.rel @p0 .LBB2_4-.Ltmp1, $4  }
0x34e: {  	v2 =	vld.idx.msk [tilespmem:v3+s6+$0x0], $0xffff  }
0x34f: {  	s0 =	sadd.s32 $0x80, s0;
	v3 =	vld.idx.msk [tilespmem:v4+s6+$0x0], $0xffff  }
0x350: {  	v4 =	vld.idx.msk [tilespmem:v6+s6+$0x0], $0xffff;
	[tilespmem:s0+$0x30] =	vst v8  }
0x351: {  	s2 =	sadd.s32 $0x80, s2;
	v6 =	vld.idx.msk [tilespmem:v9+s6+$0x0], $0xffff;
	[tilespmem:s0+$0xFFFFFFD0] =	vst v10  }
0x352: {  	[tilespmem:s0+$0xFFFFFFE0] =	vst v7  }
0x353: {  	[tilespmem:s0+$0xFFFFFFF0] =	vst v5  }
0x354: {  	[tilespmem:s0+$0x0] =	vst v2  }
0x355: {  	[tilespmem:s0+$0x10] =	vst v3  }
0x356: {  	[tilespmem:s0+$0x20] =	vst v4  }
0x357: {  	[tilespmem:s0+$0xFFFFFFC0] =	vst v6  }
0x358: {  	s0 =	sld [smem:$0x7B7];
	_ =	sdelay $0x1  }
0x359: {  	s7 =	simm.s32 $0x1A700;
	s30 =	sld [smem:$0x799]  }
0x35a: {  	[hbm4b:s0+s4] =	stream.strided.scatter [tilespmem:s7], [sflag:$0x1], $0x1000, s5, s4, $0x38;
	[tilespmem:$0x1C700] =	vst v63  }
0x35b: {  	_ = 	snop  }
0x35c: {  	[tilespmem:s6], [sflag:$0x2] =	stream.strided.gather [hbm4b:s30+s4], $0x18700, s5, s4, $0x38;
	[tilespmem:$0x1C700] =	vst v63  }
0x35d: {  	_ =	swait.ge [sflag:s3], $0x18700  }
0x35e: {  	[sflag:s3] =	ssyncset.done $0x0  }
0x35f: {  	s31 =	simm.s32 $0x40;
	[sflag:s3] =	ssyncadd.s32 $0xFFFE7900  }
0x360: {  	v2 =	vld [tilespmem:s31+$0x30]  }
0x361: {  	v3 =	vld [tilespmem:s31+$0xFFFFFFD0]  }
0x362: {  	v4 =	vld [tilespmem:s31+$0xFFFFFFE0]  }
0x363: {  	v5 =	vld [tilespmem:s31+$0xFFFFFFF0]  }
0x364: {  	v6 =	vld [tilespmem:s31+$0x0]  }
0x365: {  	v8 =	vld [tilespmem:s31+$0x10]  }
0x366: {  	v9 =	vld [tilespmem:s31+$0x20]  }
0x367: {  	v10 =	vld [tilespmem:s31+$0xFFFFFFC0]  }
0x368: {  	v11 =	vld.idx.msk [tilespmem:v2+s6+$0x0], $0xffff  }
0x369: {  	v12 =	vld.idx.msk [tilespmem:v3+s6+$0x0], $0xffff  }
0x36a: {  	v7 =	vld.idx.msk [tilespmem:v4+s6+$0x0], $0xffff  }
0x36b: {  	v5 =	vld.idx.msk [tilespmem:v5+s6+$0x0], $0xffff  }
0x36c: {  	v2 =	vld.idx.msk [tilespmem:v6+s6+$0x0], $0xffff  }
0x36d: {  	s0 =	simm.s32 $0x1B770;
	v3 =	vld.idx.msk [tilespmem:v8+s6+$0x0], $0xffff  }
0x36e: {  	s1 =	simm.s32 $0x0;
	v4 =	vld.idx.msk [tilespmem:v9+s6+$0x0], $0xffff;
	[tilespmem:s0+$0x0] =	vst v11  }
0x36f: {  	s2 =	simm.s32 $0xC0;
	s8 =	simm.s32 $0x1B700;
	s9 =	simm.s32 $0x1;
	v6 =	vld.idx.msk [tilespmem:v10+s6+$0x0], $0xffff;
	[tilespmem:s0+$0xFFFFFFA0] =	vst v12  }
.LBB2_6:
0x370: {  	v8 =	vld [tilespmem:s2+$0x30];
	s1 =	sadd.s32 $0x8, s1;
	[tilespmem:s0+$0xFFFFFFB0] =	vst v7  }
0x371: {  	v7 =	vld [tilespmem:s2+$0xFFFFFFD0];
	p0 =	slt.u32 s1, $0xF8;
	[tilespmem:s0+$0xFFFFFFC0] =	vst v5  }
0x372: {  	v5 =	vld [tilespmem:s2+$0xFFFFFFE0];
	[tilespmem:s0+$0xFFFFFFD0] =	vst v2  }
0x373: {  	v2 =	vld [tilespmem:s2+$0xFFFFFFF0];
	[tilespmem:s0+$0xFFFFFFE0] =	vst v3  }
0x374: {  	v3 =	vld [tilespmem:s2+$0x0];
	[tilespmem:s0+$0xFFFFFFF0] =	vst v4  }
0x375: {  	v4 =	vld [tilespmem:s2+$0x10];
	[tilespmem:s0+$0xFFFFFF90] =	vst v6  }
0x376: {  	v6 =	vld [tilespmem:s2+$0x20]  }
0x377: {  	v9 =	vld [tilespmem:s2+$0xFFFFFFC0]  }
0x378: {  	v8 =	vld.idx.msk [tilespmem:v8+s6+$0x0], $0xffff  }
0x379: {  	v10 =	vld.idx.msk [tilespmem:v7+s6+$0x0], $0xffff  }
0x37a: {  	v7 =	vld.idx.msk [tilespmem:v5+s6+$0x0], $0xffff  }
.Ltmp2:
0x37b: {  	v5 =	vld.idx.msk [tilespmem:v2+s6+$0x0], $0xffff;
	(pc) =	sbr.rel @p0 .LBB2_6-.Ltmp2, $4  }
0x37c: {  	v2 =	vld.idx.msk [tilespmem:v3+s6+$0x0], $0xffff  }
0x37d: {  	s0 =	sadd.s32 $0x80, s0;
	v3 =	vld.idx.msk [tilespmem:v4+s6+$0x0], $0xffff  }
0x37e: {  	v4 =	vld.idx.msk [tilespmem:v6+s6+$0x0], $0xffff;
	[tilespmem:s0+$0x0] =	vst v8  }
0x37f: {  	s2 =	sadd.s32 $0x80, s2;
	v6 =	vld.idx.msk [tilespmem:v9+s6+$0x0], $0xffff;
	[tilespmem:s0+$0xFFFFFFA0] =	vst v10  }
0x380: {  	[tilespmem:s0+$0xFFFFFFB0] =	vst v7  }
0x381: {  	[tilespmem:s0+$0xFFFFFFC0] =	vst v5  }
0x382: {  	[tilespmem:s0+$0xFFFFFFD0] =	vst v2  }
0x383: {  	[tilespmem:s0+$0xFFFFFFE0] =	vst v3  }
0x384: {  	[tilespmem:s0+$0xFFFFFFF0] =	vst v4  }
0x385: {  	[tilespmem:s0+$0xFFFFFF90] =	vst v6  }
0x386: {  	s0 =	sld [smem:$0x7B8];
	_ =	sdelay $0x1  }
0x387: {  	s31 =	sld [smem:$0x79D]  }
0x388: {  	[hbm4b:s0+s4] =	stream.strided.scatter [tilespmem:s8], [sflag:$0x1], $0x1000, s5, s4, $0x38;
	[tilespmem:$0x1C700] =	vst v63  }
0x389: {  	_ = 	snop  }
0x38a: {  	[tilespmem:s6], [sflag:$0x2] =	stream.strided.gather [hbm4b:s31+s4], $0x18700, s5, s4, $0x38;
	[tilespmem:$0x1C700] =	vst v63  }
0x38b: {  	_ =	swait.ge [sflag:s3], $0x18700  }
0x38c: {  	[sflag:s3] =	ssyncset.done $0x0  }
0x38d: {  	[sflag:s3] =	ssyncadd.s32 $0xFFFE7900  }
0x38e: {  	_ =	swait.ge [sflag:s9], $0x1000  }
0x38f: {  	s2 =	sld [smem:$0x7E6]  }
0x390: {  	[sflag:s9] =	ssyncset.done $0x0  }
0x391: {  	[sflag:s9] =	ssyncadd.s32 $0xFFFFF000  }
0x392: {  	v2 =	vld [tilespmem:s2+$0x30]  }
0x393: {  	v3 =	vld [tilespmem:s2+$0xFFFFFFD0]  }
0x394: {  	v4 =	vld [tilespmem:s2+$0xFFFFFFE0]  }
0x395: {  	v5 =	vld [tilespmem:s2+$0xFFFFFFF0]  }
0x396: {  	v6 =	vld [tilespmem:s2+$0x0]  }
0x397: {  	v8 =	vld [tilespmem:s2+$0x10]  }
0x398: {  	v9 =	vld [tilespmem:s2+$0x20]  }
0x399: {  	v10 =	vld [tilespmem:s2+$0xFFFFFFC0]  }
0x39a: {  	v11 =	vld.idx.msk [tilespmem:v2+s6+$0x0], $0xffff  }
0x39b: {  	v12 =	vld.idx.msk [tilespmem:v3+s6+$0x0], $0xffff  }
0x39c: {  	v7 =	vld.idx.msk [tilespmem:v4+s6+$0x0], $0xffff  }
0x39d: {  	v5 =	vld.idx.msk [tilespmem:v5+s6+$0x0], $0xffff  }
0x39e: {  	v2 =	vld.idx.msk [tilespmem:v6+s6+$0x0], $0xffff  }
0x39f: {  	s0 =	simm.s32 $0x1A740;
	v3 =	vld.idx.msk [tilespmem:v8+s6+$0x0], $0xffff  }
0x3a0: {  	v4 =	vld.idx.msk [tilespmem:v9+s6+$0x0], $0xffff;
	[tilespmem:s0+$0x30] =	vst v11  }
0x3a1: {  	s1 =	simm.s32 $0x0;
	s2 =	sadd.s32 $0x80, s2;
	v6 =	vld.idx.msk [tilespmem:v10+s6+$0x0], $0xffff;
	[tilespmem:s0+$0xFFFFFFD0] =	vst v12  }
.LBB2_8:
0x3a2: {  	v8 =	vld [tilespmem:s2+$0x30];
	s1 =	sadd.s32 $0x8, s1;
	[tilespmem:s0+$0xFFFFFFE0] =	vst v7  }
0x3a3: {  	v7 =	vld [tilespmem:s2+$0xFFFFFFD0];
	p0 =	slt.u32 s1, $0xF8;
	[tilespmem:s0+$0xFFFFFFF0] =	vst v5  }
0x3a4: {  	v5 =	vld [tilespmem:s2+$0xFFFFFFE0];
	[tilespmem:s0+$0x0] =	vst v2  }
0x3a5: {  	v2 =	vld [tilespmem:s2+$0xFFFFFFF0];
	[tilespmem:s0+$0x10] =	vst v3  }
0x3a6: {  	v3 =	vld [tilespmem:s2+$0x0];
	[tilespmem:s0+$0x20] =	vst v4  }
0x3a7: {  	v4 =	vld [tilespmem:s2+$0x10];
	[tilespmem:s0+$0xFFFFFFC0] =	vst v6  }
0x3a8: {  	v6 =	vld [tilespmem:s2+$0x20]  }
0x3a9: {  	v9 =	vld [tilespmem:s2+$0xFFFFFFC0]  }
0x3aa: {  	v8 =	vld.idx.msk [tilespmem:v8+s6+$0x0], $0xffff  }
0x3ab: {  	v10 =	vld.idx.msk [tilespmem:v7+s6+$0x0], $0xffff  }
0x3ac: {  	v7 =	vld.idx.msk [tilespmem:v5+s6+$0x0], $0xffff  }
.Ltmp3:
0x3ad: {  	v5 =	vld.idx.msk [tilespmem:v2+s6+$0x0], $0xffff;
	(pc) =	sbr.rel @p0 .LBB2_8-.Ltmp3, $4  }
0x3ae: {  	v2 =	vld.idx.msk [tilespmem:v3+s6+$0x0], $0xffff  }
0x3af: {  	s0 =	sadd.s32 $0x80, s0;
	v3 =	vld.idx.msk [tilespmem:v4+s6+$0x0], $0xffff  }
0x3b0: {  	v4 =	vld.idx.msk [tilespmem:v6+s6+$0x0], $0xffff;
	[tilespmem:s0+$0x30] =	vst v8  }
0x3b1: {  	s2 =	sadd.s32 $0x80, s2;
	v6 =	vld.idx.msk [tilespmem:v9+s6+$0x0], $0xffff;
	[tilespmem:s0+$0xFFFFFFD0] =	vst v10  }
0x3b2: {  	[tilespmem:s0+$0xFFFFFFE0] =	vst v7  }
0x3b3: {  	[tilespmem:s0+$0xFFFFFFF0] =	vst v5  }
0x3b4: {  	[tilespmem:s0+$0x0] =	vst v2  }
0x3b5: {  	[tilespmem:s0+$0x10] =	vst v3  }
0x3b6: {  	[tilespmem:s0+$0x20] =	vst v4  }
0x3b7: {  	[tilespmem:s0+$0xFFFFFFC0] =	vst v6  }
0x3b8: {  	s0 =	sld [smem:$0x7BC];
	_ =	sdelay $0x1  }
0x3b9: {  	s31 =	sld [smem:$0x79E]  }
0x3ba: {  	[hbm4b:s0+s4] =	stream.strided.scatter [tilespmem:s7], [sflag:$0x1], $0x1000, s5, s4, $0x38;
	[tilespmem:$0x1C700] =	vst v63  }
0x3bb: {  	_ = 	snop  }
0x3bc: {  	[tilespmem:s6], [sflag:$0x2] =	stream.strided.gather [hbm4b:s31+s4], $0x18700, s5, s4, $0x38;
	[tilespmem:$0x1C700] =	vst v63  }
0x3bd: {  	_ =	swait.ge [sflag:s3], $0x18700  }
0x3be: {  	[sflag:s3] =	ssyncset.done $0x0  }
0x3bf: {  	[sflag:s3] =	ssyncadd.s32 $0xFFFE7900  }
0x3c0: {  	_ =	swait.ge [sflag:s9], $0x1000  }
0x3c1: {  	s2 =	sld [smem:$0x7E7]  }
0x3c2: {  	[sflag:s9] =	ssyncset.done $0x0  }
0x3c3: {  	[sflag:s9] =	ssyncadd.s32 $0xFFFFF000  }
0x3c4: {  	v2 =	vld [tilespmem:s2+$0x30]  }
0x3c5: {  	v3 =	vld [tilespmem:s2+$0xFFFFFFD0]  }
0x3c6: {  	v4 =	vld [tilespmem:s2+$0xFFFFFFE0]  }
0x3c7: {  	v5 =	vld [tilespmem:s2+$0xFFFFFFF0]  }
0x3c8: {  	v6 =	vld [tilespmem:s2+$0x0]  }
0x3c9: {  	v8 =	vld [tilespmem:s2+$0x10]  }
0x3ca: {  	v9 =	vld [tilespmem:s2+$0x20]  }
0x3cb: {  	v10 =	vld [tilespmem:s2+$0xFFFFFFC0]  }
0x3cc: {  	v11 =	vld.idx.msk [tilespmem:v2+s6+$0x0], $0xffff  }
0x3cd: {  	v12 =	vld.idx.msk [tilespmem:v3+s6+$0x0], $0xffff  }
0x3ce: {  	v7 =	vld.idx.msk [tilespmem:v4+s6+$0x0], $0xffff  }
0x3cf: {  	v5 =	vld.idx.msk [tilespmem:v5+s6+$0x0], $0xffff  }
0x3d0: {  	v2 =	vld.idx.msk [tilespmem:v6+s6+$0x0], $0xffff  }
0x3d1: {  	s0 =	simm.s32 $0x1B770;
	v3 =	vld.idx.msk [tilespmem:v8+s6+$0x0], $0xffff  }
0x3d2: {  	v4 =	vld.idx.msk [tilespmem:v9+s6+$0x0], $0xffff;
	[tilespmem:s0+$0x0] =	vst v11  }
0x3d3: {  	s1 =	simm.s32 $0x0;
	s2 =	sadd.s32 $0x80, s2;
	v6 =	vld.idx.msk [tilespmem:v10+s6+$0x0], $0xffff;
	[tilespmem:s0+$0xFFFFFFA0] =	vst v12  }
.LBB2_10:
0x3d4: {  	v8 =	vld [tilespmem:s2+$0x30];
	s1 =	sadd.s32 $0x8, s1;
	[tilespmem:s0+$0xFFFFFFB0] =	vst v7  }
0x3d5: {  	v7 =	vld [tilespmem:s2+$0xFFFFFFD0];
	p0 =	slt.u32 s1, $0xF8;
	[tilespmem:s0+$0xFFFFFFC0] =	vst v5  }
0x3d6: {  	v5 =	vld [tilespmem:s2+$0xFFFFFFE0];
	[tilespmem:s0+$0xFFFFFFD0] =	vst v2  }
0x3d7: {  	v2 =	vld [tilespmem:s2+$0xFFFFFFF0];
	[tilespmem:s0+$0xFFFFFFE0] =	vst v3  }
0x3d8: {  	v3 =	vld [tilespmem:s2+$0x0];
	[tilespmem:s0+$0xFFFFFFF0] =	vst v4  }
0x3d9: {  	v4 =	vld [tilespmem:s2+$0x10];
	[tilespmem:s0+$0xFFFFFF90] =	vst v6  }
0x3da: {  	v6 =	vld [tilespmem:s2+$0x20]  }
0x3db: {  	v9 =	vld [tilespmem:s2+$0xFFFFFFC0]  }
0x3dc: {  	v8 =	vld.idx.msk [tilespmem:v8+s6+$0x0], $0xffff  }
0x3dd: {  	v10 =	vld.idx.msk [tilespmem:v7+s6+$0x0], $0xffff  }
0x3de: {  	v7 =	vld.idx.msk [tilespmem:v5+s6+$0x0], $0xffff  }
.Ltmp4:
0x3df: {  	v5 =	vld.idx.msk [tilespmem:v2+s6+$0x0], $0xffff;
	(pc) =	sbr.rel @p0 .LBB2_10-.Ltmp4, $4  }
0x3e0: {  	v2 =	vld.idx.msk [tilespmem:v3+s6+$0x0], $0xffff  }
0x3e1: {  	s0 =	sadd.s32 $0x80, s0;
	v3 =	vld.idx.msk [tilespmem:v4+s6+$0x0], $0xffff  }
0x3e2: {  	v4 =	vld.idx.msk [tilespmem:v6+s6+$0x0], $0xffff;
	[tilespmem:s0+$0x0] =	vst v8  }
0x3e3: {  	s2 =	sadd.s32 $0x80, s2;
	v6 =	vld.idx.msk [tilespmem:v9+s6+$0x0], $0xffff;
	[tilespmem:s0+$0xFFFFFFA0] =	vst v10  }
0x3e4: {  	[tilespmem:s0+$0xFFFFFFB0] =	vst v7  }
0x3e5: {  	[tilespmem:s0+$0xFFFFFFC0] =	vst v5  }
0x3e6: {  	[tilespmem:s0+$0xFFFFFFD0] =	vst v2  }
0x3e7: {  	[tilespmem:s0+$0xFFFFFFE0] =	vst v3  }
0x3e8: {  	[tilespmem:s0+$0xFFFFFFF0] =	vst v4  }
0x3e9: {  	[tilespmem:s0+$0xFFFFFF90] =	vst v6  }
0x3ea: {  	s0 =	sld [smem:$0x7BD];
	_ =	sdelay $0x1  }
0x3eb: {  	s31 =	sld [smem:$0x79F]  }
0x3ec: {  	[hbm4b:s0+s4] =	stream.strided.scatter [tilespmem:s8], [sflag:$0x1], $0x1000, s5, s4, $0x38;
	[tilespmem:$0x1C700] =	vst v63  }
0x3ed: {  	_ = 	snop  }
0x3ee: {  	[tilespmem:s6], [sflag:$0x2] =	stream.strided.gather [hbm4b:s31+s4], $0x18700, s5, s4, $0x38;
	[tilespmem:$0x1C700] =	vst v63  }
0x3ef: {  	_ =	swait.ge [sflag:s3], $0x18700  }
0x3f0: {  	[sflag:s3] =	ssyncset.done $0x0  }
0x3f1: {  	[sflag:s3] =	ssyncadd.s32 $0xFFFE7900  }
0x3f2: {  	_ =	swait.ge [sflag:s9], $0x1000  }
0x3f3: {  	s2 =	sld [smem:$0x7E8]  }
0x3f4: {  	[sflag:s9] =	ssyncset.done $0x0  }
0x3f5: {  	[sflag:s9] =	ssyncadd.s32 $0xFFFFF000  }
0x3f6: {  	v2 =	vld [tilespmem:s2+$0x30]  }
0x3f7: {  	v3 =	vld [tilespmem:s2+$0xFFFFFFD0]  }
0x3f8: {  	v4 =	vld [tilespmem:s2+$0xFFFFFFE0]  }
0x3f9: {  	v5 =	vld [tilespmem:s2+$0xFFFFFFF0]  }
0x3fa: {  	v6 =	vld [tilespmem:s2+$0x0]  }
0x3fb: {  	v8 =	vld [tilespmem:s2+$0x10]  }
0x3fc: {  	v9 =	vld [tilespmem:s2+$0x20]  }
0x3fd: {  	v10 =	vld [tilespmem:s2+$0xFFFFFFC0]  }
0x3fe: {  	v11 =	vld.idx.msk [tilespmem:v2+s6+$0x0], $0xffff  }
0x3ff: {  	v12 =	vld.idx.msk [tilespmem:v3+s6+$0x0], $0xffff  }
0x400: {  	v7 =	vld.idx.msk [tilespmem:v4+s6+$0x0], $0xffff  }
0x401: {  	v5 =	vld.idx.msk [tilespmem:v5+s6+$0x0], $0xffff  }
0x402: {  	v2 =	vld.idx.msk [tilespmem:v6+s6+$0x0], $0xffff  }
0x403: {  	s0 =	simm.s32 $0x1A740;
	v3 =	vld.idx.msk [tilespmem:v8+s6+$0x0], $0xffff  }
0x404: {  	v4 =	vld.idx.msk [tilespmem:v9+s6+$0x0], $0xffff;
	[tilespmem:s0+$0x30] =	vst v11  }
0x405: {  	s1 =	simm.s32 $0x0;
	s2 =	sadd.s32 $0x80, s2;
	v6 =	vld.idx.msk [tilespmem:v10+s6+$0x0], $0xffff;
	[tilespmem:s0+$0xFFFFFFD0] =	vst v12  }
.LBB2_12:
0x406: {  	v8 =	vld [tilespmem:s2+$0x30];
	s1 =	sadd.s32 $0x8, s1;
	[tilespmem:s0+$0xFFFFFFE0] =	vst v7  }
0x407: {  	v7 =	vld [tilespmem:s2+$0xFFFFFFD0];
	p0 =	slt.u32 s1, $0xF8;
	[tilespmem:s0+$0xFFFFFFF0] =	vst v5  }
0x408: {  	v5 =	vld [tilespmem:s2+$0xFFFFFFE0];
	[tilespmem:s0+$0x0] =	vst v2  }
0x409: {  	v2 =	vld [tilespmem:s2+$0xFFFFFFF0];
	[tilespmem:s0+$0x10] =	vst v3  }
0x40a: {  	v3 =	vld [tilespmem:s2+$0x0];
	[tilespmem:s0+$0x20] =	vst v4  }
0x40b: {  	v4 =	vld [tilespmem:s2+$0x10];
	[tilespmem:s0+$0xFFFFFFC0] =	vst v6  }
0x40c: {  	v6 =	vld [tilespmem:s2+$0x20]  }
0x40d: {  	v9 =	vld [tilespmem:s2+$0xFFFFFFC0]  }
0x40e: {  	v8 =	vld.idx.msk [tilespmem:v8+s6+$0x0], $0xffff  }
0x40f: {  	v10 =	vld.idx.msk [tilespmem:v7+s6+$0x0], $0xffff  }
0x410: {  	v7 =	vld.idx.msk [tilespmem:v5+s6+$0x0], $0xffff  }
.Ltmp5:
0x411: {  	v5 =	vld.idx.msk [tilespmem:v2+s6+$0x0], $0xffff;
	(pc) =	sbr.rel @p0 .LBB2_12-.Ltmp5, $4  }
0x412: {  	v2 =	vld.idx.msk [tilespmem:v3+s6+$0x0], $0xffff  }
0x413: {  	s0 =	sadd.s32 $0x80, s0;
	v3 =	vld.idx.msk [tilespmem:v4+s6+$0x0], $0xffff  }
0x414: {  	v4 =	vld.idx.msk [tilespmem:v6+s6+$0x0], $0xffff;
	[tilespmem:s0+$0x30] =	vst v8  }
0x415: {  	s2 =	sadd.s32 $0x80, s2;
	v6 =	vld.idx.msk [tilespmem:v9+s6+$0x0], $0xffff;
	[tilespmem:s0+$0xFFFFFFD0] =	vst v10  }
0x416: {  	[tilespmem:s0+$0xFFFFFFE0] =	vst v7  }
0x417: {  	[tilespmem:s0+$0xFFFFFFF0] =	vst v5  }
0x418: {  	[tilespmem:s0+$0x0] =	vst v2  }
0x419: {  	[tilespmem:s0+$0x10] =	vst v3  }
0x41a: {  	[tilespmem:s0+$0x20] =	vst v4  }
0x41b: {  	[tilespmem:s0+$0xFFFFFFC0] =	vst v6  }
0x41c: {  	s0 =	sld [smem:$0x7BE];
	_ =	sdelay $0x1  }
0x41d: {  	s31 =	sld [smem:$0x7A2]  }
0x41e: {  	[hbm4b:s0+s4] =	stream.strided.scatter [tilespmem:s7], [sflag:$0x1], $0x1000, s5, s4, $0x38;
	[tilespmem:$0x1C700] =	vst v63  }
0x41f: {  	_ = 	snop  }
0x420: {  	[tilespmem:s6], [sflag:$0x2] =	stream.strided.gather [hbm4b:s31+s4], $0x18700, s5, s4, $0x38;
	[tilespmem:$0x1C700] =	vst v63  }
0x421: {  	_ =	swait.ge [sflag:s3], $0x18700  }
0x422: {  	[sflag:s3] =	ssyncset.done $0x0  }
0x423: {  	[sflag:s3] =	ssyncadd.s32 $0xFFFE7900  }
0x424: {  	_ =	swait.ge [sflag:s9], $0x1000  }
0x425: {  	s2 =	sld [smem:$0x7E9]  }
0x426: {  	[sflag:s9] =	ssyncset.done $0x0  }
0x427: {  	[sflag:s9] =	ssyncadd.s32 $0xFFFFF000  }
0x428: {  	v2 =	vld [tilespmem:s2+$0x30]  }
0x429: {  	v3 =	vld [tilespmem:s2+$0xFFFFFFD0]  }
0x42a: {  	v4 =	vld [tilespmem:s2+$0xFFFFFFE0]  }
0x42b: {  	v5 =	vld [tilespmem:s2+$0xFFFFFFF0]  }
0x42c: {  	v6 =	vld [tilespmem:s2+$0x0]  }
0x42d: {  	v8 =	vld [tilespmem:s2+$0x10]  }
0x42e: {  	v9 =	vld [tilespmem:s2+$0x20]  }
0x42f: {  	v10 =	vld [tilespmem:s2+$0xFFFFFFC0]  }
0x430: {  	v11 =	vld.idx.msk [tilespmem:v2+s6+$0x0], $0xffff  }
0x431: {  	v12 =	vld.idx.msk [tilespmem:v3+s6+$0x0], $0xffff  }
0x432: {  	v7 =	vld.idx.msk [tilespmem:v4+s6+$0x0], $0xffff  }
0x433: {  	v5 =	vld.idx.msk [tilespmem:v5+s6+$0x0], $0xffff  }
0x434: {  	v2 =	vld.idx.msk [tilespmem:v6+s6+$0x0], $0xffff  }
0x435: {  	s0 =	simm.s32 $0x1B770;
	v3 =	vld.idx.msk [tilespmem:v8+s6+$0x0], $0xffff  }
0x436: {  	v4 =	vld.idx.msk [tilespmem:v9+s6+$0x0], $0xffff;
	[tilespmem:s0+$0x0] =	vst v11  }
0x437: {  	s1 =	simm.s32 $0x0;
	s2 =	sadd.s32 $0x80, s2;
	v6 =	vld.idx.msk [tilespmem:v10+s6+$0x0], $0xffff;
	[tilespmem:s0+$0xFFFFFFA0] =	vst v12  }
.LBB2_14:
0x438: {  	v8 =	vld [tilespmem:s2+$0x30];
	s1 =	sadd.s32 $0x8, s1;
	[tilespmem:s0+$0xFFFFFFB0] =	vst v7  }
0x439: {  	v7 =	vld [tilespmem:s2+$0xFFFFFFD0];
	p0 =	slt.u32 s1, $0xF8;
	[tilespmem:s0+$0xFFFFFFC0] =	vst v5  }
0x43a: {  	v5 =	vld [tilespmem:s2+$0xFFFFFFE0];
	[tilespmem:s0+$0xFFFFFFD0] =	vst v2  }
0x43b: {  	v2 =	vld [tilespmem:s2+$0xFFFFFFF0];
	[tilespmem:s0+$0xFFFFFFE0] =	vst v3  }
0x43c: {  	v3 =	vld [tilespmem:s2+$0x0];
	[tilespmem:s0+$0xFFFFFFF0] =	vst v4  }
0x43d: {  	v4 =	vld [tilespmem:s2+$0x10];
	[tilespmem:s0+$0xFFFFFF90] =	vst v6  }
0x43e: {  	v6 =	vld [tilespmem:s2+$0x20]  }
0x43f: {  	v9 =	vld [tilespmem:s2+$0xFFFFFFC0]  }
0x440: {  	v8 =	vld.idx.msk [tilespmem:v8+s6+$0x0], $0xffff  }
0x441: {  	v10 =	vld.idx.msk [tilespmem:v7+s6+$0x0], $0xffff  }
0x442: {  	v7 =	vld.idx.msk [tilespmem:v5+s6+$0x0], $0xffff  }
.Ltmp6:
0x443: {  	v5 =	vld.idx.msk [tilespmem:v2+s6+$0x0], $0xffff;
	(pc) =	sbr.rel @p0 .LBB2_14-.Ltmp6, $4  }
0x444: {  	v2 =	vld.idx.msk [tilespmem:v3+s6+$0x0], $0xffff  }
0x445: {  	s0 =	sadd.s32 $0x80, s0;
	v3 =	vld.idx.msk [tilespmem:v4+s6+$0x0], $0xffff  }
0x446: {  	v4 =	vld.idx.msk [tilespmem:v6+s6+$0x0], $0xffff;
	[tilespmem:s0+$0x0] =	vst v8  }
0x447: {  	s2 =	sadd.s32 $0x80, s2;
	v6 =	vld.idx.msk [tilespmem:v9+s6+$0x0], $0xffff;
	[tilespmem:s0+$0xFFFFFFA0] =	vst v10  }
0x448: {  	[tilespmem:s0+$0xFFFFFFB0] =	vst v7  }
0x449: {  	[tilespmem:s0+$0xFFFFFFC0] =	vst v5  }
0x44a: {  	[tilespmem:s0+$0xFFFFFFD0] =	vst v2  }
0x44b: {  	[tilespmem:s0+$0xFFFFFFE0] =	vst v3  }
0x44c: {  	[tilespmem:s0+$0xFFFFFFF0] =	vst v4  }
0x44d: {  	[tilespmem:s0+$0xFFFFFF90] =	vst v6  }
0x44e: {  	s0 =	sld [smem:$0x7C2];
	_ =	sdelay $0x1  }
0x44f: {  	s31 =	sld [smem:$0x7A3]  }
0x450: {  	[hbm4b:s0+s4] =	stream.strided.scatter [tilespmem:s8], [sflag:$0x1], $0x1000, s5, s4, $0x38;
	[tilespmem:$0x1C700] =	vst v63  }
0x451: {  	_ = 	snop  }
0x452: {  	[tilespmem:s6], [sflag:$0x2] =	stream.strided.gather [hbm4b:s31+s4], $0x18700, s5, s4, $0x38;
	[tilespmem:$0x1C700] =	vst v63  }
0x453: {  	_ =	swait.ge [sflag:s3], $0x18700  }
0x454: {  	[sflag:s3] =	ssyncset.done $0x0  }
0x455: {  	[sflag:s3] =	ssyncadd.s32 $0xFFFE7900  }
0x456: {  	_ =	swait.ge [sflag:s9], $0x1000  }
0x457: {  	s2 =	sld [smem:$0x7EA]  }
0x458: {  	[sflag:s9] =	ssyncset.done $0x0  }
0x459: {  	[sflag:s9] =	ssyncadd.s32 $0xFFFFF000  }
0x45a: {  	v2 =	vld [tilespmem:s2+$0x30]  }
0x45b: {  	v3 =	vld [tilespmem:s2+$0xFFFFFFD0]  }
0x45c: {  	v4 =	vld [tilespmem:s2+$0xFFFFFFE0]  }
0x45d: {  	v5 =	vld [tilespmem:s2+$0xFFFFFFF0]  }
0x45e: {  	v6 =	vld [tilespmem:s2+$0x0]  }
0x45f: {  	v8 =	vld [tilespmem:s2+$0x10]  }
0x460: {  	v9 =	vld [tilespmem:s2+$0x20]  }
0x461: {  	v10 =	vld [tilespmem:s2+$0xFFFFFFC0]  }
0x462: {  	v11 =	vld.idx.msk [tilespmem:v2+s6+$0x0], $0xffff  }
0x463: {  	v12 =	vld.idx.msk [tilespmem:v3+s6+$0x0], $0xffff  }
0x464: {  	v7 =	vld.idx.msk [tilespmem:v4+s6+$0x0], $0xffff  }
0x465: {  	v5 =	vld.idx.msk [tilespmem:v5+s6+$0x0], $0xffff  }
0x466: {  	v2 =	vld.idx.msk [tilespmem:v6+s6+$0x0], $0xffff  }
0x467: {  	s0 =	simm.s32 $0x1A740;
	v3 =	vld.idx.msk [tilespmem:v8+s6+$0x0], $0xffff  }
0x468: {  	v4 =	vld.idx.msk [tilespmem:v9+s6+$0x0], $0xffff;
	[tilespmem:s0+$0x30] =	vst v11  }
0x469: {  	s1 =	simm.s32 $0x0;
	s2 =	sadd.s32 $0x80, s2;
	v6 =	vld.idx.msk [tilespmem:v10+s6+$0x0], $0xffff;
	[tilespmem:s0+$0xFFFFFFD0] =	vst v12  }
.LBB2_16:
0x46a: {  	v8 =	vld [tilespmem:s2+$0x30];
	s1 =	sadd.s32 $0x8, s1;
	[tilespmem:s0+$0xFFFFFFE0] =	vst v7  }
0x46b: {  	v7 =	vld [tilespmem:s2+$0xFFFFFFD0];
	p0 =	slt.u32 s1, $0xF8;
	[tilespmem:s0+$0xFFFFFFF0] =	vst v5  }
0x46c: {  	v5 =	vld [tilespmem:s2+$0xFFFFFFE0];
	[tilespmem:s0+$0x0] =	vst v2  }
0x46d: {  	v2 =	vld [tilespmem:s2+$0xFFFFFFF0];
	[tilespmem:s0+$0x10] =	vst v3  }
0x46e: {  	v3 =	vld [tilespmem:s2+$0x0];
	[tilespmem:s0+$0x20] =	vst v4  }
0x46f: {  	v4 =	vld [tilespmem:s2+$0x10];
	[tilespmem:s0+$0xFFFFFFC0] =	vst v6  }
0x470: {  	v6 =	vld [tilespmem:s2+$0x20]  }
0x471: {  	v9 =	vld [tilespmem:s2+$0xFFFFFFC0]  }
0x472: {  	v8 =	vld.idx.msk [tilespmem:v8+s6+$0x0], $0xffff  }
0x473: {  	v10 =	vld.idx.msk [tilespmem:v7+s6+$0x0], $0xffff  }
0x474: {  	v7 =	vld.idx.msk [tilespmem:v5+s6+$0x0], $0xffff  }
.Ltmp7:
0x475: {  	v5 =	vld.idx.msk [tilespmem:v2+s6+$0x0], $0xffff;
	(pc) =	sbr.rel @p0 .LBB2_16-.Ltmp7, $4  }
0x476: {  	v2 =	vld.idx.msk [tilespmem:v3+s6+$0x0], $0xffff  }
0x477: {  	s0 =	sadd.s32 $0x80, s0;
	v3 =	vld.idx.msk [tilespmem:v4+s6+$0x0], $0xffff  }
0x478: {  	v4 =	vld.idx.msk [tilespmem:v6+s6+$0x0], $0xffff;
	[tilespmem:s0+$0x30] =	vst v8  }
0x479: {  	s2 =	sadd.s32 $0x80, s2;
	v6 =	vld.idx.msk [tilespmem:v9+s6+$0x0], $0xffff;
	[tilespmem:s0+$0xFFFFFFD0] =	vst v10  }
0x47a: {  	[tilespmem:s0+$0xFFFFFFE0] =	vst v7  }
0x47b: {  	[tilespmem:s0+$0xFFFFFFF0] =	vst v5  }
0x47c: {  	[tilespmem:s0+$0x0] =	vst v2  }
0x47d: {  	[tilespmem:s0+$0x10] =	vst v3  }
0x47e: {  	[tilespmem:s0+$0x20] =	vst v4  }
0x47f: {  	[tilespmem:s0+$0xFFFFFFC0] =	vst v6  }
0x480: {  	s0 =	sld [smem:$0x7C3];
	_ =	sdelay $0x1  }
0x481: {  	s31 =	sld [smem:$0x7A4]  }
0x482: {  	[hbm4b:s0+s4] =	stream.strided.scatter [tilespmem:s7], [sflag:$0x1], $0x1000, s5, s4, $0x38;
	[tilespmem:$0x1C700] =	vst v63  }
0x483: {  	_ = 	snop  }
0x484: {  	[tilespmem:s6], [sflag:$0x2] =	stream.strided.gather [hbm4b:s31+s4], $0x18700, s5, s4, $0x38;
	[tilespmem:$0x1C700] =	vst v63  }
0x485: {  	_ =	swait.ge [sflag:s3], $0x18700  }
0x486: {  	[sflag:s3] =	ssyncset.done $0x0  }
0x487: {  	[sflag:s3] =	ssyncadd.s32 $0xFFFE7900  }
0x488: {  	_ =	swait.ge [sflag:s9], $0x1000  }
0x489: {  	s2 =	sld [smem:$0x7EB]  }
0x48a: {  	[sflag:s9] =	ssyncset.done $0x0  }
0x48b: {  	[sflag:s9] =	ssyncadd.s32 $0xFFFFF000  }
0x48c: {  	v2 =	vld [tilespmem:s2+$0x30]  }
0x48d: {  	v3 =	vld [tilespmem:s2+$0xFFFFFFD0]  }
0x48e: {  	v4 =	vld [tilespmem:s2+$0xFFFFFFE0]  }
0x48f: {  	v5 =	vld [tilespmem:s2+$0xFFFFFFF0]  }
0x490: {  	v6 =	vld [tilespmem:s2+$0x0]  }
0x491: {  	v8 =	vld [tilespmem:s2+$0x10]  }
0x492: {  	v9 =	vld [tilespmem:s2+$0x20]  }
0x493: {  	v10 =	vld [tilespmem:s2+$0xFFFFFFC0]  }
0x494: {  	v11 =	vld.idx.msk [tilespmem:v2+s6+$0x0], $0xffff  }
0x495: {  	v12 =	vld.idx.msk [tilespmem:v3+s6+$0x0], $0xffff  }
0x496: {  	v7 =	vld.idx.msk [tilespmem:v4+s6+$0x0], $0xffff  }
0x497: {  	v5 =	vld.idx.msk [tilespmem:v5+s6+$0x0], $0xffff  }
0x498: {  	v2 =	vld.idx.msk [tilespmem:v6+s6+$0x0], $0xffff  }
0x499: {  	s0 =	simm.s32 $0x1B770;
	v3 =	vld.idx.msk [tilespmem:v8+s6+$0x0], $0xffff  }
0x49a: {  	v4 =	vld.idx.msk [tilespmem:v9+s6+$0x0], $0xffff;
	[tilespmem:s0+$0x0] =	vst v11  }
0x49b: {  	s1 =	simm.s32 $0x0;
	s2 =	sadd.s32 $0x80, s2;
	v6 =	vld.idx.msk [tilespmem:v10+s6+$0x0], $0xffff;
	[tilespmem:s0+$0xFFFFFFA0] =	vst v12  }
.LBB2_18:
0x49c: {  	v8 =	vld [tilespmem:s2+$0x30];
	s1 =	sadd.s32 $0x8, s1;
	[tilespmem:s0+$0xFFFFFFB0] =	vst v7  }
0x49d: {  	v7 =	vld [tilespmem:s2+$0xFFFFFFD0];
	p0 =	slt.u32 s1, $0xF8;
	[tilespmem:s0+$0xFFFFFFC0] =	vst v5  }
0x49e: {  	v5 =	vld [tilespmem:s2+$0xFFFFFFE0];
	[tilespmem:s0+$0xFFFFFFD0] =	vst v2  }
0x49f: {  	v2 =	vld [tilespmem:s2+$0xFFFFFFF0];
	[tilespmem:s0+$0xFFFFFFE0] =	vst v3  }
0x4a0: {  	v3 =	vld [tilespmem:s2+$0x0];
	[tilespmem:s0+$0xFFFFFFF0] =	vst v4  }
0x4a1: {  	v4 =	vld [tilespmem:s2+$0x10];
	[tilespmem:s0+$0xFFFFFF90] =	vst v6  }
0x4a2: {  	v6 =	vld [tilespmem:s2+$0x20]  }
0x4a3: {  	v9 =	vld [tilespmem:s2+$0xFFFFFFC0]  }
0x4a4: {  	v8 =	vld.idx.msk [tilespmem:v8+s6+$0x0], $0xffff  }
0x4a5: {  	v10 =	vld.idx.msk [tilespmem:v7+s6+$0x0], $0xffff  }
0x4a6: {  	v7 =	vld.idx.msk [tilespmem:v5+s6+$0x0], $0xffff  }
.Ltmp8:
0x4a7: {  	v5 =	vld.idx.msk [tilespmem:v2+s6+$0x0], $0xffff;
	(pc) =	sbr.rel @p0 .LBB2_18-.Ltmp8, $4  }
0x4a8: {  	v2 =	vld.idx.msk [tilespmem:v3+s6+$0x0], $0xffff  }
0x4a9: {  	s0 =	sadd.s32 $0x80, s0;
	v3 =	vld.idx.msk [tilespmem:v4+s6+$0x0], $0xffff  }
0x4aa: {  	v4 =	vld.idx.msk [tilespmem:v6+s6+$0x0], $0xffff;
	[tilespmem:s0+$0x0] =	vst v8  }
0x4ab: {  	s2 =	sadd.s32 $0x80, s2;
	v6 =	vld.idx.msk [tilespmem:v9+s6+$0x0], $0xffff;
	[tilespmem:s0+$0xFFFFFFA0] =	vst v10  }
0x4ac: {  	[tilespmem:s0+$0xFFFFFFB0] =	vst v7  }
0x4ad: {  	[tilespmem:s0+$0xFFFFFFC0] =	vst v5  }
0x4ae: {  	[tilespmem:s0+$0xFFFFFFD0] =	vst v2  }
0x4af: {  	[tilespmem:s0+$0xFFFFFFE0] =	vst v3  }
0x4b0: {  	[tilespmem:s0+$0xFFFFFFF0] =	vst v4  }
0x4b1: {  	[tilespmem:s0+$0xFFFFFF90] =	vst v6  }
0x4b2: {  	s0 =	sld [smem:$0x7C4];
	_ =	sdelay $0x1  }
0x4b3: {  	s31 =	sld [smem:$0x7A5]  }
0x4b4: {  	[hbm4b:s0+s4] =	stream.strided.scatter [tilespmem:s8], [sflag:$0x1], $0x1000, s5, s4, $0x38;
	[tilespmem:$0x1C700] =	vst v63  }
0x4b5: {  	_ = 	snop  }
0x4b6: {  	[tilespmem:s6], [sflag:$0x2] =	stream.strided.gather [hbm4b:s31+s4], $0x18700, s5, s4, $0x38;
	[tilespmem:$0x1C700] =	vst v63  }
0x4b7: {  	_ =	swait.ge [sflag:s3], $0x18700  }
0x4b8: {  	[sflag:s3] =	ssyncset.done $0x0  }
0x4b9: {  	[sflag:s3] =	ssyncadd.s32 $0xFFFE7900  }
0x4ba: {  	_ =	swait.ge [sflag:s9], $0x1000  }
0x4bb: {  	s2 =	sld [smem:$0x7EC]  }
0x4bc: {  	[sflag:s9] =	ssyncset.done $0x0  }
0x4bd: {  	[sflag:s9] =	ssyncadd.s32 $0xFFFFF000  }
0x4be: {  	v2 =	vld [tilespmem:s2+$0x30]  }
0x4bf: {  	v3 =	vld [tilespmem:s2+$0xFFFFFFD0]  }
0x4c0: {  	v4 =	vld [tilespmem:s2+$0xFFFFFFE0]  }
0x4c1: {  	v5 =	vld [tilespmem:s2+$0xFFFFFFF0]  }
0x4c2: {  	v6 =	vld [tilespmem:s2+$0x0]  }
0x4c3: {  	v8 =	vld [tilespmem:s2+$0x10]  }
0x4c4: {  	v9 =	vld [tilespmem:s2+$0x20]  }
0x4c5: {  	v10 =	vld [tilespmem:s2+$0xFFFFFFC0]  }
0x4c6: {  	v11 =	vld.idx.msk [tilespmem:v2+s6+$0x0], $0xffff  }
0x4c7: {  	v12 =	vld.idx.msk [tilespmem:v3+s6+$0x0], $0xffff  }
0x4c8: {  	v7 =	vld.idx.msk [tilespmem:v4+s6+$0x0], $0xffff  }
0x4c9: {  	v5 =	vld.idx.msk [tilespmem:v5+s6+$0x0], $0xffff  }
0x4ca: {  	v2 =	vld.idx.msk [tilespmem:v6+s6+$0x0], $0xffff  }
0x4cb: {  	s0 =	simm.s32 $0x1A740;
	v3 =	vld.idx.msk [tilespmem:v8+s6+$0x0], $0xffff  }
0x4cc: {  	v4 =	vld.idx.msk [tilespmem:v9+s6+$0x0], $0xffff;
	[tilespmem:s0+$0x30] =	vst v11  }
0x4cd: {  	s1 =	simm.s32 $0x0;
	s2 =	sadd.s32 $0x80, s2;
	v6 =	vld.idx.msk [tilespmem:v10+s6+$0x0], $0xffff;
	[tilespmem:s0+$0xFFFFFFD0] =	vst v12  }
.LBB2_20:
0x4ce: {  	v8 =	vld [tilespmem:s2+$0x30];
	s1 =	sadd.s32 $0x8, s1;
	[tilespmem:s0+$0xFFFFFFE0] =	vst v7  }
0x4cf: {  	v7 =	vld [tilespmem:s2+$0xFFFFFFD0];
	p0 =	slt.u32 s1, $0xF8;
	[tilespmem:s0+$0xFFFFFFF0] =	vst v5  }
0x4d0: {  	v5 =	vld [tilespmem:s2+$0xFFFFFFE0];
	[tilespmem:s0+$0x0] =	vst v2  }
0x4d1: {  	v2 =	vld [tilespmem:s2+$0xFFFFFFF0];
	[tilespmem:s0+$0x10] =	vst v3  }
0x4d2: {  	v3 =	vld [tilespmem:s2+$0x0];
	[tilespmem:s0+$0x20] =	vst v4  }
0x4d3: {  	v4 =	vld [tilespmem:s2+$0x10];
	[tilespmem:s0+$0xFFFFFFC0] =	vst v6  }
0x4d4: {  	v6 =	vld [tilespmem:s2+$0x20]  }
0x4d5: {  	v9 =	vld [tilespmem:s2+$0xFFFFFFC0]  }
0x4d6: {  	v8 =	vld.idx.msk [tilespmem:v8+s6+$0x0], $0xffff  }
0x4d7: {  	v10 =	vld.idx.msk [tilespmem:v7+s6+$0x0], $0xffff  }
0x4d8: {  	v7 =	vld.idx.msk [tilespmem:v5+s6+$0x0], $0xffff  }
.Ltmp9:
0x4d9: {  	v5 =	vld.idx.msk [tilespmem:v2+s6+$0x0], $0xffff;
	(pc) =	sbr.rel @p0 .LBB2_20-.Ltmp9, $4  }
0x4da: {  	v2 =	vld.idx.msk [tilespmem:v3+s6+$0x0], $0xffff  }
0x4db: {  	s0 =	sadd.s32 $0x80, s0;
	v3 =	vld.idx.msk [tilespmem:v4+s6+$0x0], $0xffff  }
0x4dc: {  	v4 =	vld.idx.msk [tilespmem:v6+s6+$0x0], $0xffff;
	[tilespmem:s0+$0x30] =	vst v8  }
0x4dd: {  	s2 =	sadd.s32 $0x80, s2;
	v6 =	vld.idx.msk [tilespmem:v9+s6+$0x0], $0xffff;
	[tilespmem:s0+$0xFFFFFFD0] =	vst v10  }
0x4de: {  	[tilespmem:s0+$0xFFFFFFE0] =	vst v7  }
0x4df: {  	[tilespmem:s0+$0xFFFFFFF0] =	vst v5  }
0x4e0: {  	[tilespmem:s0+$0x0] =	vst v2  }
0x4e1: {  	[tilespmem:s0+$0x10] =	vst v3  }
0x4e2: {  	[tilespmem:s0+$0x20] =	vst v4  }
0x4e3: {  	[tilespmem:s0+$0xFFFFFFC0] =	vst v6  }
0x4e4: {  	s0 =	sld [smem:$0x7C7];
	_ =	sdelay $0x1  }
0x4e5: {  	s31 =	sld [smem:$0x7A6]  }
0x4e6: {  	[hbm4b:s0+s4] =	stream.strided.scatter [tilespmem:s7], [sflag:$0x1], $0x1000, s5, s4, $0x38;
	[tilespmem:$0x1C700] =	vst v63  }
0x4e7: {  	_ = 	snop  }
0x4e8: {  	[tilespmem:s6], [sflag:$0x2] =	stream.strided.gather [hbm4b:s31+s4], $0x18700, s5, s4, $0x38;
	[tilespmem:$0x1C700] =	vst v63  }
0x4e9: {  	_ =	swait.ge [sflag:s3], $0x18700  }
0x4ea: {  	[sflag:s3] =	ssyncset.done $0x0  }
0x4eb: {  	[sflag:s3] =	ssyncadd.s32 $0xFFFE7900  }
0x4ec: {  	_ =	swait.ge [sflag:s9], $0x1000  }
0x4ed: {  	s2 =	sld [smem:$0x7ED]  }
0x4ee: {  	[sflag:s9] =	ssyncset.done $0x0  }
0x4ef: {  	[sflag:s9] =	ssyncadd.s32 $0xFFFFF000  }
0x4f0: {  	v2 =	vld [tilespmem:s2+$0x30]  }
0x4f1: {  	v3 =	vld [tilespmem:s2+$0xFFFFFFD0]  }
0x4f2: {  	v4 =	vld [tilespmem:s2+$0xFFFFFFE0]  }
0x4f3: {  	v5 =	vld [tilespmem:s2+$0xFFFFFFF0]  }
0x4f4: {  	v6 =	vld [tilespmem:s2+$0x0]  }
0x4f5: {  	v8 =	vld [tilespmem:s2+$0x10]  }
0x4f6: {  	v9 =	vld [tilespmem:s2+$0x20]  }
0x4f7: {  	v10 =	vld [tilespmem:s2+$0xFFFFFFC0]  }
0x4f8: {  	v11 =	vld.idx.msk [tilespmem:v2+s6+$0x0], $0xffff  }
0x4f9: {  	v12 =	vld.idx.msk [tilespmem:v3+s6+$0x0], $0xffff  }
0x4fa: {  	v7 =	vld.idx.msk [tilespmem:v4+s6+$0x0], $0xffff  }
0x4fb: {  	v5 =	vld.idx.msk [tilespmem:v5+s6+$0x0], $0xffff  }
0x4fc: {  	v2 =	vld.idx.msk [tilespmem:v6+s6+$0x0], $0xffff  }
0x4fd: {  	s0 =	simm.s32 $0x1B770;
	v3 =	vld.idx.msk [tilespmem:v8+s6+$0x0], $0xffff  }
0x4fe: {  	v4 =	vld.idx.msk [tilespmem:v9+s6+$0x0], $0xffff;
	[tilespmem:s0+$0x0] =	vst v11  }
0x4ff: {  	s1 =	simm.s32 $0x0;
	s2 =	sadd.s32 $0x80, s2;
	v6 =	vld.idx.msk [tilespmem:v10+s6+$0x0], $0xffff;
	[tilespmem:s0+$0xFFFFFFA0] =	vst v12  }
.LBB2_22:
0x500: {  	v8 =	vld [tilespmem:s2+$0x30];
	s1 =	sadd.s32 $0x8, s1;
	[tilespmem:s0+$0xFFFFFFB0] =	vst v7  }
0x501: {  	v7 =	vld [tilespmem:s2+$0xFFFFFFD0];
	p0 =	slt.u32 s1, $0xF8;
	[tilespmem:s0+$0xFFFFFFC0] =	vst v5  }
0x502: {  	v5 =	vld [tilespmem:s2+$0xFFFFFFE0];
	[tilespmem:s0+$0xFFFFFFD0] =	vst v2  }
0x503: {  	v2 =	vld [tilespmem:s2+$0xFFFFFFF0];
	[tilespmem:s0+$0xFFFFFFE0] =	vst v3  }
0x504: {  	v3 =	vld [tilespmem:s2+$0x0];
	[tilespmem:s0+$0xFFFFFFF0] =	vst v4  }
0x505: {  	v4 =	vld [tilespmem:s2+$0x10];
	[tilespmem:s0+$0xFFFFFF90] =	vst v6  }
0x506: {  	v6 =	vld [tilespmem:s2+$0x20]  }
0x507: {  	v9 =	vld [tilespmem:s2+$0xFFFFFFC0]  }
0x508: {  	v8 =	vld.idx.msk [tilespmem:v8+s6+$0x0], $0xffff  }
0x509: {  	v10 =	vld.idx.msk [tilespmem:v7+s6+$0x0], $0xffff  }
0x50a: {  	v7 =	vld.idx.msk [tilespmem:v5+s6+$0x0], $0xffff  }
.Ltmp10:
0x50b: {  	v5 =	vld.idx.msk [tilespmem:v2+s6+$0x0], $0xffff;
	(pc) =	sbr.rel @p0 .LBB2_22-.Ltmp10, $4  }
0x50c: {  	v2 =	vld.idx.msk [tilespmem:v3+s6+$0x0], $0xffff  }
0x50d: {  	s0 =	sadd.s32 $0x80, s0;
	v3 =	vld.idx.msk [tilespmem:v4+s6+$0x0], $0xffff  }
0x50e: {  	v4 =	vld.idx.msk [tilespmem:v6+s6+$0x0], $0xffff;
	[tilespmem:s0+$0x0] =	vst v8  }
0x50f: {  	s2 =	sadd.s32 $0x80, s2;
	v6 =	vld.idx.msk [tilespmem:v9+s6+$0x0], $0xffff;
	[tilespmem:s0+$0xFFFFFFA0] =	vst v10  }
0x510: {  	[tilespmem:s0+$0xFFFFFFB0] =	vst v7  }
0x511: {  	[tilespmem:s0+$0xFFFFFFC0] =	vst v5  }
0x512: {  	[tilespmem:s0+$0xFFFFFFD0] =	vst v2  }
0x513: {  	[tilespmem:s0+$0xFFFFFFE0] =	vst v3  }
0x514: {  	[tilespmem:s0+$0xFFFFFFF0] =	vst v4  }
0x515: {  	[tilespmem:s0+$0xFFFFFF90] =	vst v6  }
0x516: {  	s0 =	sld [smem:$0x7C8];
	_ =	sdelay $0x1  }
0x517: {  	s31 =	sld [smem:$0x7A7]  }
0x518: {  	[hbm4b:s0+s4] =	stream.strided.scatter [tilespmem:s8], [sflag:$0x1], $0x1000, s5, s4, $0x38;
	[tilespmem:$0x1C700] =	vst v63  }
0x519: {  	_ = 	snop  }
0x51a: {  	[tilespmem:s6], [sflag:$0x2] =	stream.strided.gather [hbm4b:s31+s4], $0x18700, s5, s4, $0x38;
	[tilespmem:$0x1C700] =	vst v63  }
0x51b: {  	_ =	swait.ge [sflag:s3], $0x18700  }
0x51c: {  	[sflag:s3] =	ssyncset.done $0x0  }
0x51d: {  	[sflag:s3] =	ssyncadd.s32 $0xFFFE7900  }
0x51e: {  	_ =	swait.ge [sflag:s9], $0x1000  }
0x51f: {  	s2 =	sld [smem:$0x7EE]  }
0x520: {  	[sflag:s9] =	ssyncset.done $0x0  }
0x521: {  	[sflag:s9] =	ssyncadd.s32 $0xFFFFF000  }
0x522: {  	v2 =	vld [tilespmem:s2+$0x30]  }
0x523: {  	v3 =	vld [tilespmem:s2+$0xFFFFFFD0]  }
0x524: {  	v4 =	vld [tilespmem:s2+$0xFFFFFFE0]  }
0x525: {  	v5 =	vld [tilespmem:s2+$0xFFFFFFF0]  }
0x526: {  	v6 =	vld [tilespmem:s2+$0x0]  }
0x527: {  	v8 =	vld [tilespmem:s2+$0x10]  }
0x528: {  	v9 =	vld [tilespmem:s2+$0x20]  }
0x529: {  	v10 =	vld [tilespmem:s2+$0xFFFFFFC0]  }
0x52a: {  	v11 =	vld.idx.msk [tilespmem:v2+s6+$0x0], $0xffff  }
0x52b: {  	v12 =	vld.idx.msk [tilespmem:v3+s6+$0x0], $0xffff  }
0x52c: {  	v7 =	vld.idx.msk [tilespmem:v4+s6+$0x0], $0xffff  }
0x52d: {  	v5 =	vld.idx.msk [tilespmem:v5+s6+$0x0], $0xffff  }
0x52e: {  	v2 =	vld.idx.msk [tilespmem:v6+s6+$0x0], $0xffff  }
0x52f: {  	s0 =	simm.s32 $0x1A740;
	v3 =	vld.idx.msk [tilespmem:v8+s6+$0x0], $0xffff  }
0x530: {  	v4 =	vld.idx.msk [tilespmem:v9+s6+$0x0], $0xffff;
	[tilespmem:s0+$0x30] =	vst v11  }
0x531: {  	s1 =	simm.s32 $0x0;
	s2 =	sadd.s32 $0x80, s2;
	v6 =	vld.idx.msk [tilespmem:v10+s6+$0x0], $0xffff;
	[tilespmem:s0+$0xFFFFFFD0] =	vst v12  }
.LBB2_24:
0x532: {  	v8 =	vld [tilespmem:s2+$0x30];
	s1 =	sadd.s32 $0x8, s1;
	[tilespmem:s0+$0xFFFFFFE0] =	vst v7  }
0x533: {  	v7 =	vld [tilespmem:s2+$0xFFFFFFD0];
	p0 =	slt.u32 s1, $0xF8;
	[tilespmem:s0+$0xFFFFFFF0] =	vst v5  }
0x534: {  	v5 =	vld [tilespmem:s2+$0xFFFFFFE0];
	[tilespmem:s0+$0x0] =	vst v2  }
0x535: {  	v2 =	vld [tilespmem:s2+$0xFFFFFFF0];
	[tilespmem:s0+$0x10] =	vst v3  }
0x536: {  	v3 =	vld [tilespmem:s2+$0x0];
	[tilespmem:s0+$0x20] =	vst v4  }
0x537: {  	v4 =	vld [tilespmem:s2+$0x10];
	[tilespmem:s0+$0xFFFFFFC0] =	vst v6  }
0x538: {  	v6 =	vld [tilespmem:s2+$0x20]  }
0x539: {  	v9 =	vld [tilespmem:s2+$0xFFFFFFC0]  }
0x53a: {  	v8 =	vld.idx.msk [tilespmem:v8+s6+$0x0], $0xffff  }
0x53b: {  	v10 =	vld.idx.msk [tilespmem:v7+s6+$0x0], $0xffff  }
0x53c: {  	v7 =	vld.idx.msk [tilespmem:v5+s6+$0x0], $0xffff  }
.Ltmp11:
0x53d: {  	v5 =	vld.idx.msk [tilespmem:v2+s6+$0x0], $0xffff;
	(pc) =	sbr.rel @p0 .LBB2_24-.Ltmp11, $4  }
0x53e: {  	v2 =	vld.idx.msk [tilespmem:v3+s6+$0x0], $0xffff  }
0x53f: {  	s0 =	sadd.s32 $0x80, s0;
	v3 =	vld.idx.msk [tilespmem:v4+s6+$0x0], $0xffff  }
0x540: {  	v4 =	vld.idx.msk [tilespmem:v6+s6+$0x0], $0xffff;
	[tilespmem:s0+$0x30] =	vst v8  }
0x541: {  	s2 =	sadd.s32 $0x80, s2;
	v6 =	vld.idx.msk [tilespmem:v9+s6+$0x0], $0xffff;
	[tilespmem:s0+$0xFFFFFFD0] =	vst v10  }
0x542: {  	[tilespmem:s0+$0xFFFFFFE0] =	vst v7  }
0x543: {  	[tilespmem:s0+$0xFFFFFFF0] =	vst v5  }
0x544: {  	[tilespmem:s0+$0x0] =	vst v2  }
0x545: {  	[tilespmem:s0+$0x10] =	vst v3  }
0x546: {  	[tilespmem:s0+$0x20] =	vst v4  }
0x547: {  	[tilespmem:s0+$0xFFFFFFC0] =	vst v6  }
0x548: {  	s0 =	sld [smem:$0x7C9];
	_ =	sdelay $0x1  }
0x549: {  	s31 =	sld [smem:$0x7A8]  }
0x54a: {  	[hbm4b:s0+s4] =	stream.strided.scatter [tilespmem:s7], [sflag:$0x1], $0x1000, s5, s4, $0x38;
	[tilespmem:$0x1C700] =	vst v63  }
0x54b: {  	_ = 	snop  }
0x54c: {  	[tilespmem:s6], [sflag:$0x2] =	stream.strided.gather [hbm4b:s31+s4], $0x18700, s5, s4, $0x38;
	[tilespmem:$0x1C700] =	vst v63  }
0x54d: {  	_ =	swait.ge [sflag:s3], $0x18700  }
0x54e: {  	[sflag:s3] =	ssyncset.done $0x0  }
0x54f: {  	[sflag:s3] =	ssyncadd.s32 $0xFFFE7900  }
0x550: {  	_ =	swait.ge [sflag:s9], $0x1000  }
0x551: {  	s2 =	sld [smem:$0x7EF]  }
0x552: {  	[sflag:s9] =	ssyncset.done $0x0  }
0x553: {  	[sflag:s9] =	ssyncadd.s32 $0xFFFFF000  }
0x554: {  	v2 =	vld [tilespmem:s2+$0x30]  }
0x555: {  	v3 =	vld [tilespmem:s2+$0xFFFFFFD0]  }
0x556: {  	v4 =	vld [tilespmem:s2+$0xFFFFFFE0]  }
0x557: {  	v5 =	vld [tilespmem:s2+$0xFFFFFFF0]  }
0x558: {  	v6 =	vld [tilespmem:s2+$0x0]  }
0x559: {  	v8 =	vld [tilespmem:s2+$0x10]  }
0x55a: {  	v9 =	vld [tilespmem:s2+$0x20]  }
0x55b: {  	v10 =	vld [tilespmem:s2+$0xFFFFFFC0]  }
0x55c: {  	v11 =	vld.idx.msk [tilespmem:v2+s6+$0x0], $0xffff  }
0x55d: {  	v12 =	vld.idx.msk [tilespmem:v3+s6+$0x0], $0xffff  }
0x55e: {  	v7 =	vld.idx.msk [tilespmem:v4+s6+$0x0], $0xffff  }
0x55f: {  	v5 =	vld.idx.msk [tilespmem:v5+s6+$0x0], $0xffff  }
0x560: {  	v2 =	vld.idx.msk [tilespmem:v6+s6+$0x0], $0xffff  }
0x561: {  	s0 =	simm.s32 $0x1B770;
	v3 =	vld.idx.msk [tilespmem:v8+s6+$0x0], $0xffff  }
0x562: {  	v4 =	vld.idx.msk [tilespmem:v9+s6+$0x0], $0xffff;
	[tilespmem:s0+$0x0] =	vst v11  }
0x563: {  	s1 =	simm.s32 $0x0;
	s2 =	sadd.s32 $0x80, s2;
	v6 =	vld.idx.msk [tilespmem:v10+s6+$0x0], $0xffff;
	[tilespmem:s0+$0xFFFFFFA0] =	vst v12  }
.LBB2_26:
0x564: {  	v8 =	vld [tilespmem:s2+$0x30];
	s1 =	sadd.s32 $0x8, s1;
	[tilespmem:s0+$0xFFFFFFB0] =	vst v7  }
0x565: {  	v7 =	vld [tilespmem:s2+$0xFFFFFFD0];
	p0 =	slt.u32 s1, $0xF8;
	[tilespmem:s0+$0xFFFFFFC0] =	vst v5  }
0x566: {  	v5 =	vld [tilespmem:s2+$0xFFFFFFE0];
	[tilespmem:s0+$0xFFFFFFD0] =	vst v2  }
0x567: {  	v2 =	vld [tilespmem:s2+$0xFFFFFFF0];
	[tilespmem:s0+$0xFFFFFFE0] =	vst v3  }
0x568: {  	v3 =	vld [tilespmem:s2+$0x0];
	[tilespmem:s0+$0xFFFFFFF0] =	vst v4  }
0x569: {  	v4 =	vld [tilespmem:s2+$0x10];
	[tilespmem:s0+$0xFFFFFF90] =	vst v6  }
0x56a: {  	v6 =	vld [tilespmem:s2+$0x20]  }
0x56b: {  	v9 =	vld [tilespmem:s2+$0xFFFFFFC0]  }
0x56c: {  	v8 =	vld.idx.msk [tilespmem:v8+s6+$0x0], $0xffff  }
0x56d: {  	v10 =	vld.idx.msk [tilespmem:v7+s6+$0x0], $0xffff  }
0x56e: {  	v7 =	vld.idx.msk [tilespmem:v5+s6+$0x0], $0xffff  }
.Ltmp12:
0x56f: {  	v5 =	vld.idx.msk [tilespmem:v2+s6+$0x0], $0xffff;
	(pc) =	sbr.rel @p0 .LBB2_26-.Ltmp12, $4  }
0x570: {  	v2 =	vld.idx.msk [tilespmem:v3+s6+$0x0], $0xffff  }
0x571: {  	s0 =	sadd.s32 $0x80, s0;
	v3 =	vld.idx.msk [tilespmem:v4+s6+$0x0], $0xffff  }
0x572: {  	v4 =	vld.idx.msk [tilespmem:v6+s6+$0x0], $0xffff;
	[tilespmem:s0+$0x0] =	vst v8  }
0x573: {  	s2 =	sadd.s32 $0x80, s2;
	v6 =	vld.idx.msk [tilespmem:v9+s6+$0x0], $0xffff;
	[tilespmem:s0+$0xFFFFFFA0] =	vst v10  }
0x574: {  	[tilespmem:s0+$0xFFFFFFB0] =	vst v7  }
0x575: {  	[tilespmem:s0+$0xFFFFFFC0] =	vst v5  }
0x576: {  	[tilespmem:s0+$0xFFFFFFD0] =	vst v2  }
0x577: {  	[tilespmem:s0+$0xFFFFFFE0] =	vst v3  }
0x578: {  	[tilespmem:s0+$0xFFFFFFF0] =	vst v4  }
0x579: {  	[tilespmem:s0+$0xFFFFFF90] =	vst v6  }
0x57a: {  	s0 =	sld [smem:$0x7CD];
	_ =	sdelay $0x1  }
0x57b: {  	s31 =	sld [smem:$0x7A9]  }
0x57c: {  	[hbm4b:s0+s4] =	stream.strided.scatter [tilespmem:s8], [sflag:$0x1], $0x1000, s5, s4, $0x38;
	[tilespmem:$0x1C700] =	vst v63  }
0x57d: {  	_ = 	snop  }
0x57e: {  	[tilespmem:s6], [sflag:$0x2] =	stream.strided.gather [hbm4b:s31+s4], $0x18700, s5, s4, $0x38;
	[tilespmem:$0x1C700] =	vst v63  }
0x57f: {  	_ =	swait.ge [sflag:s3], $0x18700  }
0x580: {  	[sflag:s3] =	ssyncset.done $0x0  }
0x581: {  	[sflag:s3] =	ssyncadd.s32 $0xFFFE7900  }
0x582: {  	_ =	swait.ge [sflag:s9], $0x1000  }
0x583: {  	s2 =	sld [smem:$0x7F0]  }
0x584: {  	[sflag:s9] =	ssyncset.done $0x0  }
0x585: {  	[sflag:s9] =	ssyncadd.s32 $0xFFFFF000  }
0x586: {  	v2 =	vld [tilespmem:s2+$0x30]  }
0x587: {  	v3 =	vld [tilespmem:s2+$0xFFFFFFD0]  }
0x588: {  	v4 =	vld [tilespmem:s2+$0xFFFFFFE0]  }
0x589: {  	v5 =	vld [tilespmem:s2+$0xFFFFFFF0]  }
0x58a: {  	v6 =	vld [tilespmem:s2+$0x0]  }
0x58b: {  	v8 =	vld [tilespmem:s2+$0x10]  }
0x58c: {  	v9 =	vld [tilespmem:s2+$0x20]  }
0x58d: {  	v10 =	vld [tilespmem:s2+$0xFFFFFFC0]  }
0x58e: {  	v11 =	vld.idx.msk [tilespmem:v2+s6+$0x0], $0xffff  }
0x58f: {  	v12 =	vld.idx.msk [tilespmem:v3+s6+$0x0], $0xffff  }
0x590: {  	v7 =	vld.idx.msk [tilespmem:v4+s6+$0x0], $0xffff  }
0x591: {  	v5 =	vld.idx.msk [tilespmem:v5+s6+$0x0], $0xffff  }
0x592: {  	v2 =	vld.idx.msk [tilespmem:v6+s6+$0x0], $0xffff  }
0x593: {  	s0 =	simm.s32 $0x1A740;
	v3 =	vld.idx.msk [tilespmem:v8+s6+$0x0], $0xffff  }
0x594: {  	v4 =	vld.idx.msk [tilespmem:v9+s6+$0x0], $0xffff;
	[tilespmem:s0+$0x30] =	vst v11  }
0x595: {  	s1 =	simm.s32 $0x0;
	s2 =	sadd.s32 $0x80, s2;
	v6 =	vld.idx.msk [tilespmem:v10+s6+$0x0], $0xffff;
	[tilespmem:s0+$0xFFFFFFD0] =	vst v12  }
.LBB2_28:
0x596: {  	v8 =	vld [tilespmem:s2+$0x30];
	s1 =	sadd.s32 $0x8, s1;
	[tilespmem:s0+$0xFFFFFFE0] =	vst v7  }
0x597: {  	v7 =	vld [tilespmem:s2+$0xFFFFFFD0];
	p0 =	slt.u32 s1, $0xF8;
	[tilespmem:s0+$0xFFFFFFF0] =	vst v5  }
0x598: {  	v5 =	vld [tilespmem:s2+$0xFFFFFFE0];
	[tilespmem:s0+$0x0] =	vst v2  }
0x599: {  	v2 =	vld [tilespmem:s2+$0xFFFFFFF0];
	[tilespmem:s0+$0x10] =	vst v3  }
0x59a: {  	v3 =	vld [tilespmem:s2+$0x0];
	[tilespmem:s0+$0x20] =	vst v4  }
0x59b: {  	v4 =	vld [tilespmem:s2+$0x10];
	[tilespmem:s0+$0xFFFFFFC0] =	vst v6  }
0x59c: {  	v6 =	vld [tilespmem:s2+$0x20]  }
0x59d: {  	v9 =	vld [tilespmem:s2+$0xFFFFFFC0]  }
0x59e: {  	v8 =	vld.idx.msk [tilespmem:v8+s6+$0x0], $0xffff  }
0x59f: {  	v10 =	vld.idx.msk [tilespmem:v7+s6+$0x0], $0xffff  }
0x5a0: {  	v7 =	vld.idx.msk [tilespmem:v5+s6+$0x0], $0xffff  }
.Ltmp13:
0x5a1: {  	v5 =	vld.idx.msk [tilespmem:v2+s6+$0x0], $0xffff;
	(pc) =	sbr.rel @p0 .LBB2_28-.Ltmp13, $4  }
0x5a2: {  	v2 =	vld.idx.msk [tilespmem:v3+s6+$0x0], $0xffff  }
0x5a3: {  	s0 =	sadd.s32 $0x80, s0;
	v3 =	vld.idx.msk [tilespmem:v4+s6+$0x0], $0xffff  }
0x5a4: {  	v4 =	vld.idx.msk [tilespmem:v6+s6+$0x0], $0xffff;
	[tilespmem:s0+$0x30] =	vst v8  }
0x5a5: {  	s2 =	sadd.s32 $0x80, s2;
	v6 =	vld.idx.msk [tilespmem:v9+s6+$0x0], $0xffff;
	[tilespmem:s0+$0xFFFFFFD0] =	vst v10  }
0x5a6: {  	[tilespmem:s0+$0xFFFFFFE0] =	vst v7  }
0x5a7: {  	[tilespmem:s0+$0xFFFFFFF0] =	vst v5  }
0x5a8: {  	[tilespmem:s0+$0x0] =	vst v2  }
0x5a9: {  	[tilespmem:s0+$0x10] =	vst v3  }
0x5aa: {  	[tilespmem:s0+$0x20] =	vst v4  }
0x5ab: {  	[tilespmem:s0+$0xFFFFFFC0] =	vst v6  }
0x5ac: {  	s0 =	sld [smem:$0x7CE];
	_ =	sdelay $0x1  }
0x5ad: {  	s31 =	sld [smem:$0x7AA]  }
0x5ae: {  	[hbm4b:s0+s4] =	stream.strided.scatter [tilespmem:s7], [sflag:$0x1], $0x1000, s5, s4, $0x38;
	[tilespmem:$0x1C700] =	vst v63  }
0x5af: {  	_ = 	snop  }
0x5b0: {  	[tilespmem:s6], [sflag:$0x2] =	stream.strided.gather [hbm4b:s31+s4], $0x18700, s5, s4, $0x38;
	[tilespmem:$0x1C700] =	vst v63  }
0x5b1: {  	_ =	swait.ge [sflag:s3], $0x18700  }
0x5b2: {  	[sflag:s3] =	ssyncset.done $0x0  }
0x5b3: {  	[sflag:s3] =	ssyncadd.s32 $0xFFFE7900  }
0x5b4: {  	_ =	swait.ge [sflag:s9], $0x1000  }
0x5b5: {  	s2 =	sld [smem:$0x7F1]  }
0x5b6: {  	[sflag:s9] =	ssyncset.done $0x0  }
0x5b7: {  	[sflag:s9] =	ssyncadd.s32 $0xFFFFF000  }
0x5b8: {  	v2 =	vld [tilespmem:s2+$0x30]  }
0x5b9: {  	v3 =	vld [tilespmem:s2+$0xFFFFFFD0]  }
0x5ba: {  	v4 =	vld [tilespmem:s2+$0xFFFFFFE0]  }
0x5bb: {  	v5 =	vld [tilespmem:s2+$0xFFFFFFF0]  }
0x5bc: {  	v6 =	vld [tilespmem:s2+$0x0]  }
0x5bd: {  	v8 =	vld [tilespmem:s2+$0x10]  }
0x5be: {  	v9 =	vld [tilespmem:s2+$0x20]  }
0x5bf: {  	v10 =	vld [tilespmem:s2+$0xFFFFFFC0]  }
0x5c0: {  	v11 =	vld.idx.msk [tilespmem:v2+s6+$0x0], $0xffff  }
0x5c1: {  	v12 =	vld.idx.msk [tilespmem:v3+s6+$0x0], $0xffff  }
0x5c2: {  	v7 =	vld.idx.msk [tilespmem:v4+s6+$0x0], $0xffff  }
0x5c3: {  	v5 =	vld.idx.msk [tilespmem:v5+s6+$0x0], $0xffff  }
0x5c4: {  	v2 =	vld.idx.msk [tilespmem:v6+s6+$0x0], $0xffff  }
0x5c5: {  	s0 =	simm.s32 $0x1B770;
	v3 =	vld.idx.msk [tilespmem:v8+s6+$0x0], $0xffff  }
0x5c6: {  	v4 =	vld.idx.msk [tilespmem:v9+s6+$0x0], $0xffff;
	[tilespmem:s0+$0x0] =	vst v11  }
0x5c7: {  	s1 =	simm.s32 $0x0;
	s2 =	sadd.s32 $0x80, s2;
	v6 =	vld.idx.msk [tilespmem:v10+s6+$0x0], $0xffff;
	[tilespmem:s0+$0xFFFFFFA0] =	vst v12  }
.LBB2_30:
0x5c8: {  	v8 =	vld [tilespmem:s2+$0x30];
	s1 =	sadd.s32 $0x8, s1;
	[tilespmem:s0+$0xFFFFFFB0] =	vst v7  }
0x5c9: {  	v7 =	vld [tilespmem:s2+$0xFFFFFFD0];
	p0 =	slt.u32 s1, $0xF8;
	[tilespmem:s0+$0xFFFFFFC0] =	vst v5  }
0x5ca: {  	v5 =	vld [tilespmem:s2+$0xFFFFFFE0];
	[tilespmem:s0+$0xFFFFFFD0] =	vst v2  }
0x5cb: {  	v2 =	vld [tilespmem:s2+$0xFFFFFFF0];
	[tilespmem:s0+$0xFFFFFFE0] =	vst v3  }
0x5cc: {  	v3 =	vld [tilespmem:s2+$0x0];
	[tilespmem:s0+$0xFFFFFFF0] =	vst v4  }
0x5cd: {  	v4 =	vld [tilespmem:s2+$0x10];
	[tilespmem:s0+$0xFFFFFF90] =	vst v6  }
0x5ce: {  	v6 =	vld [tilespmem:s2+$0x20]  }
0x5cf: {  	v9 =	vld [tilespmem:s2+$0xFFFFFFC0]  }
0x5d0: {  	v8 =	vld.idx.msk [tilespmem:v8+s6+$0x0], $0xffff  }
0x5d1: {  	v10 =	vld.idx.msk [tilespmem:v7+s6+$0x0], $0xffff  }
0x5d2: {  	v7 =	vld.idx.msk [tilespmem:v5+s6+$0x0], $0xffff  }
.Ltmp14:
0x5d3: {  	v5 =	vld.idx.msk [tilespmem:v2+s6+$0x0], $0xffff;
	(pc) =	sbr.rel @p0 .LBB2_30-.Ltmp14, $4  }
0x5d4: {  	v2 =	vld.idx.msk [tilespmem:v3+s6+$0x0], $0xffff  }
0x5d5: {  	s0 =	sadd.s32 $0x80, s0;
	v3 =	vld.idx.msk [tilespmem:v4+s6+$0x0], $0xffff  }
0x5d6: {  	v4 =	vld.idx.msk [tilespmem:v6+s6+$0x0], $0xffff;
	[tilespmem:s0+$0x0] =	vst v8  }
0x5d7: {  	s2 =	sadd.s32 $0x80, s2;
	v6 =	vld.idx.msk [tilespmem:v9+s6+$0x0], $0xffff;
	[tilespmem:s0+$0xFFFFFFA0] =	vst v10  }
0x5d8: {  	[tilespmem:s0+$0xFFFFFFB0] =	vst v7  }
0x5d9: {  	[tilespmem:s0+$0xFFFFFFC0] =	vst v5  }
0x5da: {  	[tilespmem:s0+$0xFFFFFFD0] =	vst v2  }
0x5db: {  	[tilespmem:s0+$0xFFFFFFE0] =	vst v3  }
0x5dc: {  	[tilespmem:s0+$0xFFFFFFF0] =	vst v4  }
0x5dd: {  	[tilespmem:s0+$0xFFFFFF90] =	vst v6  }
0x5de: {  	s0 =	sld [smem:$0x7CF];
	_ =	sdelay $0x1  }
0x5df: {  	s31 =	sld [smem:$0x7AB]  }
0x5e0: {  	[hbm4b:s0+s4] =	stream.strided.scatter [tilespmem:s8], [sflag:$0x1], $0x1000, s5, s4, $0x38;
	[tilespmem:$0x1C700] =	vst v63  }
0x5e1: {  	_ = 	snop  }
0x5e2: {  	[tilespmem:s6], [sflag:$0x2] =	stream.strided.gather [hbm4b:s31+s4], $0x18700, s5, s4, $0x38;
	[tilespmem:$0x1C700] =	vst v63  }
0x5e3: {  	_ =	swait.ge [sflag:s3], $0x18700  }
0x5e4: {  	[sflag:s3] =	ssyncset.done $0x0  }
0x5e5: {  	[sflag:s3] =	ssyncadd.s32 $0xFFFE7900  }
0x5e6: {  	_ =	swait.ge [sflag:s9], $0x1000  }
0x5e7: {  	s2 =	sld [smem:$0x7F2]  }
0x5e8: {  	[sflag:s9] =	ssyncset.done $0x0  }
0x5e9: {  	[sflag:s9] =	ssyncadd.s32 $0xFFFFF000  }
0x5ea: {  	v2 =	vld [tilespmem:s2+$0x30]  }
0x5eb: {  	v3 =	vld [tilespmem:s2+$0xFFFFFFD0]  }
0x5ec: {  	v4 =	vld [tilespmem:s2+$0xFFFFFFE0]  }
0x5ed: {  	v5 =	vld [tilespmem:s2+$0xFFFFFFF0]  }
0x5ee: {  	v6 =	vld [tilespmem:s2+$0x0]  }
0x5ef: {  	v8 =	vld [tilespmem:s2+$0x10]  }
0x5f0: {  	v9 =	vld [tilespmem:s2+$0x20]  }
0x5f1: {  	v10 =	vld [tilespmem:s2+$0xFFFFFFC0]  }
0x5f2: {  	v11 =	vld.idx.msk [tilespmem:v2+s6+$0x0], $0xffff  }
0x5f3: {  	v12 =	vld.idx.msk [tilespmem:v3+s6+$0x0], $0xffff  }
0x5f4: {  	v7 =	vld.idx.msk [tilespmem:v4+s6+$0x0], $0xffff  }
0x5f5: {  	v5 =	vld.idx.msk [tilespmem:v5+s6+$0x0], $0xffff  }
0x5f6: {  	v2 =	vld.idx.msk [tilespmem:v6+s6+$0x0], $0xffff  }
0x5f7: {  	s0 =	simm.s32 $0x1A740;
	v3 =	vld.idx.msk [tilespmem:v8+s6+$0x0], $0xffff  }
0x5f8: {  	v4 =	vld.idx.msk [tilespmem:v9+s6+$0x0], $0xffff;
	[tilespmem:s0+$0x30] =	vst v11  }
0x5f9: {  	s1 =	simm.s32 $0x0;
	s2 =	sadd.s32 $0x80, s2;
	v6 =	vld.idx.msk [tilespmem:v10+s6+$0x0], $0xffff;
	[tilespmem:s0+$0xFFFFFFD0] =	vst v12  }
.LBB2_32:
0x5fa: {  	v8 =	vld [tilespmem:s2+$0x30];
	s1 =	sadd.s32 $0x8, s1;
	[tilespmem:s0+$0xFFFFFFE0] =	vst v7  }
0x5fb: {  	v7 =	vld [tilespmem:s2+$0xFFFFFFD0];
	p0 =	slt.u32 s1, $0xF8;
	[tilespmem:s0+$0xFFFFFFF0] =	vst v5  }
0x5fc: {  	v5 =	vld [tilespmem:s2+$0xFFFFFFE0];
	[tilespmem:s0+$0x0] =	vst v2  }
0x5fd: {  	v2 =	vld [tilespmem:s2+$0xFFFFFFF0];
	[tilespmem:s0+$0x10] =	vst v3  }
0x5fe: {  	v3 =	vld [tilespmem:s2+$0x0];
	[tilespmem:s0+$0x20] =	vst v4  }
0x5ff: {  	v4 =	vld [tilespmem:s2+$0x10];
	[tilespmem:s0+$0xFFFFFFC0] =	vst v6  }
0x600: {  	v6 =	vld [tilespmem:s2+$0x20]  }
0x601: {  	v9 =	vld [tilespmem:s2+$0xFFFFFFC0]  }
0x602: {  	v8 =	vld.idx.msk [tilespmem:v8+s6+$0x0], $0xffff  }
0x603: {  	v10 =	vld.idx.msk [tilespmem:v7+s6+$0x0], $0xffff  }
0x604: {  	v7 =	vld.idx.msk [tilespmem:v5+s6+$0x0], $0xffff  }
.Ltmp15:
0x605: {  	v5 =	vld.idx.msk [tilespmem:v2+s6+$0x0], $0xffff;
	(pc) =	sbr.rel @p0 .LBB2_32-.Ltmp15, $4  }
0x606: {  	v2 =	vld.idx.msk [tilespmem:v3+s6+$0x0], $0xffff  }
0x607: {  	s0 =	sadd.s32 $0x80, s0;
	v3 =	vld.idx.msk [tilespmem:v4+s6+$0x0], $0xffff  }
0x608: {  	v4 =	vld.idx.msk [tilespmem:v6+s6+$0x0], $0xffff;
	[tilespmem:s0+$0x30] =	vst v8  }
0x609: {  	s2 =	sadd.s32 $0x80, s2;
	v6 =	vld.idx.msk [tilespmem:v9+s6+$0x0], $0xffff;
	[tilespmem:s0+$0xFFFFFFD0] =	vst v10  }
0x60a: {  	[tilespmem:s0+$0xFFFFFFE0] =	vst v7  }
0x60b: {  	[tilespmem:s0+$0xFFFFFFF0] =	vst v5  }
0x60c: {  	[tilespmem:s0+$0x0] =	vst v2  }
0x60d: {  	[tilespmem:s0+$0x10] =	vst v3  }
0x60e: {  	[tilespmem:s0+$0x20] =	vst v4  }
0x60f: {  	[tilespmem:s0+$0xFFFFFFC0] =	vst v6  }
0x610: {  	s0 =	sld [smem:$0x7D2];
	_ =	sdelay $0x1  }
0x611: {  	s31 =	sld [smem:$0x7AC]  }
0x612: {  	[hbm4b:s0+s4] =	stream.strided.scatter [tilespmem:s7], [sflag:$0x1], $0x1000, s5, s4, $0x38;
	[tilespmem:$0x1C700] =	vst v63  }
0x613: {  	_ = 	snop  }
0x614: {  	[tilespmem:s6], [sflag:$0x2] =	stream.strided.gather [hbm4b:s31+s4], $0x18700, s5, s4, $0x38;
	[tilespmem:$0x1C700] =	vst v63  }
0x615: {  	_ =	swait.ge [sflag:s3], $0x18700  }
0x616: {  	[sflag:s3] =	ssyncset.done $0x0  }
0x617: {  	[sflag:s3] =	ssyncadd.s32 $0xFFFE7900  }
0x618: {  	_ =	swait.ge [sflag:s9], $0x1000  }
0x619: {  	s2 =	sld [smem:$0x7F3]  }
0x61a: {  	[sflag:s9] =	ssyncset.done $0x0  }
0x61b: {  	[sflag:s9] =	ssyncadd.s32 $0xFFFFF000  }
0x61c: {  	v2 =	vld [tilespmem:s2+$0x30]  }
0x61d: {  	v3 =	vld [tilespmem:s2+$0xFFFFFFD0]  }
0x61e: {  	v4 =	vld [tilespmem:s2+$0xFFFFFFE0]  }
0x61f: {  	v5 =	vld [tilespmem:s2+$0xFFFFFFF0]  }
0x620: {  	v6 =	vld [tilespmem:s2+$0x0]  }
0x621: {  	v8 =	vld [tilespmem:s2+$0x10]  }
0x622: {  	v9 =	vld [tilespmem:s2+$0x20]  }
0x623: {  	v10 =	vld [tilespmem:s2+$0xFFFFFFC0]  }
0x624: {  	v11 =	vld.idx.msk [tilespmem:v2+s6+$0x0], $0xffff  }
0x625: {  	v12 =	vld.idx.msk [tilespmem:v3+s6+$0x0], $0xffff  }
0x626: {  	v7 =	vld.idx.msk [tilespmem:v4+s6+$0x0], $0xffff  }
0x627: {  	v5 =	vld.idx.msk [tilespmem:v5+s6+$0x0], $0xffff  }
0x628: {  	v2 =	vld.idx.msk [tilespmem:v6+s6+$0x0], $0xffff  }
0x629: {  	s0 =	simm.s32 $0x1B770;
	v3 =	vld.idx.msk [tilespmem:v8+s6+$0x0], $0xffff  }
0x62a: {  	v4 =	vld.idx.msk [tilespmem:v9+s6+$0x0], $0xffff;
	[tilespmem:s0+$0x0] =	vst v11  }
0x62b: {  	s1 =	simm.s32 $0x0;
	s2 =	sadd.s32 $0x80, s2;
	v6 =	vld.idx.msk [tilespmem:v10+s6+$0x0], $0xffff;
	[tilespmem:s0+$0xFFFFFFA0] =	vst v12  }
.LBB2_34:
0x62c: {  	v8 =	vld [tilespmem:s2+$0x30];
	s1 =	sadd.s32 $0x8, s1;
	[tilespmem:s0+$0xFFFFFFB0] =	vst v7  }
0x62d: {  	v7 =	vld [tilespmem:s2+$0xFFFFFFD0];
	p0 =	slt.u32 s1, $0xF8;
	[tilespmem:s0+$0xFFFFFFC0] =	vst v5  }
0x62e: {  	v5 =	vld [tilespmem:s2+$0xFFFFFFE0];
	[tilespmem:s0+$0xFFFFFFD0] =	vst v2  }
0x62f: {  	v2 =	vld [tilespmem:s2+$0xFFFFFFF0];
	[tilespmem:s0+$0xFFFFFFE0] =	vst v3  }
0x630: {  	v3 =	vld [tilespmem:s2+$0x0];
	[tilespmem:s0+$0xFFFFFFF0] =	vst v4  }
0x631: {  	v4 =	vld [tilespmem:s2+$0x10];
	[tilespmem:s0+$0xFFFFFF90] =	vst v6  }
0x632: {  	v6 =	vld [tilespmem:s2+$0x20]  }
0x633: {  	v9 =	vld [tilespmem:s2+$0xFFFFFFC0]  }
0x634: {  	v8 =	vld.idx.msk [tilespmem:v8+s6+$0x0], $0xffff  }
0x635: {  	v10 =	vld.idx.msk [tilespmem:v7+s6+$0x0], $0xffff  }
0x636: {  	v7 =	vld.idx.msk [tilespmem:v5+s6+$0x0], $0xffff  }
.Ltmp16:
0x637: {  	v5 =	vld.idx.msk [tilespmem:v2+s6+$0x0], $0xffff;
	(pc) =	sbr.rel @p0 .LBB2_34-.Ltmp16, $4  }
0x638: {  	v2 =	vld.idx.msk [tilespmem:v3+s6+$0x0], $0xffff  }
0x639: {  	s0 =	sadd.s32 $0x80, s0;
	v3 =	vld.idx.msk [tilespmem:v4+s6+$0x0], $0xffff  }
0x63a: {  	v4 =	vld.idx.msk [tilespmem:v6+s6+$0x0], $0xffff;
	[tilespmem:s0+$0x0] =	vst v8  }
0x63b: {  	s2 =	sadd.s32 $0x80, s2;
	v6 =	vld.idx.msk [tilespmem:v9+s6+$0x0], $0xffff;
	[tilespmem:s0+$0xFFFFFFA0] =	vst v10  }
0x63c: {  	[tilespmem:s0+$0xFFFFFFB0] =	vst v7  }
0x63d: {  	[tilespmem:s0+$0xFFFFFFC0] =	vst v5  }
0x63e: {  	[tilespmem:s0+$0xFFFFFFD0] =	vst v2  }
0x63f: {  	[tilespmem:s0+$0xFFFFFFE0] =	vst v3  }
0x640: {  	[tilespmem:s0+$0xFFFFFFF0] =	vst v4  }
0x641: {  	[tilespmem:s0+$0xFFFFFF90] =	vst v6  }
0x642: {  	s0 =	sld [smem:$0x7D3];
	_ =	sdelay $0x1  }
0x643: {  	s31 =	sld [smem:$0x7AD]  }
0x644: {  	[hbm4b:s0+s4] =	stream.strided.scatter [tilespmem:s8], [sflag:$0x1], $0x1000, s5, s4, $0x38;
	[tilespmem:$0x1C700] =	vst v63  }
0x645: {  	_ = 	snop  }
0x646: {  	[tilespmem:s6], [sflag:$0x2] =	stream.strided.gather [hbm4b:s31+s4], $0x18700, s5, s4, $0x38;
	[tilespmem:$0x1C700] =	vst v63  }
0x647: {  	_ =	swait.ge [sflag:s3], $0x18700  }
0x648: {  	[sflag:s3] =	ssyncset.done $0x0  }
0x649: {  	[sflag:s3] =	ssyncadd.s32 $0xFFFE7900  }
0x64a: {  	_ =	swait.ge [sflag:s9], $0x1000  }
0x64b: {  	s2 =	sld [smem:$0x7F4]  }
0x64c: {  	[sflag:s9] =	ssyncset.done $0x0  }
0x64d: {  	[sflag:s9] =	ssyncadd.s32 $0xFFFFF000  }
0x64e: {  	v2 =	vld [tilespmem:s2+$0x30]  }
0x64f: {  	v3 =	vld [tilespmem:s2+$0xFFFFFFD0]  }
0x650: {  	v4 =	vld [tilespmem:s2+$0xFFFFFFE0]  }
0x651: {  	v5 =	vld [tilespmem:s2+$0xFFFFFFF0]  }
0x652: {  	v6 =	vld [tilespmem:s2+$0x0]  }
0x653: {  	v8 =	vld [tilespmem:s2+$0x10]  }
0x654: {  	v9 =	vld [tilespmem:s2+$0x20]  }
0x655: {  	v10 =	vld [tilespmem:s2+$0xFFFFFFC0]  }
0x656: {  	v11 =	vld.idx.msk [tilespmem:v2+s6+$0x0], $0xffff  }
0x657: {  	v12 =	vld.idx.msk [tilespmem:v3+s6+$0x0], $0xffff  }
0x658: {  	v7 =	vld.idx.msk [tilespmem:v4+s6+$0x0], $0xffff  }
0x659: {  	v5 =	vld.idx.msk [tilespmem:v5+s6+$0x0], $0xffff  }
0x65a: {  	v2 =	vld.idx.msk [tilespmem:v6+s6+$0x0], $0xffff  }
0x65b: {  	s0 =	simm.s32 $0x1A740;
	v3 =	vld.idx.msk [tilespmem:v8+s6+$0x0], $0xffff  }
0x65c: {  	v4 =	vld.idx.msk [tilespmem:v9+s6+$0x0], $0xffff;
	[tilespmem:s0+$0x30] =	vst v11  }
0x65d: {  	s1 =	simm.s32 $0x0;
	s2 =	sadd.s32 $0x80, s2;
	v6 =	vld.idx.msk [tilespmem:v10+s6+$0x0], $0xffff;
	[tilespmem:s0+$0xFFFFFFD0] =	vst v12  }
.LBB2_36:
0x65e: {  	v8 =	vld [tilespmem:s2+$0x30];
	s1 =	sadd.s32 $0x8, s1;
	[tilespmem:s0+$0xFFFFFFE0] =	vst v7  }
0x65f: {  	v7 =	vld [tilespmem:s2+$0xFFFFFFD0];
	p0 =	slt.u32 s1, $0xF8;
	[tilespmem:s0+$0xFFFFFFF0] =	vst v5  }
0x660: {  	v5 =	vld [tilespmem:s2+$0xFFFFFFE0];
	[tilespmem:s0+$0x0] =	vst v2  }
0x661: {  	v2 =	vld [tilespmem:s2+$0xFFFFFFF0];
	[tilespmem:s0+$0x10] =	vst v3  }
0x662: {  	v3 =	vld [tilespmem:s2+$0x0];
	[tilespmem:s0+$0x20] =	vst v4  }
0x663: {  	v4 =	vld [tilespmem:s2+$0x10];
	[tilespmem:s0+$0xFFFFFFC0] =	vst v6  }
0x664: {  	v6 =	vld [tilespmem:s2+$0x20]  }
0x665: {  	v9 =	vld [tilespmem:s2+$0xFFFFFFC0]  }
0x666: {  	v8 =	vld.idx.msk [tilespmem:v8+s6+$0x0], $0xffff  }
0x667: {  	v10 =	vld.idx.msk [tilespmem:v7+s6+$0x0], $0xffff  }
0x668: {  	v7 =	vld.idx.msk [tilespmem:v5+s6+$0x0], $0xffff  }
.Ltmp17:
0x669: {  	v5 =	vld.idx.msk [tilespmem:v2+s6+$0x0], $0xffff;
	(pc) =	sbr.rel @p0 .LBB2_36-.Ltmp17, $4  }
0x66a: {  	v2 =	vld.idx.msk [tilespmem:v3+s6+$0x0], $0xffff  }
0x66b: {  	s0 =	sadd.s32 $0x80, s0;
	v3 =	vld.idx.msk [tilespmem:v4+s6+$0x0], $0xffff  }
0x66c: {  	v4 =	vld.idx.msk [tilespmem:v6+s6+$0x0], $0xffff;
	[tilespmem:s0+$0x30] =	vst v8  }
0x66d: {  	s2 =	sadd.s32 $0x80, s2;
	v6 =	vld.idx.msk [tilespmem:v9+s6+$0x0], $0xffff;
	[tilespmem:s0+$0xFFFFFFD0] =	vst v10  }
0x66e: {  	[tilespmem:s0+$0xFFFFFFE0] =	vst v7  }
0x66f: {  	[tilespmem:s0+$0xFFFFFFF0] =	vst v5  }
0x670: {  	[tilespmem:s0+$0x0] =	vst v2  }
0x671: {  	[tilespmem:s0+$0x10] =	vst v3  }
0x672: {  	[tilespmem:s0+$0x20] =	vst v4  }
0x673: {  	[tilespmem:s0+$0xFFFFFFC0] =	vst v6  }
0x674: {  	s0 =	sld [smem:$0x7D4];
	_ =	sdelay $0x1  }
0x675: {  	s31 =	sld [smem:$0x7AE]  }
0x676: {  	[hbm4b:s0+s4] =	stream.strided.scatter [tilespmem:s7], [sflag:$0x1], $0x1000, s5, s4, $0x38;
	[tilespmem:$0x1C700] =	vst v63  }
0x677: {  	_ = 	snop  }
0x678: {  	[tilespmem:s6], [sflag:$0x2] =	stream.strided.gather [hbm4b:s31+s4], $0x18700, s5, s4, $0x38;
	[tilespmem:$0x1C700] =	vst v63  }
0x679: {  	_ =	swait.ge [sflag:s3], $0x18700  }
0x67a: {  	[sflag:s3] =	ssyncset.done $0x0  }
0x67b: {  	[sflag:s3] =	ssyncadd.s32 $0xFFFE7900  }
0x67c: {  	_ =	swait.ge [sflag:s9], $0x1000  }
0x67d: {  	s2 =	sld [smem:$0x7F5]  }
0x67e: {  	[sflag:s9] =	ssyncset.done $0x0  }
0x67f: {  	[sflag:s9] =	ssyncadd.s32 $0xFFFFF000  }
0x680: {  	v2 =	vld [tilespmem:s2+$0x30]  }
0x681: {  	v3 =	vld [tilespmem:s2+$0xFFFFFFD0]  }
0x682: {  	v4 =	vld [tilespmem:s2+$0xFFFFFFE0]  }
0x683: {  	v5 =	vld [tilespmem:s2+$0xFFFFFFF0]  }
0x684: {  	v6 =	vld [tilespmem:s2+$0x0]  }
0x685: {  	v8 =	vld [tilespmem:s2+$0x10]  }
0x686: {  	v9 =	vld [tilespmem:s2+$0x20]  }
0x687: {  	v10 =	vld [tilespmem:s2+$0xFFFFFFC0]  }
0x688: {  	v11 =	vld.idx.msk [tilespmem:v2+s6+$0x0], $0xffff  }
0x689: {  	v12 =	vld.idx.msk [tilespmem:v3+s6+$0x0], $0xffff  }
0x68a: {  	v7 =	vld.idx.msk [tilespmem:v4+s6+$0x0], $0xffff  }
0x68b: {  	v5 =	vld.idx.msk [tilespmem:v5+s6+$0x0], $0xffff  }
0x68c: {  	v2 =	vld.idx.msk [tilespmem:v6+s6+$0x0], $0xffff  }
0x68d: {  	s0 =	simm.s32 $0x1B770;
	v3 =	vld.idx.msk [tilespmem:v8+s6+$0x0], $0xffff  }
0x68e: {  	v4 =	vld.idx.msk [tilespmem:v9+s6+$0x0], $0xffff;
	[tilespmem:s0+$0x0] =	vst v11  }
0x68f: {  	s1 =	simm.s32 $0x0;
	s2 =	sadd.s32 $0x80, s2;
	v6 =	vld.idx.msk [tilespmem:v10+s6+$0x0], $0xffff;
	[tilespmem:s0+$0xFFFFFFA0] =	vst v12  }
.LBB2_38:
0x690: {  	v8 =	vld [tilespmem:s2+$0x30];
	s1 =	sadd.s32 $0x8, s1;
	[tilespmem:s0+$0xFFFFFFB0] =	vst v7  }
0x691: {  	v7 =	vld [tilespmem:s2+$0xFFFFFFD0];
	p0 =	slt.u32 s1, $0xF8;
	[tilespmem:s0+$0xFFFFFFC0] =	vst v5  }
0x692: {  	v5 =	vld [tilespmem:s2+$0xFFFFFFE0];
	[tilespmem:s0+$0xFFFFFFD0] =	vst v2  }
0x693: {  	v2 =	vld [tilespmem:s2+$0xFFFFFFF0];
	[tilespmem:s0+$0xFFFFFFE0] =	vst v3  }
0x694: {  	v3 =	vld [tilespmem:s2+$0x0];
	[tilespmem:s0+$0xFFFFFFF0] =	vst v4  }
0x695: {  	v4 =	vld [tilespmem:s2+$0x10];
	[tilespmem:s0+$0xFFFFFF90] =	vst v6  }
0x696: {  	v6 =	vld [tilespmem:s2+$0x20]  }
0x697: {  	v9 =	vld [tilespmem:s2+$0xFFFFFFC0]  }
0x698: {  	v8 =	vld.idx.msk [tilespmem:v8+s6+$0x0], $0xffff  }
0x699: {  	v10 =	vld.idx.msk [tilespmem:v7+s6+$0x0], $0xffff  }
0x69a: {  	v7 =	vld.idx.msk [tilespmem:v5+s6+$0x0], $0xffff  }
.Ltmp18:
0x69b: {  	v5 =	vld.idx.msk [tilespmem:v2+s6+$0x0], $0xffff;
	(pc) =	sbr.rel @p0 .LBB2_38-.Ltmp18, $4  }
0x69c: {  	v2 =	vld.idx.msk [tilespmem:v3+s6+$0x0], $0xffff  }
0x69d: {  	s0 =	sadd.s32 $0x80, s0;
	v3 =	vld.idx.msk [tilespmem:v4+s6+$0x0], $0xffff  }
0x69e: {  	v4 =	vld.idx.msk [tilespmem:v6+s6+$0x0], $0xffff;
	[tilespmem:s0+$0x0] =	vst v8  }
0x69f: {  	s2 =	sadd.s32 $0x80, s2;
	v6 =	vld.idx.msk [tilespmem:v9+s6+$0x0], $0xffff;
	[tilespmem:s0+$0xFFFFFFA0] =	vst v10  }
0x6a0: {  	[tilespmem:s0+$0xFFFFFFB0] =	vst v7  }
0x6a1: {  	[tilespmem:s0+$0xFFFFFFC0] =	vst v5  }
0x6a2: {  	[tilespmem:s0+$0xFFFFFFD0] =	vst v2  }
0x6a3: {  	[tilespmem:s0+$0xFFFFFFE0] =	vst v3  }
0x6a4: {  	[tilespmem:s0+$0xFFFFFFF0] =	vst v4  }
0x6a5: {  	[tilespmem:s0+$0xFFFFFF90] =	vst v6  }
0x6a6: {  	s0 =	sld [smem:$0x7D7];
	_ =	sdelay $0x1  }
0x6a7: {  	s31 =	sld [smem:$0x7AF]  }
0x6a8: {  	[hbm4b:s0+s4] =	stream.strided.scatter [tilespmem:s8], [sflag:$0x1], $0x1000, s5, s4, $0x38;
	[tilespmem:$0x1C700] =	vst v63  }
0x6a9: {  	_ = 	snop  }
0x6aa: {  	[tilespmem:s6], [sflag:$0x2] =	stream.strided.gather [hbm4b:s31+s4], $0x18700, s5, s4, $0x38;
	[tilespmem:$0x1C700] =	vst v63  }
0x6ab: {  	_ =	swait.ge [sflag:s3], $0x18700  }
0x6ac: {  	[sflag:s3] =	ssyncset.done $0x0  }
0x6ad: {  	[sflag:s3] =	ssyncadd.s32 $0xFFFE7900  }
0x6ae: {  	_ =	swait.ge [sflag:s9], $0x1000  }
0x6af: {  	s2 =	sld [smem:$0x7F6]  }
0x6b0: {  	[sflag:s9] =	ssyncset.done $0x0  }
0x6b1: {  	[sflag:s9] =	ssyncadd.s32 $0xFFFFF000  }
0x6b2: {  	v2 =	vld [tilespmem:s2+$0x30]  }
0x6b3: {  	v3 =	vld [tilespmem:s2+$0xFFFFFFD0]  }
0x6b4: {  	v4 =	vld [tilespmem:s2+$0xFFFFFFE0]  }
0x6b5: {  	v5 =	vld [tilespmem:s2+$0xFFFFFFF0]  }
0x6b6: {  	v6 =	vld [tilespmem:s2+$0x0]  }
0x6b7: {  	v8 =	vld [tilespmem:s2+$0x10]  }
0x6b8: {  	v9 =	vld [tilespmem:s2+$0x20]  }
0x6b9: {  	v10 =	vld [tilespmem:s2+$0xFFFFFFC0]  }
0x6ba: {  	v11 =	vld.idx.msk [tilespmem:v2+s6+$0x0], $0xffff  }
0x6bb: {  	v12 =	vld.idx.msk [tilespmem:v3+s6+$0x0], $0xffff  }
0x6bc: {  	v7 =	vld.idx.msk [tilespmem:v4+s6+$0x0], $0xffff  }
0x6bd: {  	v5 =	vld.idx.msk [tilespmem:v5+s6+$0x0], $0xffff  }
0x6be: {  	v2 =	vld.idx.msk [tilespmem:v6+s6+$0x0], $0xffff  }
0x6bf: {  	s0 =	simm.s32 $0x1A740;
	v3 =	vld.idx.msk [tilespmem:v8+s6+$0x0], $0xffff  }
0x6c0: {  	v4 =	vld.idx.msk [tilespmem:v9+s6+$0x0], $0xffff;
	[tilespmem:s0+$0x30] =	vst v11  }
0x6c1: {  	s1 =	simm.s32 $0x0;
	s2 =	sadd.s32 $0x80, s2;
	v6 =	vld.idx.msk [tilespmem:v10+s6+$0x0], $0xffff;
	[tilespmem:s0+$0xFFFFFFD0] =	vst v12  }
.LBB2_40:
0x6c2: {  	v8 =	vld [tilespmem:s2+$0x30];
	s1 =	sadd.s32 $0x8, s1;
	[tilespmem:s0+$0xFFFFFFE0] =	vst v7  }
0x6c3: {  	v7 =	vld [tilespmem:s2+$0xFFFFFFD0];
	p0 =	slt.u32 s1, $0xF8;
	[tilespmem:s0+$0xFFFFFFF0] =	vst v5  }
0x6c4: {  	v5 =	vld [tilespmem:s2+$0xFFFFFFE0];
	[tilespmem:s0+$0x0] =	vst v2  }
0x6c5: {  	v2 =	vld [tilespmem:s2+$0xFFFFFFF0];
	[tilespmem:s0+$0x10] =	vst v3  }
0x6c6: {  	v3 =	vld [tilespmem:s2+$0x0];
	[tilespmem:s0+$0x20] =	vst v4  }
0x6c7: {  	v4 =	vld [tilespmem:s2+$0x10];
	[tilespmem:s0+$0xFFFFFFC0] =	vst v6  }
0x6c8: {  	v6 =	vld [tilespmem:s2+$0x20]  }
0x6c9: {  	v9 =	vld [tilespmem:s2+$0xFFFFFFC0]  }
0x6ca: {  	v8 =	vld.idx.msk [tilespmem:v8+s6+$0x0], $0xffff  }
0x6cb: {  	v10 =	vld.idx.msk [tilespmem:v7+s6+$0x0], $0xffff  }
0x6cc: {  	v7 =	vld.idx.msk [tilespmem:v5+s6+$0x0], $0xffff  }
.Ltmp19:
0x6cd: {  	v5 =	vld.idx.msk [tilespmem:v2+s6+$0x0], $0xffff;
	(pc) =	sbr.rel @p0 .LBB2_40-.Ltmp19, $4  }
0x6ce: {  	v2 =	vld.idx.msk [tilespmem:v3+s6+$0x0], $0xffff  }
0x6cf: {  	s0 =	sadd.s32 $0x80, s0;
	v3 =	vld.idx.msk [tilespmem:v4+s6+$0x0], $0xffff  }
0x6d0: {  	v4 =	vld.idx.msk [tilespmem:v6+s6+$0x0], $0xffff;
	[tilespmem:s0+$0x30] =	vst v8  }
0x6d1: {  	s2 =	sadd.s32 $0x80, s2;
	v6 =	vld.idx.msk [tilespmem:v9+s6+$0x0], $0xffff;
	[tilespmem:s0+$0xFFFFFFD0] =	vst v10  }
0x6d2: {  	[tilespmem:s0+$0xFFFFFFE0] =	vst v7  }
0x6d3: {  	[tilespmem:s0+$0xFFFFFFF0] =	vst v5  }
0x6d4: {  	[tilespmem:s0+$0x0] =	vst v2  }
0x6d5: {  	[tilespmem:s0+$0x10] =	vst v3  }
0x6d6: {  	[tilespmem:s0+$0x20] =	vst v4  }
0x6d7: {  	[tilespmem:s0+$0xFFFFFFC0] =	vst v6  }
0x6d8: {  	s0 =	sld [smem:$0x7D8];
	_ =	sdelay $0x1  }
0x6d9: {  	s31 =	sld [smem:$0x7B0]  }
0x6da: {  	[hbm4b:s0+s4] =	stream.strided.scatter [tilespmem:s7], [sflag:$0x1], $0x1000, s5, s4, $0x38;
	[tilespmem:$0x1C700] =	vst v63  }
0x6db: {  	_ = 	snop  }
0x6dc: {  	[tilespmem:s6], [sflag:$0x2] =	stream.strided.gather [hbm4b:s31+s4], $0x18700, s5, s4, $0x38;
	[tilespmem:$0x1C700] =	vst v63  }
0x6dd: {  	_ =	swait.ge [sflag:s3], $0x18700  }
0x6de: {  	[sflag:s3] =	ssyncset.done $0x0  }
0x6df: {  	[sflag:s3] =	ssyncadd.s32 $0xFFFE7900  }
0x6e0: {  	_ =	swait.ge [sflag:s9], $0x1000  }
0x6e1: {  	s2 =	sld [smem:$0x7F7]  }
0x6e2: {  	[sflag:s9] =	ssyncset.done $0x0  }
0x6e3: {  	[sflag:s9] =	ssyncadd.s32 $0xFFFFF000  }
0x6e4: {  	v2 =	vld [tilespmem:s2+$0x30]  }
0x6e5: {  	v3 =	vld [tilespmem:s2+$0xFFFFFFD0]  }
0x6e6: {  	v4 =	vld [tilespmem:s2+$0xFFFFFFE0]  }
0x6e7: {  	v5 =	vld [tilespmem:s2+$0xFFFFFFF0]  }
0x6e8: {  	v6 =	vld [tilespmem:s2+$0x0]  }
0x6e9: {  	v8 =	vld [tilespmem:s2+$0x10]  }
0x6ea: {  	v9 =	vld [tilespmem:s2+$0x20]  }
0x6eb: {  	v10 =	vld [tilespmem:s2+$0xFFFFFFC0]  }
0x6ec: {  	v11 =	vld.idx.msk [tilespmem:v2+s6+$0x0], $0xffff  }
0x6ed: {  	v12 =	vld.idx.msk [tilespmem:v3+s6+$0x0], $0xffff  }
0x6ee: {  	v7 =	vld.idx.msk [tilespmem:v4+s6+$0x0], $0xffff  }
0x6ef: {  	v5 =	vld.idx.msk [tilespmem:v5+s6+$0x0], $0xffff  }
0x6f0: {  	v2 =	vld.idx.msk [tilespmem:v6+s6+$0x0], $0xffff  }
0x6f1: {  	s0 =	simm.s32 $0x1B770;
	v3 =	vld.idx.msk [tilespmem:v8+s6+$0x0], $0xffff  }
0x6f2: {  	v4 =	vld.idx.msk [tilespmem:v9+s6+$0x0], $0xffff;
	[tilespmem:s0+$0x0] =	vst v11  }
0x6f3: {  	s1 =	simm.s32 $0x0;
	s2 =	sadd.s32 $0x80, s2;
	v6 =	vld.idx.msk [tilespmem:v10+s6+$0x0], $0xffff;
	[tilespmem:s0+$0xFFFFFFA0] =	vst v12  }
.LBB2_42:
0x6f4: {  	v8 =	vld [tilespmem:s2+$0x30];
	s1 =	sadd.s32 $0x8, s1;
	[tilespmem:s0+$0xFFFFFFB0] =	vst v7  }
0x6f5: {  	v7 =	vld [tilespmem:s2+$0xFFFFFFD0];
	p0 =	slt.u32 s1, $0xF8;
	[tilespmem:s0+$0xFFFFFFC0] =	vst v5  }
0x6f6: {  	v5 =	vld [tilespmem:s2+$0xFFFFFFE0];
	[tilespmem:s0+$0xFFFFFFD0] =	vst v2  }
0x6f7: {  	v2 =	vld [tilespmem:s2+$0xFFFFFFF0];
	[tilespmem:s0+$0xFFFFFFE0] =	vst v3  }
0x6f8: {  	v3 =	vld [tilespmem:s2+$0x0];
	[tilespmem:s0+$0xFFFFFFF0] =	vst v4  }
0x6f9: {  	v4 =	vld [tilespmem:s2+$0x10];
	[tilespmem:s0+$0xFFFFFF90] =	vst v6  }
0x6fa: {  	v6 =	vld [tilespmem:s2+$0x20]  }
0x6fb: {  	v9 =	vld [tilespmem:s2+$0xFFFFFFC0]  }
0x6fc: {  	v8 =	vld.idx.msk [tilespmem:v8+s6+$0x0], $0xffff  }
0x6fd: {  	v10 =	vld.idx.msk [tilespmem:v7+s6+$0x0], $0xffff  }
0x6fe: {  	v7 =	vld.idx.msk [tilespmem:v5+s6+$0x0], $0xffff  }
.Ltmp20:
0x6ff: {  	v5 =	vld.idx.msk [tilespmem:v2+s6+$0x0], $0xffff;
	(pc) =	sbr.rel @p0 .LBB2_42-.Ltmp20, $4  }
0x700: {  	v2 =	vld.idx.msk [tilespmem:v3+s6+$0x0], $0xffff  }
0x701: {  	s0 =	sadd.s32 $0x80, s0;
	v3 =	vld.idx.msk [tilespmem:v4+s6+$0x0], $0xffff  }
0x702: {  	v4 =	vld.idx.msk [tilespmem:v6+s6+$0x0], $0xffff;
	[tilespmem:s0+$0x0] =	vst v8  }
0x703: {  	s2 =	sadd.s32 $0x80, s2;
	v6 =	vld.idx.msk [tilespmem:v9+s6+$0x0], $0xffff;
	[tilespmem:s0+$0xFFFFFFA0] =	vst v10  }
0x704: {  	[tilespmem:s0+$0xFFFFFFB0] =	vst v7  }
0x705: {  	[tilespmem:s0+$0xFFFFFFC0] =	vst v5  }
0x706: {  	[tilespmem:s0+$0xFFFFFFD0] =	vst v2  }
0x707: {  	[tilespmem:s0+$0xFFFFFFE0] =	vst v3  }
0x708: {  	[tilespmem:s0+$0xFFFFFFF0] =	vst v4  }
0x709: {  	[tilespmem:s0+$0xFFFFFF90] =	vst v6  }
0x70a: {  	s0 =	sld [smem:$0x7DA];
	_ =	sdelay $0x1  }
0x70b: {  	s31 =	sld [smem:$0x7B1]  }
0x70c: {  	[hbm4b:s0+s4] =	stream.strided.scatter [tilespmem:s8], [sflag:$0x1], $0x1000, s5, s4, $0x38;
	[tilespmem:$0x1C700] =	vst v63  }
0x70d: {  	_ = 	snop  }
0x70e: {  	[tilespmem:s6], [sflag:$0x2] =	stream.strided.gather [hbm4b:s31+s4], $0x18700, s5, s4, $0x38;
	[tilespmem:$0x1C700] =	vst v63  }
0x70f: {  	_ =	swait.ge [sflag:s3], $0x18700  }
0x710: {  	[sflag:s3] =	ssyncset.done $0x0  }
0x711: {  	[sflag:s3] =	ssyncadd.s32 $0xFFFE7900  }
0x712: {  	_ =	swait.ge [sflag:s9], $0x1000  }
0x713: {  	s2 =	sld [smem:$0x7F8]  }
0x714: {  	[sflag:s9] =	ssyncset.done $0x0  }
0x715: {  	[sflag:s9] =	ssyncadd.s32 $0xFFFFF000  }
0x716: {  	v2 =	vld [tilespmem:s2+$0x30]  }
0x717: {  	v3 =	vld [tilespmem:s2+$0xFFFFFFD0]  }
0x718: {  	v4 =	vld [tilespmem:s2+$0xFFFFFFE0]  }
0x719: {  	v5 =	vld [tilespmem:s2+$0xFFFFFFF0]  }
0x71a: {  	v6 =	vld [tilespmem:s2+$0x0]  }
0x71b: {  	v8 =	vld [tilespmem:s2+$0x10]  }
0x71c: {  	v9 =	vld [tilespmem:s2+$0x20]  }
0x71d: {  	v10 =	vld [tilespmem:s2+$0xFFFFFFC0]  }
0x71e: {  	v11 =	vld.idx.msk [tilespmem:v2+s6+$0x0], $0xffff  }
0x71f: {  	v12 =	vld.idx.msk [tilespmem:v3+s6+$0x0], $0xffff  }
0x720: {  	v7 =	vld.idx.msk [tilespmem:v4+s6+$0x0], $0xffff  }
0x721: {  	v5 =	vld.idx.msk [tilespmem:v5+s6+$0x0], $0xffff  }
0x722: {  	v2 =	vld.idx.msk [tilespmem:v6+s6+$0x0], $0xffff  }
0x723: {  	s0 =	simm.s32 $0x1A740;
	v3 =	vld.idx.msk [tilespmem:v8+s6+$0x0], $0xffff  }
0x724: {  	v4 =	vld.idx.msk [tilespmem:v9+s6+$0x0], $0xffff;
	[tilespmem:s0+$0x30] =	vst v11  }
0x725: {  	s1 =	simm.s32 $0x0;
	s2 =	sadd.s32 $0x80, s2;
	v6 =	vld.idx.msk [tilespmem:v10+s6+$0x0], $0xffff;
	[tilespmem:s0+$0xFFFFFFD0] =	vst v12  }
.LBB2_44:
0x726: {  	v8 =	vld [tilespmem:s2+$0x30];
	s1 =	sadd.s32 $0x8, s1;
	[tilespmem:s0+$0xFFFFFFE0] =	vst v7  }
0x727: {  	v7 =	vld [tilespmem:s2+$0xFFFFFFD0];
	p0 =	slt.u32 s1, $0xF8;
	[tilespmem:s0+$0xFFFFFFF0] =	vst v5  }
0x728: {  	v5 =	vld [tilespmem:s2+$0xFFFFFFE0];
	[tilespmem:s0+$0x0] =	vst v2  }
0x729: {  	v2 =	vld [tilespmem:s2+$0xFFFFFFF0];
	[tilespmem:s0+$0x10] =	vst v3  }
0x72a: {  	v3 =	vld [tilespmem:s2+$0x0];
	[tilespmem:s0+$0x20] =	vst v4  }
0x72b: {  	v4 =	vld [tilespmem:s2+$0x10];
	[tilespmem:s0+$0xFFFFFFC0] =	vst v6  }
0x72c: {  	v6 =	vld [tilespmem:s2+$0x20]  }
0x72d: {  	v9 =	vld [tilespmem:s2+$0xFFFFFFC0]  }
0x72e: {  	v8 =	vld.idx.msk [tilespmem:v8+s6+$0x0], $0xffff  }
0x72f: {  	v10 =	vld.idx.msk [tilespmem:v7+s6+$0x0], $0xffff  }
0x730: {  	v7 =	vld.idx.msk [tilespmem:v5+s6+$0x0], $0xffff  }
.Ltmp21:
0x731: {  	v5 =	vld.idx.msk [tilespmem:v2+s6+$0x0], $0xffff;
	(pc) =	sbr.rel @p0 .LBB2_44-.Ltmp21, $4  }
0x732: {  	v2 =	vld.idx.msk [tilespmem:v3+s6+$0x0], $0xffff  }
0x733: {  	s0 =	sadd.s32 $0x80, s0;
	v3 =	vld.idx.msk [tilespmem:v4+s6+$0x0], $0xffff  }
0x734: {  	v4 =	vld.idx.msk [tilespmem:v6+s6+$0x0], $0xffff;
	[tilespmem:s0+$0x30] =	vst v8  }
0x735: {  	s2 =	sadd.s32 $0x80, s2;
	v6 =	vld.idx.msk [tilespmem:v9+s6+$0x0], $0xffff;
	[tilespmem:s0+$0xFFFFFFD0] =	vst v10  }
0x736: {  	[tilespmem:s0+$0xFFFFFFE0] =	vst v7  }
0x737: {  	[tilespmem:s0+$0xFFFFFFF0] =	vst v5  }
0x738: {  	[tilespmem:s0+$0x0] =	vst v2  }
0x739: {  	[tilespmem:s0+$0x10] =	vst v3  }
0x73a: {  	[tilespmem:s0+$0x20] =	vst v4  }
0x73b: {  	[tilespmem:s0+$0xFFFFFFC0] =	vst v6  }
0x73c: {  	s0 =	sld [smem:$0x7DC];
	_ =	sdelay $0x1  }
0x73d: {  	s31 =	sld [smem:$0x7B2]  }
0x73e: {  	[hbm4b:s0+s4] =	stream.strided.scatter [tilespmem:s7], [sflag:$0x1], $0x1000, s5, s4, $0x38;
	[tilespmem:$0x1C700] =	vst v63  }
0x73f: {  	_ = 	snop  }
0x740: {  	[tilespmem:s6], [sflag:$0x2] =	stream.strided.gather [hbm4b:s31+s4], $0x18700, s5, s4, $0x38;
	[tilespmem:$0x1C700] =	vst v63  }
0x741: {  	_ =	swait.ge [sflag:s3], $0x18700  }
0x742: {  	[sflag:s3] =	ssyncset.done $0x0  }
0x743: {  	[sflag:s3] =	ssyncadd.s32 $0xFFFE7900  }
0x744: {  	_ =	swait.ge [sflag:s9], $0x1000  }
0x745: {  	s2 =	sld [smem:$0x7F9]  }
0x746: {  	[sflag:s9] =	ssyncset.done $0x0  }
0x747: {  	[sflag:s9] =	ssyncadd.s32 $0xFFFFF000  }
0x748: {  	v2 =	vld [tilespmem:s2+$0x30]  }
0x749: {  	v3 =	vld [tilespmem:s2+$0xFFFFFFD0]  }
0x74a: {  	v4 =	vld [tilespmem:s2+$0xFFFFFFE0]  }
0x74b: {  	v5 =	vld [tilespmem:s2+$0xFFFFFFF0]  }
0x74c: {  	v6 =	vld [tilespmem:s2+$0x0]  }
0x74d: {  	v8 =	vld [tilespmem:s2+$0x10]  }
0x74e: {  	v9 =	vld [tilespmem:s2+$0x20]  }
0x74f: {  	v10 =	vld [tilespmem:s2+$0xFFFFFFC0]  }
0x750: {  	v11 =	vld.idx.msk [tilespmem:v2+s6+$0x0], $0xffff  }
0x751: {  	v12 =	vld.idx.msk [tilespmem:v3+s6+$0x0], $0xffff  }
0x752: {  	v7 =	vld.idx.msk [tilespmem:v4+s6+$0x0], $0xffff  }
0x753: {  	v5 =	vld.idx.msk [tilespmem:v5+s6+$0x0], $0xffff  }
0x754: {  	v2 =	vld.idx.msk [tilespmem:v6+s6+$0x0], $0xffff  }
0x755: {  	s0 =	simm.s32 $0x1B770;
	v3 =	vld.idx.msk [tilespmem:v8+s6+$0x0], $0xffff  }
0x756: {  	v4 =	vld.idx.msk [tilespmem:v9+s6+$0x0], $0xffff;
	[tilespmem:s0+$0x0] =	vst v11  }
0x757: {  	s1 =	simm.s32 $0x0;
	s2 =	sadd.s32 $0x80, s2;
	v6 =	vld.idx.msk [tilespmem:v10+s6+$0x0], $0xffff;
	[tilespmem:s0+$0xFFFFFFA0] =	vst v12  }
.LBB2_46:
0x758: {  	v8 =	vld [tilespmem:s2+$0x30];
	s1 =	sadd.s32 $0x8, s1;
	[tilespmem:s0+$0xFFFFFFB0] =	vst v7  }
0x759: {  	v7 =	vld [tilespmem:s2+$0xFFFFFFD0];
	p0 =	slt.u32 s1, $0xF8;
	[tilespmem:s0+$0xFFFFFFC0] =	vst v5  }
0x75a: {  	v5 =	vld [tilespmem:s2+$0xFFFFFFE0];
	[tilespmem:s0+$0xFFFFFFD0] =	vst v2  }
0x75b: {  	v2 =	vld [tilespmem:s2+$0xFFFFFFF0];
	[tilespmem:s0+$0xFFFFFFE0] =	vst v3  }
0x75c: {  	v3 =	vld [tilespmem:s2+$0x0];
	[tilespmem:s0+$0xFFFFFFF0] =	vst v4  }
0x75d: {  	v4 =	vld [tilespmem:s2+$0x10];
	[tilespmem:s0+$0xFFFFFF90] =	vst v6  }
0x75e: {  	v6 =	vld [tilespmem:s2+$0x20]  }
0x75f: {  	v9 =	vld [tilespmem:s2+$0xFFFFFFC0]  }
0x760: {  	v8 =	vld.idx.msk [tilespmem:v8+s6+$0x0], $0xffff  }
0x761: {  	v10 =	vld.idx.msk [tilespmem:v7+s6+$0x0], $0xffff  }
0x762: {  	v7 =	vld.idx.msk [tilespmem:v5+s6+$0x0], $0xffff  }
.Ltmp22:
0x763: {  	v5 =	vld.idx.msk [tilespmem:v2+s6+$0x0], $0xffff;
	(pc) =	sbr.rel @p0 .LBB2_46-.Ltmp22, $4  }
0x764: {  	v2 =	vld.idx.msk [tilespmem:v3+s6+$0x0], $0xffff  }
0x765: {  	s0 =	sadd.s32 $0x80, s0;
	v3 =	vld.idx.msk [tilespmem:v4+s6+$0x0], $0xffff  }
0x766: {  	v4 =	vld.idx.msk [tilespmem:v6+s6+$0x0], $0xffff;
	[tilespmem:s0+$0x0] =	vst v8  }
0x767: {  	s2 =	sadd.s32 $0x80, s2;
	v6 =	vld.idx.msk [tilespmem:v9+s6+$0x0], $0xffff;
	[tilespmem:s0+$0xFFFFFFA0] =	vst v10  }
0x768: {  	[tilespmem:s0+$0xFFFFFFB0] =	vst v7  }
0x769: {  	[tilespmem:s0+$0xFFFFFFC0] =	vst v5  }
0x76a: {  	[tilespmem:s0+$0xFFFFFFD0] =	vst v2  }
0x76b: {  	[tilespmem:s0+$0xFFFFFFE0] =	vst v3  }
0x76c: {  	[tilespmem:s0+$0xFFFFFFF0] =	vst v4  }
0x76d: {  	[tilespmem:s0+$0xFFFFFF90] =	vst v6  }
0x76e: {  	s0 =	sld [smem:$0x7DD];
	_ =	sdelay $0x1  }
0x76f: {  	s31 =	sld [smem:$0x7B3]  }
0x770: {  	[hbm4b:s0+s4] =	stream.strided.scatter [tilespmem:s8], [sflag:$0x1], $0x1000, s5, s4, $0x38;
	[tilespmem:$0x1C700] =	vst v63  }
0x771: {  	_ = 	snop  }
0x772: {  	[tilespmem:s6], [sflag:$0x2] =	stream.strided.gather [hbm4b:s31+s4], $0x18700, s5, s4, $0x38;
	[tilespmem:$0x1C700] =	vst v63  }
0x773: {  	_ =	swait.ge [sflag:s3], $0x18700  }
0x774: {  	[sflag:s3] =	ssyncset.done $0x0  }
0x775: {  	[sflag:s3] =	ssyncadd.s32 $0xFFFE7900  }
0x776: {  	_ =	swait.ge [sflag:s9], $0x1000  }
0x777: {  	s2 =	sld [smem:$0x7FA]  }
0x778: {  	[sflag:s9] =	ssyncset.done $0x0  }
0x779: {  	[sflag:s9] =	ssyncadd.s32 $0xFFFFF000  }
0x77a: {  	v2 =	vld [tilespmem:s2+$0x30]  }
0x77b: {  	v3 =	vld [tilespmem:s2+$0xFFFFFFD0]  }
0x77c: {  	v4 =	vld [tilespmem:s2+$0xFFFFFFE0]  }
0x77d: {  	v5 =	vld [tilespmem:s2+$0xFFFFFFF0]  }
0x77e: {  	v6 =	vld [tilespmem:s2+$0x0]  }
0x77f: {  	v8 =	vld [tilespmem:s2+$0x10]  }
0x780: {  	v9 =	vld [tilespmem:s2+$0x20]  }
0x781: {  	v10 =	vld [tilespmem:s2+$0xFFFFFFC0]  }
0x782: {  	v11 =	vld.idx.msk [tilespmem:v2+s6+$0x0], $0xffff  }
0x783: {  	v12 =	vld.idx.msk [tilespmem:v3+s6+$0x0], $0xffff  }
0x784: {  	v7 =	vld.idx.msk [tilespmem:v4+s6+$0x0], $0xffff  }
0x785: {  	v5 =	vld.idx.msk [tilespmem:v5+s6+$0x0], $0xffff  }
0x786: {  	v2 =	vld.idx.msk [tilespmem:v6+s6+$0x0], $0xffff  }
0x787: {  	s0 =	simm.s32 $0x1A740;
	v3 =	vld.idx.msk [tilespmem:v8+s6+$0x0], $0xffff  }
0x788: {  	v4 =	vld.idx.msk [tilespmem:v9+s6+$0x0], $0xffff;
	[tilespmem:s0+$0x30] =	vst v11  }
0x789: {  	s1 =	simm.s32 $0x0;
	s2 =	sadd.s32 $0x80, s2;
	v6 =	vld.idx.msk [tilespmem:v10+s6+$0x0], $0xffff;
	[tilespmem:s0+$0xFFFFFFD0] =	vst v12  }
.LBB2_48:
0x78a: {  	v8 =	vld [tilespmem:s2+$0x30];
	s1 =	sadd.s32 $0x8, s1;
	[tilespmem:s0+$0xFFFFFFE0] =	vst v7  }
0x78b: {  	v7 =	vld [tilespmem:s2+$0xFFFFFFD0];
	p0 =	slt.u32 s1, $0xF8;
	[tilespmem:s0+$0xFFFFFFF0] =	vst v5  }
0x78c: {  	v5 =	vld [tilespmem:s2+$0xFFFFFFE0];
	[tilespmem:s0+$0x0] =	vst v2  }
0x78d: {  	v2 =	vld [tilespmem:s2+$0xFFFFFFF0];
	[tilespmem:s0+$0x10] =	vst v3  }
0x78e: {  	v3 =	vld [tilespmem:s2+$0x0];
	[tilespmem:s0+$0x20] =	vst v4  }
0x78f: {  	v4 =	vld [tilespmem:s2+$0x10];
	[tilespmem:s0+$0xFFFFFFC0] =	vst v6  }
0x790: {  	v6 =	vld [tilespmem:s2+$0x20]  }
0x791: {  	v9 =	vld [tilespmem:s2+$0xFFFFFFC0]  }
0x792: {  	v8 =	vld.idx.msk [tilespmem:v8+s6+$0x0], $0xffff  }
0x793: {  	v10 =	vld.idx.msk [tilespmem:v7+s6+$0x0], $0xffff  }
0x794: {  	v7 =	vld.idx.msk [tilespmem:v5+s6+$0x0], $0xffff  }
.Ltmp23:
0x795: {  	v5 =	vld.idx.msk [tilespmem:v2+s6+$0x0], $0xffff;
	(pc) =	sbr.rel @p0 .LBB2_48-.Ltmp23, $4  }
0x796: {  	v2 =	vld.idx.msk [tilespmem:v3+s6+$0x0], $0xffff  }
0x797: {  	s0 =	sadd.s32 $0x80, s0;
	v3 =	vld.idx.msk [tilespmem:v4+s6+$0x0], $0xffff  }
0x798: {  	v4 =	vld.idx.msk [tilespmem:v6+s6+$0x0], $0xffff;
	[tilespmem:s0+$0x30] =	vst v8  }
0x799: {  	s2 =	sadd.s32 $0x80, s2;
	v6 =	vld.idx.msk [tilespmem:v9+s6+$0x0], $0xffff;
	[tilespmem:s0+$0xFFFFFFD0] =	vst v10  }
0x79a: {  	[tilespmem:s0+$0xFFFFFFE0] =	vst v7  }
0x79b: {  	[tilespmem:s0+$0xFFFFFFF0] =	vst v5  }
0x79c: {  	[tilespmem:s0+$0x0] =	vst v2  }
0x79d: {  	[tilespmem:s0+$0x10] =	vst v3  }
0x79e: {  	[tilespmem:s0+$0x20] =	vst v4  }
0x79f: {  	[tilespmem:s0+$0xFFFFFFC0] =	vst v6  }
0x7a0: {  	s0 =	sld [smem:$0x7DE];
	_ =	sdelay $0x1  }
0x7a1: {  	s31 =	sld [smem:$0x7B4]  }
0x7a2: {  	[hbm4b:s0+s4] =	stream.strided.scatter [tilespmem:s7], [sflag:$0x1], $0x1000, s5, s4, $0x38;
	[tilespmem:$0x1C700] =	vst v63  }
0x7a3: {  	_ = 	snop  }
0x7a4: {  	[tilespmem:s6], [sflag:$0x2] =	stream.strided.gather [hbm4b:s31+s4], $0x18700, s5, s4, $0x38;
	[tilespmem:$0x1C700] =	vst v63  }
0x7a5: {  	_ =	swait.ge [sflag:s3], $0x18700  }
0x7a6: {  	[sflag:s3] =	ssyncset.done $0x0  }
0x7a7: {  	[sflag:s3] =	ssyncadd.s32 $0xFFFE7900  }
0x7a8: {  	_ =	swait.ge [sflag:s9], $0x1000  }
0x7a9: {  	s2 =	sld [smem:$0x7FB]  }
0x7aa: {  	[sflag:s9] =	ssyncset.done $0x0  }
0x7ab: {  	[sflag:s9] =	ssyncadd.s32 $0xFFFFF000  }
0x7ac: {  	v2 =	vld [tilespmem:s2+$0x30]  }
0x7ad: {  	v3 =	vld [tilespmem:s2+$0xFFFFFFD0]  }
0x7ae: {  	v4 =	vld [tilespmem:s2+$0xFFFFFFE0]  }
0x7af: {  	v5 =	vld [tilespmem:s2+$0xFFFFFFF0]  }
0x7b0: {  	v6 =	vld [tilespmem:s2+$0x0]  }
0x7b1: {  	v8 =	vld [tilespmem:s2+$0x10]  }
0x7b2: {  	v9 =	vld [tilespmem:s2+$0x20]  }
0x7b3: {  	v10 =	vld [tilespmem:s2+$0xFFFFFFC0]  }
0x7b4: {  	v11 =	vld.idx.msk [tilespmem:v2+s6+$0x0], $0xffff  }
0x7b5: {  	v12 =	vld.idx.msk [tilespmem:v3+s6+$0x0], $0xffff  }
0x7b6: {  	v7 =	vld.idx.msk [tilespmem:v4+s6+$0x0], $0xffff  }
0x7b7: {  	v5 =	vld.idx.msk [tilespmem:v5+s6+$0x0], $0xffff  }
0x7b8: {  	v2 =	vld.idx.msk [tilespmem:v6+s6+$0x0], $0xffff  }
0x7b9: {  	s0 =	simm.s32 $0x1B770;
	v3 =	vld.idx.msk [tilespmem:v8+s6+$0x0], $0xffff  }
0x7ba: {  	v4 =	vld.idx.msk [tilespmem:v9+s6+$0x0], $0xffff;
	[tilespmem:s0+$0x0] =	vst v11  }
0x7bb: {  	s1 =	simm.s32 $0x0;
	s2 =	sadd.s32 $0x80, s2;
	v6 =	vld.idx.msk [tilespmem:v10+s6+$0x0], $0xffff;
	[tilespmem:s0+$0xFFFFFFA0] =	vst v12  }
.LBB2_50:
0x7bc: {  	v8 =	vld [tilespmem:s2+$0x30];
	s1 =	sadd.s32 $0x8, s1;
	[tilespmem:s0+$0xFFFFFFB0] =	vst v7  }
0x7bd: {  	v7 =	vld [tilespmem:s2+$0xFFFFFFD0];
	p0 =	slt.u32 s1, $0xF8;
	[tilespmem:s0+$0xFFFFFFC0] =	vst v5  }
0x7be: {  	v5 =	vld [tilespmem:s2+$0xFFFFFFE0];
	[tilespmem:s0+$0xFFFFFFD0] =	vst v2  }
0x7bf: {  	v2 =	vld [tilespmem:s2+$0xFFFFFFF0];
	[tilespmem:s0+$0xFFFFFFE0] =	vst v3  }
0x7c0: {  	v3 =	vld [tilespmem:s2+$0x0];
	[tilespmem:s0+$0xFFFFFFF0] =	vst v4  }
0x7c1: {  	v4 =	vld [tilespmem:s2+$0x10];
	[tilespmem:s0+$0xFFFFFF90] =	vst v6  }
0x7c2: {  	v6 =	vld [tilespmem:s2+$0x20]  }
0x7c3: {  	v9 =	vld [tilespmem:s2+$0xFFFFFFC0]  }
0x7c4: {  	v8 =	vld.idx.msk [tilespmem:v8+s6+$0x0], $0xffff  }
0x7c5: {  	v10 =	vld.idx.msk [tilespmem:v7+s6+$0x0], $0xffff  }
0x7c6: {  	v7 =	vld.idx.msk [tilespmem:v5+s6+$0x0], $0xffff  }
.Ltmp24:
0x7c7: {  	v5 =	vld.idx.msk [tilespmem:v2+s6+$0x0], $0xffff;
	(pc) =	sbr.rel @p0 .LBB2_50-.Ltmp24, $4  }
0x7c8: {  	v2 =	vld.idx.msk [tilespmem:v3+s6+$0x0], $0xffff  }
0x7c9: {  	s0 =	sadd.s32 $0x80, s0;
	v3 =	vld.idx.msk [tilespmem:v4+s6+$0x0], $0xffff  }
0x7ca: {  	v4 =	vld.idx.msk [tilespmem:v6+s6+$0x0], $0xffff;
	[tilespmem:s0+$0x0] =	vst v8  }
0x7cb: {  	s2 =	sadd.s32 $0x80, s2;
	v6 =	vld.idx.msk [tilespmem:v9+s6+$0x0], $0xffff;
	[tilespmem:s0+$0xFFFFFFA0] =	vst v10  }
0x7cc: {  	[tilespmem:s0+$0xFFFFFFB0] =	vst v7  }
0x7cd: {  	[tilespmem:s0+$0xFFFFFFC0] =	vst v5  }
0x7ce: {  	[tilespmem:s0+$0xFFFFFFD0] =	vst v2  }
0x7cf: {  	[tilespmem:s0+$0xFFFFFFE0] =	vst v3  }
0x7d0: {  	[tilespmem:s0+$0xFFFFFFF0] =	vst v4  }
0x7d1: {  	[tilespmem:s0+$0xFFFFFF90] =	vst v6  }
0x7d2: {  	s0 =	sld [smem:$0x7DF];
	_ =	sdelay $0x1  }
0x7d3: {  	s31 =	sld [smem:$0x7B5]  }
0x7d4: {  	[hbm4b:s0+s4] =	stream.strided.scatter [tilespmem:s8], [sflag:$0x1], $0x1000, s5, s4, $0x38;
	[tilespmem:$0x1C700] =	vst v63  }
0x7d5: {  	_ = 	snop  }
0x7d6: {  	[tilespmem:s6], [sflag:$0x2] =	stream.strided.gather [hbm4b:s31+s4], $0x18700, s5, s4, $0x38;
	[tilespmem:$0x1C700] =	vst v63  }
0x7d7: {  	_ =	swait.ge [sflag:s3], $0x18700  }
0x7d8: {  	[sflag:s3] =	ssyncset.done $0x0  }
0x7d9: {  	[sflag:s3] =	ssyncadd.s32 $0xFFFE7900  }
0x7da: {  	_ =	swait.ge [sflag:s9], $0x1000  }
0x7db: {  	s2 =	sld [smem:$0x7FC]  }
0x7dc: {  	[sflag:s9] =	ssyncset.done $0x0  }
0x7dd: {  	[sflag:s9] =	ssyncadd.s32 $0xFFFFF000  }
0x7de: {  	v2 =	vld [tilespmem:s2+$0x30]  }
0x7df: {  	v3 =	vld [tilespmem:s2+$0xFFFFFFD0]  }
0x7e0: {  	v4 =	vld [tilespmem:s2+$0xFFFFFFE0]  }
0x7e1: {  	v5 =	vld [tilespmem:s2+$0xFFFFFFF0]  }
0x7e2: {  	v6 =	vld [tilespmem:s2+$0x0]  }
0x7e3: {  	v8 =	vld [tilespmem:s2+$0x10]  }
0x7e4: {  	v9 =	vld [tilespmem:s2+$0x20]  }
0x7e5: {  	v10 =	vld [tilespmem:s2+$0xFFFFFFC0]  }
0x7e6: {  	v11 =	vld.idx.msk [tilespmem:v2+s6+$0x0], $0xffff  }
0x7e7: {  	v12 =	vld.idx.msk [tilespmem:v3+s6+$0x0], $0xffff  }
0x7e8: {  	v7 =	vld.idx.msk [tilespmem:v4+s6+$0x0], $0xffff  }
0x7e9: {  	v5 =	vld.idx.msk [tilespmem:v5+s6+$0x0], $0xffff  }
0x7ea: {  	v2 =	vld.idx.msk [tilespmem:v6+s6+$0x0], $0xffff  }
0x7eb: {  	s0 =	simm.s32 $0x1A740;
	v3 =	vld.idx.msk [tilespmem:v8+s6+$0x0], $0xffff  }
0x7ec: {  	v4 =	vld.idx.msk [tilespmem:v9+s6+$0x0], $0xffff;
	[tilespmem:s0+$0x30] =	vst v11  }
0x7ed: {  	s1 =	simm.s32 $0x0;
	s2 =	sadd.s32 $0x80, s2;
	v6 =	vld.idx.msk [tilespmem:v10+s6+$0x0], $0xffff;
	[tilespmem:s0+$0xFFFFFFD0] =	vst v12  }
.LBB2_52:
0x7ee: {  	v8 =	vld [tilespmem:s2+$0x30];
	s1 =	sadd.s32 $0x8, s1;
	[tilespmem:s0+$0xFFFFFFE0] =	vst v7  }
0x7ef: {  	v7 =	vld [tilespmem:s2+$0xFFFFFFD0];
	p0 =	slt.u32 s1, $0xF8;
	[tilespmem:s0+$0xFFFFFFF0] =	vst v5  }
0x7f0: {  	v5 =	vld [tilespmem:s2+$0xFFFFFFE0];
	[tilespmem:s0+$0x0] =	vst v2  }
0x7f1: {  	v2 =	vld [tilespmem:s2+$0xFFFFFFF0];
	[tilespmem:s0+$0x10] =	vst v3  }
0x7f2: {  	v3 =	vld [tilespmem:s2+$0x0];
	[tilespmem:s0+$0x20] =	vst v4  }
0x7f3: {  	v4 =	vld [tilespmem:s2+$0x10];
	[tilespmem:s0+$0xFFFFFFC0] =	vst v6  }
0x7f4: {  	v6 =	vld [tilespmem:s2+$0x20]  }
0x7f5: {  	v9 =	vld [tilespmem:s2+$0xFFFFFFC0]  }
0x7f6: {  	v8 =	vld.idx.msk [tilespmem:v8+s6+$0x0], $0xffff  }
0x7f7: {  	v10 =	vld.idx.msk [tilespmem:v7+s6+$0x0], $0xffff  }
0x7f8: {  	v7 =	vld.idx.msk [tilespmem:v5+s6+$0x0], $0xffff  }
.Ltmp25:
0x7f9: {  	v5 =	vld.idx.msk [tilespmem:v2+s6+$0x0], $0xffff;
	(pc) =	sbr.rel @p0 .LBB2_52-.Ltmp25, $4  }
0x7fa: {  	v2 =	vld.idx.msk [tilespmem:v3+s6+$0x0], $0xffff  }
0x7fb: {  	s0 =	sadd.s32 $0x80, s0;
	v3 =	vld.idx.msk [tilespmem:v4+s6+$0x0], $0xffff  }
0x7fc: {  	v4 =	vld.idx.msk [tilespmem:v6+s6+$0x0], $0xffff;
	[tilespmem:s0+$0x30] =	vst v8  }
0x7fd: {  	s2 =	sadd.s32 $0x80, s2;
	v6 =	vld.idx.msk [tilespmem:v9+s6+$0x0], $0xffff;
	[tilespmem:s0+$0xFFFFFFD0] =	vst v10  }
0x7fe: {  	[tilespmem:s0+$0xFFFFFFE0] =	vst v7  }
0x7ff: {  	[tilespmem:s0+$0xFFFFFFF0] =	vst v5  }
0x800: {  	[tilespmem:s0+$0x0] =	vst v2  }
0x801: {  	[tilespmem:s0+$0x10] =	vst v3  }
0x802: {  	[tilespmem:s0+$0x20] =	vst v4  }
0x803: {  	[tilespmem:s0+$0xFFFFFFC0] =	vst v6  }
0x804: {  	s0 =	sld [smem:$0x7E0];
	_ =	sdelay $0x1  }
0x805: {  	s31 =	sld [smem:$0x7B6]  }
0x806: {  	[hbm4b:s0+s4] =	stream.strided.scatter [tilespmem:s7], [sflag:$0x1], $0x1000, s5, s4, $0x38;
	[tilespmem:$0x1C700] =	vst v63  }
0x807: {  	_ = 	snop  }
0x808: {  	[tilespmem:s6], [sflag:$0x2] =	stream.strided.gather [hbm4b:s31+s4], $0x18700, s5, s4, $0x38;
	[tilespmem:$0x1C700] =	vst v63  }
0x809: {  	_ =	swait.ge [sflag:s3], $0x18700  }
0x80a: {  	[sflag:s3] =	ssyncset.done $0x0  }
0x80b: {  	[sflag:s3] =	ssyncadd.s32 $0xFFFE7900  }
0x80c: {  	_ =	swait.ge [sflag:s9], $0x1000  }
0x80d: {  	s2 =	sld [smem:$0x7FD]  }
0x80e: {  	[sflag:s9] =	ssyncset.done $0x0  }
0x80f: {  	[sflag:s9] =	ssyncadd.s32 $0xFFFFF000  }
0x810: {  	v2 =	vld [tilespmem:s2+$0x30]  }
0x811: {  	v3 =	vld [tilespmem:s2+$0xFFFFFFD0]  }
0x812: {  	v4 =	vld [tilespmem:s2+$0xFFFFFFE0]  }
0x813: {  	v5 =	vld [tilespmem:s2+$0xFFFFFFF0]  }
0x814: {  	v6 =	vld [tilespmem:s2+$0x0]  }
0x815: {  	v8 =	vld [tilespmem:s2+$0x10]  }
0x816: {  	v9 =	vld [tilespmem:s2+$0x20]  }
0x817: {  	v10 =	vld [tilespmem:s2+$0xFFFFFFC0]  }
0x818: {  	v11 =	vld.idx.msk [tilespmem:v2+s6+$0x0], $0xffff  }
0x819: {  	v12 =	vld.idx.msk [tilespmem:v3+s6+$0x0], $0xffff  }
0x81a: {  	v7 =	vld.idx.msk [tilespmem:v4+s6+$0x0], $0xffff  }
0x81b: {  	v5 =	vld.idx.msk [tilespmem:v5+s6+$0x0], $0xffff  }
0x81c: {  	v2 =	vld.idx.msk [tilespmem:v6+s6+$0x0], $0xffff  }
0x81d: {  	s0 =	simm.s32 $0x1B770;
	v3 =	vld.idx.msk [tilespmem:v8+s6+$0x0], $0xffff  }
0x81e: {  	v4 =	vld.idx.msk [tilespmem:v9+s6+$0x0], $0xffff;
	[tilespmem:s0+$0x0] =	vst v11  }
0x81f: {  	s1 =	simm.s32 $0x0;
	s2 =	sadd.s32 $0x80, s2;
	v6 =	vld.idx.msk [tilespmem:v10+s6+$0x0], $0xffff;
	[tilespmem:s0+$0xFFFFFFA0] =	vst v12  }
.LBB2_54:
0x820: {  	v8 =	vld [tilespmem:s2+$0x30];
	s1 =	sadd.s32 $0x8, s1;
	[tilespmem:s0+$0xFFFFFFB0] =	vst v7  }
0x821: {  	v7 =	vld [tilespmem:s2+$0xFFFFFFD0];
	p0 =	slt.u32 s1, $0xF8;
	[tilespmem:s0+$0xFFFFFFC0] =	vst v5  }
0x822: {  	v5 =	vld [tilespmem:s2+$0xFFFFFFE0];
	[tilespmem:s0+$0xFFFFFFD0] =	vst v2  }
0x823: {  	v2 =	vld [tilespmem:s2+$0xFFFFFFF0];
	[tilespmem:s0+$0xFFFFFFE0] =	vst v3  }
0x824: {  	v3 =	vld [tilespmem:s2+$0x0];
	[tilespmem:s0+$0xFFFFFFF0] =	vst v4  }
0x825: {  	v4 =	vld [tilespmem:s2+$0x10];
	[tilespmem:s0+$0xFFFFFF90] =	vst v6  }
0x826: {  	v6 =	vld [tilespmem:s2+$0x20]  }
0x827: {  	v9 =	vld [tilespmem:s2+$0xFFFFFFC0]  }
0x828: {  	v8 =	vld.idx.msk [tilespmem:v8+s6+$0x0], $0xffff  }
0x829: {  	v10 =	vld.idx.msk [tilespmem:v7+s6+$0x0], $0xffff  }
0x82a: {  	v7 =	vld.idx.msk [tilespmem:v5+s6+$0x0], $0xffff  }
.Ltmp26:
0x82b: {  	v5 =	vld.idx.msk [tilespmem:v2+s6+$0x0], $0xffff;
	(pc) =	sbr.rel @p0 .LBB2_54-.Ltmp26, $4  }
0x82c: {  	v2 =	vld.idx.msk [tilespmem:v3+s6+$0x0], $0xffff  }
0x82d: {  	s0 =	sadd.s32 $0x80, s0;
	v3 =	vld.idx.msk [tilespmem:v4+s6+$0x0], $0xffff  }
0x82e: {  	v4 =	vld.idx.msk [tilespmem:v6+s6+$0x0], $0xffff;
	[tilespmem:s0+$0x0] =	vst v8  }
0x82f: {  	s2 =	sadd.s32 $0x80, s2;
	v6 =	vld.idx.msk [tilespmem:v9+s6+$0x0], $0xffff;
	[tilespmem:s0+$0xFFFFFFA0] =	vst v10  }
0x830: {  	[tilespmem:s0+$0xFFFFFFB0] =	vst v7  }
0x831: {  	[tilespmem:s0+$0xFFFFFFC0] =	vst v5  }
0x832: {  	[tilespmem:s0+$0xFFFFFFD0] =	vst v2  }
0x833: {  	[tilespmem:s0+$0xFFFFFFE0] =	vst v3  }
0x834: {  	[tilespmem:s0+$0xFFFFFFF0] =	vst v4  }
0x835: {  	[tilespmem:s0+$0xFFFFFF90] =	vst v6  }
0x836: {  	s0 =	sld [smem:$0x7E1];
	_ =	sdelay $0x2  }
0x837: {  	[hbm4b:s0+s4] =	stream.strided.scatter [tilespmem:s8], [sflag:$0x1], $0x1000, s5, s4, $0x38;
	[tilespmem:$0x1C700] =	vst v63  }
0x838: {  	_ =	swait.ge [sflag:s9], $0x1000  }
0x839: {  	[sflag:s9] =	ssyncset.done $0x0  }
0x83a: {  	[sflag:s9] =	ssyncadd.s32 $0xFFFFF000  }
0x83b: {  	_ =	swait.ge [sflag:s9], $0x1000  }
0x83c: {  	s1 =	sld [smem:$0x735]  }
0x83d: {  	s31 =	sld [smem:$0x7E5];
	_ =	sdelay $0x1  }
0x83e: {  	s1 =	sadd.s32 $0x1, s1  }
0x83f: {  	p0 =	sne.s32 s1, s31  }
.Ltmp27:
0x840: {  	_ = 	snop;
	(pc) =	sbr.rel @p0 .LBB2_1-.Ltmp27, $3  }
0x841: {  	_ =	sdelay $0x1  }
0x842: {  	[sflag:s9] =	ssyncset.done $0x0  }
0x843: {  	[sflag:s9] =	ssyncadd.s32 $0xFFFFF000  }
0x844: {  	_ =	sfence.sel $0x180000  }
0x845: {  	[bflag:$0x0] =	sbarrier.arrive $0xFFFF  }
0x846: {  	_ =	strace $0x90000047  }
0x847: {  	s0 =	stileid.u32;
	[bflag:$0x2] =	sbarrier.arrive $0xFFFF  }
0x848: {  	p0 =	sne.s32 s0, $0x0;
	s0 =	rddreg [dreg:$0x3]  }
0x849: {  	s0 =	sadd.s32 @!p0 $0x100000, s0  }
0x84a: {  	[sflag:s0] =	ssyncadd.tile.s32 @!p0 $0x1;
	_ =	shalt  }
.Lfunc_end2:
_tile_overlayer_lowered:
.L_overlay_start_2:
0x84b: {  	(tag) =	ssettag $0x2  }
0x84c: {  	s0 =	rddreg [dreg:$0x0];
	s2 =	stileid.u32  }
0x84d: {  	s1 =	rddreg [dreg:$0x1];
	p0 =	sne.s32 s2, $0x0  }
0x84e: {  	s3 =	rddreg [dreg:$0x2];
	[bflag:$0x3] =	sbarrier.arrive $0xFFFF;
	s2 =	simm.s32 @!p0 $0x1C02  }
0x84f: {  	[timem:s3], [sflag:s2] =	dma.local @!p0 [hbm:s0], s1  }
0x850: {  	s0 =	simm.s32 @!p0 $0x2  }
0x851: {  	_ =	swait.ge @!p0 [sflag:s0], s1  }
0x852: {  	s1 =	ssub.s32 @!p0 $0x0, s1;
	[sflag:s0] =	ssyncset.done @!p0 $0x0  }
0x853: {  	[sflag:s0] =	ssyncadd.s32 @!p0 s1  }
0x854: {  	[bflag:$0x3] =	sbarrier.arrive $0xFFFF  }
0x855: {  	_ =	shalt  }

</sc_bundles>
